<compile_context>
chip_gen: v7x
topology: tpu7x:2x2x1
jax: 0.10.2.dev20260603
libtpu: 0.0.44.dev20260713+nightly
codegen_flags: <defaults>
</compile_context>

<pallas_src>
import functools

import jax
import jax.numpy as jnp
from jax import lax
from jax.experimental import pallas as pl
from jax.experimental.pallas import tpu as pltpu
from jax.experimental.pallas import tpu_sc as plsc

N = 10000
NP = 10240
E = 320000
D = 128
C = 128
BN = 1024
NBLK = NP // BN
NSC = 2
NSUB = 16
K = 80
LANES = 16


def _prep1_body(x_ref, w_ref, ats_ref, atd_ref, h_ref, asrc_ref, adst_ref):
    hb = jnp.dot(x_ref[...], w_ref[...], preferred_element_type=jnp.float32)
    h_ref[0] = hb[:, 0:128]
    h_ref[1] = hb[:, 128:256]
    nt = (((1,), (1,)), ((), ()))
    asrc_ref[...] = lax.dot_general(
        ats_ref[...], hb, nt, preferred_element_type=jnp.float32
    )
    adst_ref[...] = lax.dot_general(
        atd_ref[...], hb, nt, preferred_element_type=jnp.float32
    )


def _prep2_body(
    acc_ref, dp_ref, b1_ref, w2_ref, a2s_ref, a2d_ref, h_ref, asrc_ref, adst_ref
):
    den = jnp.sum(dp_ref[...], axis=1) + 1e-16
    x_parts = []
    for h in range(2):
        x_parts.append(
            jax.nn.relu(acc_ref[h] / den[h][:, None] + b1_ref[h][None, :])
        )
    x2 = jnp.concatenate(x_parts, axis=-1)
    hb = jnp.dot(x2, w2_ref[...], preferred_element_type=jnp.float32)
    h_ref[...] = hb
    nt = (((1,), (1,)), ((), ()))
    r_s = lax.dot_general(a2s_ref[...], hb, nt, preferred_element_type=jnp.float32)
    r_d = lax.dot_general(a2d_ref[...], hb, nt, preferred_element_type=jnp.float32)
    asrc_ref[...] = jnp.concatenate([r_s, r_s], axis=0)
    adst_ref[...] = jnp.concatenate([r_d, r_d], axis=0)


def _final_body(acc_ref, dp_ref, b2_ref, out_ref):
    den = jnp.sum(dp_ref[...], axis=(0, 1)) + 1e-16
    o = (acc_ref[0] + acc_ref[1]) / den[:, None] + b2_ref[0][None, :]
    out_ref[...] = jax.nn.relu(o)


def _make_edge_kernel(split_edges):
    tpe = (E // 2 if split_edges else E) // NSUB
    nch = tpe // K
    rpt = NP // NSUB
    mesh = plsc.VectorSubcoreMesh(core_axis_name="c", subcore_axis_name="s")

    @functools.partial(
        pl.kernel,
        out_type=(
            jax.ShapeDtypeStruct((NSC, NP, C), jnp.float32),
            jax.ShapeDtypeStruct((NSC * NSUB * NP,), jnp.float32),
        ),
        mesh=mesh,
        scratch_types=[
            pltpu.VMEM((NP,), jnp.float32),
            pltpu.VMEM((NP,), jnp.float32),
            pltpu.VMEM((NP,), jnp.float32),
            pltpu.VMEM((K,), jnp.int32),
            pltpu.VMEM((K,), jnp.int32),
            pltpu.VMEM((K,), jnp.int32),
            pltpu.VMEM((K,), jnp.float32),
            pltpu.VMEM((K, C), jnp.float32),
            pltpu.VMEM_SHARED((NP, C), jnp.float32),
            pltpu.SemaphoreType.DMA,
            pltpu.SemaphoreType.DMA,
        ],
        compiler_params=pltpu.CompilerParams(needs_layout_passes=False),
    )
    def ek(
        h2n,
        asrc,
        adst,
        e_src,
        e_dst,
        acc_out,
        dp_out,
        asrc_t,
        adst_t,
        denom_t,
        src_v,
        dst_v,
        idx_v,
        ex_v,
        rows_v,
        acc_sh,
        gsem,
        ssem,
    ):
        c = lax.axis_index("c")
        t = lax.axis_index("s")
        zero16 = jnp.zeros((LANES,), jnp.float32)

        def zden(i, carry):
            denom_t[pl.ds(i * LANES, LANES)] = zero16
            return carry

        lax.fori_loop(0, NP // LANES, zden, 0)

        def zrow(i, carry):
            for g in range(C // LANES):
                rows_v[i, pl.ds(g * LANES, LANES)] = zero16
            return carry

        lax.fori_loop(0, K, zrow, 0)
        for j in range(rpt // K):
            pltpu.sync_copy(rows_v, acc_sh.at[pl.ds(t * rpt + j * K, K)])
        pltpu.sync_copy(asrc.at[pl.ds(c * NP, NP)], asrc_t)
        pltpu.sync_copy(adst.at[pl.ds(c * NP, NP)], adst_t)
        plsc.subcore_barrier()

        if split_edges:
            ebase = c * (E // 2) + t * tpe
        else:
            ebase = t * tpe

        def chunk(i, carry):
            base = ebase + i * K
            pltpu.sync_copy(e_src.at[pl.ds(base, K)], src_v)
            pltpu.sync_copy(e_dst.at[pl.ds(base, K)], dst_v)
            for j in range(K // LANES):
                sl = pl.ds(j * LANES, LANES)
                sv = src_v[sl]
                dv = dst_v[sl]
                a = plsc.load_gather(asrc_t, [sv]) + plsc.load_gather(
                    adst_t, [dv]
                )
                a = jnp.maximum(a, a * 0.2)
                ex = jnp.exp(a)
                ex_v[sl] = ex
                plsc.addupdate_scatter(denom_t, [dv], ex)
                if split_edges:
                    idx_v[sl] = sv
                else:
                    idx_v[sl] = sv + c * NP
            pltpu.async_copy(h2n.at[idx_v], rows_v, gsem).wait()

            def scale(j, carry2):
                exv = ex_v[pl.ds(j * LANES, LANES)]
                for l in range(LANES):
                    w = exv[l]
                    k = j * LANES + l
                    for g in range(C // LANES):
                        sl = pl.ds(g * LANES, LANES)
                        rows_v[k, sl] = rows_v[k, sl] * w
                return carry2

            lax.fori_loop(0, K // LANES, scale, 0)
            pltpu.async_copy(rows_v, acc_sh.at[dst_v], ssem, add=True).wait()
            return carry

        lax.fori_loop(0, nch, chunk, 0)
        plsc.subcore_barrier()
        pltpu.sync_copy(
            acc_sh.at[pl.ds(t * rpt, rpt)], acc_out.at[c].at[pl.ds(t * rpt, rpt)]
        )
        pltpu.sync_copy(denom_t, dp_out.at[pl.ds((c * NSUB + t) * NP, NP)])

    return ek


_edge1 = _make_edge_kernel(False)
_edge2 = _make_edge_kernel(True)


def _block_diag_at(a):
    h, c = a.shape
    rows = []
    for i in range(h):
        rows.append(
            jnp.concatenate(
                [jnp.zeros((1, i * c), a.dtype), a[i : i + 1],
                 jnp.zeros((1, (h - 1 - i) * c), a.dtype)],
                axis=1,
            )
        )
    return jnp.concatenate(rows, axis=0)


@jax.jit
def kernel(x, edge_index, W1, a_src1, a_dst1, b1, W2, a_src2, a_dst2, b2):
    xp = jnp.pad(x, ((0, NP - N), (0, 0)))
    ats1 = _block_diag_at(a_src1.reshape(2, 128))
    atd1 = _block_diag_at(a_dst1.reshape(2, 128))

    h1, asrc1, adst1 = pl.pallas_call(
        _prep1_body,
        grid=(NBLK,),
        in_specs=[
            pl.BlockSpec((BN, D), lambda i: (i, 0)),
            pl.BlockSpec((D, 256), lambda i: (0, 0)),
            pl.BlockSpec((2, 256), lambda i: (0, 0)),
            pl.BlockSpec((2, 256), lambda i: (0, 0)),
        ],
        out_specs=[
            pl.BlockSpec((2, BN, C), lambda i: (0, i, 0)),
            pl.BlockSpec((2, BN), lambda i: (0, i)),
            pl.BlockSpec((2, BN), lambda i: (0, i)),
        ],
        out_shape=[
            jax.ShapeDtypeStruct((2, NP, C), jnp.float32),
            jax.ShapeDtypeStruct((2, NP), jnp.float32),
            jax.ShapeDtypeStruct((2, NP), jnp.float32),
        ],
    )(xp, W1, ats1, atd1)

    e_src = edge_index[0]
    e_dst = edge_index[1]
    acc1, dp1 = _edge1(
        h1.reshape(2 * NP, C),
        asrc1.reshape(2 * NP),
        adst1.reshape(2 * NP),
        e_src,
        e_dst,
    )
    dp1 = dp1.reshape(NSC, NSUB, NP)

    h2, asrc2, adst2 = pl.pallas_call(
        _prep2_body,
        grid=(NBLK,),
        in_specs=[
            pl.BlockSpec((2, BN, C), lambda i: (0, i, 0)),
            pl.BlockSpec((2, NSUB, BN), lambda i: (0, 0, i)),
            pl.BlockSpec((2, 128), lambda i: (0, 0)),
            pl.BlockSpec((256, 128), lambda i: (0, 0)),
            pl.BlockSpec((1, 128), lambda i: (0, 0)),
            pl.BlockSpec((1, 128), lambda i: (0, 0)),
        ],
        out_specs=[
            pl.BlockSpec((BN, C), lambda i: (i, 0)),
            pl.BlockSpec((2, BN), lambda i: (0, i)),
            pl.BlockSpec((2, BN), lambda i: (0, i)),
        ],
        out_shape=[
            jax.ShapeDtypeStruct((NP, C), jnp.float32),
            jax.ShapeDtypeStruct((2, NP), jnp.float32),
            jax.ShapeDtypeStruct((2, NP), jnp.float32),
        ],
    )(acc1, dp1, b1.reshape(2, 128), W2, a_src2.reshape(1, 128),
      a_dst2.reshape(1, 128))

    acc2, dp2 = _edge2(
        h2, asrc2.reshape(2 * NP), adst2.reshape(2 * NP), e_src, e_dst
    )
    dp2 = dp2.reshape(NSC, NSUB, NP)

    out = pl.pallas_call(
        _final_body,
        grid=(NBLK,),
        in_specs=[
            pl.BlockSpec((2, BN, C), lambda i: (0, i, 0)),
            pl.BlockSpec((2, NSUB, BN), lambda i: (0, 0, i)),
            pl.BlockSpec((1, 128), lambda i: (0, 0)),
        ],
        out_specs=pl.BlockSpec((BN, 128), lambda i: (i, 0)),
        out_shape=jax.ShapeDtypeStruct((NP, 128), jnp.float32),
    )(acc2, dp2, b2.reshape(1, 128))

    return out[:N]

# --- scband reference (transcript-rebuilt; emitter-appended) ---
"""Pipeline reference for scband-gat-51522427683147 (READ-ONLY COPY).

The authoritative reference and input builder live on the scoring server;
editing this copy changes nothing except your own understanding.
"""

import jax, jax.numpy as jnp
import numpy as np

N = 10000
E = 320000
D = 128


def gat_layer(x, edge_index, W, a_src, a_dst, b, heads, out_ch):
    src = edge_index[0]
    dst = edge_index[1]
    n = x.shape[0]
    h = (x @ W).reshape(n, heads, out_ch)
    alpha_src = (h * a_src).sum(-1)  # [N, H]
    alpha_dst = (h * a_dst).sum(-1)  # [N, H]
    alpha = alpha_src[src] + alpha_dst[dst]  # [E, H]
    alpha = jax.nn.leaky_relu(alpha, 0.2)
    amax = jax.ops.segment_max(alpha, dst, num_segments=n)
    amax = jax.lax.stop_gradient(amax)
    amax = jnp.where(jnp.isfinite(amax), amax, 0.0)
    ex = jnp.exp(alpha - amax[dst])
    denom = jax.ops.segment_sum(ex, dst, num_segments=n)
    coef = ex / (denom[dst] + 1e-16)  # [E, H]
    msg = h[src] * coef[:, :, None]  # [E, H, C]
    out = jax.ops.segment_sum(msg, dst, num_segments=n)
    return out.reshape(n, heads * out_ch) + b


def setup_inputs(seed: int = 0):
    key = jax.random.key(seed)
    ks = jax.random.split(key, 10)
    x = jax.random.normal(ks[0], (N, D), dtype=jnp.float32)
    edge_index = jax.random.randint(ks[1], (2, E), 0, N, dtype=jnp.int32)
    # Layer 1: GATConv(128 -> 128, heads=2)
    W1 = jax.random.normal(ks[2], (D, 2 * 128), dtype=jnp.float32) * (1.0 / np.sqrt(D))
    a_src1 = jax.random.normal(ks[3], (1, 2, 128), dtype=jnp.float32) * 0.1
    a_dst1 = jax.random.normal(ks[4], (1, 2, 128), dtype=jnp.float32) * 0.1
    b1 = jnp.zeros((2 * 128,), dtype=jnp.float32)
    # Layer 2: GATConv(256 -> 128, heads=1)
    W2 = jax.random.normal(ks[5], (2 * 128, 128), dtype=jnp.float32) * (1.0 / np.sqrt(2 * 128))
    a_src2 = jax.random.normal(ks[6], (1, 1, 128), dtype=jnp.float32) * 0.1
    a_dst2 = jax.random.normal(ks[7], (1, 1, 128), dtype=jnp.float32) * 0.1
    b2 = jnp.zeros((128,), dtype=jnp.float32)
    return {"x": x, "edge_index": edge_index, "W1": W1, "a_src1": a_src1, "a_dst1": a_dst1, "b1": b1, "W2": W2, "a_src2": a_src2, "a_dst2": a_dst2, "b2": b2}


def reference(x, edge_index, W1, a_src1, a_dst1, b1, W2, a_src2, a_dst2, b2):
    # layer 1 (dropout p=0.0 in eval -> identity)
    h = gat_layer(x, edge_index, W1, a_src1, a_dst1, b1, heads=2, out_ch=128)
    h = jax.nn.relu(h)
    # layer 2
    h = gat_layer(h, edge_index, W2, a_src2, a_dst2, b2, heads=1, out_ch=128)
    h = jax.nn.relu(h)
    return h

if __name__ == "__main__":
    import jax
    _d = setup_inputs()
    print(jax.jit(kernel)(*tuple(_d.values())))

</pallas_src>

<mosaic_0001>
#map = affine_map<(d0, d1) -> (0, 0)>
#map1 = affine_map<(d0, d1) -> (0)>
#map2 = affine_map<(d0, d1) -> (0, 0, 0)>
module attributes {stable_mosaic.version = 14 : i64} {
  func.func @ek(%arg0: i32, %arg1: i32, %arg2: memref<20480x128xf32, #tpu.memory_space<hbm>>, %arg3: memref<20480xf32, #tpu.memory_space<hbm>>, %arg4: memref<20480xf32, #tpu.memory_space<hbm>>, %arg5: memref<320000xi32, #tpu.memory_space<hbm>>, %arg6: memref<320000xi32, #tpu.memory_space<hbm>>, %arg7: memref<2x10240x128xf32, #tpu.memory_space<hbm>>, %arg8: memref<327680xf32, #tpu.memory_space<hbm>>, %arg9: memref<10240xf32, #tpu.memory_space<vmem>>, %arg10: memref<10240xf32, #tpu.memory_space<vmem>>, %arg11: memref<10240xf32, #tpu.memory_space<vmem>>, %arg12: memref<80xi32, #tpu.memory_space<vmem>>, %arg13: memref<80xi32, #tpu.memory_space<vmem>>, %arg14: memref<80xi32, #tpu.memory_space<vmem>>, %arg15: memref<80xf32, #tpu.memory_space<vmem>>, %arg16: memref<80x128xf32, #tpu.memory_space<vmem>>, %arg17: memref<10240x128xf32, #tpu.memory_space<vmem_shared>>, %arg18: memref<!tpu.dma_semaphore, #tpu.memory_space<semaphore_mem>>, %arg19: memref<!tpu.dma_semaphore, #tpu.memory_space<semaphore_mem>>) attributes {dimension_semantics = [#tpu.dimension_semantics<core_parallel>, #tpu.dimension_semantics<subcore_parallel>], iteration_bounds = array<i64: 2, 16>, scalar_prefetch = 0 : i64, scratch_operands = 11 : i64, tpu.core_type = #tpu.core_type<sc_vector_subcore>, window_params = [{transform_indices = #map}, {transform_indices = #map1}, {transform_indices = #map1}, {transform_indices = #map1}, {transform_indices = #map1}, {transform_indices = #map2}, {transform_indices = #map1}]} {
    %broadcast_in_dim3A = arith.constant 0.000000e+00 : f32
    %broadcast_in_dim3A_0 = vector.broadcast %broadcast_in_dim3A : f32 to vector<16xf32>
    %scan3A = arith.constant 0 : i32
    %scan3A_1 = arith.constant 0 : i32
    %scan3A_2 = arith.constant 640 : i32
    %scan3A_3 = arith.addi %scan3A_1, %scan3A_2 : i32
    %scan3A_4 = arith.constant 1 : i32
    scf.for %scan3A_64 = %scan3A_1 to %scan3A_3 step %scan3A_4  : i32 {
      %mul3A_65 = arith.constant 16 : i32
      %mul3A_66 = arith.muli %scan3A_64, %mul3A_65 : i32
      %swap3A = arith.index_cast %mul3A_66 : i32 to index
      %swap3A_67 = tpu.vector_load %arg11[%swap3A] {strides = array<i32>} : memref<10240xf32, #tpu.memory_space<vmem>>, vector<16xf32>,
      tpu.vector_store %arg11[%swap3A], %broadcast_in_dim3A_0 {strides = array<i32>} : memref<10240xf32, #tpu.memory_space<vmem>>, vector<16xf32>,
    }
    %scan3A_5 = arith.constant 640 : i32
    %scan3A_6 = arith.constant 0 : i32
    %scan3A_7 = arith.constant 0 : i32
    %scan3A_8 = arith.constant 80 : i32
    %scan3A_9 = arith.addi %scan3A_7, %scan3A_8 : i32
    %scan3A_10 = arith.constant 1 : i32
    scf.for %scan3A_64 = %scan3A_7 to %scan3A_9 step %scan3A_10  : i32 {
      %swap3A = arith.index_cast %scan3A_64 : i32 to index
      %swap3A_65 = arith.constant 0 : index
      %swap3A_66 = tpu.vector_load %arg16[%swap3A, %swap3A_65] {strides = array<i32>} : memref<80x128xf32, #tpu.memory_space<vmem>>, vector<16xf32>,
      tpu.vector_store %arg16[%swap3A, %swap3A_65], %broadcast_in_dim3A_0 {strides = array<i32>} : memref<80x128xf32, #tpu.memory_space<vmem>>, vector<16xf32>,
      %swap3A_67 = arith.index_cast %scan3A_64 : i32 to index
      %swap3A_68 = arith.constant 16 : index
      %swap3A_69 = tpu.vector_load %arg16[%swap3A_67, %swap3A_68] {strides = array<i32>} : memref<80x128xf32, #tpu.memory_space<vmem>>, vector<16xf32>,
      tpu.vector_store %arg16[%swap3A_67, %swap3A_68], %broadcast_in_dim3A_0 {strides = array<i32>} : memref<80x128xf32, #tpu.memory_space<vmem>>, vector<16xf32>,
      %swap3A_70 = arith.index_cast %scan3A_64 : i32 to index
      %swap3A_71 = arith.constant 32 : index
      %swap3A_72 = tpu.vector_load %arg16[%swap3A_70, %swap3A_71] {strides = array<i32>} : memref<80x128xf32, #tpu.memory_space<vmem>>, vector<16xf32>,
      tpu.vector_store %arg16[%swap3A_70, %swap3A_71], %broadcast_in_dim3A_0 {strides = array<i32>} : memref<80x128xf32, #tpu.memory_space<vmem>>, vector<16xf32>,
      %swap3A_73 = arith.index_cast %scan3A_64 : i32 to index
      %swap3A_74 = arith.constant 48 : index
      %swap3A_75 = tpu.vector_load %arg16[%swap3A_73, %swap3A_74] {strides = array<i32>} : memref<80x128xf32, #tpu.memory_space<vmem>>, vector<16xf32>,
      tpu.vector_store %arg16[%swap3A_73, %swap3A_74], %broadcast_in_dim3A_0 {strides = array<i32>} : memref<80x128xf32, #tpu.memory_space<vmem>>, vector<16xf32>,
      %swap3A_76 = arith.index_cast %scan3A_64 : i32 to index
      %swap3A_77 = arith.constant 64 : index
      %swap3A_78 = tpu.vector_load %arg16[%swap3A_76, %swap3A_77] {strides = array<i32>} : memref<80x128xf32, #tpu.memory_space<vmem>>, vector<16xf32>,
      tpu.vector_store %arg16[%swap3A_76, %swap3A_77], %broadcast_in_dim3A_0 {strides = array<i32>} : memref<80x128xf32, #tpu.memory_space<vmem>>, vector<16xf32>,
      %swap3A_79 = arith.index_cast %scan3A_64 : i32 to index
      %swap3A_80 = arith.constant 80 : index
      %swap3A_81 = tpu.vector_load %arg16[%swap3A_79, %swap3A_80] {strides = array<i32>} : memref<80x128xf32, #tpu.memory_space<vmem>>, vector<16xf32>,
      tpu.vector_store %arg16[%swap3A_79, %swap3A_80], %broadcast_in_dim3A_0 {strides = array<i32>} : memref<80x128xf32, #tpu.memory_space<vmem>>, vector<16xf32>,
      %swap3A_82 = arith.index_cast %scan3A_64 : i32 to index
      %swap3A_83 = arith.constant 96 : index
      %swap3A_84 = tpu.vector_load %arg16[%swap3A_82, %swap3A_83] {strides = array<i32>} : memref<80x128xf32, #tpu.memory_space<vmem>>, vector<16xf32>,
      tpu.vector_store %arg16[%swap3A_82, %swap3A_83], %broadcast_in_dim3A_0 {strides = array<i32>} : memref<80x128xf32, #tpu.memory_space<vmem>>, vector<16xf32>,
      %swap3A_85 = arith.index_cast %scan3A_64 : i32 to index
      %swap3A_86 = arith.constant 112 : index
      %swap3A_87 = tpu.vector_load %arg16[%swap3A_85, %swap3A_86] {strides = array<i32>} : memref<80x128xf32, #tpu.memory_space<vmem>>, vector<16xf32>,
      tpu.vector_store %arg16[%swap3A_85, %swap3A_86], %broadcast_in_dim3A_0 {strides = array<i32>} : memref<80x128xf32, #tpu.memory_space<vmem>>, vector<16xf32>,
    }
    %scan3A_11 = arith.constant 80 : i32
    %mul3A = arith.constant 640 : i32
    %mul3A_12 = arith.muli %arg1, %mul3A : i32
    %add3A = arith.constant 0 : i32
    %add3A_13 = arith.addi %mul3A_12, %add3A : i32
    "tpu.region"() ({
      %run_scoped3A = tpu.sem_alloc : memref<!tpu.dma_semaphore, #tpu.memory_space<semaphore_mem>>
      %dma_start3A = arith.constant 0 : i32
      %dma_start3A_64 = tpu.memref_slice %arg17[%add3A_13, %dma_start3A] : memref<10240x128xf32, #tpu.memory_space<vmem_shared>> -> memref<80x128xf32, #tpu.memory_space<vmem_shared>>
      %dma_start3A_65 = arith.constant 0 : i32
      %dma_start3A_66 = tpu.memref_slice %arg17[%add3A_13, %dma_start3A_65] : memref<10240x128xf32, #tpu.memory_space<vmem_shared>> -> memref<80x128xf32, #tpu.memory_space<vmem_shared>>
      tpu.enqueue_dma source(%arg16 : memref<80x128xf32, #tpu.memory_space<vmem>>) target(%dma_start3A_66 : memref<80x128xf32, #tpu.memory_space<vmem_shared>>) target_semaphore(%run_scoped3A : memref<!tpu.dma_semaphore, #tpu.memory_space<semaphore_mem>>)
      %dma_wait3A = arith.constant 0 : i32
      %dma_wait3A_67 = tpu.memref_slice %arg17[%add3A_13, %dma_wait3A] : memref<10240x128xf32, #tpu.memory_space<vmem_shared>> -> memref<80x128xf32, #tpu.memory_space<vmem_shared>>
      %dma_wait3A_68 = arith.constant 0 : i32
      %dma_wait3A_69 = tpu.memref_slice %arg17[%add3A_13, %dma_wait3A_68] : memref<10240x128xf32, #tpu.memory_space<vmem_shared>> -> memref<80x128xf32, #tpu.memory_space<vmem_shared>>
      tpu.wait_dma2 semaphore(%run_scoped3A : memref<!tpu.dma_semaphore, #tpu.memory_space<semaphore_mem>>) src(%arg16 : memref<80x128xf32, #tpu.memory_space<vmem>>) dst(%dma_wait3A_69 : memref<80x128xf32, #tpu.memory_space<vmem_shared>>)
      tpu.yield
    }) : () -> ()
    %mul3A_14 = arith.constant 640 : i32
    %mul3A_15 = arith.muli %arg1, %mul3A_14 : i32
    %add3A_16 = arith.constant 80 : i32
    %add3A_17 = arith.addi %mul3A_15, %add3A_16 : i32
    "tpu.region"() ({
      %run_scoped3A = tpu.sem_alloc : memref<!tpu.dma_semaphore, #tpu.memory_space<semaphore_mem>>
      %dma_start3A = arith.constant 0 : i32
      %dma_start3A_64 = tpu.memref_slice %arg17[%add3A_17, %dma_start3A] : memref<10240x128xf32, #tpu.memory_space<vmem_shared>> -> memref<80x128xf32, #tpu.memory_space<vmem_shared>>
      %dma_start3A_65 = arith.constant 0 : i32
      %dma_start3A_66 = tpu.memref_slice %arg17[%add3A_17, %dma_start3A_65] : memref<10240x128xf32, #tpu.memory_space<vmem_shared>> -> memref<80x128xf32, #tpu.memory_space<vmem_shared>>
      tpu.enqueue_dma source(%arg16 : memref<80x128xf32, #tpu.memory_space<vmem>>) target(%dma_start3A_66 : memref<80x128xf32, #tpu.memory_space<vmem_shared>>) target_semaphore(%run_scoped3A : memref<!tpu.dma_semaphore, #tpu.memory_space<semaphore_mem>>)
      %dma_wait3A = arith.constant 0 : i32
      %dma_wait3A_67 = tpu.memref_slice %arg17[%add3A_17, %dma_wait3A] : memref<10240x128xf32, #tpu.memory_space<vmem_shared>> -> memref<80x128xf32, #tpu.memory_space<vmem_shared>>
      %dma_wait3A_68 = arith.constant 0 : i32
      %dma_wait3A_69 = tpu.memref_slice %arg17[%add3A_17, %dma_wait3A_68] : memref<10240x128xf32, #tpu.memory_space<vmem_shared>> -> memref<80x128xf32, #tpu.memory_space<vmem_shared>>
      tpu.wait_dma2 semaphore(%run_scoped3A : memref<!tpu.dma_semaphore, #tpu.memory_space<semaphore_mem>>) src(%arg16 : memref<80x128xf32, #tpu.memory_space<vmem>>) dst(%dma_wait3A_69 : memref<80x128xf32, #tpu.memory_space<vmem_shared>>)
      tpu.yield
    }) : () -> ()
    %mul3A_18 = arith.constant 640 : i32
    %mul3A_19 = arith.muli %arg1, %mul3A_18 : i32
    %add3A_20 = arith.constant 160 : i32
    %add3A_21 = arith.addi %mul3A_19, %add3A_20 : i32
    "tpu.region"() ({
      %run_scoped3A = tpu.sem_alloc : memref<!tpu.dma_semaphore, #tpu.memory_space<semaphore_mem>>
      %dma_start3A = arith.constant 0 : i32
      %dma_start3A_64 = tpu.memref_slice %arg17[%add3A_21, %dma_start3A] : memref<10240x128xf32, #tpu.memory_space<vmem_shared>> -> memref<80x128xf32, #tpu.memory_space<vmem_shared>>
      %dma_start3A_65 = arith.constant 0 : i32
      %dma_start3A_66 = tpu.memref_slice %arg17[%add3A_21, %dma_start3A_65] : memref<10240x128xf32, #tpu.memory_space<vmem_shared>> -> memref<80x128xf32, #tpu.memory_space<vmem_shared>>
      tpu.enqueue_dma source(%arg16 : memref<80x128xf32, #tpu.memory_space<vmem>>) target(%dma_start3A_66 : memref<80x128xf32, #tpu.memory_space<vmem_shared>>) target_semaphore(%run_scoped3A : memref<!tpu.dma_semaphore, #tpu.memory_space<semaphore_mem>>)
      %dma_wait3A = arith.constant 0 : i32
      %dma_wait3A_67 = tpu.memref_slice %arg17[%add3A_21, %dma_wait3A] : memref<10240x128xf32, #tpu.memory_space<vmem_shared>> -> memref<80x128xf32, #tpu.memory_space<vmem_shared>>
      %dma_wait3A_68 = arith.constant 0 : i32
      %dma_wait3A_69 = tpu.memref_slice %arg17[%add3A_21, %dma_wait3A_68] : memref<10240x128xf32, #tpu.memory_space<vmem_shared>> -> memref<80x128xf32, #tpu.memory_space<vmem_shared>>
      tpu.wait_dma2 semaphore(%run_scoped3A : memref<!tpu.dma_semaphore, #tpu.memory_space<semaphore_mem>>) src(%arg16 : memref<80x128xf32, #tpu.memory_space<vmem>>) dst(%dma_wait3A_69 : memref<80x128xf32, #tpu.memory_space<vmem_shared>>)
      tpu.yield
    }) : () -> ()
    %mul3A_22 = arith.constant 640 : i32
    %mul3A_23 = arith.muli %arg1, %mul3A_22 : i32
    %add3A_24 = arith.constant 240 : i32
    %add3A_25 = arith.addi %mul3A_23, %add3A_24 : i32
    "tpu.region"() ({
      %run_scoped3A = tpu.sem_alloc : memref<!tpu.dma_semaphore, #tpu.memory_space<semaphore_mem>>
      %dma_start3A = arith.constant 0 : i32
      %dma_start3A_64 = tpu.memref_slice %arg17[%add3A_25, %dma_start3A] : memref<10240x128xf32, #tpu.memory_space<vmem_shared>> -> memref<80x128xf32, #tpu.memory_space<vmem_shared>>
      %dma_start3A_65 = arith.constant 0 : i32
      %dma_start3A_66 = tpu.memref_slice %arg17[%add3A_25, %dma_start3A_65] : memref<10240x128xf32, #tpu.memory_space<vmem_shared>> -> memref<80x128xf32, #tpu.memory_space<vmem_shared>>
      tpu.enqueue_dma source(%arg16 : memref<80x128xf32, #tpu.memory_space<vmem>>) target(%dma_start3A_66 : memref<80x128xf32, #tpu.memory_space<vmem_shared>>) target_semaphore(%run_scoped3A : memref<!tpu.dma_semaphore, #tpu.memory_space<semaphore_mem>>)
      %dma_wait3A = arith.constant 0 : i32
      %dma_wait3A_67 = tpu.memref_slice %arg17[%add3A_25, %dma_wait3A] : memref<10240x128xf32, #tpu.memory_space<vmem_shared>> -> memref<80x128xf32, #tpu.memory_space<vmem_shared>>
      %dma_wait3A_68 = arith.constant 0 : i32
      %dma_wait3A_69 = tpu.memref_slice %arg17[%add3A_25, %dma_wait3A_68] : memref<10240x128xf32, #tpu.memory_space<vmem_shared>> -> memref<80x128xf32, #tpu.memory_space<vmem_shared>>
      tpu.wait_dma2 semaphore(%run_scoped3A : memref<!tpu.dma_semaphore, #tpu.memory_space<semaphore_mem>>) src(%arg16 : memref<80x128xf32, #tpu.memory_space<vmem>>) dst(%dma_wait3A_69 : memref<80x128xf32, #tpu.memory_space<vmem_shared>>)
      tpu.yield
    }) : () -> ()
    %mul3A_26 = arith.constant 640 : i32
    %mul3A_27 = arith.muli %arg1, %mul3A_26 : i32
    %add3A_28 = arith.constant 320 : i32
    %add3A_29 = arith.addi %mul3A_27, %add3A_28 : i32
    "tpu.region"() ({
      %run_scoped3A = tpu.sem_alloc : memref<!tpu.dma_semaphore, #tpu.memory_space<semaphore_mem>>
      %dma_start3A = arith.constant 0 : i32
      %dma_start3A_64 = tpu.memref_slice %arg17[%add3A_29, %dma_start3A] : memref<10240x128xf32, #tpu.memory_space<vmem_shared>> -> memref<80x128xf32, #tpu.memory_space<vmem_shared>>
      %dma_start3A_65 = arith.constant 0 : i32
      %dma_start3A_66 = tpu.memref_slice %arg17[%add3A_29, %dma_start3A_65] : memref<10240x128xf32, #tpu.memory_space<vmem_shared>> -> memref<80x128xf32, #tpu.memory_space<vmem_shared>>
      tpu.enqueue_dma source(%arg16 : memref<80x128xf32, #tpu.memory_space<vmem>>) target(%dma_start3A_66 : memref<80x128xf32, #tpu.memory_space<vmem_shared>>) target_semaphore(%run_scoped3A : memref<!tpu.dma_semaphore, #tpu.memory_space<semaphore_mem>>)
      %dma_wait3A = arith.constant 0 : i32
      %dma_wait3A_67 = tpu.memref_slice %arg17[%add3A_29, %dma_wait3A] : memref<10240x128xf32, #tpu.memory_space<vmem_shared>> -> memref<80x128xf32, #tpu.memory_space<vmem_shared>>
      %dma_wait3A_68 = arith.constant 0 : i32
      %dma_wait3A_69 = tpu.memref_slice %arg17[%add3A_29, %dma_wait3A_68] : memref<10240x128xf32, #tpu.memory_space<vmem_shared>> -> memref<80x128xf32, #tpu.memory_space<vmem_shared>>
      tpu.wait_dma2 semaphore(%run_scoped3A : memref<!tpu.dma_semaphore, #tpu.memory_space<semaphore_mem>>) src(%arg16 : memref<80x128xf32, #tpu.memory_space<vmem>>) dst(%dma_wait3A_69 : memref<80x128xf32, #tpu.memory_space<vmem_shared>>)
      tpu.yield
    }) : () -> ()
    %mul3A_30 = arith.constant 640 : i32
    %mul3A_31 = arith.muli %arg1, %mul3A_30 : i32
    %add3A_32 = arith.constant 400 : i32
    %add3A_33 = arith.addi %mul3A_31, %add3A_32 : i32
    "tpu.region"() ({
      %run_scoped3A = tpu.sem_alloc : memref<!tpu.dma_semaphore, #tpu.memory_space<semaphore_mem>>
      %dma_start3A = arith.constant 0 : i32
      %dma_start3A_64 = tpu.memref_slice %arg17[%add3A_33, %dma_start3A] : memref<10240x128xf32, #tpu.memory_space<vmem_shared>> -> memref<80x128xf32, #tpu.memory_space<vmem_shared>>
      %dma_start3A_65 = arith.constant 0 : i32
      %dma_start3A_66 = tpu.memref_slice %arg17[%add3A_33, %dma_start3A_65] : memref<10240x128xf32, #tpu.memory_space<vmem_shared>> -> memref<80x128xf32, #tpu.memory_space<vmem_shared>>
      tpu.enqueue_dma source(%arg16 : memref<80x128xf32, #tpu.memory_space<vmem>>) target(%dma_start3A_66 : memref<80x128xf32, #tpu.memory_space<vmem_shared>>) target_semaphore(%run_scoped3A : memref<!tpu.dma_semaphore, #tpu.memory_space<semaphore_mem>>)
      %dma_wait3A = arith.constant 0 : i32
      %dma_wait3A_67 = tpu.memref_slice %arg17[%add3A_33, %dma_wait3A] : memref<10240x128xf32, #tpu.memory_space<vmem_shared>> -> memref<80x128xf32, #tpu.memory_space<vmem_shared>>
      %dma_wait3A_68 = arith.constant 0 : i32
      %dma_wait3A_69 = tpu.memref_slice %arg17[%add3A_33, %dma_wait3A_68] : memref<10240x128xf32, #tpu.memory_space<vmem_shared>> -> memref<80x128xf32, #tpu.memory_space<vmem_shared>>
      tpu.wait_dma2 semaphore(%run_scoped3A : memref<!tpu.dma_semaphore, #tpu.memory_space<semaphore_mem>>) src(%arg16 : memref<80x128xf32, #tpu.memory_space<vmem>>) dst(%dma_wait3A_69 : memref<80x128xf32, #tpu.memory_space<vmem_shared>>)
      tpu.yield
    }) : () -> ()
    %mul3A_34 = arith.constant 640 : i32
    %mul3A_35 = arith.muli %arg1, %mul3A_34 : i32
    %add3A_36 = arith.constant 480 : i32
    %add3A_37 = arith.addi %mul3A_35, %add3A_36 : i32
    "tpu.region"() ({
      %run_scoped3A = tpu.sem_alloc : memref<!tpu.dma_semaphore, #tpu.memory_space<semaphore_mem>>
      %dma_start3A = arith.constant 0 : i32
      %dma_start3A_64 = tpu.memref_slice %arg17[%add3A_37, %dma_start3A] : memref<10240x128xf32, #tpu.memory_space<vmem_shared>> -> memref<80x128xf32, #tpu.memory_space<vmem_shared>>
      %dma_start3A_65 = arith.constant 0 : i32
      %dma_start3A_66 = tpu.memref_slice %arg17[%add3A_37, %dma_start3A_65] : memref<10240x128xf32, #tpu.memory_space<vmem_shared>> -> memref<80x128xf32, #tpu.memory_space<vmem_shared>>
      tpu.enqueue_dma source(%arg16 : memref<80x128xf32, #tpu.memory_space<vmem>>) target(%dma_start3A_66 : memref<80x128xf32, #tpu.memory_space<vmem_shared>>) target_semaphore(%run_scoped3A : memref<!tpu.dma_semaphore, #tpu.memory_space<semaphore_mem>>)
      %dma_wait3A = arith.constant 0 : i32
      %dma_wait3A_67 = tpu.memref_slice %arg17[%add3A_37, %dma_wait3A] : memref<10240x128xf32, #tpu.memory_space<vmem_shared>> -> memref<80x128xf32, #tpu.memory_space<vmem_shared>>
      %dma_wait3A_68 = arith.constant 0 : i32
      %dma_wait3A_69 = tpu.memref_slice %arg17[%add3A_37, %dma_wait3A_68] : memref<10240x128xf32, #tpu.memory_space<vmem_shared>> -> memref<80x128xf32, #tpu.memory_space<vmem_shared>>
      tpu.wait_dma2 semaphore(%run_scoped3A : memref<!tpu.dma_semaphore, #tpu.memory_space<semaphore_mem>>) src(%arg16 : memref<80x128xf32, #tpu.memory_space<vmem>>) dst(%dma_wait3A_69 : memref<80x128xf32, #tpu.memory_space<vmem_shared>>)
      tpu.yield
    }) : () -> ()
    %mul3A_38 = arith.constant 640 : i32
    %mul3A_39 = arith.muli %arg1, %mul3A_38 : i32
    %add3A_40 = arith.constant 560 : i32
    %add3A_41 = arith.addi %mul3A_39, %add3A_40 : i32
    "tpu.region"() ({
      %run_scoped3A = tpu.sem_alloc : memref<!tpu.dma_semaphore, #tpu.memory_space<semaphore_mem>>
      %dma_start3A = arith.constant 0 : i32
      %dma_start3A_64 = tpu.memref_slice %arg17[%add3A_41, %dma_start3A] : memref<10240x128xf32, #tpu.memory_space<vmem_shared>> -> memref<80x128xf32, #tpu.memory_space<vmem_shared>>
      %dma_start3A_65 = arith.constant 0 : i32
      %dma_start3A_66 = tpu.memref_slice %arg17[%add3A_41, %dma_start3A_65] : memref<10240x128xf32, #tpu.memory_space<vmem_shared>> -> memref<80x128xf32, #tpu.memory_space<vmem_shared>>
      tpu.enqueue_dma source(%arg16 : memref<80x128xf32, #tpu.memory_space<vmem>>) target(%dma_start3A_66 : memref<80x128xf32, #tpu.memory_space<vmem_shared>>) target_semaphore(%run_scoped3A : memref<!tpu.dma_semaphore, #tpu.memory_space<semaphore_mem>>)
      %dma_wait3A = arith.constant 0 : i32
      %dma_wait3A_67 = tpu.memref_slice %arg17[%add3A_41, %dma_wait3A] : memref<10240x128xf32, #tpu.memory_space<vmem_shared>> -> memref<80x128xf32, #tpu.memory_space<vmem_shared>>
      %dma_wait3A_68 = arith.constant 0 : i32
      %dma_wait3A_69 = tpu.memref_slice %arg17[%add3A_41, %dma_wait3A_68] : memref<10240x128xf32, #tpu.memory_space<vmem_shared>> -> memref<80x128xf32, #tpu.memory_space<vmem_shared>>
      tpu.wait_dma2 semaphore(%run_scoped3A : memref<!tpu.dma_semaphore, #tpu.memory_space<semaphore_mem>>) src(%arg16 : memref<80x128xf32, #tpu.memory_space<vmem>>) dst(%dma_wait3A_69 : memref<80x128xf32, #tpu.memory_space<vmem_shared>>)
      tpu.yield
    }) : () -> ()
    %mul3A_42 = arith.constant 10240 : i32
    %mul3A_43 = arith.muli %arg0, %mul3A_42 : i32
    "tpu.region"() ({
      %run_scoped3A = tpu.sem_alloc : memref<!tpu.dma_semaphore, #tpu.memory_space<semaphore_mem>>
      %dma_start3A = tpu.memref_slice %arg3[%mul3A_43] : memref<20480xf32, #tpu.memory_space<hbm>> -> memref<10240xf32, #tpu.memory_space<hbm>>
      %dma_start3A_64 = tpu.memref_slice %arg3[%mul3A_43] : memref<20480xf32, #tpu.memory_space<hbm>> -> memref<10240xf32, #tpu.memory_space<hbm>>
      tpu.enqueue_dma source(%dma_start3A_64 : memref<10240xf32, #tpu.memory_space<hbm>>) target(%arg9 : memref<10240xf32, #tpu.memory_space<vmem>>) target_semaphore(%run_scoped3A : memref<!tpu.dma_semaphore, #tpu.memory_space<semaphore_mem>>)
      %dma_wait3A = tpu.memref_slice %arg3[%mul3A_43] : memref<20480xf32, #tpu.memory_space<hbm>> -> memref<10240xf32, #tpu.memory_space<hbm>>
      %dma_wait3A_65 = tpu.memref_slice %arg3[%mul3A_43] : memref<20480xf32, #tpu.memory_space<hbm>> -> memref<10240xf32, #tpu.memory_space<hbm>>
      tpu.wait_dma2 semaphore(%run_scoped3A : memref<!tpu.dma_semaphore, #tpu.memory_space<semaphore_mem>>) src(%dma_wait3A_65 : memref<10240xf32, #tpu.memory_space<hbm>>) dst(%arg9 : memref<10240xf32, #tpu.memory_space<vmem>>)
      tpu.yield
    }) : () -> ()
    %mul3A_44 = arith.constant 10240 : i32
    %mul3A_45 = arith.muli %arg0, %mul3A_44 : i32
    "tpu.region"() ({
      %run_scoped3A = tpu.sem_alloc : memref<!tpu.dma_semaphore, #tpu.memory_space<semaphore_mem>>
      %dma_start3A = tpu.memref_slice %arg4[%mul3A_45] : memref<20480xf32, #tpu.memory_space<hbm>> -> memref<10240xf32, #tpu.memory_space<hbm>>
      %dma_start3A_64 = tpu.memref_slice %arg4[%mul3A_45] : memref<20480xf32, #tpu.memory_space<hbm>> -> memref<10240xf32, #tpu.memory_space<hbm>>
      tpu.enqueue_dma source(%dma_start3A_64 : memref<10240xf32, #tpu.memory_space<hbm>>) target(%arg10 : memref<10240xf32, #tpu.memory_space<vmem>>) target_semaphore(%run_scoped3A : memref<!tpu.dma_semaphore, #tpu.memory_space<semaphore_mem>>)
      %dma_wait3A = tpu.memref_slice %arg4[%mul3A_45] : memref<20480xf32, #tpu.memory_space<hbm>> -> memref<10240xf32, #tpu.memory_space<hbm>>
      %dma_wait3A_65 = tpu.memref_slice %arg4[%mul3A_45] : memref<20480xf32, #tpu.memory_space<hbm>> -> memref<10240xf32, #tpu.memory_space<hbm>>
      tpu.wait_dma2 semaphore(%run_scoped3A : memref<!tpu.dma_semaphore, #tpu.memory_space<semaphore_mem>>) src(%dma_wait3A_65 : memref<10240xf32, #tpu.memory_space<hbm>>) dst(%arg10 : memref<10240xf32, #tpu.memory_space<vmem>>)
      tpu.yield
    }) : () -> ()
    %barrier3A = arith.constant 0 : index
    tpu.barrier barrier_id(%barrier3A)
    %mul3A_46 = arith.constant 20000 : i32
    %mul3A_47 = arith.muli %arg1, %mul3A_46 : i32
    %scan3A_48 = arith.constant 0 : i32
    %scan3A_49 = arith.constant 0 : i32
    %scan3A_50 = arith.constant 250 : i32
    %scan3A_51 = arith.addi %scan3A_49, %scan3A_50 : i32
    %scan3A_52 = arith.constant 1 : i32
    scf.for %scan3A_64 = %scan3A_49 to %scan3A_51 step %scan3A_52  : i32 {
      %mul3A_65 = arith.constant 80 : i32
      %mul3A_66 = arith.muli %scan3A_64, %mul3A_65 : i32
      %add3A_67 = arith.addi %mul3A_47, %mul3A_66 : i32
      "tpu.region"() ({
        %run_scoped3A = tpu.sem_alloc : memref<!tpu.dma_semaphore, #tpu.memory_space<semaphore_mem>>
        %dma_start3A_179 = tpu.memref_slice %arg5[%add3A_67] : memref<320000xi32, #tpu.memory_space<hbm>> -> memref<80xi32, #tpu.memory_space<hbm>>
        %dma_start3A_180 = tpu.memref_slice %arg5[%add3A_67] : memref<320000xi32, #tpu.memory_space<hbm>> -> memref<80xi32, #tpu.memory_space<hbm>>
        tpu.enqueue_dma source(%dma_start3A_180 : memref<80xi32, #tpu.memory_space<hbm>>) target(%arg12 : memref<80xi32, #tpu.memory_space<vmem>>) target_semaphore(%run_scoped3A : memref<!tpu.dma_semaphore, #tpu.memory_space<semaphore_mem>>)
        %dma_wait3A_181 = tpu.memref_slice %arg5[%add3A_67] : memref<320000xi32, #tpu.memory_space<hbm>> -> memref<80xi32, #tpu.memory_space<hbm>>
        %dma_wait3A_182 = tpu.memref_slice %arg5[%add3A_67] : memref<320000xi32, #tpu.memory_space<hbm>> -> memref<80xi32, #tpu.memory_space<hbm>>
        tpu.wait_dma2 semaphore(%run_scoped3A : memref<!tpu.dma_semaphore, #tpu.memory_space<semaphore_mem>>) src(%dma_wait3A_182 : memref<80xi32, #tpu.memory_space<hbm>>) dst(%arg12 : memref<80xi32, #tpu.memory_space<vmem>>)
        tpu.yield
      }) : () -> ()
      "tpu.region"() ({
        %run_scoped3A = tpu.sem_alloc : memref<!tpu.dma_semaphore, #tpu.memory_space<semaphore_mem>>
        %dma_start3A_179 = tpu.memref_slice %arg6[%add3A_67] : memref<320000xi32, #tpu.memory_space<hbm>> -> memref<80xi32, #tpu.memory_space<hbm>>
        %dma_start3A_180 = tpu.memref_slice %arg6[%add3A_67] : memref<320000xi32, #tpu.memory_space<hbm>> -> memref<80xi32, #tpu.memory_space<hbm>>
        tpu.enqueue_dma source(%dma_start3A_180 : memref<80xi32, #tpu.memory_space<hbm>>) target(%arg13 : memref<80xi32, #tpu.memory_space<vmem>>) target_semaphore(%run_scoped3A : memref<!tpu.dma_semaphore, #tpu.memory_space<semaphore_mem>>)
        %dma_wait3A_181 = tpu.memref_slice %arg6[%add3A_67] : memref<320000xi32, #tpu.memory_space<hbm>> -> memref<80xi32, #tpu.memory_space<hbm>>
        %dma_wait3A_182 = tpu.memref_slice %arg6[%add3A_67] : memref<320000xi32, #tpu.memory_space<hbm>> -> memref<80xi32, #tpu.memory_space<hbm>>
        tpu.wait_dma2 semaphore(%run_scoped3A : memref<!tpu.dma_semaphore, #tpu.memory_space<semaphore_mem>>) src(%dma_wait3A_182 : memref<80xi32, #tpu.memory_space<hbm>>) dst(%arg13 : memref<80xi32, #tpu.memory_space<vmem>>)
        tpu.yield
      }) : () -> ()
      %get3A = arith.constant 0 : index
      %get3A_68 = tpu.vector_load %arg12[%get3A] {strides = array<i32>} : memref<80xi32, #tpu.memory_space<vmem>>, vector<16xi32>,
      %get3A_69 = arith.constant 0 : index
      %get3A_70 = tpu.vector_load %arg13[%get3A_69] {strides = array<i32>} : memref<80xi32, #tpu.memory_space<vmem>>, vector<16xi32>,
      %gather3A = tpu.vector_load_idx %arg9[%get3A_68] : memref<10240xf32, #tpu.memory_space<vmem>>[vector<16xi32>], vector<16xf32>,
      %gather3A_71 = tpu.vector_load_idx %arg10[%get3A_70] : memref<10240xf32, #tpu.memory_space<vmem>>[vector<16xi32>], vector<16xf32>,
      %add3A_72 = arith.addf %gather3A, %gather3A_71 : vector<16xf32>
      %mul3A_73 = arith.constant 2.000000e-01 : f32
      %mul3A_74 = vector.broadcast %mul3A_73 : f32 to vector<16xf32>
      %mul3A_75 = arith.mulf %add3A_72, %mul3A_74 : vector<16xf32>
      %max3A = arith.maximumf %add3A_72, %mul3A_75 : vector<16xf32>
      %exp3A = math.exp %max3A : vector<16xf32>
      %swap3A = arith.constant 0 : index
      %swap3A_76 = tpu.vector_load %arg15[%swap3A] {strides = array<i32>} : memref<80xf32, #tpu.memory_space<vmem>>, vector<16xf32>,
      tpu.vector_store %arg15[%swap3A], %exp3A {strides = array<i32>} : memref<80xf32, #tpu.memory_space<vmem>>, vector<16xf32>,
      tpu.vector_store_idx %arg11[%get3A_70], %exp3A {add = true} : memref<10240xf32, #tpu.memory_space<vmem>>[vector<16xi32>], vector<16xf32>,
      %mul3A_77 = arith.constant 10240 : i32
      %mul3A_78 = arith.muli %arg0, %mul3A_77 : i32
      %add3A_79 = vector.broadcast %mul3A_78 : i32 to vector<16xi32>
      %add3A_80 = arith.addi %get3A_68, %add3A_79 : vector<16xi32>
      %swap3A_81 = arith.constant 0 : index
      %swap3A_82 = tpu.vector_load %arg14[%swap3A_81] {strides = array<i32>} : memref<80xi32, #tpu.memory_space<vmem>>, vector<16xi32>,
      tpu.vector_store %arg14[%swap3A_81], %add3A_80 {strides = array<i32>} : memref<80xi32, #tpu.memory_space<vmem>>, vector<16xi32>,
      %get3A_83 = arith.constant 16 : index
      %get3A_84 = tpu.vector_load %arg12[%get3A_83] {strides = array<i32>} : memref<80xi32, #tpu.memory_space<vmem>>, vector<16xi32>,
      %get3A_85 = arith.constant 16 : index
      %get3A_86 = tpu.vector_load %arg13[%get3A_85] {strides = array<i32>} : memref<80xi32, #tpu.memory_space<vmem>>, vector<16xi32>,
      %gather3A_87 = tpu.vector_load_idx %arg9[%get3A_84] : memref<10240xf32, #tpu.memory_space<vmem>>[vector<16xi32>], vector<16xf32>,
      %gather3A_88 = tpu.vector_load_idx %arg10[%get3A_86] : memref<10240xf32, #tpu.memory_space<vmem>>[vector<16xi32>], vector<16xf32>,
      %add3A_89 = arith.addf %gather3A_87, %gather3A_88 : vector<16xf32>
      %mul3A_90 = arith.constant 2.000000e-01 : f32
      %mul3A_91 = vector.broadcast %mul3A_90 : f32 to vector<16xf32>
      %mul3A_92 = arith.mulf %add3A_89, %mul3A_91 : vector<16xf32>
      %max3A_93 = arith.maximumf %add3A_89, %mul3A_92 : vector<16xf32>
      %exp3A_94 = math.exp %max3A_93 : vector<16xf32>
      %swap3A_95 = arith.constant 16 : index
      %swap3A_96 = tpu.vector_load %arg15[%swap3A_95] {strides = array<i32>} : memref<80xf32, #tpu.memory_space<vmem>>, vector<16xf32>,
      tpu.vector_store %arg15[%swap3A_95], %exp3A_94 {strides = array<i32>} : memref<80xf32, #tpu.memory_space<vmem>>, vector<16xf32>,
      tpu.vector_store_idx %arg11[%get3A_86], %exp3A_94 {add = true} : memref<10240xf32, #tpu.memory_space<vmem>>[vector<16xi32>], vector<16xf32>,
      %mul3A_97 = arith.constant 10240 : i32
      %mul3A_98 = arith.muli %arg0, %mul3A_97 : i32
      %add3A_99 = vector.broadcast %mul3A_98 : i32 to vector<16xi32>
      %add3A_100 = arith.addi %get3A_84, %add3A_99 : vector<16xi32>
      %swap3A_101 = arith.constant 16 : index
      %swap3A_102 = tpu.vector_load %arg14[%swap3A_101] {strides = array<i32>} : memref<80xi32, #tpu.memory_space<vmem>>, vector<16xi32>,
      tpu.vector_store %arg14[%swap3A_101], %add3A_100 {strides = array<i32>} : memref<80xi32, #tpu.memory_space<vmem>>, vector<16xi32>,
      %get3A_103 = arith.constant 32 : index
      %get3A_104 = tpu.vector_load %arg12[%get3A_103] {strides = array<i32>} : memref<80xi32, #tpu.memory_space<vmem>>, vector<16xi32>,
      %get3A_105 = arith.constant 32 : index
      %get3A_106 = tpu.vector_load %arg13[%get3A_105] {strides = array<i32>} : memref<80xi32, #tpu.memory_space<vmem>>, vector<16xi32>,
      %gather3A_107 = tpu.vector_load_idx %arg9[%get3A_104] : memref<10240xf32, #tpu.memory_space<vmem>>[vector<16xi32>], vector<16xf32>,
      %gather3A_108 = tpu.vector_load_idx %arg10[%get3A_106] : memref<10240xf32, #tpu.memory_space<vmem>>[vector<16xi32>], vector<16xf32>,
      %add3A_109 = arith.addf %gather3A_107, %gather3A_108 : vector<16xf32>
      %mul3A_110 = arith.constant 2.000000e-01 : f32
      %mul3A_111 = vector.broadcast %mul3A_110 : f32 to vector<16xf32>
      %mul3A_112 = arith.mulf %add3A_109, %mul3A_111 : vector<16xf32>
      %max3A_113 = arith.maximumf %add3A_109, %mul3A_112 : vector<16xf32>
      %exp3A_114 = math.exp %max3A_113 : vector<16xf32>
      %swap3A_115 = arith.constant 32 : index
      %swap3A_116 = tpu.vector_load %arg15[%swap3A_115] {strides = array<i32>} : memref<80xf32, #tpu.memory_space<vmem>>, vector<16xf32>,
      tpu.vector_store %arg15[%swap3A_115], %exp3A_114 {strides = array<i32>} : memref<80xf32, #tpu.memory_space<vmem>>, vector<16xf32>,
      tpu.vector_store_idx %arg11[%get3A_106], %exp3A_114 {add = true} : memref<10240xf32, #tpu.memory_space<vmem>>[vector<16xi32>], vector<16xf32>,
      %mul3A_117 = arith.constant 10240 : i32
      %mul3A_118 = arith.muli %arg0, %mul3A_117 : i32
      %add3A_119 = vector.broadcast %mul3A_118 : i32 to vector<16xi32>
      %add3A_120 = arith.addi %get3A_104, %add3A_119 : vector<16xi32>
      %swap3A_121 = arith.constant 32 : index
      %swap3A_122 = tpu.vector_load %arg14[%swap3A_121] {strides = array<i32>} : memref<80xi32, #tpu.memory_space<vmem>>, vector<16xi32>,
      tpu.vector_store %arg14[%swap3A_121], %add3A_120 {strides = array<i32>} : memref<80xi32, #tpu.memory_space<vmem>>, vector<16xi32>,
      %get3A_123 = arith.constant 48 : index
      %get3A_124 = tpu.vector_load %arg12[%get3A_123] {strides = array<i32>} : memref<80xi32, #tpu.memory_space<vmem>>, vector<16xi32>,
      %get3A_125 = arith.constant 48 : index
      %get3A_126 = tpu.vector_load %arg13[%get3A_125] {strides = array<i32>} : memref<80xi32, #tpu.memory_space<vmem>>, vector<16xi32>,
      %gather3A_127 = tpu.vector_load_idx %arg9[%get3A_124] : memref<10240xf32, #tpu.memory_space<vmem>>[vector<16xi32>], vector<16xf32>,
      %gather3A_128 = tpu.vector_load_idx %arg10[%get3A_126] : memref<10240xf32, #tpu.memory_space<vmem>>[vector<16xi32>], vector<16xf32>,
      %add3A_129 = arith.addf %gather3A_127, %gather3A_128 : vector<16xf32>
      %mul3A_130 = arith.constant 2.000000e-01 : f32
      %mul3A_131 = vector.broadcast %mul3A_130 : f32 to vector<16xf32>
      %mul3A_132 = arith.mulf %add3A_129, %mul3A_131 : vector<16xf32>
      %max3A_133 = arith.maximumf %add3A_129, %mul3A_132 : vector<16xf32>
      %exp3A_134 = math.exp %max3A_133 : vector<16xf32>
      %swap3A_135 = arith.constant 48 : index
      %swap3A_136 = tpu.vector_load %arg15[%swap3A_135] {strides = array<i32>} : memref<80xf32, #tpu.memory_space<vmem>>, vector<16xf32>,
      tpu.vector_store %arg15[%swap3A_135], %exp3A_134 {strides = array<i32>} : memref<80xf32, #tpu.memory_space<vmem>>, vector<16xf32>,
      tpu.vector_store_idx %arg11[%get3A_126], %exp3A_134 {add = true} : memref<10240xf32, #tpu.memory_space<vmem>>[vector<16xi32>], vector<16xf32>,
      %mul3A_137 = arith.constant 10240 : i32
      %mul3A_138 = arith.muli %arg0, %mul3A_137 : i32
      %add3A_139 = vector.broadcast %mul3A_138 : i32 to vector<16xi32>
      %add3A_140 = arith.addi %get3A_124, %add3A_139 : vector<16xi32>
      %swap3A_141 = arith.constant 48 : index
      %swap3A_142 = tpu.vector_load %arg14[%swap3A_141] {strides = array<i32>} : memref<80xi32, #tpu.memory_space<vmem>>, vector<16xi32>,
      tpu.vector_store %arg14[%swap3A_141], %add3A_140 {strides = array<i32>} : memref<80xi32, #tpu.memory_space<vmem>>, vector<16xi32>,
      %get3A_143 = arith.constant 64 : index
      %get3A_144 = tpu.vector_load %arg12[%get3A_143] {strides = array<i32>} : memref<80xi32, #tpu.memory_space<vmem>>, vector<16xi32>,
      %get3A_145 = arith.constant 64 : index
      %get3A_146 = tpu.vector_load %arg13[%get3A_145] {strides = array<i32>} : memref<80xi32, #tpu.memory_space<vmem>>, vector<16xi32>,
      %gather3A_147 = tpu.vector_load_idx %arg9[%get3A_144] : memref<10240xf32, #tpu.memory_space<vmem>>[vector<16xi32>], vector<16xf32>,
      %gather3A_148 = tpu.vector_load_idx %arg10[%get3A_146] : memref<10240xf32, #tpu.memory_space<vmem>>[vector<16xi32>], vector<16xf32>,
      %add3A_149 = arith.addf %gather3A_147, %gather3A_148 : vector<16xf32>
      %mul3A_150 = arith.constant 2.000000e-01 : f32
      %mul3A_151 = vector.broadcast %mul3A_150 : f32 to vector<16xf32>
      %mul3A_152 = arith.mulf %add3A_149, %mul3A_151 : vector<16xf32>
      %max3A_153 = arith.maximumf %add3A_149, %mul3A_152 : vector<16xf32>
      %exp3A_154 = math.exp %max3A_153 : vector<16xf32>
      %swap3A_155 = arith.constant 64 : index
      %swap3A_156 = tpu.vector_load %arg15[%swap3A_155] {strides = array<i32>} : memref<80xf32, #tpu.memory_space<vmem>>, vector<16xf32>,
      tpu.vector_store %arg15[%swap3A_155], %exp3A_154 {strides = array<i32>} : memref<80xf32, #tpu.memory_space<vmem>>, vector<16xf32>,
      tpu.vector_store_idx %arg11[%get3A_146], %exp3A_154 {add = true} : memref<10240xf32, #tpu.memory_space<vmem>>[vector<16xi32>], vector<16xf32>,
      %mul3A_157 = arith.constant 10240 : i32
      %mul3A_158 = arith.muli %arg0, %mul3A_157 : i32
      %add3A_159 = vector.broadcast %mul3A_158 : i32 to vector<16xi32>
      %add3A_160 = arith.addi %get3A_144, %add3A_159 : vector<16xi32>
      %swap3A_161 = arith.constant 64 : index
      %swap3A_162 = tpu.vector_load %arg14[%swap3A_161] {strides = array<i32>} : memref<80xi32, #tpu.memory_space<vmem>>, vector<16xi32>,
      tpu.vector_store %arg14[%swap3A_161], %add3A_160 {strides = array<i32>} : memref<80xi32, #tpu.memory_space<vmem>>, vector<16xi32>,
      %dma_start3A = arith.constant 0 : i32
      %dma_start3A_163 = arith.constant 0 : i32
      %dma_start3A_164 = tpu.memref_slice %arg2[%dma_start3A, %dma_start3A_163] : memref<20480x128xf32, #tpu.memory_space<hbm>> -> memref<20480x128xf32, #tpu.memory_space<hbm>>
      tpu.enqueue_indirect_dma source(%dma_start3A_164 : memref<20480x128xf32, #tpu.memory_space<hbm>>) target(%arg16 : memref<80x128xf32, #tpu.memory_space<vmem>>) offsets(%arg14 : memref<80xi32, #tpu.memory_space<vmem>>) semaphore(%arg18 : memref<!tpu.dma_semaphore, #tpu.memory_space<semaphore_mem>>)
      %dma_wait3A = arith.constant 0 : i32
      %dma_wait3A_165 = arith.constant 0 : i32
      %dma_wait3A_166 = tpu.memref_slice %arg2[%dma_wait3A, %dma_wait3A_165] : memref<20480x128xf32, #tpu.memory_space<hbm>> -> memref<20480x128xf32, #tpu.memory_space<hbm>>
      tpu.wait_indirect_dma semaphore(%arg18 : memref<!tpu.dma_semaphore, #tpu.memory_space<semaphore_mem>>) src(%dma_wait3A_166 : memref<20480x128xf32, #tpu.memory_space<hbm>>) dst(%arg16 : memref<80x128xf32, #tpu.memory_space<vmem>>)
      %scan3A_167 = arith.constant 0 : i32
      %scan3A_168 = arith.constant 0 : i32
      %scan3A_169 = arith.constant 5 : i32
      %scan3A_170 = arith.addi %scan3A_168, %scan3A_169 : i32
      %scan3A_171 = arith.constant 1 : i32
      scf.for %scan3A_179 = %scan3A_168 to %scan3A_170 step %scan3A_171  : i32 {
        %mul3A_180 = arith.constant 16 : i32
        %mul3A_181 = arith.muli %scan3A_179, %mul3A_180 : i32
        %get3A_182 = arith.index_cast %mul3A_181 : i32 to index
        %get3A_183 = tpu.vector_load %arg15[%get3A_182] {strides = array<i32>} : memref<80xf32, #tpu.memory_space<vmem>>, vector<16xf32>,
        %slice3A = vector.extract_strided_slice %get3A_183 {offsets = [0], sizes = [1], strides = [1]} : vector<16xf32> to vector<1xf32>
        %squeeze3A = vector.extract %slice3A[0] : f32 from vector<1xf32>
        %mul3A_184 = arith.constant 16 : i32
        %mul3A_185 = arith.muli %scan3A_179, %mul3A_184 : i32
        %add3A_186 = arith.constant 0 : i32
        %add3A_187 = arith.addi %mul3A_185, %add3A_186 : i32
        %get3A_188 = arith.index_cast %add3A_187 : i32 to index
        %get3A_189 = arith.constant 0 : index
        %get3A_190 = tpu.vector_load %arg16[%get3A_188, %get3A_189] {strides = array<i32>} : memref<80x128xf32, #tpu.memory_space<vmem>>, vector<16xf32>,
        %mul3A_191 = vector.broadcast %squeeze3A : f32 to vector<16xf32>
        %mul3A_192 = arith.mulf %get3A_190, %mul3A_191 : vector<16xf32>
        %swap3A_193 = arith.index_cast %add3A_187 : i32 to index
        %swap3A_194 = arith.constant 0 : index
        %swap3A_195 = tpu.vector_load %arg16[%swap3A_193, %swap3A_194] {strides = array<i32>} : memref<80x128xf32, #tpu.memory_space<vmem>>, vector<16xf32>,
        tpu.vector_store %arg16[%swap3A_193, %swap3A_194], %mul3A_192 {strides = array<i32>} : memref<80x128xf32, #tpu.memory_space<vmem>>, vector<16xf32>,
        %get3A_196 = arith.index_cast %add3A_187 : i32 to index
        %get3A_197 = arith.constant 16 : index
        %get3A_198 = tpu.vector_load %arg16[%get3A_196, %get3A_197] {strides = array<i32>} : memref<80x128xf32, #tpu.memory_space<vmem>>, vector<16xf32>,
        %mul3A_199 = vector.broadcast %squeeze3A : f32 to vector<16xf32>
        %mul3A_200 = arith.mulf %get3A_198, %mul3A_199 : vector<16xf32>
        %swap3A_201 = arith.index_cast %add3A_187 : i32 to index
        %swap3A_202 = arith.constant 16 : index
        %swap3A_203 = tpu.vector_load %arg16[%swap3A_201, %swap3A_202] {strides = array<i32>} : memref<80x128xf32, #tpu.memory_space<vmem>>, vector<16xf32>,
        tpu.vector_store %arg16[%swap3A_201, %swap3A_202], %mul3A_200 {strides = array<i32>} : memref<80x128xf32, #tpu.memory_space<vmem>>, vector<16xf32>,
        %get3A_204 = arith.index_cast %add3A_187 : i32 to index
        %get3A_205 = arith.constant 32 : index
        %get3A_206 = tpu.vector_load %arg16[%get3A_204, %get3A_205] {strides = array<i32>} : memref<80x128xf32, #tpu.memory_space<vmem>>, vector<16xf32>,
        %mul3A_207 = vector.broadcast %squeeze3A : f32 to vector<16xf32>
        %mul3A_208 = arith.mulf %get3A_206, %mul3A_207 : vector<16xf32>
        %swap3A_209 = arith.index_cast %add3A_187 : i32 to index
        %swap3A_210 = arith.constant 32 : index
        %swap3A_211 = tpu.vector_load %arg16[%swap3A_209, %swap3A_210] {strides = array<i32>} : memref<80x128xf32, #tpu.memory_space<vmem>>, vector<16xf32>,
        tpu.vector_store %arg16[%swap3A_209, %swap3A_210], %mul3A_208 {strides = array<i32>} : memref<80x128xf32, #tpu.memory_space<vmem>>, vector<16xf32>,
        %get3A_212 = arith.index_cast %add3A_187 : i32 to index
        %get3A_213 = arith.constant 48 : index
        %get3A_214 = tpu.vector_load %arg16[%get3A_212, %get3A_213] {strides = array<i32>} : memref<80x128xf32, #tpu.memory_space<vmem>>, vector<16xf32>,
        %mul3A_215 = vector.broadcast %squeeze3A : f32 to vector<16xf32>
        %mul3A_216 = arith.mulf %get3A_214, %mul3A_215 : vector<16xf32>
        %swap3A_217 = arith.index_cast %add3A_187 : i32 to index
        %swap3A_218 = arith.constant 48 : index
        %swap3A_219 = tpu.vector_load %arg16[%swap3A_217, %swap3A_218] {strides = array<i32>} : memref<80x128xf32, #tpu.memory_space<vmem>>, vector<16xf32>,
        tpu.vector_store %arg16[%swap3A_217, %swap3A_218], %mul3A_216 {strides = array<i32>} : memref<80x128xf32, #tpu.memory_space<vmem>>, vector<16xf32>,
        %get3A_220 = arith.index_cast %add3A_187 : i32 to index
        %get3A_221 = arith.constant 64 : index
        %get3A_222 = tpu.vector_load %arg16[%get3A_220, %get3A_221] {strides = array<i32>} : memref<80x128xf32, #tpu.memory_space<vmem>>, vector<16xf32>,
        %mul3A_223 = vector.broadcast %squeeze3A : f32 to vector<16xf32>
        %mul3A_224 = arith.mulf %get3A_222, %mul3A_223 : vector<16xf32>
        %swap3A_225 = arith.index_cast %add3A_187 : i32 to index
        %swap3A_226 = arith.constant 64 : index
        %swap3A_227 = tpu.vector_load %arg16[%swap3A_225, %swap3A_226] {strides = array<i32>} : memref<80x128xf32, #tpu.memory_space<vmem>>, vector<16xf32>,
        tpu.vector_store %arg16[%swap3A_225, %swap3A_226], %mul3A_224 {strides = array<i32>} : memref<80x128xf32, #tpu.memory_space<vmem>>, vector<16xf32>,
        %get3A_228 = arith.index_cast %add3A_187 : i32 to index
        %get3A_229 = arith.constant 80 : index
        %get3A_230 = tpu.vector_load %arg16[%get3A_228, %get3A_229] {strides = array<i32>} : memref<80x128xf32, #tpu.memory_space<vmem>>, vector<16xf32>,
        %mul3A_231 = vector.broadcast %squeeze3A : f32 to vector<16xf32>
        %mul3A_232 = arith.mulf %get3A_230, %mul3A_231 : vector<16xf32>
        %swap3A_233 = arith.index_cast %add3A_187 : i32 to index
        %swap3A_234 = arith.constant 80 : index
        %swap3A_235 = tpu.vector_load %arg16[%swap3A_233, %swap3A_234] {strides = array<i32>} : memref<80x128xf32, #tpu.memory_space<vmem>>, vector<16xf32>,
        tpu.vector_store %arg16[%swap3A_233, %swap3A_234], %mul3A_232 {strides = array<i32>} : memref<80x128xf32, #tpu.memory_space<vmem>>, vector<16xf32>,
        %get3A_236 = arith.index_cast %add3A_187 : i32 to index
        %get3A_237 = arith.constant 96 : index
        %get3A_238 = tpu.vector_load %arg16[%get3A_236, %get3A_237] {strides = array<i32>} : memref<80x128xf32, #tpu.memory_space<vmem>>, vector<16xf32>,
        %mul3A_239 = vector.broadcast %squeeze3A : f32 to vector<16xf32>
        %mul3A_240 = arith.mulf %get3A_238, %mul3A_239 : vector<16xf32>
        %swap3A_241 = arith.index_cast %add3A_187 : i32 to index
        %swap3A_242 = arith.constant 96 : index
        %swap3A_243 = tpu.vector_load %arg16[%swap3A_241, %swap3A_242] {strides = array<i32>} : memref<80x128xf32, #tpu.memory_space<vmem>>, vector<16xf32>,
        tpu.vector_store %arg16[%swap3A_241, %swap3A_242], %mul3A_240 {strides = array<i32>} : memref<80x128xf32, #tpu.memory_space<vmem>>, vector<16xf32>,
        %get3A_244 = arith.index_cast %add3A_187 : i32 to index
        %get3A_245 = arith.constant 112 : index
        %get3A_246 = tpu.vector_load %arg16[%get3A_244, %get3A_245] {strides = array<i32>} : memref<80x128xf32, #tpu.memory_space<vmem>>, vector<16xf32>,
        %mul3A_247 = vector.broadcast %squeeze3A : f32 to vector<16xf32>
        %mul3A_248 = arith.mulf %get3A_246, %mul3A_247 : vector<16xf32>
        %swap3A_249 = arith.index_cast %add3A_187 : i32 to index
        %swap3A_250 = arith.constant 112 : index
        %swap3A_251 = tpu.vector_load %arg16[%swap3A_249, %swap3A_250] {strides = array<i32>} : memref<80x128xf32, #tpu.memory_space<vmem>>, vector<16xf32>,
        tpu.vector_store %arg16[%swap3A_249, %swap3A_250], %mul3A_248 {strides = array<i32>} : memref<80x128xf32, #tpu.memory_space<vmem>>, vector<16xf32>,
        %slice3A_252 = vector.extract_strided_slice %get3A_183 {offsets = [1], sizes = [1], strides = [1]} : vector<16xf32> to vector<1xf32>
        %squeeze3A_253 = vector.extract %slice3A_252[0] : f32 from vector<1xf32>
        %mul3A_254 = arith.constant 16 : i32
        %mul3A_255 = arith.muli %scan3A_179, %mul3A_254 : i32
        %add3A_256 = arith.constant 1 : i32
        %add3A_257 = arith.addi %mul3A_255, %add3A_256 : i32
        %get3A_258 = arith.index_cast %add3A_257 : i32 to index
        %get3A_259 = arith.constant 0 : index
        %get3A_260 = tpu.vector_load %arg16[%get3A_258, %get3A_259] {strides = array<i32>} : memref<80x128xf32, #tpu.memory_space<vmem>>, vector<16xf32>,
        %mul3A_261 = vector.broadcast %squeeze3A_253 : f32 to vector<16xf32>
        %mul3A_262 = arith.mulf %get3A_260, %mul3A_261 : vector<16xf32>
        %swap3A_263 = arith.index_cast %add3A_257 : i32 to index
        %swap3A_264 = arith.constant 0 : index
        %swap3A_265 = tpu.vector_load %arg16[%swap3A_263, %swap3A_264] {strides = array<i32>} : memref<80x128xf32, #tpu.memory_space<vmem>>, vector<16xf32>,
        tpu.vector_store %arg16[%swap3A_263, %swap3A_264], %mul3A_262 {strides = array<i32>} : memref<80x128xf32, #tpu.memory_space<vmem>>, vector<16xf32>,
        %get3A_266 = arith.index_cast %add3A_257 : i32 to index
        %get3A_267 = arith.constant 16 : index
        %get3A_268 = tpu.vector_load %arg16[%get3A_266, %get3A_267] {strides = array<i32>} : memref<80x128xf32, #tpu.memory_space<vmem>>, vector<16xf32>,
        %mul3A_269 = vector.broadcast %squeeze3A_253 : f32 to vector<16xf32>
        %mul3A_270 = arith.mulf %get3A_268, %mul3A_269 : vector<16xf32>
        %swap3A_271 = arith.index_cast %add3A_257 : i32 to index
        %swap3A_272 = arith.constant 16 : index
        %swap3A_273 = tpu.vector_load %arg16[%swap3A_271, %swap3A_272] {strides = array<i32>} : memref<80x128xf32, #tpu.memory_space<vmem>>, vector<16xf32>,
        tpu.vector_store %arg16[%swap3A_271, %swap3A_272], %mul3A_270 {strides = array<i32>} : memref<80x128xf32, #tpu.memory_space<vmem>>, vector<16xf32>,
        %get3A_274 = arith.index_cast %add3A_257 : i32 to index
        %get3A_275 = arith.constant 32 : index
        %get3A_276 = tpu.vector_load %arg16[%get3A_274, %get3A_275] {strides = array<i32>} : memref<80x128xf32, #tpu.memory_space<vmem>>, vector<16xf32>,
        %mul3A_277 = vector.broadcast %squeeze3A_253 : f32 to vector<16xf32>
        %mul3A_278 = arith.mulf %get3A_276, %mul3A_277 : vector<16xf32>
        %swap3A_279 = arith.index_cast %add3A_257 : i32 to index
        %swap3A_280 = arith.constant 32 : index
        %swap3A_281 = tpu.vector_load %arg16[%swap3A_279, %swap3A_280] {strides = array<i32>} : memref<80x128xf32, #tpu.memory_space<vmem>>, vector<16xf32>,
        tpu.vector_store %arg16[%swap3A_279, %swap3A_280], %mul3A_278 {strides = array<i32>} : memref<80x128xf32, #tpu.memory_space<vmem>>, vector<16xf32>,
        %get3A_282 = arith.index_cast %add3A_257 : i32 to index
        %get3A_283 = arith.constant 48 : index
        %get3A_284 = tpu.vector_load %arg16[%get3A_282, %get3A_283] {strides = array<i32>} : memref<80x128xf32, #tpu.memory_space<vmem>>, vector<16xf32>,
        %mul3A_285 = vector.broadcast %squeeze3A_253 : f32 to vector<16xf32>
        %mul3A_286 = arith.mulf %get3A_284, %mul3A_285 : vector<16xf32>
        %swap3A_287 = arith.index_cast %add3A_257 : i32 to index
        %swap3A_288 = arith.constant 48 : index
        %swap3A_289 = tpu.vector_load %arg16[%swap3A_287, %swap3A_288] {strides = array<i32>} : memref<80x128xf32, #tpu.memory_space<vmem>>, vector<16xf32>,
        tpu.vector_store %arg16[%swap3A_287, %swap3A_288], %mul3A_286 {strides = array<i32>} : memref<80x128xf32, #tpu.memory_space<vmem>>, vector<16xf32>,
        %get3A_290 = arith.index_cast %add3A_257 : i32 to index
        %get3A_291 = arith.constant 64 : index
        %get3A_292 = tpu.vector_load %arg16[%get3A_290, %get3A_291] {strides = array<i32>} : memref<80x128xf32, #tpu.memory_space<vmem>>, vector<16xf32>,
        %mul3A_293 = vector.broadcast %squeeze3A_253 : f32 to vector<16xf32>
        %mul3A_294 = arith.mulf %get3A_292, %mul3A_293 : vector<16xf32>
        %swap3A_295 = arith.index_cast %add3A_257 : i32 to index
        %swap3A_296 = arith.constant 64 : index
        %swap3A_297 = tpu.vector_load %arg16[%swap3A_295, %swap3A_296] {strides = array<i32>} : memref<80x128xf32, #tpu.memory_space<vmem>>, vector<16xf32>,
        tpu.vector_store %arg16[%swap3A_295, %swap3A_296], %mul3A_294 {strides = array<i32>} : memref<80x128xf32, #tpu.memory_space<vmem>>, vector<16xf32>,
        %get3A_298 = arith.index_cast %add3A_257 : i32 to index
        %get3A_299 = arith.constant 80 : index
        %get3A_300 = tpu.vector_load %arg16[%get3A_298, %get3A_299] {strides = array<i32>} : memref<80x128xf32, #tpu.memory_space<vmem>>, vector<16xf32>,
        %mul3A_301 = vector.broadcast %squeeze3A_253 : f32 to vector<16xf32>
        %mul3A_302 = arith.mulf %get3A_300, %mul3A_301 : vector<16xf32>
        %swap3A_303 = arith.index_cast %add3A_257 : i32 to index
        %swap3A_304 = arith.constant 80 : index
        %swap3A_305 = tpu.vector_load %arg16[%swap3A_303, %swap3A_304] {strides = array<i32>} : memref<80x128xf32, #tpu.memory_space<vmem>>, vector<16xf32>,
        tpu.vector_store %arg16[%swap3A_303, %swap3A_304], %mul3A_302 {strides = array<i32>} : memref<80x128xf32, #tpu.memory_space<vmem>>, vector<16xf32>,
        %get3A_306 = arith.index_cast %add3A_257 : i32 to index
        %get3A_307 = arith.constant 96 : index
        %get3A_308 = tpu.vector_load %arg16[%get3A_306, %get3A_307] {strides = array<i32>} : memref<80x128xf32, #tpu.memory_space<vmem>>, vector<16xf32>,
        %mul3A_309 = vector.broadcast %squeeze3A_253 : f32 to vector<16xf32>
        %mul3A_310 = arith.mulf %get3A_308, %mul3A_309 : vector<16xf32>
        %swap3A_311 = arith.index_cast %add3A_257 : i32 to index
        %swap3A_312 = arith.constant 96 : index
        %swap3A_313 = tpu.vector_load %arg16[%swap3A_311, %swap3A_312] {strides = array<i32>} : memref<80x128xf32, #tpu.memory_space<vmem>>, vector<16xf32>,
        tpu.vector_store %arg16[%swap3A_311, %swap3A_312], %mul3A_310 {strides = array<i32>} : memref<80x128xf32, #tpu.memory_space<vmem>>, vector<16xf32>,
        %get3A_314 = arith.index_cast %add3A_257 : i32 to index
        %get3A_315 = arith.constant 112 : index
        %get3A_316 = tpu.vector_load %arg16[%get3A_314, %get3A_315] {strides = array<i32>} : memref<80x128xf32, #tpu.memory_space<vmem>>, vector<16xf32>,
        %mul3A_317 = vector.broadcast %squeeze3A_253 : f32 to vector<16xf32>
        %mul3A_318 = arith.mulf %get3A_316, %mul3A_317 : vector<16xf32>
        %swap3A_319 = arith.index_cast %add3A_257 : i32 to index
        %swap3A_320 = arith.constant 112 : index
        %swap3A_321 = tpu.vector_load %arg16[%swap3A_319, %swap3A_320] {strides = array<i32>} : memref<80x128xf32, #tpu.memory_space<vmem>>, vector<16xf32>,
        tpu.vector_store %arg16[%swap3A_319, %swap3A_320], %mul3A_318 {strides = array<i32>} : memref<80x128xf32, #tpu.memory_space<vmem>>, vector<16xf32>,
        %slice3A_322 = vector.extract_strided_slice %get3A_183 {offsets = [2], sizes = [1], strides = [1]} : vector<16xf32> to vector<1xf32>
        %squeeze3A_323 = vector.extract %slice3A_322[0] : f32 from vector<1xf32>
        %mul3A_324 = arith.constant 16 : i32
        %mul3A_325 = arith.muli %scan3A_179, %mul3A_324 : i32
        %add3A_326 = arith.constant 2 : i32
        %add3A_327 = arith.addi %mul3A_325, %add3A_326 : i32
        %get3A_328 = arith.index_cast %add3A_327 : i32 to index
        %get3A_329 = arith.constant 0 : index
        %get3A_330 = tpu.vector_load %arg16[%get3A_328, %get3A_329] {strides = array<i32>} : memref<80x128xf32, #tpu.memory_space<vmem>>, vector<16xf32>,
        %mul3A_331 = vector.broadcast %squeeze3A_323 : f32 to vector<16xf32>
        %mul3A_332 = arith.mulf %get3A_330, %mul3A_331 : vector<16xf32>
        %swap3A_333 = arith.index_cast %add3A_327 : i32 to index
        %swap3A_334 = arith.constant 0 : index
        %swap3A_335 = tpu.vector_load %arg16[%swap3A_333, %swap3A_334] {strides = array<i32>} : memref<80x128xf32, #tpu.memory_space<vmem>>, vector<16xf32>,
        tpu.vector_store %arg16[%swap3A_333, %swap3A_334], %mul3A_332 {strides = array<i32>} : memref<80x128xf32, #tpu.memory_space<vmem>>, vector<16xf32>,
        %get3A_336 = arith.index_cast %add3A_327 : i32 to index
        %get3A_337 = arith.constant 16 : index
        %get3A_338 = tpu.vector_load %arg16[%get3A_336, %get3A_337] {strides = array<i32>} : memref<80x128xf32, #tpu.memory_space<vmem>>, vector<16xf32>,
        %mul3A_339 = vector.broadcast %squeeze3A_323 : f32 to vector<16xf32>
        %mul3A_340 = arith.mulf %get3A_338, %mul3A_339 : vector<16xf32>
        %swap3A_341 = arith.index_cast %add3A_327 : i32 to index
        %swap3A_342 = arith.constant 16 : index
        %swap3A_343 = tpu.vector_load %arg16[%swap3A_341, %swap3A_342] {strides = array<i32>} : memref<80x128xf32, #tpu.memory_space<vmem>>, vector<16xf32>,
        tpu.vector_store %arg16[%swap3A_341, %swap3A_342], %mul3A_340 {strides = array<i32>} : memref<80x128xf32, #tpu.memory_space<vmem>>, vector<16xf32>,
        %get3A_344 = arith.index_cast %add3A_327 : i32 to index
        %get3A_345 = arith.constant 32 : index
        %get3A_346 = tpu.vector_load %arg16[%get3A_344, %get3A_345] {strides = array<i32>} : memref<80x128xf32, #tpu.memory_space<vmem>>, vector<16xf32>,
        %mul3A_347 = vector.broadcast %squeeze3A_323 : f32 to vector<16xf32>
        %mul3A_348 = arith.mulf %get3A_346, %mul3A_347 : vector<16xf32>
        %swap3A_349 = arith.index_cast %add3A_327 : i32 to index
        %swap3A_350 = arith.constant 32 : index
        %swap3A_351 = tpu.vector_load %arg16[%swap3A_349, %swap3A_350] {strides = array<i32>} : memref<80x128xf32, #tpu.memory_space<vmem>>, vector<16xf32>,
        tpu.vector_store %arg16[%swap3A_349, %swap3A_350], %mul3A_348 {strides = array<i32>} : memref<80x128xf32, #tpu.memory_space<vmem>>, vector<16xf32>,
        %get3A_352 = arith.index_cast %add3A_327 : i32 to index
        %get3A_353 = arith.constant 48 : index
        %get3A_354 = tpu.vector_load %arg16[%get3A_352, %get3A_353] {strides = array<i32>} : memref<80x128xf32, #tpu.memory_space<vmem>>, vector<16xf32>,
        %mul3A_355 = vector.broadcast %squeeze3A_323 : f32 to vector<16xf32>
        %mul3A_356 = arith.mulf %get3A_354, %mul3A_355 : vector<16xf32>
        %swap3A_357 = arith.index_cast %add3A_327 : i32 to index
        %swap3A_358 = arith.constant 48 : index
        %swap3A_359 = tpu.vector_load %arg16[%swap3A_357, %swap3A_358] {strides = array<i32>} : memref<80x128xf32, #tpu.memory_space<vmem>>, vector<16xf32>,
        tpu.vector_store %arg16[%swap3A_357, %swap3A_358], %mul3A_356 {strides = array<i32>} : memref<80x128xf32, #tpu.memory_space<vmem>>, vector<16xf32>,
        %get3A_360 = arith.index_cast %add3A_327 : i32 to index
        %get3A_361 = arith.constant 64 : index
        %get3A_362 = tpu.vector_load %arg16[%get3A_360, %get3A_361] {strides = array<i32>} : memref<80x128xf32, #tpu.memory_space<vmem>>, vector<16xf32>,
        %mul3A_363 = vector.broadcast %squeeze3A_323 : f32 to vector<16xf32>
        %mul3A_364 = arith.mulf %get3A_362, %mul3A_363 : vector<16xf32>
        %swap3A_365 = arith.index_cast %add3A_327 : i32 to index
        %swap3A_366 = arith.constant 64 : index
        %swap3A_367 = tpu.vector_load %arg16[%swap3A_365, %swap3A_366] {strides = array<i32>} : memref<80x128xf32, #tpu.memory_space<vmem>>, vector<16xf32>,
        tpu.vector_store %arg16[%swap3A_365, %swap3A_366], %mul3A_364 {strides = array<i32>} : memref<80x128xf32, #tpu.memory_space<vmem>>, vector<16xf32>,
        %get3A_368 = arith.index_cast %add3A_327 : i32 to index
        %get3A_369 = arith.constant 80 : index
        %get3A_370 = tpu.vector_load %arg16[%get3A_368, %get3A_369] {strides = array<i32>} : memref<80x128xf32, #tpu.memory_space<vmem>>, vector<16xf32>,
        %mul3A_371 = vector.broadcast %squeeze3A_323 : f32 to vector<16xf32>
        %mul3A_372 = arith.mulf %get3A_370, %mul3A_371 : vector<16xf32>
        %swap3A_373 = arith.index_cast %add3A_327 : i32 to index
        %swap3A_374 = arith.constant 80 : index
        %swap3A_375 = tpu.vector_load %arg16[%swap3A_373, %swap3A_374] {strides = array<i32>} : memref<80x128xf32, #tpu.memory_space<vmem>>, vector<16xf32>,
        tpu.vector_store %arg16[%swap3A_373, %swap3A_374], %mul3A_372 {strides = array<i32>} : memref<80x128xf32, #tpu.memory_space<vmem>>, vector<16xf32>,
        %get3A_376 = arith.index_cast %add3A_327 : i32 to index
        %get3A_377 = arith.constant 96 : index
        %get3A_378 = tpu.vector_load %arg16[%get3A_376, %get3A_377] {strides = array<i32>} : memref<80x128xf32, #tpu.memory_space<vmem>>, vector<16xf32>,
        %mul3A_379 = vector.broadcast %squeeze3A_323 : f32 to vector<16xf32>
        %mul3A_380 = arith.mulf %get3A_378, %mul3A_379 : vector<16xf32>
        %swap3A_381 = arith.index_cast %add3A_327 : i32 to index
        %swap3A_382 = arith.constant 96 : index
        %swap3A_383 = tpu.vector_load %arg16[%swap3A_381, %swap3A_382] {strides = array<i32>} : memref<80x128xf32, #tpu.memory_space<vmem>>, vector<16xf32>,
        tpu.vector_store %arg16[%swap3A_381, %swap3A_382], %mul3A_380 {strides = array<i32>} : memref<80x128xf32, #tpu.memory_space<vmem>>, vector<16xf32>,
        %get3A_384 = arith.index_cast %add3A_327 : i32 to index
        %get3A_385 = arith.constant 112 : index
        %get3A_386 = tpu.vector_load %arg16[%get3A_384, %get3A_385] {strides = array<i32>} : memref<80x128xf32, #tpu.memory_space<vmem>>, vector<16xf32>,
        %mul3A_387 = vector.broadcast %squeeze3A_323 : f32 to vector<16xf32>
        %mul3A_388 = arith.mulf %get3A_386, %mul3A_387 : vector<16xf32>
        %swap3A_389 = arith.index_cast %add3A_327 : i32 to index
        %swap3A_390 = arith.constant 112 : index
        %swap3A_391 = tpu.vector_load %arg16[%swap3A_389, %swap3A_390] {strides = array<i32>} : memref<80x128xf32, #tpu.memory_space<vmem>>, vector<16xf32>,
        tpu.vector_store %arg16[%swap3A_389, %swap3A_390], %mul3A_388 {strides = array<i32>} : memref<80x128xf32, #tpu.memory_space<vmem>>, vector<16xf32>,
        %slice3A_392 = vector.extract_strided_slice %get3A_183 {offsets = [3], sizes = [1], strides = [1]} : vector<16xf32> to vector<1xf32>
        %squeeze3A_393 = vector.extract %slice3A_392[0] : f32 from vector<1xf32>
        %mul3A_394 = arith.constant 16 : i32
        %mul3A_395 = arith.muli %scan3A_179, %mul3A_394 : i32
        %add3A_396 = arith.constant 3 : i32
        %add3A_397 = arith.addi %mul3A_395, %add3A_396 : i32
        %get3A_398 = arith.index_cast %add3A_397 : i32 to index
        %get3A_399 = arith.constant 0 : index
        %get3A_400 = tpu.vector_load %arg16[%get3A_398, %get3A_399] {strides = array<i32>} : memref<80x128xf32, #tpu.memory_space<vmem>>, vector<16xf32>,
        %mul3A_401 = vector.broadcast %squeeze3A_393 : f32 to vector<16xf32>
        %mul3A_402 = arith.mulf %get3A_400, %mul3A_401 : vector<16xf32>
        %swap3A_403 = arith.index_cast %add3A_397 : i32 to index
        %swap3A_404 = arith.constant 0 : index
        %swap3A_405 = tpu.vector_load %arg16[%swap3A_403, %swap3A_404] {strides = array<i32>} : memref<80x128xf32, #tpu.memory_space<vmem>>, vector<16xf32>,
        tpu.vector_store %arg16[%swap3A_403, %swap3A_404], %mul3A_402 {strides = array<i32>} : memref<80x128xf32, #tpu.memory_space<vmem>>, vector<16xf32>,
        %get3A_406 = arith.index_cast %add3A_397 : i32 to index
        %get3A_407 = arith.constant 16 : index
        %get3A_408 = tpu.vector_load %arg16[%get3A_406, %get3A_407] {strides = array<i32>} : memref<80x128xf32, #tpu.memory_space<vmem>>, vector<16xf32>,
        %mul3A_409 = vector.broadcast %squeeze3A_393 : f32 to vector<16xf32>
        %mul3A_410 = arith.mulf %get3A_408, %mul3A_409 : vector<16xf32>
        %swap3A_411 = arith.index_cast %add3A_397 : i32 to index
        %swap3A_412 = arith.constant 16 : index
        %swap3A_413 = tpu.vector_load %arg16[%swap3A_411, %swap3A_412] {strides = array<i32>} : memref<80x128xf32, #tpu.memory_space<vmem>>, vector<16xf32>,
        tpu.vector_store %arg16[%swap3A_411, %swap3A_412], %mul3A_410 {strides = array<i32>} : memref<80x128xf32, #tpu.memory_space<vmem>>, vector<16xf32>,
        %get3A_414 = arith.index_cast %add3A_397 : i32 to index
        %get3A_415 = arith.constant 32 : index
        %get3A_416 = tpu.vector_load %arg16[%get3A_414, %get3A_415] {strides = array<i32>} : memref<80x128xf32, #tpu.memory_space<vmem>>, vector<16xf32>,
        %mul3A_417 = vector.broadcast %squeeze3A_393 : f32 to vector<16xf32>
        %mul3A_418 = arith.mulf %get3A_416, %mul3A_417 : vector<16xf32>
        %swap3A_419 = arith.index_cast %add3A_397 : i32 to index
        %swap3A_420 = arith.constant 32 : index
        %swap3A_421 = tpu.vector_load %arg16[%swap3A_419, %swap3A_420] {strides = array<i32>} : memref<80x128xf32, #tpu.memory_space<vmem>>, vector<16xf32>,
        tpu.vector_store %arg16[%swap3A_419, %swap3A_420], %mul3A_418 {strides = array<i32>} : memref<80x128xf32, #tpu.memory_space<vmem>>, vector<16xf32>,
        %get3A_422 = arith.index_cast %add3A_397 : i32 to index
        %get3A_423 = arith.constant 48 : index
        %get3A_424 = tpu.vector_load %arg16[%get3A_422, %get3A_423] {strides = array<i32>} : memref<80x128xf32, #tpu.memory_space<vmem>>, vector<16xf32>,
        %mul3A_425 = vector.broadcast %squeeze3A_393 : f32 to vector<16xf32>
        %mul3A_426 = arith.mulf %get3A_424, %mul3A_425 : vector<16xf32>
        %swap3A_427 = arith.index_cast %add3A_397 : i32 to index
        %swap3A_428 = arith.constant 48 : index
        %swap3A_429 = tpu.vector_load %arg16[%swap3A_427, %swap3A_428] {strides = array<i32>} : memref<80x128xf32, #tpu.memory_space<vmem>>, vector<16xf32>,
        tpu.vector_store %arg16[%swap3A_427, %swap3A_428], %mul3A_426 {strides = array<i32>} : memref<80x128xf32, #tpu.memory_space<vmem>>, vector<16xf32>,
        %get3A_430 = arith.index_cast %add3A_397 : i32 to index
        %get3A_431 = arith.constant 64 : index
        %get3A_432 = tpu.vector_load %arg16[%get3A_430, %get3A_431] {strides = array<i32>} : memref<80x128xf32, #tpu.memory_space<vmem>>, vector<16xf32>,
        %mul3A_433 = vector.broadcast %squeeze3A_393 : f32 to vector<16xf32>
        %mul3A_434 = arith.mulf %get3A_432, %mul3A_433 : vector<16xf32>
        %swap3A_435 = arith.index_cast %add3A_397 : i32 to index
        %swap3A_436 = arith.constant 64 : index
        %swap3A_437 = tpu.vector_load %arg16[%swap3A_435, %swap3A_436] {strides = array<i32>} : memref<80x128xf32, #tpu.memory_space<vmem>>, vector<16xf32>,
        tpu.vector_store %arg16[%swap3A_435, %swap3A_436], %mul3A_434 {strides = array<i32>} : memref<80x128xf32, #tpu.memory_space<vmem>>, vector<16xf32>,
        %get3A_438 = arith.index_cast %add3A_397 : i32 to index
        %get3A_439 = arith.constant 80 : index
        %get3A_440 = tpu.vector_load %arg16[%get3A_438, %get3A_439] {strides = array<i32>} : memref<80x128xf32, #tpu.memory_space<vmem>>, vector<16xf32>,
        %mul3A_441 = vector.broadcast %squeeze3A_393 : f32 to vector<16xf32>
        %mul3A_442 = arith.mulf %get3A_440, %mul3A_441 : vector<16xf32>
        %swap3A_443 = arith.index_cast %add3A_397 : i32 to index
        %swap3A_444 = arith.constant 80 : index
        %swap3A_445 = tpu.vector_load %arg16[%swap3A_443, %swap3A_444] {strides = array<i32>} : memref<80x128xf32, #tpu.memory_space<vmem>>, vector<16xf32>,
        tpu.vector_store %arg16[%swap3A_443, %swap3A_444], %mul3A_442 {strides = array<i32>} : memref<80x128xf32, #tpu.memory_space<vmem>>, vector<16xf32>,
        %get3A_446 = arith.index_cast %add3A_397 : i32 to index
        %get3A_447 = arith.constant 96 : index
        %get3A_448 = tpu.vector_load %arg16[%get3A_446, %get3A_447] {strides = array<i32>} : memref<80x128xf32, #tpu.memory_space<vmem>>, vector<16xf32>,
        %mul3A_449 = vector.broadcast %squeeze3A_393 : f32 to vector<16xf32>
        %mul3A_450 = arith.mulf %get3A_448, %mul3A_449 : vector<16xf32>
        %swap3A_451 = arith.index_cast %add3A_397 : i32 to index
        %swap3A_452 = arith.constant 96 : index
        %swap3A_453 = tpu.vector_load %arg16[%swap3A_451, %swap3A_452] {strides = array<i32>} : memref<80x128xf32, #tpu.memory_space<vmem>>, vector<16xf32>,
        tpu.vector_store %arg16[%swap3A_451, %swap3A_452], %mul3A_450 {strides = array<i32>} : memref<80x128xf32, #tpu.memory_space<vmem>>, vector<16xf32>,
        %get3A_454 = arith.index_cast %add3A_397 : i32 to index
        %get3A_455 = arith.constant 112 : index
        %get3A_456 = tpu.vector_load %arg16[%get3A_454, %get3A_455] {strides = array<i32>} : memref<80x128xf32, #tpu.memory_space<vmem>>, vector<16xf32>,
        %mul3A_457 = vector.broadcast %squeeze3A_393 : f32 to vector<16xf32>
        %mul3A_458 = arith.mulf %get3A_456, %mul3A_457 : vector<16xf32>
        %swap3A_459 = arith.index_cast %add3A_397 : i32 to index
        %swap3A_460 = arith.constant 112 : index
        %swap3A_461 = tpu.vector_load %arg16[%swap3A_459, %swap3A_460] {strides = array<i32>} : memref<80x128xf32, #tpu.memory_space<vmem>>, vector<16xf32>,
        tpu.vector_store %arg16[%swap3A_459, %swap3A_460], %mul3A_458 {strides = array<i32>} : memref<80x128xf32, #tpu.memory_space<vmem>>, vector<16xf32>,
        %slice3A_462 = vector.extract_strided_slice %get3A_183 {offsets = [4], sizes = [1], strides = [1]} : vector<16xf32> to vector<1xf32>
        %squeeze3A_463 = vector.extract %slice3A_462[0] : f32 from vector<1xf32>
        %mul3A_464 = arith.constant 16 : i32
        %mul3A_465 = arith.muli %scan3A_179, %mul3A_464 : i32
        %add3A_466 = arith.constant 4 : i32
        %add3A_467 = arith.addi %mul3A_465, %add3A_466 : i32
        %get3A_468 = arith.index_cast %add3A_467 : i32 to index
        %get3A_469 = arith.constant 0 : index
        %get3A_470 = tpu.vector_load %arg16[%get3A_468, %get3A_469] {strides = array<i32>} : memref<80x128xf32, #tpu.memory_space<vmem>>, vector<16xf32>,
        %mul3A_471 = vector.broadcast %squeeze3A_463 : f32 to vector<16xf32>
        %mul3A_472 = arith.mulf %get3A_470, %mul3A_471 : vector<16xf32>
        %swap3A_473 = arith.index_cast %add3A_467 : i32 to index
        %swap3A_474 = arith.constant 0 : index
        %swap3A_475 = tpu.vector_load %arg16[%swap3A_473, %swap3A_474] {strides = array<i32>} : memref<80x128xf32, #tpu.memory_space<vmem>>, vector<16xf32>,
        tpu.vector_store %arg16[%swap3A_473, %swap3A_474], %mul3A_472 {strides = array<i32>} : memref<80x128xf32, #tpu.memory_space<vmem>>, vector<16xf32>,
        %get3A_476 = arith.index_cast %add3A_467 : i32 to index
        %get3A_477 = arith.constant 16 : index
        %get3A_478 = tpu.vector_load %arg16[%get3A_476, %get3A_477] {strides = array<i32>} : memref<80x128xf32, #tpu.memory_space<vmem>>, vector<16xf32>,
        %mul3A_479 = vector.broadcast %squeeze3A_463 : f32 to vector<16xf32>
        %mul3A_480 = arith.mulf %get3A_478, %mul3A_479 : vector<16xf32>
        %swap3A_481 = arith.index_cast %add3A_467 : i32 to index
        %swap3A_482 = arith.constant 16 : index
        %swap3A_483 = tpu.vector_load %arg16[%swap3A_481, %swap3A_482] {strides = array<i32>} : memref<80x128xf32, #tpu.memory_space<vmem>>, vector<16xf32>,
        tpu.vector_store %arg16[%swap3A_481, %swap3A_482], %mul3A_480 {strides = array<i32>} : memref<80x128xf32, #tpu.memory_space<vmem>>, vector<16xf32>,
        %get3A_484 = arith.index_cast %add3A_467 : i32 to index
        %get3A_485 = arith.constant 32 : index
        %get3A_486 = tpu.vector_load %arg16[%get3A_484, %get3A_485] {strides = array<i32>} : memref<80x128xf32, #tpu.memory_space<vmem>>, vector<16xf32>,
        %mul3A_487 = vector.broadcast %squeeze3A_463 : f32 to vector<16xf32>
        %mul3A_488 = arith.mulf %get3A_486, %mul3A_487 : vector<16xf32>
        %swap3A_489 = arith.index_cast %add3A_467 : i32 to index
        %swap3A_490 = arith.constant 32 : index
        %swap3A_491 = tpu.vector_load %arg16[%swap3A_489, %swap3A_490] {strides = array<i32>} : memref<80x128xf32, #tpu.memory_space<vmem>>, vector<16xf32>,
        tpu.vector_store %arg16[%swap3A_489, %swap3A_490], %mul3A_488 {strides = array<i32>} : memref<80x128xf32, #tpu.memory_space<vmem>>, vector<16xf32>,
        %get3A_492 = arith.index_cast %add3A_467 : i32 to index
        %get3A_493 = arith.constant 48 : index
        %get3A_494 = tpu.vector_load %arg16[%get3A_492, %get3A_493] {strides = array<i32>} : memref<80x128xf32, #tpu.memory_space<vmem>>, vector<16xf32>,
        %mul3A_495 = vector.broadcast %squeeze3A_463 : f32 to vector<16xf32>
        %mul3A_496 = arith.mulf %get3A_494, %mul3A_495 : vector<16xf32>
        %swap3A_497 = arith.index_cast %add3A_467 : i32 to index
        %swap3A_498 = arith.constant 48 : index
        %swap3A_499 = tpu.vector_load %arg16[%swap3A_497, %swap3A_498] {strides = array<i32>} : memref<80x128xf32, #tpu.memory_space<vmem>>, vector<16xf32>,
        tpu.vector_store %arg16[%swap3A_497, %swap3A_498], %mul3A_496 {strides = array<i32>} : memref<80x128xf32, #tpu.memory_space<vmem>>, vector<16xf32>,
        %get3A_500 = arith.index_cast %add3A_467 : i32 to index
        %get3A_501 = arith.constant 64 : index
        %get3A_502 = tpu.vector_load %arg16[%get3A_500, %get3A_501] {strides = array<i32>} : memref<80x128xf32, #tpu.memory_space<vmem>>, vector<16xf32>,
        %mul3A_503 = vector.broadcast %squeeze3A_463 : f32 to vector<16xf32>
        %mul3A_504 = arith.mulf %get3A_502, %mul3A_503 : vector<16xf32>
        %swap3A_505 = arith.index_cast %add3A_467 : i32 to index
        %swap3A_506 = arith.constant 64 : index
        %swap3A_507 = tpu.vector_load %arg16[%swap3A_505, %swap3A_506] {strides = array<i32>} : memref<80x128xf32, #tpu.memory_space<vmem>>, vector<16xf32>,
        tpu.vector_store %arg16[%swap3A_505, %swap3A_506], %mul3A_504 {strides = array<i32>} : memref<80x128xf32, #tpu.memory_space<vmem>>, vector<16xf32>,
        %get3A_508 = arith.index_cast %add3A_467 : i32 to index
        %get3A_509 = arith.constant 80 : index
        %get3A_510 = tpu.vector_load %arg16[%get3A_508, %get3A_509] {strides = array<i32>} : memref<80x128xf32, #tpu.memory_space<vmem>>, vector<16xf32>,
        %mul3A_511 = vector.broadcast %squeeze3A_463 : f32 to vector<16xf32>
        %mul3A_512 = arith.mulf %get3A_510, %mul3A_511 : vector<16xf32>
        %swap3A_513 = arith.index_cast %add3A_467 : i32 to index
        %swap3A_514 = arith.constant 80 : index
        %swap3A_515 = tpu.vector_load %arg16[%swap3A_513, %swap3A_514] {strides = array<i32>} : memref<80x128xf32, #tpu.memory_space<vmem>>, vector<16xf32>,
        tpu.vector_store %arg16[%swap3A_513, %swap3A_514], %mul3A_512 {strides = array<i32>} : memref<80x128xf32, #tpu.memory_space<vmem>>, vector<16xf32>,
        %get3A_516 = arith.index_cast %add3A_467 : i32 to index
        %get3A_517 = arith.constant 96 : index
        %get3A_518 = tpu.vector_load %arg16[%get3A_516, %get3A_517] {strides = array<i32>} : memref<80x128xf32, #tpu.memory_space<vmem>>, vector<16xf32>,
        %mul3A_519 = vector.broadcast %squeeze3A_463 : f32 to vector<16xf32>
        %mul3A_520 = arith.mulf %get3A_518, %mul3A_519 : vector<16xf32>
        %swap3A_521 = arith.index_cast %add3A_467 : i32 to index
        %swap3A_522 = arith.constant 96 : index
        %swap3A_523 = tpu.vector_load %arg16[%swap3A_521, %swap3A_522] {strides = array<i32>} : memref<80x128xf32, #tpu.memory_space<vmem>>, vector<16xf32>,
        tpu.vector_store %arg16[%swap3A_521, %swap3A_522], %mul3A_520 {strides = array<i32>} : memref<80x128xf32, #tpu.memory_space<vmem>>, vector<16xf32>,
        %get3A_524 = arith.index_cast %add3A_467 : i32 to index
        %get3A_525 = arith.constant 112 : index
        %get3A_526 = tpu.vector_load %arg16[%get3A_524, %get3A_525] {strides = array<i32>} : memref<80x128xf32, #tpu.memory_space<vmem>>, vector<16xf32>,
        %mul3A_527 = vector.broadcast %squeeze3A_463 : f32 to vector<16xf32>
        %mul3A_528 = arith.mulf %get3A_526, %mul3A_527 : vector<16xf32>
        %swap3A_529 = arith.index_cast %add3A_467 : i32 to index
        %swap3A_530 = arith.constant 112 : index
        %swap3A_531 = tpu.vector_load %arg16[%swap3A_529, %swap3A_530] {strides = array<i32>} : memref<80x128xf32, #tpu.memory_space<vmem>>, vector<16xf32>,
        tpu.vector_store %arg16[%swap3A_529, %swap3A_530], %mul3A_528 {strides = array<i32>} : memref<80x128xf32, #tpu.memory_space<vmem>>, vector<16xf32>,
        %slice3A_532 = vector.extract_strided_slice %get3A_183 {offsets = [5], sizes = [1], strides = [1]} : vector<16xf32> to vector<1xf32>
        %squeeze3A_533 = vector.extract %slice3A_532[0] : f32 from vector<1xf32>
        %mul3A_534 = arith.constant 16 : i32
        %mul3A_535 = arith.muli %scan3A_179, %mul3A_534 : i32
        %add3A_536 = arith.constant 5 : i32
        %add3A_537 = arith.addi %mul3A_535, %add3A_536 : i32
        %get3A_538 = arith.index_cast %add3A_537 : i32 to index
        %get3A_539 = arith.constant 0 : index
        %get3A_540 = tpu.vector_load %arg16[%get3A_538, %get3A_539] {strides = array<i32>} : memref<80x128xf32, #tpu.memory_space<vmem>>, vector<16xf32>,
        %mul3A_541 = vector.broadcast %squeeze3A_533 : f32 to vector<16xf32>
        %mul3A_542 = arith.mulf %get3A_540, %mul3A_541 : vector<16xf32>
        %swap3A_543 = arith.index_cast %add3A_537 : i32 to index
        %swap3A_544 = arith.constant 0 : index
        %swap3A_545 = tpu.vector_load %arg16[%swap3A_543, %swap3A_544] {strides = array<i32>} : memref<80x128xf32, #tpu.memory_space<vmem>>, vector<16xf32>,
        tpu.vector_store %arg16[%swap3A_543, %swap3A_544], %mul3A_542 {strides = array<i32>} : memref<80x128xf32, #tpu.memory_space<vmem>>, vector<16xf32>,
        %get3A_546 = arith.index_cast %add3A_537 : i32 to index
        %get3A_547 = arith.constant 16 : index
        %get3A_548 = tpu.vector_load %arg16[%get3A_546, %get3A_547] {strides = array<i32>} : memref<80x128xf32, #tpu.memory_space<vmem>>, vector<16xf32>,
        %mul3A_549 = vector.broadcast %squeeze3A_533 : f32 to vector<16xf32>
        %mul3A_550 = arith.mulf %get3A_548, %mul3A_549 : vector<16xf32>
        %swap3A_551 = arith.index_cast %add3A_537 : i32 to index
        %swap3A_552 = arith.constant 16 : index
        %swap3A_553 = tpu.vector_load %arg16[%swap3A_551, %swap3A_552] {strides = array<i32>} : memref<80x128xf32, #tpu.memory_space<vmem>>, vector<16xf32>,
        tpu.vector_store %arg16[%swap3A_551, %swap3A_552], %mul3A_550 {strides = array<i32>} : memref<80x128xf32, #tpu.memory_space<vmem>>, vector<16xf32>,
        %get3A_554 = arith.index_cast %add3A_537 : i32 to index
        %get3A_555 = arith.constant 32 : index
        %get3A_556 = tpu.vector_load %arg16[%get3A_554, %get3A_555] {strides = array<i32>} : memref<80x128xf32, #tpu.memory_space<vmem>>, vector<16xf32>,
        %mul3A_557 = vector.broadcast %squeeze3A_533 : f32 to vector<16xf32>
        %mul3A_558 = arith.mulf %get3A_556, %mul3A_557 : vector<16xf32>
        %swap3A_559 = arith.index_cast %add3A_537 : i32 to index
        %swap3A_560 = arith.constant 32 : index
        %swap3A_561 = tpu.vector_load %arg16[%swap3A_559, %swap3A_560] {strides = array<i32>} : memref<80x128xf32, #tpu.memory_space<vmem>>, vector<16xf32>,
        tpu.vector_store %arg16[%swap3A_559, %swap3A_560], %mul3A_558 {strides = array<i32>} : memref<80x128xf32, #tpu.memory_space<vmem>>, vector<16xf32>,
        %get3A_562 = arith.index_cast %add3A_537 : i32 to index
        %get3A_563 = arith.constant 48 : index
        %get3A_564 = tpu.vector_load %arg16[%get3A_562, %get3A_563] {strides = array<i32>} : memref<80x128xf32, #tpu.memory_space<vmem>>, vector<16xf32>,
        %mul3A_565 = vector.broadcast %squeeze3A_533 : f32 to vector<16xf32>
        %mul3A_566 = arith.mulf %get3A_564, %mul3A_565 : vector<16xf32>
        %swap3A_567 = arith.index_cast %add3A_537 : i32 to index
        %swap3A_568 = arith.constant 48 : index
        %swap3A_569 = tpu.vector_load %arg16[%swap3A_567, %swap3A_568] {strides = array<i32>} : memref<80x128xf32, #tpu.memory_space<vmem>>, vector<16xf32>,
        tpu.vector_store %arg16[%swap3A_567, %swap3A_568], %mul3A_566 {strides = array<i32>} : memref<80x128xf32, #tpu.memory_space<vmem>>, vector<16xf32>,
        %get3A_570 = arith.index_cast %add3A_537 : i32 to index
        %get3A_571 = arith.constant 64 : index
        %get3A_572 = tpu.vector_load %arg16[%get3A_570, %get3A_571] {strides = array<i32>} : memref<80x128xf32, #tpu.memory_space<vmem>>, vector<16xf32>,
        %mul3A_573 = vector.broadcast %squeeze3A_533 : f32 to vector<16xf32>
        %mul3A_574 = arith.mulf %get3A_572, %mul3A_573 : vector<16xf32>
        %swap3A_575 = arith.index_cast %add3A_537 : i32 to index
        %swap3A_576 = arith.constant 64 : index
        %swap3A_577 = tpu.vector_load %arg16[%swap3A_575, %swap3A_576] {strides = array<i32>} : memref<80x128xf32, #tpu.memory_space<vmem>>, vector<16xf32>,
        tpu.vector_store %arg16[%swap3A_575, %swap3A_576], %mul3A_574 {strides = array<i32>} : memref<80x128xf32, #tpu.memory_space<vmem>>, vector<16xf32>,
        %get3A_578 = arith.index_cast %add3A_537 : i32 to index
        %get3A_579 = arith.constant 80 : index
        %get3A_580 = tpu.vector_load %arg16[%get3A_578, %get3A_579] {strides = array<i32>} : memref<80x128xf32, #tpu.memory_space<vmem>>, vector<16xf32>,
        %mul3A_581 = vector.broadcast %squeeze3A_533 : f32 to vector<16xf32>
        %mul3A_582 = arith.mulf %get3A_580, %mul3A_581 : vector<16xf32>
        %swap3A_583 = arith.index_cast %add3A_537 : i32 to index
        %swap3A_584 = arith.constant 80 : index
        %swap3A_585 = tpu.vector_load %arg16[%swap3A_583, %swap3A_584] {strides = array<i32>} : memref<80x128xf32, #tpu.memory_space<vmem>>, vector<16xf32>,
        tpu.vector_store %arg16[%swap3A_583, %swap3A_584], %mul3A_582 {strides = array<i32>} : memref<80x128xf32, #tpu.memory_space<vmem>>, vector<16xf32>,
        %get3A_586 = arith.index_cast %add3A_537 : i32 to index
        %get3A_587 = arith.constant 96 : index
        %get3A_588 = tpu.vector_load %arg16[%get3A_586, %get3A_587] {strides = array<i32>} : memref<80x128xf32, #tpu.memory_space<vmem>>, vector<16xf32>,
        %mul3A_589 = vector.broadcast %squeeze3A_533 : f32 to vector<16xf32>
        %mul3A_590 = arith.mulf %get3A_588, %mul3A_589 : vector<16xf32>
        %swap3A_591 = arith.index_cast %add3A_537 : i32 to index
        %swap3A_592 = arith.constant 96 : index
        %swap3A_593 = tpu.vector_load %arg16[%swap3A_591, %swap3A_592] {strides = array<i32>} : memref<80x128xf32, #tpu.memory_space<vmem>>, vector<16xf32>,
        tpu.vector_store %arg16[%swap3A_591, %swap3A_592], %mul3A_590 {strides = array<i32>} : memref<80x128xf32, #tpu.memory_space<vmem>>, vector<16xf32>,
        %get3A_594 = arith.index_cast %add3A_537 : i32 to index
        %get3A_595 = arith.constant 112 : index
        %get3A_596 = tpu.vector_load %arg16[%get3A_594, %get3A_595] {strides = array<i32>} : memref<80x128xf32, #tpu.memory_space<vmem>>, vector<16xf32>,
        %mul3A_597 = vector.broadcast %squeeze3A_533 : f32 to vector<16xf32>
        %mul3A_598 = arith.mulf %get3A_596, %mul3A_597 : vector<16xf32>
        %swap3A_599 = arith.index_cast %add3A_537 : i32 to index
        %swap3A_600 = arith.constant 112 : index
        %swap3A_601 = tpu.vector_load %arg16[%swap3A_599, %swap3A_600] {strides = array<i32>} : memref<80x128xf32, #tpu.memory_space<vmem>>, vector<16xf32>,
        tpu.vector_store %arg16[%swap3A_599, %swap3A_600], %mul3A_598 {strides = array<i32>} : memref<80x128xf32, #tpu.memory_space<vmem>>, vector<16xf32>,
        %slice3A_602 = vector.extract_strided_slice %get3A_183 {offsets = [6], sizes = [1], strides = [1]} : vector<16xf32> to vector<1xf32>
        %squeeze3A_603 = vector.extract %slice3A_602[0] : f32 from vector<1xf32>
        %mul3A_604 = arith.constant 16 : i32
        %mul3A_605 = arith.muli %scan3A_179, %mul3A_604 : i32
        %add3A_606 = arith.constant 6 : i32
        %add3A_607 = arith.addi %mul3A_605, %add3A_606 : i32
        %get3A_608 = arith.index_cast %add3A_607 : i32 to index
        %get3A_609 = arith.constant 0 : index
        %get3A_610 = tpu.vector_load %arg16[%get3A_608, %get3A_609] {strides = array<i32>} : memref<80x128xf32, #tpu.memory_space<vmem>>, vector<16xf32>,
        %mul3A_611 = vector.broadcast %squeeze3A_603 : f32 to vector<16xf32>
        %mul3A_612 = arith.mulf %get3A_610, %mul3A_611 : vector<16xf32>
        %swap3A_613 = arith.index_cast %add3A_607 : i32 to index
        %swap3A_614 = arith.constant 0 : index
        %swap3A_615 = tpu.vector_load %arg16[%swap3A_613, %swap3A_614] {strides = array<i32>} : memref<80x128xf32, #tpu.memory_space<vmem>>, vector<16xf32>,
        tpu.vector_store %arg16[%swap3A_613, %swap3A_614], %mul3A_612 {strides = array<i32>} : memref<80x128xf32, #tpu.memory_space<vmem>>, vector<16xf32>,
        %get3A_616 = arith.index_cast %add3A_607 : i32 to index
        %get3A_617 = arith.constant 16 : index
        %get3A_618 = tpu.vector_load %arg16[%get3A_616, %get3A_617] {strides = array<i32>} : memref<80x128xf32, #tpu.memory_space<vmem>>, vector<16xf32>,
        %mul3A_619 = vector.broadcast %squeeze3A_603 : f32 to vector<16xf32>
        %mul3A_620 = arith.mulf %get3A_618, %mul3A_619 : vector<16xf32>
        %swap3A_621 = arith.index_cast %add3A_607 : i32 to index
        %swap3A_622 = arith.constant 16 : index
        %swap3A_623 = tpu.vector_load %arg16[%swap3A_621, %swap3A_622] {strides = array<i32>} : memref<80x128xf32, #tpu.memory_space<vmem>>, vector<16xf32>,
        tpu.vector_store %arg16[%swap3A_621, %swap3A_622], %mul3A_620 {strides = array<i32>} : memref<80x128xf32, #tpu.memory_space<vmem>>, vector<16xf32>,
        %get3A_624 = arith.index_cast %add3A_607 : i32 to index
        %get3A_625 = arith.constant 32 : index
        %get3A_626 = tpu.vector_load %arg16[%get3A_624, %get3A_625] {strides = array<i32>} : memref<80x128xf32, #tpu.memory_space<vmem>>, vector<16xf32>,
        %mul3A_627 = vector.broadcast %squeeze3A_603 : f32 to vector<16xf32>
        %mul3A_628 = arith.mulf %get3A_626, %mul3A_627 : vector<16xf32>
        %swap3A_629 = arith.index_cast %add3A_607 : i32 to index
        %swap3A_630 = arith.constant 32 : index
        %swap3A_631 = tpu.vector_load %arg16[%swap3A_629, %swap3A_630] {strides = array<i32>} : memref<80x128xf32, #tpu.memory_space<vmem>>, vector<16xf32>,
        tpu.vector_store %arg16[%swap3A_629, %swap3A_630], %mul3A_628 {strides = array<i32>} : memref<80x128xf32, #tpu.memory_space<vmem>>, vector<16xf32>,
        %get3A_632 = arith.index_cast %add3A_607 : i32 to index
        %get3A_633 = arith.constant 48 : index
        %get3A_634 = tpu.vector_load %arg16[%get3A_632, %get3A_633] {strides = array<i32>} : memref<80x128xf32, #tpu.memory_space<vmem>>, vector<16xf32>,
        %mul3A_635 = vector.broadcast %squeeze3A_603 : f32 to vector<16xf32>
        %mul3A_636 = arith.mulf %get3A_634, %mul3A_635 : vector<16xf32>
        %swap3A_637 = arith.index_cast %add3A_607 : i32 to index
        %swap3A_638 = arith.constant 48 : index
        %swap3A_639 = tpu.vector_load %arg16[%swap3A_637, %swap3A_638] {strides = array<i32>} : memref<80x128xf32, #tpu.memory_space<vmem>>, vector<16xf32>,
        tpu.vector_store %arg16[%swap3A_637, %swap3A_638], %mul3A_636 {strides = array<i32>} : memref<80x128xf32, #tpu.memory_space<vmem>>, vector<16xf32>,
        %get3A_640 = arith.index_cast %add3A_607 : i32 to index
        %get3A_641 = arith.constant 64 : index
        %get3A_642 = tpu.vector_load %arg16[%get3A_640, %get3A_641] {strides = array<i32>} : memref<80x128xf32, #tpu.memory_space<vmem>>, vector<16xf32>,
        %mul3A_643 = vector.broadcast %squeeze3A_603 : f32 to vector<16xf32>
        %mul3A_644 = arith.mulf %get3A_642, %mul3A_643 : vector<16xf32>
        %swap3A_645 = arith.index_cast %add3A_607 : i32 to index
        %swap3A_646 = arith.constant 64 : index
        %swap3A_647 = tpu.vector_load %arg16[%swap3A_645, %swap3A_646] {strides = array<i32>} : memref<80x128xf32, #tpu.memory_space<vmem>>, vector<16xf32>,
        tpu.vector_store %arg16[%swap3A_645, %swap3A_646], %mul3A_644 {strides = array<i32>} : memref<80x128xf32, #tpu.memory_space<vmem>>, vector<16xf32>,
        %get3A_648 = arith.index_cast %add3A_607 : i32 to index
        %get3A_649 = arith.constant 80 : index
        %get3A_650 = tpu.vector_load %arg16[%get3A_648, %get3A_649] {strides = array<i32>} : memref<80x128xf32, #tpu.memory_space<vmem>>, vector<16xf32>,
        %mul3A_651 = vector.broadcast %squeeze3A_603 : f32 to vector<16xf32>
        %mul3A_652 = arith.mulf %get3A_650, %mul3A_651 : vector<16xf32>
        %swap3A_653 = arith.index_cast %add3A_607 : i32 to index
        %swap3A_654 = arith.constant 80 : index
        %swap3A_655 = tpu.vector_load %arg16[%swap3A_653, %swap3A_654] {strides = array<i32>} : memref<80x128xf32, #tpu.memory_space<vmem>>, vector<16xf32>,
        tpu.vector_store %arg16[%swap3A_653, %swap3A_654], %mul3A_652 {strides = array<i32>} : memref<80x128xf32, #tpu.memory_space<vmem>>, vector<16xf32>,
        %get3A_656 = arith.index_cast %add3A_607 : i32 to index
        %get3A_657 = arith.constant 96 : index
        %get3A_658 = tpu.vector_load %arg16[%get3A_656, %get3A_657] {strides = array<i32>} : memref<80x128xf32, #tpu.memory_space<vmem>>, vector<16xf32>,
        %mul3A_659 = vector.broadcast %squeeze3A_603 : f32 to vector<16xf32>
        %mul3A_660 = arith.mulf %get3A_658, %mul3A_659 : vector<16xf32>
        %swap3A_661 = arith.index_cast %add3A_607 : i32 to index
        %swap3A_662 = arith.constant 96 : index
        %swap3A_663 = tpu.vector_load %arg16[%swap3A_661, %swap3A_662] {strides = array<i32>} : memref<80x128xf32, #tpu.memory_space<vmem>>, vector<16xf32>,
        tpu.vector_store %arg16[%swap3A_661, %swap3A_662], %mul3A_660 {strides = array<i32>} : memref<80x128xf32, #tpu.memory_space<vmem>>, vector<16xf32>,
        %get3A_664 = arith.index_cast %add3A_607 : i32 to index
        %get3A_665 = arith.constant 112 : index
        %get3A_666 = tpu.vector_load %arg16[%get3A_664, %get3A_665] {strides = array<i32>} : memref<80x128xf32, #tpu.memory_space<vmem>>, vector<16xf32>,
        %mul3A_667 = vector.broadcast %squeeze3A_603 : f32 to vector<16xf32>
        %mul3A_668 = arith.mulf %get3A_666, %mul3A_667 : vector<16xf32>
        %swap3A_669 = arith.index_cast %add3A_607 : i32 to index
        %swap3A_670 = arith.constant 112 : index
        %swap3A_671 = tpu.vector_load %arg16[%swap3A_669, %swap3A_670] {strides = array<i32>} : memref<80x128xf32, #tpu.memory_space<vmem>>, vector<16xf32>,
        tpu.vector_store %arg16[%swap3A_669, %swap3A_670], %mul3A_668 {strides = array<i32>} : memref<80x128xf32, #tpu.memory_space<vmem>>, vector<16xf32>,
        %slice3A_672 = vector.extract_strided_slice %get3A_183 {offsets = [7], sizes = [1], strides = [1]} : vector<16xf32> to vector<1xf32>
        %squeeze3A_673 = vector.extract %slice3A_672[0] : f32 from vector<1xf32>
        %mul3A_674 = arith.constant 16 : i32
        %mul3A_675 = arith.muli %scan3A_179, %mul3A_674 : i32
        %add3A_676 = arith.constant 7 : i32
        %add3A_677 = arith.addi %mul3A_675, %add3A_676 : i32
        %get3A_678 = arith.index_cast %add3A_677 : i32 to index
        %get3A_679 = arith.constant 0 : index
        %get3A_680 = tpu.vector_load %arg16[%get3A_678, %get3A_679] {strides = array<i32>} : memref<80x128xf32, #tpu.memory_space<vmem>>, vector<16xf32>,
        %mul3A_681 = vector.broadcast %squeeze3A_673 : f32 to vector<16xf32>
        %mul3A_682 = arith.mulf %get3A_680, %mul3A_681 : vector<16xf32>
        %swap3A_683 = arith.index_cast %add3A_677 : i32 to index
        %swap3A_684 = arith.constant 0 : index
        %swap3A_685 = tpu.vector_load %arg16[%swap3A_683, %swap3A_684] {strides = array<i32>} : memref<80x128xf32, #tpu.memory_space<vmem>>, vector<16xf32>,
        tpu.vector_store %arg16[%swap3A_683, %swap3A_684], %mul3A_682 {strides = array<i32>} : memref<80x128xf32, #tpu.memory_space<vmem>>, vector<16xf32>,
        %get3A_686 = arith.index_cast %add3A_677 : i32 to index
        %get3A_687 = arith.constant 16 : index
        %get3A_688 = tpu.vector_load %arg16[%get3A_686, %get3A_687] {strides = array<i32>} : memref<80x128xf32, #tpu.memory_space<vmem>>, vector<16xf32>,
        %mul3A_689 = vector.broadcast %squeeze3A_673 : f32 to vector<16xf32>
        %mul3A_690 = arith.mulf %get3A_688, %mul3A_689 : vector<16xf32>
        %swap3A_691 = arith.index_cast %add3A_677 : i32 to index
        %swap3A_692 = arith.constant 16 : index
        %swap3A_693 = tpu.vector_load %arg16[%swap3A_691, %swap3A_692] {strides = array<i32>} : memref<80x128xf32, #tpu.memory_space<vmem>>, vector<16xf32>,
        tpu.vector_store %arg16[%swap3A_691, %swap3A_692], %mul3A_690 {strides = array<i32>} : memref<80x128xf32, #tpu.memory_space<vmem>>, vector<16xf32>,
        %get3A_694 = arith.index_cast %add3A_677 : i32 to index
        %get3A_695 = arith.constant 32 : index
        %get3A_696 = tpu.vector_load %arg16[%get3A_694, %get3A_695] {strides = array<i32>} : memref<80x128xf32, #tpu.memory_space<vmem>>, vector<16xf32>,
        %mul3A_697 = vector.broadcast %squeeze3A_673 : f32 to vector<16xf32>
        %mul3A_698 = arith.mulf %get3A_696, %mul3A_697 : vector<16xf32>
        %swap3A_699 = arith.index_cast %add3A_677 : i32 to index
        %swap3A_700 = arith.constant 32 : index
        %swap3A_701 = tpu.vector_load %arg16[%swap3A_699, %swap3A_700] {strides = array<i32>} : memref<80x128xf32, #tpu.memory_space<vmem>>, vector<16xf32>,
        tpu.vector_store %arg16[%swap3A_699, %swap3A_700], %mul3A_698 {strides = array<i32>} : memref<80x128xf32, #tpu.memory_space<vmem>>, vector<16xf32>,
        %get3A_702 = arith.index_cast %add3A_677 : i32 to index
        %get3A_703 = arith.constant 48 : index
        %get3A_704 = tpu.vector_load %arg16[%get3A_702, %get3A_703] {strides = array<i32>} : memref<80x128xf32, #tpu.memory_space<vmem>>, vector<16xf32>,
        %mul3A_705 = vector.broadcast %squeeze3A_673 : f32 to vector<16xf32>
        %mul3A_706 = arith.mulf %get3A_704, %mul3A_705 : vector<16xf32>
        %swap3A_707 = arith.index_cast %add3A_677 : i32 to index
        %swap3A_708 = arith.constant 48 : index
        %swap3A_709 = tpu.vector_load %arg16[%swap3A_707, %swap3A_708] {strides = array<i32>} : memref<80x128xf32, #tpu.memory_space<vmem>>, vector<16xf32>,
        tpu.vector_store %arg16[%swap3A_707, %swap3A_708], %mul3A_706 {strides = array<i32>} : memref<80x128xf32, #tpu.memory_space<vmem>>, vector<16xf32>,
        %get3A_710 = arith.index_cast %add3A_677 : i32 to index
        %get3A_711 = arith.constant 64 : index
        %get3A_712 = tpu.vector_load %arg16[%get3A_710, %get3A_711] {strides = array<i32>} : memref<80x128xf32, #tpu.memory_space<vmem>>, vector<16xf32>,
        %mul3A_713 = vector.broadcast %squeeze3A_673 : f32 to vector<16xf32>
        %mul3A_714 = arith.mulf %get3A_712, %mul3A_713 : vector<16xf32>
        %swap3A_715 = arith.index_cast %add3A_677 : i32 to index
        %swap3A_716 = arith.constant 64 : index
        %swap3A_717 = tpu.vector_load %arg16[%swap3A_715, %swap3A_716] {strides = array<i32>} : memref<80x128xf32, #tpu.memory_space<vmem>>, vector<16xf32>,
        tpu.vector_store %arg16[%swap3A_715, %swap3A_716], %mul3A_714 {strides = array<i32>} : memref<80x128xf32, #tpu.memory_space<vmem>>, vector<16xf32>,
        %get3A_718 = arith.index_cast %add3A_677 : i32 to index
        %get3A_719 = arith.constant 80 : index
        %get3A_720 = tpu.vector_load %arg16[%get3A_718, %get3A_719] {strides = array<i32>} : memref<80x128xf32, #tpu.memory_space<vmem>>, vector<16xf32>,
        %mul3A_721 = vector.broadcast %squeeze3A_673 : f32 to vector<16xf32>
        %mul3A_722 = arith.mulf %get3A_720, %mul3A_721 : vector<16xf32>
        %swap3A_723 = arith.index_cast %add3A_677 : i32 to index
        %swap3A_724 = arith.constant 80 : index
        %swap3A_725 = tpu.vector_load %arg16[%swap3A_723, %swap3A_724] {strides = array<i32>} : memref<80x128xf32, #tpu.memory_space<vmem>>, vector<16xf32>,
        tpu.vector_store %arg16[%swap3A_723, %swap3A_724], %mul3A_722 {strides = array<i32>} : memref<80x128xf32, #tpu.memory_space<vmem>>, vector<16xf32>,
        %get3A_726 = arith.index_cast %add3A_677 : i32 to index
        %get3A_727 = arith.constant 96 : index
        %get3A_728 = tpu.vector_load %arg16[%get3A_726, %get3A_727] {strides = array<i32>} : memref<80x128xf32, #tpu.memory_space<vmem>>, vector<16xf32>,
        %mul3A_729 = vector.broadcast %squeeze3A_673 : f32 to vector<16xf32>
        %mul3A_730 = arith.mulf %get3A_728, %mul3A_729 : vector<16xf32>
        %swap3A_731 = arith.index_cast %add3A_677 : i32 to index
        %swap3A_732 = arith.constant 96 : index
        %swap3A_733 = tpu.vector_load %arg16[%swap3A_731, %swap3A_732] {strides = array<i32>} : memref<80x128xf32, #tpu.memory_space<vmem>>, vector<16xf32>,
        tpu.vector_store %arg16[%swap3A_731, %swap3A_732], %mul3A_730 {strides = array<i32>} : memref<80x128xf32, #tpu.memory_space<vmem>>, vector<16xf32>,
        %get3A_734 = arith.index_cast %add3A_677 : i32 to index
        %get3A_735 = arith.constant 112 : index
        %get3A_736 = tpu.vector_load %arg16[%get3A_734, %get3A_735] {strides = array<i32>} : memref<80x128xf32, #tpu.memory_space<vmem>>, vector<16xf32>,
        %mul3A_737 = vector.broadcast %squeeze3A_673 : f32 to vector<16xf32>
        %mul3A_738 = arith.mulf %get3A_736, %mul3A_737 : vector<16xf32>
        %swap3A_739 = arith.index_cast %add3A_677 : i32 to index
        %swap3A_740 = arith.constant 112 : index
        %swap3A_741 = tpu.vector_load %arg16[%swap3A_739, %swap3A_740] {strides = array<i32>} : memref<80x128xf32, #tpu.memory_space<vmem>>, vector<16xf32>,
        tpu.vector_store %arg16[%swap3A_739, %swap3A_740], %mul3A_738 {strides = array<i32>} : memref<80x128xf32, #tpu.memory_space<vmem>>, vector<16xf32>,
        %slice3A_742 = vector.extract_strided_slice %get3A_183 {offsets = [8], sizes = [1], strides = [1]} : vector<16xf32> to vector<1xf32>
        %squeeze3A_743 = vector.extract %slice3A_742[0] : f32 from vector<1xf32>
        %mul3A_744 = arith.constant 16 : i32
        %mul3A_745 = arith.muli %scan3A_179, %mul3A_744 : i32
        %add3A_746 = arith.constant 8 : i32
        %add3A_747 = arith.addi %mul3A_745, %add3A_746 : i32
        %get3A_748 = arith.index_cast %add3A_747 : i32 to index
        %get3A_749 = arith.constant 0 : index
        %get3A_750 = tpu.vector_load %arg16[%get3A_748, %get3A_749] {strides = array<i32>} : memref<80x128xf32, #tpu.memory_space<vmem>>, vector<16xf32>,
        %mul3A_751 = vector.broadcast %squeeze3A_743 : f32 to vector<16xf32>
        %mul3A_752 = arith.mulf %get3A_750, %mul3A_751 : vector<16xf32>
        %swap3A_753 = arith.index_cast %add3A_747 : i32 to index
        %swap3A_754 = arith.constant 0 : index
        %swap3A_755 = tpu.vector_load %arg16[%swap3A_753, %swap3A_754] {strides = array<i32>} : memref<80x128xf32, #tpu.memory_space<vmem>>, vector<16xf32>,
        tpu.vector_store %arg16[%swap3A_753, %swap3A_754], %mul3A_752 {strides = array<i32>} : memref<80x128xf32, #tpu.memory_space<vmem>>, vector<16xf32>,
        %get3A_756 = arith.index_cast %add3A_747 : i32 to index
        %get3A_757 = arith.constant 16 : index
        %get3A_758 = tpu.vector_load %arg16[%get3A_756, %get3A_757] {strides = array<i32>} : memref<80x128xf32, #tpu.memory_space<vmem>>, vector<16xf32>,
        %mul3A_759 = vector.broadcast %squeeze3A_743 : f32 to vector<16xf32>
        %mul3A_760 = arith.mulf %get3A_758, %mul3A_759 : vector<16xf32>
        %swap3A_761 = arith.index_cast %add3A_747 : i32 to index
        %swap3A_762 = arith.constant 16 : index
        %swap3A_763 = tpu.vector_load %arg16[%swap3A_761, %swap3A_762] {strides = array<i32>} : memref<80x128xf32, #tpu.memory_space<vmem>>, vector<16xf32>,
        tpu.vector_store %arg16[%swap3A_761, %swap3A_762], %mul3A_760 {strides = array<i32>} : memref<80x128xf32, #tpu.memory_space<vmem>>, vector<16xf32>,
        %get3A_764 = arith.index_cast %add3A_747 : i32 to index
        %get3A_765 = arith.constant 32 : index
        %get3A_766 = tpu.vector_load %arg16[%get3A_764, %get3A_765] {strides = array<i32>} : memref<80x128xf32, #tpu.memory_space<vmem>>, vector<16xf32>,
        %mul3A_767 = vector.broadcast %squeeze3A_743 : f32 to vector<16xf32>
        %mul3A_768 = arith.mulf %get3A_766, %mul3A_767 : vector<16xf32>
        %swap3A_769 = arith.index_cast %add3A_747 : i32 to index
        %swap3A_770 = arith.constant 32 : index
        %swap3A_771 = tpu.vector_load %arg16[%swap3A_769, %swap3A_770] {strides = array<i32>} : memref<80x128xf32, #tpu.memory_space<vmem>>, vector<16xf32>,
        tpu.vector_store %arg16[%swap3A_769, %swap3A_770], %mul3A_768 {strides = array<i32>} : memref<80x128xf32, #tpu.memory_space<vmem>>, vector<16xf32>,
        %get3A_772 = arith.index_cast %add3A_747 : i32 to index
        %get3A_773 = arith.constant 48 : index
        %get3A_774 = tpu.vector_load %arg16[%get3A_772, %get3A_773] {strides = array<i32>} : memref<80x128xf32, #tpu.memory_space<vmem>>, vector<16xf32>,
        %mul3A_775 = vector.broadcast %squeeze3A_743 : f32 to vector<16xf32>
        %mul3A_776 = arith.mulf %get3A_774, %mul3A_775 : vector<16xf32>
        %swap3A_777 = arith.index_cast %add3A_747 : i32 to index
        %swap3A_778 = arith.constant 48 : index
        %swap3A_779 = tpu.vector_load %arg16[%swap3A_777, %swap3A_778] {strides = array<i32>} : memref<80x128xf32, #tpu.memory_space<vmem>>, vector<16xf32>,
        tpu.vector_store %arg16[%swap3A_777, %swap3A_778], %mul3A_776 {strides = array<i32>} : memref<80x128xf32, #tpu.memory_space<vmem>>, vector<16xf32>,
        %get3A_780 = arith.index_cast %add3A_747 : i32 to index
        %get3A_781 = arith.constant 64 : index
        %get3A_782 = tpu.vector_load %arg16[%get3A_780, %get3A_781] {strides = array<i32>} : memref<80x128xf32, #tpu.memory_space<vmem>>, vector<16xf32>,
        %mul3A_783 = vector.broadcast %squeeze3A_743 : f32 to vector<16xf32>
        %mul3A_784 = arith.mulf %get3A_782, %mul3A_783 : vector<16xf32>
        %swap3A_785 = arith.index_cast %add3A_747 : i32 to index
        %swap3A_786 = arith.constant 64 : index
        %swap3A_787 = tpu.vector_load %arg16[%swap3A_785, %swap3A_786] {strides = array<i32>} : memref<80x128xf32, #tpu.memory_space<vmem>>, vector<16xf32>,
        tpu.vector_store %arg16[%swap3A_785, %swap3A_786], %mul3A_784 {strides = array<i32>} : memref<80x128xf32, #tpu.memory_space<vmem>>, vector<16xf32>,
        %get3A_788 = arith.index_cast %add3A_747 : i32 to index
        %get3A_789 = arith.constant 80 : index
        %get3A_790 = tpu.vector_load %arg16[%get3A_788, %get3A_789] {strides = array<i32>} : memref<80x128xf32, #tpu.memory_space<vmem>>, vector<16xf32>,
        %mul3A_791 = vector.broadcast %squeeze3A_743 : f32 to vector<16xf32>
        %mul3A_792 = arith.mulf %get3A_790, %mul3A_791 : vector<16xf32>
        %swap3A_793 = arith.index_cast %add3A_747 : i32 to index
        %swap3A_794 = arith.constant 80 : index
        %swap3A_795 = tpu.vector_load %arg16[%swap3A_793, %swap3A_794] {strides = array<i32>} : memref<80x128xf32, #tpu.memory_space<vmem>>, vector<16xf32>,
        tpu.vector_store %arg16[%swap3A_793, %swap3A_794], %mul3A_792 {strides = array<i32>} : memref<80x128xf32, #tpu.memory_space<vmem>>, vector<16xf32>,
        %get3A_796 = arith.index_cast %add3A_747 : i32 to index
        %get3A_797 = arith.constant 96 : index
        %get3A_798 = tpu.vector_load %arg16[%get3A_796, %get3A_797] {strides = array<i32>} : memref<80x128xf32, #tpu.memory_space<vmem>>, vector<16xf32>,
        %mul3A_799 = vector.broadcast %squeeze3A_743 : f32 to vector<16xf32>
        %mul3A_800 = arith.mulf %get3A_798, %mul3A_799 : vector<16xf32>
        %swap3A_801 = arith.index_cast %add3A_747 : i32 to index
        %swap3A_802 = arith.constant 96 : index
        %swap3A_803 = tpu.vector_load %arg16[%swap3A_801, %swap3A_802] {strides = array<i32>} : memref<80x128xf32, #tpu.memory_space<vmem>>, vector<16xf32>,
        tpu.vector_store %arg16[%swap3A_801, %swap3A_802], %mul3A_800 {strides = array<i32>} : memref<80x128xf32, #tpu.memory_space<vmem>>, vector<16xf32>,
        %get3A_804 = arith.index_cast %add3A_747 : i32 to index
        %get3A_805 = arith.constant 112 : index
        %get3A_806 = tpu.vector_load %arg16[%get3A_804, %get3A_805] {strides = array<i32>} : memref<80x128xf32, #tpu.memory_space<vmem>>, vector<16xf32>,
        %mul3A_807 = vector.broadcast %squeeze3A_743 : f32 to vector<16xf32>
        %mul3A_808 = arith.mulf %get3A_806, %mul3A_807 : vector<16xf32>
        %swap3A_809 = arith.index_cast %add3A_747 : i32 to index
        %swap3A_810 = arith.constant 112 : index
        %swap3A_811 = tpu.vector_load %arg16[%swap3A_809, %swap3A_810] {strides = array<i32>} : memref<80x128xf32, #tpu.memory_space<vmem>>, vector<16xf32>,
        tpu.vector_store %arg16[%swap3A_809, %swap3A_810], %mul3A_808 {strides = array<i32>} : memref<80x128xf32, #tpu.memory_space<vmem>>, vector<16xf32>,
        %slice3A_812 = vector.extract_strided_slice %get3A_183 {offsets = [9], sizes = [1], strides = [1]} : vector<16xf32> to vector<1xf32>
        %squeeze3A_813 = vector.extract %slice3A_812[0] : f32 from vector<1xf32>
        %mul3A_814 = arith.constant 16 : i32
        %mul3A_815 = arith.muli %scan3A_179, %mul3A_814 : i32
        %add3A_816 = arith.constant 9 : i32
        %add3A_817 = arith.addi %mul3A_815, %add3A_816 : i32
        %get3A_818 = arith.index_cast %add3A_817 : i32 to index
        %get3A_819 = arith.constant 0 : index
        %get3A_820 = tpu.vector_load %arg16[%get3A_818, %get3A_819] {strides = array<i32>} : memref<80x128xf32, #tpu.memory_space<vmem>>, vector<16xf32>,
        %mul3A_821 = vector.broadcast %squeeze3A_813 : f32 to vector<16xf32>
        %mul3A_822 = arith.mulf %get3A_820, %mul3A_821 : vector<16xf32>
        %swap3A_823 = arith.index_cast %add3A_817 : i32 to index
        %swap3A_824 = arith.constant 0 : index
        %swap3A_825 = tpu.vector_load %arg16[%swap3A_823, %swap3A_824] {strides = array<i32>} : memref<80x128xf32, #tpu.memory_space<vmem>>, vector<16xf32>,
        tpu.vector_store %arg16[%swap3A_823, %swap3A_824], %mul3A_822 {strides = array<i32>} : memref<80x128xf32, #tpu.memory_space<vmem>>, vector<16xf32>,
        %get3A_826 = arith.index_cast %add3A_817 : i32 to index
        %get3A_827 = arith.constant 16 : index
        %get3A_828 = tpu.vector_load %arg16[%get3A_826, %get3A_827] {strides = array<i32>} : memref<80x128xf32, #tpu.memory_space<vmem>>, vector<16xf32>,
        %mul3A_829 = vector.broadcast %squeeze3A_813 : f32 to vector<16xf32>
        %mul3A_830 = arith.mulf %get3A_828, %mul3A_829 : vector<16xf32>
        %swap3A_831 = arith.index_cast %add3A_817 : i32 to index
        %swap3A_832 = arith.constant 16 : index
        %swap3A_833 = tpu.vector_load %arg16[%swap3A_831, %swap3A_832] {strides = array<i32>} : memref<80x128xf32, #tpu.memory_space<vmem>>, vector<16xf32>,
        tpu.vector_store %arg16[%swap3A_831, %swap3A_832], %mul3A_830 {strides = array<i32>} : memref<80x128xf32, #tpu.memory_space<vmem>>, vector<16xf32>,
        %get3A_834 = arith.index_cast %add3A_817 : i32 to index
        %get3A_835 = arith.constant 32 : index
        %get3A_836 = tpu.vector_load %arg16[%get3A_834, %get3A_835] {strides = array<i32>} : memref<80x128xf32, #tpu.memory_space<vmem>>, vector<16xf32>,
        %mul3A_837 = vector.broadcast %squeeze3A_813 : f32 to vector<16xf32>
        %mul3A_838 = arith.mulf %get3A_836, %mul3A_837 : vector<16xf32>
        %swap3A_839 = arith.index_cast %add3A_817 : i32 to index
        %swap3A_840 = arith.constant 32 : index
        %swap3A_841 = tpu.vector_load %arg16[%swap3A_839, %swap3A_840] {strides = array<i32>} : memref<80x128xf32, #tpu.memory_space<vmem>>, vector<16xf32>,
        tpu.vector_store %arg16[%swap3A_839, %swap3A_840], %mul3A_838 {strides = array<i32>} : memref<80x128xf32, #tpu.memory_space<vmem>>, vector<16xf32>,
        %get3A_842 = arith.index_cast %add3A_817 : i32 to index
        %get3A_843 = arith.constant 48 : index
        %get3A_844 = tpu.vector_load %arg16[%get3A_842, %get3A_843] {strides = array<i32>} : memref<80x128xf32, #tpu.memory_space<vmem>>, vector<16xf32>,
        %mul3A_845 = vector.broadcast %squeeze3A_813 : f32 to vector<16xf32>
        %mul3A_846 = arith.mulf %get3A_844, %mul3A_845 : vector<16xf32>
        %swap3A_847 = arith.index_cast %add3A_817 : i32 to index
        %swap3A_848 = arith.constant 48 : index
        %swap3A_849 = tpu.vector_load %arg16[%swap3A_847, %swap3A_848] {strides = array<i32>} : memref<80x128xf32, #tpu.memory_space<vmem>>, vector<16xf32>,
        tpu.vector_store %arg16[%swap3A_847, %swap3A_848], %mul3A_846 {strides = array<i32>} : memref<80x128xf32, #tpu.memory_space<vmem>>, vector<16xf32>,
        %get3A_850 = arith.index_cast %add3A_817 : i32 to index
        %get3A_851 = arith.constant 64 : index
        %get3A_852 = tpu.vector_load %arg16[%get3A_850, %get3A_851] {strides = array<i32>} : memref<80x128xf32, #tpu.memory_space<vmem>>, vector<16xf32>,
        %mul3A_853 = vector.broadcast %squeeze3A_813 : f32 to vector<16xf32>
        %mul3A_854 = arith.mulf %get3A_852, %mul3A_853 : vector<16xf32>
        %swap3A_855 = arith.index_cast %add3A_817 : i32 to index
        %swap3A_856 = arith.constant 64 : index
        %swap3A_857 = tpu.vector_load %arg16[%swap3A_855, %swap3A_856] {strides = array<i32>} : memref<80x128xf32, #tpu.memory_space<vmem>>, vector<16xf32>,
        tpu.vector_store %arg16[%swap3A_855, %swap3A_856], %mul3A_854 {strides = array<i32>} : memref<80x128xf32, #tpu.memory_space<vmem>>, vector<16xf32>,
        %get3A_858 = arith.index_cast %add3A_817 : i32 to index
        %get3A_859 = arith.constant 80 : index
        %get3A_860 = tpu.vector_load %arg16[%get3A_858, %get3A_859] {strides = array<i32>} : memref<80x128xf32, #tpu.memory_space<vmem>>, vector<16xf32>,
        %mul3A_861 = vector.broadcast %squeeze3A_813 : f32 to vector<16xf32>
        %mul3A_862 = arith.mulf %get3A_860, %mul3A_861 : vector<16xf32>
        %swap3A_863 = arith.index_cast %add3A_817 : i32 to index
        %swap3A_864 = arith.constant 80 : index
        %swap3A_865 = tpu.vector_load %arg16[%swap3A_863, %swap3A_864] {strides = array<i32>} : memref<80x128xf32, #tpu.memory_space<vmem>>, vector<16xf32>,
        tpu.vector_store %arg16[%swap3A_863, %swap3A_864], %mul3A_862 {strides = array<i32>} : memref<80x128xf32, #tpu.memory_space<vmem>>, vector<16xf32>,
        %get3A_866 = arith.index_cast %add3A_817 : i32 to index
        %get3A_867 = arith.constant 96 : index
        %get3A_868 = tpu.vector_load %arg16[%get3A_866, %get3A_867] {strides = array<i32>} : memref<80x128xf32, #tpu.memory_space<vmem>>, vector<16xf32>,
        %mul3A_869 = vector.broadcast %squeeze3A_813 : f32 to vector<16xf32>
        %mul3A_870 = arith.mulf %get3A_868, %mul3A_869 : vector<16xf32>
        %swap3A_871 = arith.index_cast %add3A_817 : i32 to index
        %swap3A_872 = arith.constant 96 : index
        %swap3A_873 = tpu.vector_load %arg16[%swap3A_871, %swap3A_872] {strides = array<i32>} : memref<80x128xf32, #tpu.memory_space<vmem>>, vector<16xf32>,
        tpu.vector_store %arg16[%swap3A_871, %swap3A_872], %mul3A_870 {strides = array<i32>} : memref<80x128xf32, #tpu.memory_space<vmem>>, vector<16xf32>,
        %get3A_874 = arith.index_cast %add3A_817 : i32 to index
        %get3A_875 = arith.constant 112 : index
        %get3A_876 = tpu.vector_load %arg16[%get3A_874, %get3A_875] {strides = array<i32>} : memref<80x128xf32, #tpu.memory_space<vmem>>, vector<16xf32>,
        %mul3A_877 = vector.broadcast %squeeze3A_813 : f32 to vector<16xf32>
        %mul3A_878 = arith.mulf %get3A_876, %mul3A_877 : vector<16xf32>
        %swap3A_879 = arith.index_cast %add3A_817 : i32 to index
        %swap3A_880 = arith.constant 112 : index
        %swap3A_881 = tpu.vector_load %arg16[%swap3A_879, %swap3A_880] {strides = array<i32>} : memref<80x128xf32, #tpu.memory_space<vmem>>, vector<16xf32>,
        tpu.vector_store %arg16[%swap3A_879, %swap3A_880], %mul3A_878 {strides = array<i32>} : memref<80x128xf32, #tpu.memory_space<vmem>>, vector<16xf32>,
        %slice3A_882 = vector.extract_strided_slice %get3A_183 {offsets = [10], sizes = [1], strides = [1]} : vector<16xf32> to vector<1xf32>
        %squeeze3A_883 = vector.extract %slice3A_882[0] : f32 from vector<1xf32>
        %mul3A_884 = arith.constant 16 : i32
        %mul3A_885 = arith.muli %scan3A_179, %mul3A_884 : i32
        %add3A_886 = arith.constant 10 : i32
        %add3A_887 = arith.addi %mul3A_885, %add3A_886 : i32
        %get3A_888 = arith.index_cast %add3A_887 : i32 to index
        %get3A_889 = arith.constant 0 : index
        %get3A_890 = tpu.vector_load %arg16[%get3A_888, %get3A_889] {strides = array<i32>} : memref<80x128xf32, #tpu.memory_space<vmem>>, vector<16xf32>,
        %mul3A_891 = vector.broadcast %squeeze3A_883 : f32 to vector<16xf32>
        %mul3A_892 = arith.mulf %get3A_890, %mul3A_891 : vector<16xf32>
        %swap3A_893 = arith.index_cast %add3A_887 : i32 to index
        %swap3A_894 = arith.constant 0 : index
        %swap3A_895 = tpu.vector_load %arg16[%swap3A_893, %swap3A_894] {strides = array<i32>} : memref<80x128xf32, #tpu.memory_space<vmem>>, vector<16xf32>,
        tpu.vector_store %arg16[%swap3A_893, %swap3A_894], %mul3A_892 {strides = array<i32>} : memref<80x128xf32, #tpu.memory_space<vmem>>, vector<16xf32>,
        %get3A_896 = arith.index_cast %add3A_887 : i32 to index
        %get3A_897 = arith.constant 16 : index
        %get3A_898 = tpu.vector_load %arg16[%get3A_896, %get3A_897] {strides = array<i32>} : memref<80x128xf32, #tpu.memory_space<vmem>>, vector<16xf32>,
        %mul3A_899 = vector.broadcast %squeeze3A_883 : f32 to vector<16xf32>
        %mul3A_900 = arith.mulf %get3A_898, %mul3A_899 : vector<16xf32>
        %swap3A_901 = arith.index_cast %add3A_887 : i32 to index
        %swap3A_902 = arith.constant 16 : index
        %swap3A_903 = tpu.vector_load %arg16[%swap3A_901, %swap3A_902] {strides = array<i32>} : memref<80x128xf32, #tpu.memory_space<vmem>>, vector<16xf32>,
        tpu.vector_store %arg16[%swap3A_901, %swap3A_902], %mul3A_900 {strides = array<i32>} : memref<80x128xf32, #tpu.memory_space<vmem>>, vector<16xf32>,
        %get3A_904 = arith.index_cast %add3A_887 : i32 to index
        %get3A_905 = arith.constant 32 : index
        %get3A_906 = tpu.vector_load %arg16[%get3A_904, %get3A_905] {strides = array<i32>} : memref<80x128xf32, #tpu.memory_space<vmem>>, vector<16xf32>,
        %mul3A_907 = vector.broadcast %squeeze3A_883 : f32 to vector<16xf32>
        %mul3A_908 = arith.mulf %get3A_906, %mul3A_907 : vector<16xf32>
        %swap3A_909 = arith.index_cast %add3A_887 : i32 to index
        %swap3A_910 = arith.constant 32 : index
        %swap3A_911 = tpu.vector_load %arg16[%swap3A_909, %swap3A_910] {strides = array<i32>} : memref<80x128xf32, #tpu.memory_space<vmem>>, vector<16xf32>,
        tpu.vector_store %arg16[%swap3A_909, %swap3A_910], %mul3A_908 {strides = array<i32>} : memref<80x128xf32, #tpu.memory_space<vmem>>, vector<16xf32>,
        %get3A_912 = arith.index_cast %add3A_887 : i32 to index
        %get3A_913 = arith.constant 48 : index
        %get3A_914 = tpu.vector_load %arg16[%get3A_912, %get3A_913] {strides = array<i32>} : memref<80x128xf32, #tpu.memory_space<vmem>>, vector<16xf32>,
        %mul3A_915 = vector.broadcast %squeeze3A_883 : f32 to vector<16xf32>
        %mul3A_916 = arith.mulf %get3A_914, %mul3A_915 : vector<16xf32>
        %swap3A_917 = arith.index_cast %add3A_887 : i32 to index
        %swap3A_918 = arith.constant 48 : index
        %swap3A_919 = tpu.vector_load %arg16[%swap3A_917, %swap3A_918] {strides = array<i32>} : memref<80x128xf32, #tpu.memory_space<vmem>>, vector<16xf32>,
        tpu.vector_store %arg16[%swap3A_917, %swap3A_918], %mul3A_916 {strides = array<i32>} : memref<80x128xf32, #tpu.memory_space<vmem>>, vector<16xf32>,
        %get3A_920 = arith.index_cast %add3A_887 : i32 to index
        %get3A_921 = arith.constant 64 : index
        %get3A_922 = tpu.vector_load %arg16[%get3A_920, %get3A_921] {strides = array<i32>} : memref<80x128xf32, #tpu.memory_space<vmem>>, vector<16xf32>,
        %mul3A_923 = vector.broadcast %squeeze3A_883 : f32 to vector<16xf32>
        %mul3A_924 = arith.mulf %get3A_922, %mul3A_923 : vector<16xf32>
        %swap3A_925 = arith.index_cast %add3A_887 : i32 to index
        %swap3A_926 = arith.constant 64 : index
        %swap3A_927 = tpu.vector_load %arg16[%swap3A_925, %swap3A_926] {strides = array<i32>} : memref<80x128xf32, #tpu.memory_space<vmem>>, vector<16xf32>,
        tpu.vector_store %arg16[%swap3A_925, %swap3A_926], %mul3A_924 {strides = array<i32>} : memref<80x128xf32, #tpu.memory_space<vmem>>, vector<16xf32>,
        %get3A_928 = arith.index_cast %add3A_887 : i32 to index
        %get3A_929 = arith.constant 80 : index
        %get3A_930 = tpu.vector_load %arg16[%get3A_928, %get3A_929] {strides = array<i32>} : memref<80x128xf32, #tpu.memory_space<vmem>>, vector<16xf32>,
        %mul3A_931 = vector.broadcast %squeeze3A_883 : f32 to vector<16xf32>
        %mul3A_932 = arith.mulf %get3A_930, %mul3A_931 : vector<16xf32>
        %swap3A_933 = arith.index_cast %add3A_887 : i32 to index
        %swap3A_934 = arith.constant 80 : index
        %swap3A_935 = tpu.vector_load %arg16[%swap3A_933, %swap3A_934] {strides = array<i32>} : memref<80x128xf32, #tpu.memory_space<vmem>>, vector<16xf32>,
        tpu.vector_store %arg16[%swap3A_933, %swap3A_934], %mul3A_932 {strides = array<i32>} : memref<80x128xf32, #tpu.memory_space<vmem>>, vector<16xf32>,
        %get3A_936 = arith.index_cast %add3A_887 : i32 to index
        %get3A_937 = arith.constant 96 : index
        %get3A_938 = tpu.vector_load %arg16[%get3A_936, %get3A_937] {strides = array<i32>} : memref<80x128xf32, #tpu.memory_space<vmem>>, vector<16xf32>,
        %mul3A_939 = vector.broadcast %squeeze3A_883 : f32 to vector<16xf32>
        %mul3A_940 = arith.mulf %get3A_938, %mul3A_939 : vector<16xf32>
        %swap3A_941 = arith.index_cast %add3A_887 : i32 to index
        %swap3A_942 = arith.constant 96 : index
        %swap3A_943 = tpu.vector_load %arg16[%swap3A_941, %swap3A_942] {strides = array<i32>} : memref<80x128xf32, #tpu.memory_space<vmem>>, vector<16xf32>,
        tpu.vector_store %arg16[%swap3A_941, %swap3A_942], %mul3A_940 {strides = array<i32>} : memref<80x128xf32, #tpu.memory_space<vmem>>, vector<16xf32>,
        %get3A_944 = arith.index_cast %add3A_887 : i32 to index
        %get3A_945 = arith.constant 112 : index
        %get3A_946 = tpu.vector_load %arg16[%get3A_944, %get3A_945] {strides = array<i32>} : memref<80x128xf32, #tpu.memory_space<vmem>>, vector<16xf32>,
        %mul3A_947 = vector.broadcast %squeeze3A_883 : f32 to vector<16xf32>
        %mul3A_948 = arith.mulf %get3A_946, %mul3A_947 : vector<16xf32>
        %swap3A_949 = arith.index_cast %add3A_887 : i32 to index
        %swap3A_950 = arith.constant 112 : index
        %swap3A_951 = tpu.vector_load %arg16[%swap3A_949, %swap3A_950] {strides = array<i32>} : memref<80x128xf32, #tpu.memory_space<vmem>>, vector<16xf32>,
        tpu.vector_store %arg16[%swap3A_949, %swap3A_950], %mul3A_948 {strides = array<i32>} : memref<80x128xf32, #tpu.memory_space<vmem>>, vector<16xf32>,
        %slice3A_952 = vector.extract_strided_slice %get3A_183 {offsets = [11], sizes = [1], strides = [1]} : vector<16xf32> to vector<1xf32>
        %squeeze3A_953 = vector.extract %slice3A_952[0] : f32 from vector<1xf32>
        %mul3A_954 = arith.constant 16 : i32
        %mul3A_955 = arith.muli %scan3A_179, %mul3A_954 : i32
        %add3A_956 = arith.constant 11 : i32
        %add3A_957 = arith.addi %mul3A_955, %add3A_956 : i32
        %get3A_958 = arith.index_cast %add3A_957 : i32 to index
        %get3A_959 = arith.constant 0 : index
        %get3A_960 = tpu.vector_load %arg16[%get3A_958, %get3A_959] {strides = array<i32>} : memref<80x128xf32, #tpu.memory_space<vmem>>, vector<16xf32>,
        %mul3A_961 = vector.broadcast %squeeze3A_953 : f32 to vector<16xf32>
        %mul3A_962 = arith.mulf %get3A_960, %mul3A_961 : vector<16xf32>
        %swap3A_963 = arith.index_cast %add3A_957 : i32 to index
        %swap3A_964 = arith.constant 0 : index
        %swap3A_965 = tpu.vector_load %arg16[%swap3A_963, %swap3A_964] {strides = array<i32>} : memref<80x128xf32, #tpu.memory_space<vmem>>, vector<16xf32>,
        tpu.vector_store %arg16[%swap3A_963, %swap3A_964], %mul3A_962 {strides = array<i32>} : memref<80x128xf32, #tpu.memory_space<vmem>>, vector<16xf32>,
        %get3A_966 = arith.index_cast %add3A_957 : i32 to index
        %get3A_967 = arith.constant 16 : index
        %get3A_968 = tpu.vector_load %arg16[%get3A_966, %get3A_967] {strides = array<i32>} : memref<80x128xf32, #tpu.memory_space<vmem>>, vector<16xf32>,
        %mul3A_969 = vector.broadcast %squeeze3A_953 : f32 to vector<16xf32>
        %mul3A_970 = arith.mulf %get3A_968, %mul3A_969 : vector<16xf32>
        %swap3A_971 = arith.index_cast %add3A_957 : i32 to index
        %swap3A_972 = arith.constant 16 : index
        %swap3A_973 = tpu.vector_load %arg16[%swap3A_971, %swap3A_972] {strides = array<i32>} : memref<80x128xf32, #tpu.memory_space<vmem>>, vector<16xf32>,
        tpu.vector_store %arg16[%swap3A_971, %swap3A_972], %mul3A_970 {strides = array<i32>} : memref<80x128xf32, #tpu.memory_space<vmem>>, vector<16xf32>,
        %get3A_974 = arith.index_cast %add3A_957 : i32 to index
        %get3A_975 = arith.constant 32 : index
        %get3A_976 = tpu.vector_load %arg16[%get3A_974, %get3A_975] {strides = array<i32>} : memref<80x128xf32, #tpu.memory_space<vmem>>, vector<16xf32>,
        %mul3A_977 = vector.broadcast %squeeze3A_953 : f32 to vector<16xf32>
        %mul3A_978 = arith.mulf %get3A_976, %mul3A_977 : vector<16xf32>
        %swap3A_979 = arith.index_cast %add3A_957 : i32 to index
        %swap3A_980 = arith.constant 32 : index
        %swap3A_981 = tpu.vector_load %arg16[%swap3A_979, %swap3A_980] {strides = array<i32>} : memref<80x128xf32, #tpu.memory_space<vmem>>, vector<16xf32>,
        tpu.vector_store %arg16[%swap3A_979, %swap3A_980], %mul3A_978 {strides = array<i32>} : memref<80x128xf32, #tpu.memory_space<vmem>>, vector<16xf32>,
        %get3A_982 = arith.index_cast %add3A_957 : i32 to index
        %get3A_983 = arith.constant 48 : index
        %get3A_984 = tpu.vector_load %arg16[%get3A_982, %get3A_983] {strides = array<i32>} : memref<80x128xf32, #tpu.memory_space<vmem>>, vector<16xf32>,
        %mul3A_985 = vector.broadcast %squeeze3A_953 : f32 to vector<16xf32>
        %mul3A_986 = arith.mulf %get3A_984, %mul3A_985 : vector<16xf32>
        %swap3A_987 = arith.index_cast %add3A_957 : i32 to index
        %swap3A_988 = arith.constant 48 : index
        %swap3A_989 = tpu.vector_load %arg16[%swap3A_987, %swap3A_988] {strides = array<i32>} : memref<80x128xf32, #tpu.memory_space<vmem>>, vector<16xf32>,
        tpu.vector_store %arg16[%swap3A_987, %swap3A_988], %mul3A_986 {strides = array<i32>} : memref<80x128xf32, #tpu.memory_space<vmem>>, vector<16xf32>,
        %get3A_990 = arith.index_cast %add3A_957 : i32 to index
        %get3A_991 = arith.constant 64 : index
        %get3A_992 = tpu.vector_load %arg16[%get3A_990, %get3A_991] {strides = array<i32>} : memref<80x128xf32, #tpu.memory_space<vmem>>, vector<16xf32>,
        %mul3A_993 = vector.broadcast %squeeze3A_953 : f32 to vector<16xf32>
        %mul3A_994 = arith.mulf %get3A_992, %mul3A_993 : vector<16xf32>
        %swap3A_995 = arith.index_cast %add3A_957 : i32 to index
        %swap3A_996 = arith.constant 64 : index
        %swap3A_997 = tpu.vector_load %arg16[%swap3A_995, %swap3A_996] {strides = array<i32>} : memref<80x128xf32, #tpu.memory_space<vmem>>, vector<16xf32>,
        tpu.vector_store %arg16[%swap3A_995, %swap3A_996], %mul3A_994 {strides = array<i32>} : memref<80x128xf32, #tpu.memory_space<vmem>>, vector<16xf32>,
        %get3A_998 = arith.index_cast %add3A_957 : i32 to index
        %get3A_999 = arith.constant 80 : index
        %get3A_1000 = tpu.vector_load %arg16[%get3A_998, %get3A_999] {strides = array<i32>} : memref<80x128xf32, #tpu.memory_space<vmem>>, vector<16xf32>,
        %mul3A_1001 = vector.broadcast %squeeze3A_953 : f32 to vector<16xf32>
        %mul3A_1002 = arith.mulf %get3A_1000, %mul3A_1001 : vector<16xf32>
        %swap3A_1003 = arith.index_cast %add3A_957 : i32 to index
        %swap3A_1004 = arith.constant 80 : index
        %swap3A_1005 = tpu.vector_load %arg16[%swap3A_1003, %swap3A_1004] {strides = array<i32>} : memref<80x128xf32, #tpu.memory_space<vmem>>, vector<16xf32>,
        tpu.vector_store %arg16[%swap3A_1003, %swap3A_1004], %mul3A_1002 {strides = array<i32>} : memref<80x128xf32, #tpu.memory_space<vmem>>, vector<16xf32>,
        %get3A_1006 = arith.index_cast %add3A_957 : i32 to index
        %get3A_1007 = arith.constant 96 : index
        %get3A_1008 = tpu.vector_load %arg16[%get3A_1006, %get3A_1007] {strides = array<i32>} : memref<80x128xf32, #tpu.memory_space<vmem>>, vector<16xf32>,
        %mul3A_1009 = vector.broadcast %squeeze3A_953 : f32 to vector<16xf32>
        %mul3A_1010 = arith.mulf %get3A_1008, %mul3A_1009 : vector<16xf32>
        %swap3A_1011 = arith.index_cast %add3A_957 : i32 to index
        %swap3A_1012 = arith.constant 96 : index
        %swap3A_1013 = tpu.vector_load %arg16[%swap3A_1011, %swap3A_1012] {strides = array<i32>} : memref<80x128xf32, #tpu.memory_space<vmem>>, vector<16xf32>,
        tpu.vector_store %arg16[%swap3A_1011, %swap3A_1012], %mul3A_1010 {strides = array<i32>} : memref<80x128xf32, #tpu.memory_space<vmem>>, vector<16xf32>,
        %get3A_1014 = arith.index_cast %add3A_957 : i32 to index
        %get3A_1015 = arith.constant 112 : index
        %get3A_1016 = tpu.vector_load %arg16[%get3A_1014, %get3A_1015] {strides = array<i32>} : memref<80x128xf32, #tpu.memory_space<vmem>>, vector<16xf32>,
        %mul3A_1017 = vector.broadcast %squeeze3A_953 : f32 to vector<16xf32>
        %mul3A_1018 = arith.mulf %get3A_1016, %mul3A_1017 : vector<16xf32>
        %swap3A_1019 = arith.index_cast %add3A_957 : i32 to index
        %swap3A_1020 = arith.constant 112 : index
        %swap3A_1021 = tpu.vector_load %arg16[%swap3A_1019, %swap3A_1020] {strides = array<i32>} : memref<80x128xf32, #tpu.memory_space<vmem>>, vector<16xf32>,
        tpu.vector_store %arg16[%swap3A_1019, %swap3A_1020], %mul3A_1018 {strides = array<i32>} : memref<80x128xf32, #tpu.memory_space<vmem>>, vector<16xf32>,
        %slice3A_1022 = vector.extract_strided_slice %get3A_183 {offsets = [12], sizes = [1], strides = [1]} : vector<16xf32> to vector<1xf32>
        %squeeze3A_1023 = vector.extract %slice3A_1022[0] : f32 from vector<1xf32>
        %mul3A_1024 = arith.constant 16 : i32
        %mul3A_1025 = arith.muli %scan3A_179, %mul3A_1024 : i32
        %add3A_1026 = arith.constant 12 : i32
        %add3A_1027 = arith.addi %mul3A_1025, %add3A_1026 : i32
        %get3A_1028 = arith.index_cast %add3A_1027 : i32 to index
        %get3A_1029 = arith.constant 0 : index
        %get3A_1030 = tpu.vector_load %arg16[%get3A_1028, %get3A_1029] {strides = array<i32>} : memref<80x128xf32, #tpu.memory_space<vmem>>, vector<16xf32>,
        %mul3A_1031 = vector.broadcast %squeeze3A_1023 : f32 to vector<16xf32>
        %mul3A_1032 = arith.mulf %get3A_1030, %mul3A_1031 : vector<16xf32>
        %swap3A_1033 = arith.index_cast %add3A_1027 : i32 to index
        %swap3A_1034 = arith.constant 0 : index
        %swap3A_1035 = tpu.vector_load %arg16[%swap3A_1033, %swap3A_1034] {strides = array<i32>} : memref<80x128xf32, #tpu.memory_space<vmem>>, vector<16xf32>,
        tpu.vector_store %arg16[%swap3A_1033, %swap3A_1034], %mul3A_1032 {strides = array<i32>} : memref<80x128xf32, #tpu.memory_space<vmem>>, vector<16xf32>,
        %get3A_1036 = arith.index_cast %add3A_1027 : i32 to index
        %get3A_1037 = arith.constant 16 : index
        %get3A_1038 = tpu.vector_load %arg16[%get3A_1036, %get3A_1037] {strides = array<i32>} : memref<80x128xf32, #tpu.memory_space<vmem>>, vector<16xf32>,
        %mul3A_1039 = vector.broadcast %squeeze3A_1023 : f32 to vector<16xf32>
        %mul3A_1040 = arith.mulf %get3A_1038, %mul3A_1039 : vector<16xf32>
        %swap3A_1041 = arith.index_cast %add3A_1027 : i32 to index
        %swap3A_1042 = arith.constant 16 : index
        %swap3A_1043 = tpu.vector_load %arg16[%swap3A_1041, %swap3A_1042] {strides = array<i32>} : memref<80x128xf32, #tpu.memory_space<vmem>>, vector<16xf32>,
        tpu.vector_store %arg16[%swap3A_1041, %swap3A_1042], %mul3A_1040 {strides = array<i32>} : memref<80x128xf32, #tpu.memory_space<vmem>>, vector<16xf32>,
        %get3A_1044 = arith.index_cast %add3A_1027 : i32 to index
        %get3A_1045 = arith.constant 32 : index
        %get3A_1046 = tpu.vector_load %arg16[%get3A_1044, %get3A_1045] {strides = array<i32>} : memref<80x128xf32, #tpu.memory_space<vmem>>, vector<16xf32>,
        %mul3A_1047 = vector.broadcast %squeeze3A_1023 : f32 to vector<16xf32>
        %mul3A_1048 = arith.mulf %get3A_1046, %mul3A_1047 : vector<16xf32>
        %swap3A_1049 = arith.index_cast %add3A_1027 : i32 to index
        %swap3A_1050 = arith.constant 32 : index
        %swap3A_1051 = tpu.vector_load %arg16[%swap3A_1049, %swap3A_1050] {strides = array<i32>} : memref<80x128xf32, #tpu.memory_space<vmem>>, vector<16xf32>,
        tpu.vector_store %arg16[%swap3A_1049, %swap3A_1050], %mul3A_1048 {strides = array<i32>} : memref<80x128xf32, #tpu.memory_space<vmem>>, vector<16xf32>,
        %get3A_1052 = arith.index_cast %add3A_1027 : i32 to index
        %get3A_1053 = arith.constant 48 : index
        %get3A_1054 = tpu.vector_load %arg16[%get3A_1052, %get3A_1053] {strides = array<i32>} : memref<80x128xf32, #tpu.memory_space<vmem>>, vector<16xf32>,
        %mul3A_1055 = vector.broadcast %squeeze3A_1023 : f32 to vector<16xf32>
        %mul3A_1056 = arith.mulf %get3A_1054, %mul3A_1055 : vector<16xf32>
        %swap3A_1057 = arith.index_cast %add3A_1027 : i32 to index
        %swap3A_1058 = arith.constant 48 : index
        %swap3A_1059 = tpu.vector_load %arg16[%swap3A_1057, %swap3A_1058] {strides = array<i32>} : memref<80x128xf32, #tpu.memory_space<vmem>>, vector<16xf32>,
        tpu.vector_store %arg16[%swap3A_1057, %swap3A_1058], %mul3A_1056 {strides = array<i32>} : memref<80x128xf32, #tpu.memory_space<vmem>>, vector<16xf32>,
        %get3A_1060 = arith.index_cast %add3A_1027 : i32 to index
        %get3A_1061 = arith.constant 64 : index
        %get3A_1062 = tpu.vector_load %arg16[%get3A_1060, %get3A_1061] {strides = array<i32>} : memref<80x128xf32, #tpu.memory_space<vmem>>, vector<16xf32>,
        %mul3A_1063 = vector.broadcast %squeeze3A_1023 : f32 to vector<16xf32>
        %mul3A_1064 = arith.mulf %get3A_1062, %mul3A_1063 : vector<16xf32>
        %swap3A_1065 = arith.index_cast %add3A_1027 : i32 to index
        %swap3A_1066 = arith.constant 64 : index
        %swap3A_1067 = tpu.vector_load %arg16[%swap3A_1065, %swap3A_1066] {strides = array<i32>} : memref<80x128xf32, #tpu.memory_space<vmem>>, vector<16xf32>,
        tpu.vector_store %arg16[%swap3A_1065, %swap3A_1066], %mul3A_1064 {strides = array<i32>} : memref<80x128xf32, #tpu.memory_space<vmem>>, vector<16xf32>,
        %get3A_1068 = arith.index_cast %add3A_1027 : i32 to index
        %get3A_1069 = arith.constant 80 : index
        %get3A_1070 = tpu.vector_load %arg16[%get3A_1068, %get3A_1069] {strides = array<i32>} : memref<80x128xf32, #tpu.memory_space<vmem>>, vector<16xf32>,
        %mul3A_1071 = vector.broadcast %squeeze3A_1023 : f32 to vector<16xf32>
        %mul3A_1072 = arith.mulf %get3A_1070, %mul3A_1071 : vector<16xf32>
        %swap3A_1073 = arith.index_cast %add3A_1027 : i32 to index
        %swap3A_1074 = arith.constant 80 : index
        %swap3A_1075 = tpu.vector_load %arg16[%swap3A_1073, %swap3A_1074] {strides = array<i32>} : memref<80x128xf32, #tpu.memory_space<vmem>>, vector<16xf32>,
        tpu.vector_store %arg16[%swap3A_1073, %swap3A_1074], %mul3A_1072 {strides = array<i32>} : memref<80x128xf32, #tpu.memory_space<vmem>>, vector<16xf32>,
        %get3A_1076 = arith.index_cast %add3A_1027 : i32 to index
        %get3A_1077 = arith.constant 96 : index
        %get3A_1078 = tpu.vector_load %arg16[%get3A_1076, %get3A_1077] {strides = array<i32>} : memref<80x128xf32, #tpu.memory_space<vmem>>, vector<16xf32>,
        %mul3A_1079 = vector.broadcast %squeeze3A_1023 : f32 to vector<16xf32>
        %mul3A_1080 = arith.mulf %get3A_1078, %mul3A_1079 : vector<16xf32>
        %swap3A_1081 = arith.index_cast %add3A_1027 : i32 to index
        %swap3A_1082 = arith.constant 96 : index
        %swap3A_1083 = tpu.vector_load %arg16[%swap3A_1081, %swap3A_1082] {strides = array<i32>} : memref<80x128xf32, #tpu.memory_space<vmem>>, vector<16xf32>,
        tpu.vector_store %arg16[%swap3A_1081, %swap3A_1082], %mul3A_1080 {strides = array<i32>} : memref<80x128xf32, #tpu.memory_space<vmem>>, vector<16xf32>,
        %get3A_1084 = arith.index_cast %add3A_1027 : i32 to index
        %get3A_1085 = arith.constant 112 : index
        %get3A_1086 = tpu.vector_load %arg16[%get3A_1084, %get3A_1085] {strides = array<i32>} : memref<80x128xf32, #tpu.memory_space<vmem>>, vector<16xf32>,
        %mul3A_1087 = vector.broadcast %squeeze3A_1023 : f32 to vector<16xf32>
        %mul3A_1088 = arith.mulf %get3A_1086, %mul3A_1087 : vector<16xf32>
        %swap3A_1089 = arith.index_cast %add3A_1027 : i32 to index
        %swap3A_1090 = arith.constant 112 : index
        %swap3A_1091 = tpu.vector_load %arg16[%swap3A_1089, %swap3A_1090] {strides = array<i32>} : memref<80x128xf32, #tpu.memory_space<vmem>>, vector<16xf32>,
        tpu.vector_store %arg16[%swap3A_1089, %swap3A_1090], %mul3A_1088 {strides = array<i32>} : memref<80x128xf32, #tpu.memory_space<vmem>>, vector<16xf32>,
        %slice3A_1092 = vector.extract_strided_slice %get3A_183 {offsets = [13], sizes = [1], strides = [1]} : vector<16xf32> to vector<1xf32>
        %squeeze3A_1093 = vector.extract %slice3A_1092[0] : f32 from vector<1xf32>
        %mul3A_1094 = arith.constant 16 : i32
        %mul3A_1095 = arith.muli %scan3A_179, %mul3A_1094 : i32
        %add3A_1096 = arith.constant 13 : i32
        %add3A_1097 = arith.addi %mul3A_1095, %add3A_1096 : i32
        %get3A_1098 = arith.index_cast %add3A_1097 : i32 to index
        %get3A_1099 = arith.constant 0 : index
        %get3A_1100 = tpu.vector_load %arg16[%get3A_1098, %get3A_1099] {strides = array<i32>} : memref<80x128xf32, #tpu.memory_space<vmem>>, vector<16xf32>,
        %mul3A_1101 = vector.broadcast %squeeze3A_1093 : f32 to vector<16xf32>
        %mul3A_1102 = arith.mulf %get3A_1100, %mul3A_1101 : vector<16xf32>
        %swap3A_1103 = arith.index_cast %add3A_1097 : i32 to index
        %swap3A_1104 = arith.constant 0 : index
        %swap3A_1105 = tpu.vector_load %arg16[%swap3A_1103, %swap3A_1104] {strides = array<i32>} : memref<80x128xf32, #tpu.memory_space<vmem>>, vector<16xf32>,
        tpu.vector_store %arg16[%swap3A_1103, %swap3A_1104], %mul3A_1102 {strides = array<i32>} : memref<80x128xf32, #tpu.memory_space<vmem>>, vector<16xf32>,
        %get3A_1106 = arith.index_cast %add3A_1097 : i32 to index
        %get3A_1107 = arith.constant 16 : index
        %get3A_1108 = tpu.vector_load %arg16[%get3A_1106, %get3A_1107] {strides = array<i32>} : memref<80x128xf32, #tpu.memory_space<vmem>>, vector<16xf32>,
        %mul3A_1109 = vector.broadcast %squeeze3A_1093 : f32 to vector<16xf32>
        %mul3A_1110 = arith.mulf %get3A_1108, %mul3A_1109 : vector<16xf32>
        %swap3A_1111 = arith.index_cast %add3A_1097 : i32 to index
        %swap3A_1112 = arith.constant 16 : index
        %swap3A_1113 = tpu.vector_load %arg16[%swap3A_1111, %swap3A_1112] {strides = array<i32>} : memref<80x128xf32, #tpu.memory_space<vmem>>, vector<16xf32>,
        tpu.vector_store %arg16[%swap3A_1111, %swap3A_1112], %mul3A_1110 {strides = array<i32>} : memref<80x128xf32, #tpu.memory_space<vmem>>, vector<16xf32>,
        %get3A_1114 = arith.index_cast %add3A_1097 : i32 to index
        %get3A_1115 = arith.constant 32 : index
        %get3A_1116 = tpu.vector_load %arg16[%get3A_1114, %get3A_1115] {strides = array<i32>} : memref<80x128xf32, #tpu.memory_space<vmem>>, vector<16xf32>,
        %mul3A_1117 = vector.broadcast %squeeze3A_1093 : f32 to vector<16xf32>
        %mul3A_1118 = arith.mulf %get3A_1116, %mul3A_1117 : vector<16xf32>
        %swap3A_1119 = arith.index_cast %add3A_1097 : i32 to index
        %swap3A_1120 = arith.constant 32 : index
        %swap3A_1121 = tpu.vector_load %arg16[%swap3A_1119, %swap3A_1120] {strides = array<i32>} : memref<80x128xf32, #tpu.memory_space<vmem>>, vector<16xf32>,
        tpu.vector_store %arg16[%swap3A_1119, %swap3A_1120], %mul3A_1118 {strides = array<i32>} : memref<80x128xf32, #tpu.memory_space<vmem>>, vector<16xf32>,
        %get3A_1122 = arith.index_cast %add3A_1097 : i32 to index
        %get3A_1123 = arith.constant 48 : index
        %get3A_1124 = tpu.vector_load %arg16[%get3A_1122, %get3A_1123] {strides = array<i32>} : memref<80x128xf32, #tpu.memory_space<vmem>>, vector<16xf32>,
        %mul3A_1125 = vector.broadcast %squeeze3A_1093 : f32 to vector<16xf32>
        %mul3A_1126 = arith.mulf %get3A_1124, %mul3A_1125 : vector<16xf32>
        %swap3A_1127 = arith.index_cast %add3A_1097 : i32 to index
        %swap3A_1128 = arith.constant 48 : index
        %swap3A_1129 = tpu.vector_load %arg16[%swap3A_1127, %swap3A_1128] {strides = array<i32>} : memref<80x128xf32, #tpu.memory_space<vmem>>, vector<16xf32>,
        tpu.vector_store %arg16[%swap3A_1127, %swap3A_1128], %mul3A_1126 {strides = array<i32>} : memref<80x128xf32, #tpu.memory_space<vmem>>, vector<16xf32>,
        %get3A_1130 = arith.index_cast %add3A_1097 : i32 to index
        %get3A_1131 = arith.constant 64 : index
        %get3A_1132 = tpu.vector_load %arg16[%get3A_1130, %get3A_1131] {strides = array<i32>} : memref<80x128xf32, #tpu.memory_space<vmem>>, vector<16xf32>,
        %mul3A_1133 = vector.broadcast %squeeze3A_1093 : f32 to vector<16xf32>
        %mul3A_1134 = arith.mulf %get3A_1132, %mul3A_1133 : vector<16xf32>
        %swap3A_1135 = arith.index_cast %add3A_1097 : i32 to index
        %swap3A_1136 = arith.constant 64 : index
        %swap3A_1137 = tpu.vector_load %arg16[%swap3A_1135, %swap3A_1136] {strides = array<i32>} : memref<80x128xf32, #tpu.memory_space<vmem>>, vector<16xf32>,
        tpu.vector_store %arg16[%swap3A_1135, %swap3A_1136], %mul3A_1134 {strides = array<i32>} : memref<80x128xf32, #tpu.memory_space<vmem>>, vector<16xf32>,
        %get3A_1138 = arith.index_cast %add3A_1097 : i32 to index
        %get3A_1139 = arith.constant 80 : index
        %get3A_1140 = tpu.vector_load %arg16[%get3A_1138, %get3A_1139] {strides = array<i32>} : memref<80x128xf32, #tpu.memory_space<vmem>>, vector<16xf32>,
        %mul3A_1141 = vector.broadcast %squeeze3A_1093 : f32 to vector<16xf32>
        %mul3A_1142 = arith.mulf %get3A_1140, %mul3A_1141 : vector<16xf32>
        %swap3A_1143 = arith.index_cast %add3A_1097 : i32 to index
        %swap3A_1144 = arith.constant 80 : index
        %swap3A_1145 = tpu.vector_load %arg16[%swap3A_1143, %swap3A_1144] {strides = array<i32>} : memref<80x128xf32, #tpu.memory_space<vmem>>, vector<16xf32>,
        tpu.vector_store %arg16[%swap3A_1143, %swap3A_1144], %mul3A_1142 {strides = array<i32>} : memref<80x128xf32, #tpu.memory_space<vmem>>, vector<16xf32>,
        %get3A_1146 = arith.index_cast %add3A_1097 : i32 to index
        %get3A_1147 = arith.constant 96 : index
        %get3A_1148 = tpu.vector_load %arg16[%get3A_1146, %get3A_1147] {strides = array<i32>} : memref<80x128xf32, #tpu.memory_space<vmem>>, vector<16xf32>,
        %mul3A_1149 = vector.broadcast %squeeze3A_1093 : f32 to vector<16xf32>
        %mul3A_1150 = arith.mulf %get3A_1148, %mul3A_1149 : vector<16xf32>
        %swap3A_1151 = arith.index_cast %add3A_1097 : i32 to index
        %swap3A_1152 = arith.constant 96 : index
        %swap3A_1153 = tpu.vector_load %arg16[%swap3A_1151, %swap3A_1152] {strides = array<i32>} : memref<80x128xf32, #tpu.memory_space<vmem>>, vector<16xf32>,
        tpu.vector_store %arg16[%swap3A_1151, %swap3A_1152], %mul3A_1150 {strides = array<i32>} : memref<80x128xf32, #tpu.memory_space<vmem>>, vector<16xf32>,
        %get3A_1154 = arith.index_cast %add3A_1097 : i32 to index
        %get3A_1155 = arith.constant 112 : index
        %get3A_1156 = tpu.vector_load %arg16[%get3A_1154, %get3A_1155] {strides = array<i32>} : memref<80x128xf32, #tpu.memory_space<vmem>>, vector<16xf32>,
        %mul3A_1157 = vector.broadcast %squeeze3A_1093 : f32 to vector<16xf32>
        %mul3A_1158 = arith.mulf %get3A_1156, %mul3A_1157 : vector<16xf32>
        %swap3A_1159 = arith.index_cast %add3A_1097 : i32 to index
        %swap3A_1160 = arith.constant 112 : index
        %swap3A_1161 = tpu.vector_load %arg16[%swap3A_1159, %swap3A_1160] {strides = array<i32>} : memref<80x128xf32, #tpu.memory_space<vmem>>, vector<16xf32>,
        tpu.vector_store %arg16[%swap3A_1159, %swap3A_1160], %mul3A_1158 {strides = array<i32>} : memref<80x128xf32, #tpu.memory_space<vmem>>, vector<16xf32>,
        %slice3A_1162 = vector.extract_strided_slice %get3A_183 {offsets = [14], sizes = [1], strides = [1]} : vector<16xf32> to vector<1xf32>
        %squeeze3A_1163 = vector.extract %slice3A_1162[0] : f32 from vector<1xf32>
        %mul3A_1164 = arith.constant 16 : i32
        %mul3A_1165 = arith.muli %scan3A_179, %mul3A_1164 : i32
        %add3A_1166 = arith.constant 14 : i32
        %add3A_1167 = arith.addi %mul3A_1165, %add3A_1166 : i32
        %get3A_1168 = arith.index_cast %add3A_1167 : i32 to index
        %get3A_1169 = arith.constant 0 : index
        %get3A_1170 = tpu.vector_load %arg16[%get3A_1168, %get3A_1169] {strides = array<i32>} : memref<80x128xf32, #tpu.memory_space<vmem>>, vector<16xf32>,
        %mul3A_1171 = vector.broadcast %squeeze3A_1163 : f32 to vector<16xf32>
        %mul3A_1172 = arith.mulf %get3A_1170, %mul3A_1171 : vector<16xf32>
        %swap3A_1173 = arith.index_cast %add3A_1167 : i32 to index
        %swap3A_1174 = arith.constant 0 : index
        %swap3A_1175 = tpu.vector_load %arg16[%swap3A_1173, %swap3A_1174] {strides = array<i32>} : memref<80x128xf32, #tpu.memory_space<vmem>>, vector<16xf32>,
        tpu.vector_store %arg16[%swap3A_1173, %swap3A_1174], %mul3A_1172 {strides = array<i32>} : memref<80x128xf32, #tpu.memory_space<vmem>>, vector<16xf32>,
        %get3A_1176 = arith.index_cast %add3A_1167 : i32 to index
        %get3A_1177 = arith.constant 16 : index
        %get3A_1178 = tpu.vector_load %arg16[%get3A_1176, %get3A_1177] {strides = array<i32>} : memref<80x128xf32, #tpu.memory_space<vmem>>, vector<16xf32>,
        %mul3A_1179 = vector.broadcast %squeeze3A_1163 : f32 to vector<16xf32>
        %mul3A_1180 = arith.mulf %get3A_1178, %mul3A_1179 : vector<16xf32>
        %swap3A_1181 = arith.index_cast %add3A_1167 : i32 to index
        %swap3A_1182 = arith.constant 16 : index
        %swap3A_1183 = tpu.vector_load %arg16[%swap3A_1181, %swap3A_1182] {strides = array<i32>} : memref<80x128xf32, #tpu.memory_space<vmem>>, vector<16xf32>,
        tpu.vector_store %arg16[%swap3A_1181, %swap3A_1182], %mul3A_1180 {strides = array<i32>} : memref<80x128xf32, #tpu.memory_space<vmem>>, vector<16xf32>,
        %get3A_1184 = arith.index_cast %add3A_1167 : i32 to index
        %get3A_1185 = arith.constant 32 : index
        %get3A_1186 = tpu.vector_load %arg16[%get3A_1184, %get3A_1185] {strides = array<i32>} : memref<80x128xf32, #tpu.memory_space<vmem>>, vector<16xf32>,
        %mul3A_1187 = vector.broadcast %squeeze3A_1163 : f32 to vector<16xf32>
        %mul3A_1188 = arith.mulf %get3A_1186, %mul3A_1187 : vector<16xf32>
        %swap3A_1189 = arith.index_cast %add3A_1167 : i32 to index
        %swap3A_1190 = arith.constant 32 : index
        %swap3A_1191 = tpu.vector_load %arg16[%swap3A_1189, %swap3A_1190] {strides = array<i32>} : memref<80x128xf32, #tpu.memory_space<vmem>>, vector<16xf32>,
        tpu.vector_store %arg16[%swap3A_1189, %swap3A_1190], %mul3A_1188 {strides = array<i32>} : memref<80x128xf32, #tpu.memory_space<vmem>>, vector<16xf32>,
        %get3A_1192 = arith.index_cast %add3A_1167 : i32 to index
        %get3A_1193 = arith.constant 48 : index
        %get3A_1194 = tpu.vector_load %arg16[%get3A_1192, %get3A_1193] {strides = array<i32>} : memref<80x128xf32, #tpu.memory_space<vmem>>, vector<16xf32>,
        %mul3A_1195 = vector.broadcast %squeeze3A_1163 : f32 to vector<16xf32>
        %mul3A_1196 = arith.mulf %get3A_1194, %mul3A_1195 : vector<16xf32>
        %swap3A_1197 = arith.index_cast %add3A_1167 : i32 to index
        %swap3A_1198 = arith.constant 48 : index
        %swap3A_1199 = tpu.vector_load %arg16[%swap3A_1197, %swap3A_1198] {strides = array<i32>} : memref<80x128xf32, #tpu.memory_space<vmem>>, vector<16xf32>,
        tpu.vector_store %arg16[%swap3A_1197, %swap3A_1198], %mul3A_1196 {strides = array<i32>} : memref<80x128xf32, #tpu.memory_space<vmem>>, vector<16xf32>,
        %get3A_1200 = arith.index_cast %add3A_1167 : i32 to index
        %get3A_1201 = arith.constant 64 : index
        %get3A_1202 = tpu.vector_load %arg16[%get3A_1200, %get3A_1201] {strides = array<i32>} : memref<80x128xf32, #tpu.memory_space<vmem>>, vector<16xf32>,
        %mul3A_1203 = vector.broadcast %squeeze3A_1163 : f32 to vector<16xf32>
        %mul3A_1204 = arith.mulf %get3A_1202, %mul3A_1203 : vector<16xf32>
        %swap3A_1205 = arith.index_cast %add3A_1167 : i32 to index
        %swap3A_1206 = arith.constant 64 : index
        %swap3A_1207 = tpu.vector_load %arg16[%swap3A_1205, %swap3A_1206] {strides = array<i32>} : memref<80x128xf32, #tpu.memory_space<vmem>>, vector<16xf32>,
        tpu.vector_store %arg16[%swap3A_1205, %swap3A_1206], %mul3A_1204 {strides = array<i32>} : memref<80x128xf32, #tpu.memory_space<vmem>>, vector<16xf32>,
        %get3A_1208 = arith.index_cast %add3A_1167 : i32 to index
        %get3A_1209 = arith.constant 80 : index
        %get3A_1210 = tpu.vector_load %arg16[%get3A_1208, %get3A_1209] {strides = array<i32>} : memref<80x128xf32, #tpu.memory_space<vmem>>, vector<16xf32>,
        %mul3A_1211 = vector.broadcast %squeeze3A_1163 : f32 to vector<16xf32>
        %mul3A_1212 = arith.mulf %get3A_1210, %mul3A_1211 : vector<16xf32>
        %swap3A_1213 = arith.index_cast %add3A_1167 : i32 to index
        %swap3A_1214 = arith.constant 80 : index
        %swap3A_1215 = tpu.vector_load %arg16[%swap3A_1213, %swap3A_1214] {strides = array<i32>} : memref<80x128xf32, #tpu.memory_space<vmem>>, vector<16xf32>,
        tpu.vector_store %arg16[%swap3A_1213, %swap3A_1214], %mul3A_1212 {strides = array<i32>} : memref<80x128xf32, #tpu.memory_space<vmem>>, vector<16xf32>,
        %get3A_1216 = arith.index_cast %add3A_1167 : i32 to index
        %get3A_1217 = arith.constant 96 : index
        %get3A_1218 = tpu.vector_load %arg16[%get3A_1216, %get3A_1217] {strides = array<i32>} : memref<80x128xf32, #tpu.memory_space<vmem>>, vector<16xf32>,
        %mul3A_1219 = vector.broadcast %squeeze3A_1163 : f32 to vector<16xf32>
        %mul3A_1220 = arith.mulf %get3A_1218, %mul3A_1219 : vector<16xf32>
        %swap3A_1221 = arith.index_cast %add3A_1167 : i32 to index
        %swap3A_1222 = arith.constant 96 : index
        %swap3A_1223 = tpu.vector_load %arg16[%swap3A_1221, %swap3A_1222] {strides = array<i32>} : memref<80x128xf32, #tpu.memory_space<vmem>>, vector<16xf32>,
        tpu.vector_store %arg16[%swap3A_1221, %swap3A_1222], %mul3A_1220 {strides = array<i32>} : memref<80x128xf32, #tpu.memory_space<vmem>>, vector<16xf32>,
        %get3A_1224 = arith.index_cast %add3A_1167 : i32 to index
        %get3A_1225 = arith.constant 112 : index
        %get3A_1226 = tpu.vector_load %arg16[%get3A_1224, %get3A_1225] {strides = array<i32>} : memref<80x128xf32, #tpu.memory_space<vmem>>, vector<16xf32>,
        %mul3A_1227 = vector.broadcast %squeeze3A_1163 : f32 to vector<16xf32>
        %mul3A_1228 = arith.mulf %get3A_1226, %mul3A_1227 : vector<16xf32>
        %swap3A_1229 = arith.index_cast %add3A_1167 : i32 to index
        %swap3A_1230 = arith.constant 112 : index
        %swap3A_1231 = tpu.vector_load %arg16[%swap3A_1229, %swap3A_1230] {strides = array<i32>} : memref<80x128xf32, #tpu.memory_space<vmem>>, vector<16xf32>,
        tpu.vector_store %arg16[%swap3A_1229, %swap3A_1230], %mul3A_1228 {strides = array<i32>} : memref<80x128xf32, #tpu.memory_space<vmem>>, vector<16xf32>,
        %slice3A_1232 = vector.extract_strided_slice %get3A_183 {offsets = [15], sizes = [1], strides = [1]} : vector<16xf32> to vector<1xf32>
        %squeeze3A_1233 = vector.extract %slice3A_1232[0] : f32 from vector<1xf32>
        %mul3A_1234 = arith.constant 16 : i32
        %mul3A_1235 = arith.muli %scan3A_179, %mul3A_1234 : i32
        %add3A_1236 = arith.constant 15 : i32
        %add3A_1237 = arith.addi %mul3A_1235, %add3A_1236 : i32
        %get3A_1238 = arith.index_cast %add3A_1237 : i32 to index
        %get3A_1239 = arith.constant 0 : index
        %get3A_1240 = tpu.vector_load %arg16[%get3A_1238, %get3A_1239] {strides = array<i32>} : memref<80x128xf32, #tpu.memory_space<vmem>>, vector<16xf32>,
        %mul3A_1241 = vector.broadcast %squeeze3A_1233 : f32 to vector<16xf32>
        %mul3A_1242 = arith.mulf %get3A_1240, %mul3A_1241 : vector<16xf32>
        %swap3A_1243 = arith.index_cast %add3A_1237 : i32 to index
        %swap3A_1244 = arith.constant 0 : index
        %swap3A_1245 = tpu.vector_load %arg16[%swap3A_1243, %swap3A_1244] {strides = array<i32>} : memref<80x128xf32, #tpu.memory_space<vmem>>, vector<16xf32>,
        tpu.vector_store %arg16[%swap3A_1243, %swap3A_1244], %mul3A_1242 {strides = array<i32>} : memref<80x128xf32, #tpu.memory_space<vmem>>, vector<16xf32>,
        %get3A_1246 = arith.index_cast %add3A_1237 : i32 to index
        %get3A_1247 = arith.constant 16 : index
        %get3A_1248 = tpu.vector_load %arg16[%get3A_1246, %get3A_1247] {strides = array<i32>} : memref<80x128xf32, #tpu.memory_space<vmem>>, vector<16xf32>,
        %mul3A_1249 = vector.broadcast %squeeze3A_1233 : f32 to vector<16xf32>
        %mul3A_1250 = arith.mulf %get3A_1248, %mul3A_1249 : vector<16xf32>
        %swap3A_1251 = arith.index_cast %add3A_1237 : i32 to index
        %swap3A_1252 = arith.constant 16 : index
        %swap3A_1253 = tpu.vector_load %arg16[%swap3A_1251, %swap3A_1252] {strides = array<i32>} : memref<80x128xf32, #tpu.memory_space<vmem>>, vector<16xf32>,
        tpu.vector_store %arg16[%swap3A_1251, %swap3A_1252], %mul3A_1250 {strides = array<i32>} : memref<80x128xf32, #tpu.memory_space<vmem>>, vector<16xf32>,
        %get3A_1254 = arith.index_cast %add3A_1237 : i32 to index
        %get3A_1255 = arith.constant 32 : index
        %get3A_1256 = tpu.vector_load %arg16[%get3A_1254, %get3A_1255] {strides = array<i32>} : memref<80x128xf32, #tpu.memory_space<vmem>>, vector<16xf32>,
        %mul3A_1257 = vector.broadcast %squeeze3A_1233 : f32 to vector<16xf32>
        %mul3A_1258 = arith.mulf %get3A_1256, %mul3A_1257 : vector<16xf32>
        %swap3A_1259 = arith.index_cast %add3A_1237 : i32 to index
        %swap3A_1260 = arith.constant 32 : index
        %swap3A_1261 = tpu.vector_load %arg16[%swap3A_1259, %swap3A_1260] {strides = array<i32>} : memref<80x128xf32, #tpu.memory_space<vmem>>, vector<16xf32>,
        tpu.vector_store %arg16[%swap3A_1259, %swap3A_1260], %mul3A_1258 {strides = array<i32>} : memref<80x128xf32, #tpu.memory_space<vmem>>, vector<16xf32>,
        %get3A_1262 = arith.index_cast %add3A_1237 : i32 to index
        %get3A_1263 = arith.constant 48 : index
        %get3A_1264 = tpu.vector_load %arg16[%get3A_1262, %get3A_1263] {strides = array<i32>} : memref<80x128xf32, #tpu.memory_space<vmem>>, vector<16xf32>,
        %mul3A_1265 = vector.broadcast %squeeze3A_1233 : f32 to vector<16xf32>
        %mul3A_1266 = arith.mulf %get3A_1264, %mul3A_1265 : vector<16xf32>
        %swap3A_1267 = arith.index_cast %add3A_1237 : i32 to index
        %swap3A_1268 = arith.constant 48 : index
        %swap3A_1269 = tpu.vector_load %arg16[%swap3A_1267, %swap3A_1268] {strides = array<i32>} : memref<80x128xf32, #tpu.memory_space<vmem>>, vector<16xf32>,
        tpu.vector_store %arg16[%swap3A_1267, %swap3A_1268], %mul3A_1266 {strides = array<i32>} : memref<80x128xf32, #tpu.memory_space<vmem>>, vector<16xf32>,
        %get3A_1270 = arith.index_cast %add3A_1237 : i32 to index
        %get3A_1271 = arith.constant 64 : index
        %get3A_1272 = tpu.vector_load %arg16[%get3A_1270, %get3A_1271] {strides = array<i32>} : memref<80x128xf32, #tpu.memory_space<vmem>>, vector<16xf32>,
        %mul3A_1273 = vector.broadcast %squeeze3A_1233 : f32 to vector<16xf32>
        %mul3A_1274 = arith.mulf %get3A_1272, %mul3A_1273 : vector<16xf32>
        %swap3A_1275 = arith.index_cast %add3A_1237 : i32 to index
        %swap3A_1276 = arith.constant 64 : index
        %swap3A_1277 = tpu.vector_load %arg16[%swap3A_1275, %swap3A_1276] {strides = array<i32>} : memref<80x128xf32, #tpu.memory_space<vmem>>, vector<16xf32>,
        tpu.vector_store %arg16[%swap3A_1275, %swap3A_1276], %mul3A_1274 {strides = array<i32>} : memref<80x128xf32, #tpu.memory_space<vmem>>, vector<16xf32>,
        %get3A_1278 = arith.index_cast %add3A_1237 : i32 to index
        %get3A_1279 = arith.constant 80 : index
        %get3A_1280 = tpu.vector_load %arg16[%get3A_1278, %get3A_1279] {strides = array<i32>} : memref<80x128xf32, #tpu.memory_space<vmem>>, vector<16xf32>,
        %mul3A_1281 = vector.broadcast %squeeze3A_1233 : f32 to vector<16xf32>
        %mul3A_1282 = arith.mulf %get3A_1280, %mul3A_1281 : vector<16xf32>
        %swap3A_1283 = arith.index_cast %add3A_1237 : i32 to index
        %swap3A_1284 = arith.constant 80 : index
        %swap3A_1285 = tpu.vector_load %arg16[%swap3A_1283, %swap3A_1284] {strides = array<i32>} : memref<80x128xf32, #tpu.memory_space<vmem>>, vector<16xf32>,
        tpu.vector_store %arg16[%swap3A_1283, %swap3A_1284], %mul3A_1282 {strides = array<i32>} : memref<80x128xf32, #tpu.memory_space<vmem>>, vector<16xf32>,
        %get3A_1286 = arith.index_cast %add3A_1237 : i32 to index
        %get3A_1287 = arith.constant 96 : index
        %get3A_1288 = tpu.vector_load %arg16[%get3A_1286, %get3A_1287] {strides = array<i32>} : memref<80x128xf32, #tpu.memory_space<vmem>>, vector<16xf32>,
        %mul3A_1289 = vector.broadcast %squeeze3A_1233 : f32 to vector<16xf32>
        %mul3A_1290 = arith.mulf %get3A_1288, %mul3A_1289 : vector<16xf32>
        %swap3A_1291 = arith.index_cast %add3A_1237 : i32 to index
        %swap3A_1292 = arith.constant 96 : index
        %swap3A_1293 = tpu.vector_load %arg16[%swap3A_1291, %swap3A_1292] {strides = array<i32>} : memref<80x128xf32, #tpu.memory_space<vmem>>, vector<16xf32>,
        tpu.vector_store %arg16[%swap3A_1291, %swap3A_1292], %mul3A_1290 {strides = array<i32>} : memref<80x128xf32, #tpu.memory_space<vmem>>, vector<16xf32>,
        %get3A_1294 = arith.index_cast %add3A_1237 : i32 to index
        %get3A_1295 = arith.constant 112 : index
        %get3A_1296 = tpu.vector_load %arg16[%get3A_1294, %get3A_1295] {strides = array<i32>} : memref<80x128xf32, #tpu.memory_space<vmem>>, vector<16xf32>,
        %mul3A_1297 = vector.broadcast %squeeze3A_1233 : f32 to vector<16xf32>
        %mul3A_1298 = arith.mulf %get3A_1296, %mul3A_1297 : vector<16xf32>
        %swap3A_1299 = arith.index_cast %add3A_1237 : i32 to index
        %swap3A_1300 = arith.constant 112 : index
        %swap3A_1301 = tpu.vector_load %arg16[%swap3A_1299, %swap3A_1300] {strides = array<i32>} : memref<80x128xf32, #tpu.memory_space<vmem>>, vector<16xf32>,
        tpu.vector_store %arg16[%swap3A_1299, %swap3A_1300], %mul3A_1298 {strides = array<i32>} : memref<80x128xf32, #tpu.memory_space<vmem>>, vector<16xf32>,
      }
      %scan3A_172 = arith.constant 5 : i32
      %dma_start3A_173 = arith.constant 0 : i32
      %dma_start3A_174 = arith.constant 0 : i32
      %dma_start3A_175 = tpu.memref_slice %arg17[%dma_start3A_173, %dma_start3A_174] : memref<10240x128xf32, #tpu.memory_space<vmem_shared>> -> memref<10240x128xf32, #tpu.memory_space<vmem_shared>>
      tpu.enqueue_indirect_dma source(%arg16 : memref<80x128xf32, #tpu.memory_space<vmem>>) target(%dma_start3A_175 : memref<10240x128xf32, #tpu.memory_space<vmem_shared>>) offsets(%arg13 : memref<80xi32, #tpu.memory_space<vmem>>) semaphore(%arg19 : memref<!tpu.dma_semaphore, #tpu.memory_space<semaphore_mem>>) {add = true}
      %dma_wait3A_176 = arith.constant 0 : i32
      %dma_wait3A_177 = arith.constant 0 : i32
      %dma_wait3A_178 = tpu.memref_slice %arg17[%dma_wait3A_176, %dma_wait3A_177] : memref<10240x128xf32, #tpu.memory_space<vmem_shared>> -> memref<10240x128xf32, #tpu.memory_space<vmem_shared>>
      tpu.wait_indirect_dma semaphore(%arg19 : memref<!tpu.dma_semaphore, #tpu.memory_space<semaphore_mem>>) src(%arg16 : memref<80x128xf32, #tpu.memory_space<vmem>>) dst(%dma_wait3A_178 : memref<10240x128xf32, #tpu.memory_space<vmem_shared>>)
    }
    %scan3A_53 = arith.constant 250 : i32
    %barrier3A_54 = arith.constant 0 : index
    tpu.barrier barrier_id(%barrier3A_54)
    %mul3A_55 = arith.constant 640 : i32
    %mul3A_56 = arith.muli %arg1, %mul3A_55 : i32
    %mul3A_57 = arith.constant 640 : i32
    %mul3A_58 = arith.muli %arg1, %mul3A_57 : i32
    "tpu.region"() ({
      %run_scoped3A = tpu.sem_alloc : memref<!tpu.dma_semaphore, #tpu.memory_space<semaphore_mem>>
      %dma_start3A = arith.constant 0 : i32
      %dma_start3A_64 = arith.constant 0 : i32
      %dma_start3A_65 = tpu.memref_slice %arg7[%arg0, %dma_start3A, %dma_start3A_64] : memref<2x10240x128xf32, #tpu.memory_space<hbm>> -> memref<1x10240x128xf32, #tpu.memory_space<hbm>>
      %dma_start3A_66 = tpu.memref_squeeze %dma_start3A_65 : memref<1x10240x128xf32, #tpu.memory_space<hbm>> -> memref<10240x128xf32, #tpu.memory_space<hbm>>
      %dma_start3A_67 = arith.constant 0 : i32
      %dma_start3A_68 = tpu.memref_slice %dma_start3A_66[%mul3A_58, %dma_start3A_67] : memref<10240x128xf32, #tpu.memory_space<hbm>> -> memref<640x128xf32, #tpu.memory_space<hbm>>
      %dma_start3A_69 = arith.constant 0 : i32
      %dma_start3A_70 = tpu.memref_slice %arg17[%mul3A_56, %dma_start3A_69] : memref<10240x128xf32, #tpu.memory_space<vmem_shared>> -> memref<640x128xf32, #tpu.memory_space<vmem_shared>>
      tpu.enqueue_dma source(%dma_start3A_70 : memref<640x128xf32, #tpu.memory_space<vmem_shared>>) target(%dma_start3A_68 : memref<640x128xf32, #tpu.memory_space<hbm>>) target_semaphore(%run_scoped3A : memref<!tpu.dma_semaphore, #tpu.memory_space<semaphore_mem>>)
      %dma_wait3A = arith.constant 0 : i32
      %dma_wait3A_71 = arith.constant 0 : i32
      %dma_wait3A_72 = tpu.memref_slice %arg7[%arg0, %dma_wait3A, %dma_wait3A_71] : memref<2x10240x128xf32, #tpu.memory_space<hbm>> -> memref<1x10240x128xf32, #tpu.memory_space<hbm>>
      %dma_wait3A_73 = tpu.memref_squeeze %dma_wait3A_72 : memref<1x10240x128xf32, #tpu.memory_space<hbm>> -> memref<10240x128xf32, #tpu.memory_space<hbm>>
      %dma_wait3A_74 = arith.constant 0 : i32
      %dma_wait3A_75 = tpu.memref_slice %dma_wait3A_73[%mul3A_58, %dma_wait3A_74] : memref<10240x128xf32, #tpu.memory_space<hbm>> -> memref<640x128xf32, #tpu.memory_space<hbm>>
      %dma_wait3A_76 = arith.constant 0 : i32
      %dma_wait3A_77 = tpu.memref_slice %arg17[%mul3A_56, %dma_wait3A_76] : memref<10240x128xf32, #tpu.memory_space<vmem_shared>> -> memref<640x128xf32, #tpu.memory_space<vmem_shared>>
      tpu.wait_dma2 semaphore(%run_scoped3A : memref<!tpu.dma_semaphore, #tpu.memory_space<semaphore_mem>>) src(%dma_wait3A_77 : memref<640x128xf32, #tpu.memory_space<vmem_shared>>) dst(%dma_wait3A_75 : memref<640x128xf32, #tpu.memory_space<hbm>>)
      tpu.yield
    }) : () -> ()
    %mul3A_59 = arith.constant 16 : i32
    %mul3A_60 = arith.muli %arg0, %mul3A_59 : i32
    %add3A_61 = arith.addi %mul3A_60, %arg1 : i32
    %mul3A_62 = arith.constant 10240 : i32
    %mul3A_63 = arith.muli %add3A_61, %mul3A_62 : i32
    "tpu.region"() ({
      %run_scoped3A = tpu.sem_alloc : memref<!tpu.dma_semaphore, #tpu.memory_space<semaphore_mem>>
      %dma_start3A = tpu.memref_slice %arg8[%mul3A_63] : memref<327680xf32, #tpu.memory_space<hbm>> -> memref<10240xf32, #tpu.memory_space<hbm>>
      %dma_start3A_64 = tpu.memref_slice %arg8[%mul3A_63] : memref<327680xf32, #tpu.memory_space<hbm>> -> memref<10240xf32, #tpu.memory_space<hbm>>
      tpu.enqueue_dma source(%arg11 : memref<10240xf32, #tpu.memory_space<vmem>>) target(%dma_start3A_64 : memref<10240xf32, #tpu.memory_space<hbm>>) target_semaphore(%run_scoped3A : memref<!tpu.dma_semaphore, #tpu.memory_space<semaphore_mem>>)
      %dma_wait3A = tpu.memref_slice %arg8[%mul3A_63] : memref<327680xf32, #tpu.memory_space<hbm>> -> memref<10240xf32, #tpu.memory_space<hbm>>
      %dma_wait3A_65 = tpu.memref_slice %arg8[%mul3A_63] : memref<327680xf32, #tpu.memory_space<hbm>> -> memref<10240xf32, #tpu.memory_space<hbm>>
      tpu.wait_dma2 semaphore(%run_scoped3A : memref<!tpu.dma_semaphore, #tpu.memory_space<semaphore_mem>>) src(%arg11 : memref<10240xf32, #tpu.memory_space<vmem>>) dst(%dma_wait3A_65 : memref<10240xf32, #tpu.memory_space<hbm>>)
      tpu.yield
    }) : () -> ()
    return
  }
}

#map = affine_map<(d0, d1) -> (0, 0)>
#map1 = affine_map<(d0, d1) -> (0)>
#map2 = affine_map<(d0, d1) -> (0, 0, 0)>
module attributes {stable_mosaic.version = 14 : i64} {
  func.func @ek(%arg0: i32, %arg1: i32, %arg2: memref<10240x128xf32, #tpu.memory_space<hbm>>, %arg3: memref<20480xf32, #tpu.memory_space<hbm>>, %arg4: memref<20480xf32, #tpu.memory_space<hbm>>, %arg5: memref<320000xi32, #tpu.memory_space<hbm>>, %arg6: memref<320000xi32, #tpu.memory_space<hbm>>, %arg7: memref<2x10240x128xf32, #tpu.memory_space<hbm>>, %arg8: memref<327680xf32, #tpu.memory_space<hbm>>, %arg9: memref<10240xf32, #tpu.memory_space<vmem>>, %arg10: memref<10240xf32, #tpu.memory_space<vmem>>, %arg11: memref<10240xf32, #tpu.memory_space<vmem>>, %arg12: memref<80xi32, #tpu.memory_space<vmem>>, %arg13: memref<80xi32, #tpu.memory_space<vmem>>, %arg14: memref<80xi32, #tpu.memory_space<vmem>>, %arg15: memref<80xf32, #tpu.memory_space<vmem>>, %arg16: memref<80x128xf32, #tpu.memory_space<vmem>>, %arg17: memref<10240x128xf32, #tpu.memory_space<vmem_shared>>, %arg18: memref<!tpu.dma_semaphore, #tpu.memory_space<semaphore_mem>>, %arg19: memref<!tpu.dma_semaphore, #tpu.memory_space<semaphore_mem>>) attributes {dimension_semantics = [#tpu.dimension_semantics<core_parallel>, #tpu.dimension_semantics<subcore_parallel>], iteration_bounds = array<i64: 2, 16>, scalar_prefetch = 0 : i64, scratch_operands = 11 : i64, tpu.core_type = #tpu.core_type<sc_vector_subcore>, window_params = [{transform_indices = #map}, {transform_indices = #map1}, {transform_indices = #map1}, {transform_indices = #map1}, {transform_indices = #map1}, {transform_indices = #map2}, {transform_indices = #map1}]} {
    %broadcast_in_dim3A = arith.constant 0.000000e+00 : f32
    %broadcast_in_dim3A_0 = vector.broadcast %broadcast_in_dim3A : f32 to vector<16xf32>
    %scan3A = arith.constant 0 : i32
    %scan3A_1 = arith.constant 0 : i32
    %scan3A_2 = arith.constant 640 : i32
    %scan3A_3 = arith.addi %scan3A_1, %scan3A_2 : i32
    %scan3A_4 = arith.constant 1 : i32
    scf.for %scan3A_67 = %scan3A_1 to %scan3A_3 step %scan3A_4  : i32 {
      %mul3A_68 = arith.constant 16 : i32
      %mul3A_69 = arith.muli %scan3A_67, %mul3A_68 : i32
      %swap3A = arith.index_cast %mul3A_69 : i32 to index
      %swap3A_70 = tpu.vector_load %arg11[%swap3A] {strides = array<i32>} : memref<10240xf32, #tpu.memory_space<vmem>>, vector<16xf32>,
      tpu.vector_store %arg11[%swap3A], %broadcast_in_dim3A_0 {strides = array<i32>} : memref<10240xf32, #tpu.memory_space<vmem>>, vector<16xf32>,
    }
    %scan3A_5 = arith.constant 640 : i32
    %scan3A_6 = arith.constant 0 : i32
    %scan3A_7 = arith.constant 0 : i32
    %scan3A_8 = arith.constant 80 : i32
    %scan3A_9 = arith.addi %scan3A_7, %scan3A_8 : i32
    %scan3A_10 = arith.constant 1 : i32
    scf.for %scan3A_67 = %scan3A_7 to %scan3A_9 step %scan3A_10  : i32 {
      %swap3A = arith.index_cast %scan3A_67 : i32 to index
      %swap3A_68 = arith.constant 0 : index
      %swap3A_69 = tpu.vector_load %arg16[%swap3A, %swap3A_68] {strides = array<i32>} : memref<80x128xf32, #tpu.memory_space<vmem>>, vector<16xf32>,
      tpu.vector_store %arg16[%swap3A, %swap3A_68], %broadcast_in_dim3A_0 {strides = array<i32>} : memref<80x128xf32, #tpu.memory_space<vmem>>, vector<16xf32>,
      %swap3A_70 = arith.index_cast %scan3A_67 : i32 to index
      %swap3A_71 = arith.constant 16 : index
      %swap3A_72 = tpu.vector_load %arg16[%swap3A_70, %swap3A_71] {strides = array<i32>} : memref<80x128xf32, #tpu.memory_space<vmem>>, vector<16xf32>,
      tpu.vector_store %arg16[%swap3A_70, %swap3A_71], %broadcast_in_dim3A_0 {strides = array<i32>} : memref<80x128xf32, #tpu.memory_space<vmem>>, vector<16xf32>,
      %swap3A_73 = arith.index_cast %scan3A_67 : i32 to index
      %swap3A_74 = arith.constant 32 : index
      %swap3A_75 = tpu.vector_load %arg16[%swap3A_73, %swap3A_74] {strides = array<i32>} : memref<80x128xf32, #tpu.memory_space<vmem>>, vector<16xf32>,
      tpu.vector_store %arg16[%swap3A_73, %swap3A_74], %broadcast_in_dim3A_0 {strides = array<i32>} : memref<80x128xf32, #tpu.memory_space<vmem>>, vector<16xf32>,
      %swap3A_76 = arith.index_cast %scan3A_67 : i32 to index
      %swap3A_77 = arith.constant 48 : index
      %swap3A_78 = tpu.vector_load %arg16[%swap3A_76, %swap3A_77] {strides = array<i32>} : memref<80x128xf32, #tpu.memory_space<vmem>>, vector<16xf32>,
      tpu.vector_store %arg16[%swap3A_76, %swap3A_77], %broadcast_in_dim3A_0 {strides = array<i32>} : memref<80x128xf32, #tpu.memory_space<vmem>>, vector<16xf32>,
      %swap3A_79 = arith.index_cast %scan3A_67 : i32 to index
      %swap3A_80 = arith.constant 64 : index
      %swap3A_81 = tpu.vector_load %arg16[%swap3A_79, %swap3A_80] {strides = array<i32>} : memref<80x128xf32, #tpu.memory_space<vmem>>, vector<16xf32>,
      tpu.vector_store %arg16[%swap3A_79, %swap3A_80], %broadcast_in_dim3A_0 {strides = array<i32>} : memref<80x128xf32, #tpu.memory_space<vmem>>, vector<16xf32>,
      %swap3A_82 = arith.index_cast %scan3A_67 : i32 to index
      %swap3A_83 = arith.constant 80 : index
      %swap3A_84 = tpu.vector_load %arg16[%swap3A_82, %swap3A_83] {strides = array<i32>} : memref<80x128xf32, #tpu.memory_space<vmem>>, vector<16xf32>,
      tpu.vector_store %arg16[%swap3A_82, %swap3A_83], %broadcast_in_dim3A_0 {strides = array<i32>} : memref<80x128xf32, #tpu.memory_space<vmem>>, vector<16xf32>,
      %swap3A_85 = arith.index_cast %scan3A_67 : i32 to index
      %swap3A_86 = arith.constant 96 : index
      %swap3A_87 = tpu.vector_load %arg16[%swap3A_85, %swap3A_86] {strides = array<i32>} : memref<80x128xf32, #tpu.memory_space<vmem>>, vector<16xf32>,
      tpu.vector_store %arg16[%swap3A_85, %swap3A_86], %broadcast_in_dim3A_0 {strides = array<i32>} : memref<80x128xf32, #tpu.memory_space<vmem>>, vector<16xf32>,
      %swap3A_88 = arith.index_cast %scan3A_67 : i32 to index
      %swap3A_89 = arith.constant 112 : index
      %swap3A_90 = tpu.vector_load %arg16[%swap3A_88, %swap3A_89] {strides = array<i32>} : memref<80x128xf32, #tpu.memory_space<vmem>>, vector<16xf32>,
      tpu.vector_store %arg16[%swap3A_88, %swap3A_89], %broadcast_in_dim3A_0 {strides = array<i32>} : memref<80x128xf32, #tpu.memory_space<vmem>>, vector<16xf32>,
    }
    %scan3A_11 = arith.constant 80 : i32
    %mul3A = arith.constant 640 : i32
    %mul3A_12 = arith.muli %arg1, %mul3A : i32
    %add3A = arith.constant 0 : i32
    %add3A_13 = arith.addi %mul3A_12, %add3A : i32
    "tpu.region"() ({
      %run_scoped3A = tpu.sem_alloc : memref<!tpu.dma_semaphore, #tpu.memory_space<semaphore_mem>>
      %dma_start3A = arith.constant 0 : i32
      %dma_start3A_67 = tpu.memref_slice %arg17[%add3A_13, %dma_start3A] : memref<10240x128xf32, #tpu.memory_space<vmem_shared>> -> memref<80x128xf32, #tpu.memory_space<vmem_shared>>
      %dma_start3A_68 = arith.constant 0 : i32
      %dma_start3A_69 = tpu.memref_slice %arg17[%add3A_13, %dma_start3A_68] : memref<10240x128xf32, #tpu.memory_space<vmem_shared>> -> memref<80x128xf32, #tpu.memory_space<vmem_shared>>
      tpu.enqueue_dma source(%arg16 : memref<80x128xf32, #tpu.memory_space<vmem>>) target(%dma_start3A_69 : memref<80x128xf32, #tpu.memory_space<vmem_shared>>) target_semaphore(%run_scoped3A : memref<!tpu.dma_semaphore, #tpu.memory_space<semaphore_mem>>)
      %dma_wait3A = arith.constant 0 : i32
      %dma_wait3A_70 = tpu.memref_slice %arg17[%add3A_13, %dma_wait3A] : memref<10240x128xf32, #tpu.memory_space<vmem_shared>> -> memref<80x128xf32, #tpu.memory_space<vmem_shared>>
      %dma_wait3A_71 = arith.constant 0 : i32
      %dma_wait3A_72 = tpu.memref_slice %arg17[%add3A_13, %dma_wait3A_71] : memref<10240x128xf32, #tpu.memory_space<vmem_shared>> -> memref<80x128xf32, #tpu.memory_space<vmem_shared>>
      tpu.wait_dma2 semaphore(%run_scoped3A : memref<!tpu.dma_semaphore, #tpu.memory_space<semaphore_mem>>) src(%arg16 : memref<80x128xf32, #tpu.memory_space<vmem>>) dst(%dma_wait3A_72 : memref<80x128xf32, #tpu.memory_space<vmem_shared>>)
      tpu.yield
    }) : () -> ()
    %mul3A_14 = arith.constant 640 : i32
    %mul3A_15 = arith.muli %arg1, %mul3A_14 : i32
    %add3A_16 = arith.constant 80 : i32
    %add3A_17 = arith.addi %mul3A_15, %add3A_16 : i32
    "tpu.region"() ({
      %run_scoped3A = tpu.sem_alloc : memref<!tpu.dma_semaphore, #tpu.memory_space<semaphore_mem>>
      %dma_start3A = arith.constant 0 : i32
      %dma_start3A_67 = tpu.memref_slice %arg17[%add3A_17, %dma_start3A] : memref<10240x128xf32, #tpu.memory_space<vmem_shared>> -> memref<80x128xf32, #tpu.memory_space<vmem_shared>>
      %dma_start3A_68 = arith.constant 0 : i32
      %dma_start3A_69 = tpu.memref_slice %arg17[%add3A_17, %dma_start3A_68] : memref<10240x128xf32, #tpu.memory_space<vmem_shared>> -> memref<80x128xf32, #tpu.memory_space<vmem_shared>>
      tpu.enqueue_dma source(%arg16 : memref<80x128xf32, #tpu.memory_space<vmem>>) target(%dma_start3A_69 : memref<80x128xf32, #tpu.memory_space<vmem_shared>>) target_semaphore(%run_scoped3A : memref<!tpu.dma_semaphore, #tpu.memory_space<semaphore_mem>>)
      %dma_wait3A = arith.constant 0 : i32
      %dma_wait3A_70 = tpu.memref_slice %arg17[%add3A_17, %dma_wait3A] : memref<10240x128xf32, #tpu.memory_space<vmem_shared>> -> memref<80x128xf32, #tpu.memory_space<vmem_shared>>
      %dma_wait3A_71 = arith.constant 0 : i32
      %dma_wait3A_72 = tpu.memref_slice %arg17[%add3A_17, %dma_wait3A_71] : memref<10240x128xf32, #tpu.memory_space<vmem_shared>> -> memref<80x128xf32, #tpu.memory_space<vmem_shared>>
      tpu.wait_dma2 semaphore(%run_scoped3A : memref<!tpu.dma_semaphore, #tpu.memory_space<semaphore_mem>>) src(%arg16 : memref<80x128xf32, #tpu.memory_space<vmem>>) dst(%dma_wait3A_72 : memref<80x128xf32, #tpu.memory_space<vmem_shared>>)
      tpu.yield
    }) : () -> ()
    %mul3A_18 = arith.constant 640 : i32
    %mul3A_19 = arith.muli %arg1, %mul3A_18 : i32
    %add3A_20 = arith.constant 160 : i32
    %add3A_21 = arith.addi %mul3A_19, %add3A_20 : i32
    "tpu.region"() ({
      %run_scoped3A = tpu.sem_alloc : memref<!tpu.dma_semaphore, #tpu.memory_space<semaphore_mem>>
      %dma_start3A = arith.constant 0 : i32
      %dma_start3A_67 = tpu.memref_slice %arg17[%add3A_21, %dma_start3A] : memref<10240x128xf32, #tpu.memory_space<vmem_shared>> -> memref<80x128xf32, #tpu.memory_space<vmem_shared>>
      %dma_start3A_68 = arith.constant 0 : i32
      %dma_start3A_69 = tpu.memref_slice %arg17[%add3A_21, %dma_start3A_68] : memref<10240x128xf32, #tpu.memory_space<vmem_shared>> -> memref<80x128xf32, #tpu.memory_space<vmem_shared>>
      tpu.enqueue_dma source(%arg16 : memref<80x128xf32, #tpu.memory_space<vmem>>) target(%dma_start3A_69 : memref<80x128xf32, #tpu.memory_space<vmem_shared>>) target_semaphore(%run_scoped3A : memref<!tpu.dma_semaphore, #tpu.memory_space<semaphore_mem>>)
      %dma_wait3A = arith.constant 0 : i32
      %dma_wait3A_70 = tpu.memref_slice %arg17[%add3A_21, %dma_wait3A] : memref<10240x128xf32, #tpu.memory_space<vmem_shared>> -> memref<80x128xf32, #tpu.memory_space<vmem_shared>>
      %dma_wait3A_71 = arith.constant 0 : i32
      %dma_wait3A_72 = tpu.memref_slice %arg17[%add3A_21, %dma_wait3A_71] : memref<10240x128xf32, #tpu.memory_space<vmem_shared>> -> memref<80x128xf32, #tpu.memory_space<vmem_shared>>
      tpu.wait_dma2 semaphore(%run_scoped3A : memref<!tpu.dma_semaphore, #tpu.memory_space<semaphore_mem>>) src(%arg16 : memref<80x128xf32, #tpu.memory_space<vmem>>) dst(%dma_wait3A_72 : memref<80x128xf32, #tpu.memory_space<vmem_shared>>)
      tpu.yield
    }) : () -> ()
    %mul3A_22 = arith.constant 640 : i32
    %mul3A_23 = arith.muli %arg1, %mul3A_22 : i32
    %add3A_24 = arith.constant 240 : i32
    %add3A_25 = arith.addi %mul3A_23, %add3A_24 : i32
    "tpu.region"() ({
      %run_scoped3A = tpu.sem_alloc : memref<!tpu.dma_semaphore, #tpu.memory_space<semaphore_mem>>
      %dma_start3A = arith.constant 0 : i32
      %dma_start3A_67 = tpu.memref_slice %arg17[%add3A_25, %dma_start3A] : memref<10240x128xf32, #tpu.memory_space<vmem_shared>> -> memref<80x128xf32, #tpu.memory_space<vmem_shared>>
      %dma_start3A_68 = arith.constant 0 : i32
      %dma_start3A_69 = tpu.memref_slice %arg17[%add3A_25, %dma_start3A_68] : memref<10240x128xf32, #tpu.memory_space<vmem_shared>> -> memref<80x128xf32, #tpu.memory_space<vmem_shared>>
      tpu.enqueue_dma source(%arg16 : memref<80x128xf32, #tpu.memory_space<vmem>>) target(%dma_start3A_69 : memref<80x128xf32, #tpu.memory_space<vmem_shared>>) target_semaphore(%run_scoped3A : memref<!tpu.dma_semaphore, #tpu.memory_space<semaphore_mem>>)
      %dma_wait3A = arith.constant 0 : i32
      %dma_wait3A_70 = tpu.memref_slice %arg17[%add3A_25, %dma_wait3A] : memref<10240x128xf32, #tpu.memory_space<vmem_shared>> -> memref<80x128xf32, #tpu.memory_space<vmem_shared>>
      %dma_wait3A_71 = arith.constant 0 : i32
      %dma_wait3A_72 = tpu.memref_slice %arg17[%add3A_25, %dma_wait3A_71] : memref<10240x128xf32, #tpu.memory_space<vmem_shared>> -> memref<80x128xf32, #tpu.memory_space<vmem_shared>>
      tpu.wait_dma2 semaphore(%run_scoped3A : memref<!tpu.dma_semaphore, #tpu.memory_space<semaphore_mem>>) src(%arg16 : memref<80x128xf32, #tpu.memory_space<vmem>>) dst(%dma_wait3A_72 : memref<80x128xf32, #tpu.memory_space<vmem_shared>>)
      tpu.yield
    }) : () -> ()
    %mul3A_26 = arith.constant 640 : i32
    %mul3A_27 = arith.muli %arg1, %mul3A_26 : i32
    %add3A_28 = arith.constant 320 : i32
    %add3A_29 = arith.addi %mul3A_27, %add3A_28 : i32
    "tpu.region"() ({
      %run_scoped3A = tpu.sem_alloc : memref<!tpu.dma_semaphore, #tpu.memory_space<semaphore_mem>>
      %dma_start3A = arith.constant 0 : i32
      %dma_start3A_67 = tpu.memref_slice %arg17[%add3A_29, %dma_start3A] : memref<10240x128xf32, #tpu.memory_space<vmem_shared>> -> memref<80x128xf32, #tpu.memory_space<vmem_shared>>
      %dma_start3A_68 = arith.constant 0 : i32
      %dma_start3A_69 = tpu.memref_slice %arg17[%add3A_29, %dma_start3A_68] : memref<10240x128xf32, #tpu.memory_space<vmem_shared>> -> memref<80x128xf32, #tpu.memory_space<vmem_shared>>
      tpu.enqueue_dma source(%arg16 : memref<80x128xf32, #tpu.memory_space<vmem>>) target(%dma_start3A_69 : memref<80x128xf32, #tpu.memory_space<vmem_shared>>) target_semaphore(%run_scoped3A : memref<!tpu.dma_semaphore, #tpu.memory_space<semaphore_mem>>)
      %dma_wait3A = arith.constant 0 : i32
      %dma_wait3A_70 = tpu.memref_slice %arg17[%add3A_29, %dma_wait3A] : memref<10240x128xf32, #tpu.memory_space<vmem_shared>> -> memref<80x128xf32, #tpu.memory_space<vmem_shared>>
      %dma_wait3A_71 = arith.constant 0 : i32
      %dma_wait3A_72 = tpu.memref_slice %arg17[%add3A_29, %dma_wait3A_71] : memref<10240x128xf32, #tpu.memory_space<vmem_shared>> -> memref<80x128xf32, #tpu.memory_space<vmem_shared>>
      tpu.wait_dma2 semaphore(%run_scoped3A : memref<!tpu.dma_semaphore, #tpu.memory_space<semaphore_mem>>) src(%arg16 : memref<80x128xf32, #tpu.memory_space<vmem>>) dst(%dma_wait3A_72 : memref<80x128xf32, #tpu.memory_space<vmem_shared>>)
      tpu.yield
    }) : () -> ()
    %mul3A_30 = arith.constant 640 : i32
    %mul3A_31 = arith.muli %arg1, %mul3A_30 : i32
    %add3A_32 = arith.constant 400 : i32
    %add3A_33 = arith.addi %mul3A_31, %add3A_32 : i32
    "tpu.region"() ({
      %run_scoped3A = tpu.sem_alloc : memref<!tpu.dma_semaphore, #tpu.memory_space<semaphore_mem>>
      %dma_start3A = arith.constant 0 : i32
      %dma_start3A_67 = tpu.memref_slice %arg17[%add3A_33, %dma_start3A] : memref<10240x128xf32, #tpu.memory_space<vmem_shared>> -> memref<80x128xf32, #tpu.memory_space<vmem_shared>>
      %dma_start3A_68 = arith.constant 0 : i32
      %dma_start3A_69 = tpu.memref_slice %arg17[%add3A_33, %dma_start3A_68] : memref<10240x128xf32, #tpu.memory_space<vmem_shared>> -> memref<80x128xf32, #tpu.memory_space<vmem_shared>>
      tpu.enqueue_dma source(%arg16 : memref<80x128xf32, #tpu.memory_space<vmem>>) target(%dma_start3A_69 : memref<80x128xf32, #tpu.memory_space<vmem_shared>>) target_semaphore(%run_scoped3A : memref<!tpu.dma_semaphore, #tpu.memory_space<semaphore_mem>>)
      %dma_wait3A = arith.constant 0 : i32
      %dma_wait3A_70 = tpu.memref_slice %arg17[%add3A_33, %dma_wait3A] : memref<10240x128xf32, #tpu.memory_space<vmem_shared>> -> memref<80x128xf32, #tpu.memory_space<vmem_shared>>
      %dma_wait3A_71 = arith.constant 0 : i32
      %dma_wait3A_72 = tpu.memref_slice %arg17[%add3A_33, %dma_wait3A_71] : memref<10240x128xf32, #tpu.memory_space<vmem_shared>> -> memref<80x128xf32, #tpu.memory_space<vmem_shared>>
      tpu.wait_dma2 semaphore(%run_scoped3A : memref<!tpu.dma_semaphore, #tpu.memory_space<semaphore_mem>>) src(%arg16 : memref<80x128xf32, #tpu.memory_space<vmem>>) dst(%dma_wait3A_72 : memref<80x128xf32, #tpu.memory_space<vmem_shared>>)
      tpu.yield
    }) : () -> ()
    %mul3A_34 = arith.constant 640 : i32
    %mul3A_35 = arith.muli %arg1, %mul3A_34 : i32
    %add3A_36 = arith.constant 480 : i32
    %add3A_37 = arith.addi %mul3A_35, %add3A_36 : i32
    "tpu.region"() ({
      %run_scoped3A = tpu.sem_alloc : memref<!tpu.dma_semaphore, #tpu.memory_space<semaphore_mem>>
      %dma_start3A = arith.constant 0 : i32
      %dma_start3A_67 = tpu.memref_slice %arg17[%add3A_37, %dma_start3A] : memref<10240x128xf32, #tpu.memory_space<vmem_shared>> -> memref<80x128xf32, #tpu.memory_space<vmem_shared>>
      %dma_start3A_68 = arith.constant 0 : i32
      %dma_start3A_69 = tpu.memref_slice %arg17[%add3A_37, %dma_start3A_68] : memref<10240x128xf32, #tpu.memory_space<vmem_shared>> -> memref<80x128xf32, #tpu.memory_space<vmem_shared>>
      tpu.enqueue_dma source(%arg16 : memref<80x128xf32, #tpu.memory_space<vmem>>) target(%dma_start3A_69 : memref<80x128xf32, #tpu.memory_space<vmem_shared>>) target_semaphore(%run_scoped3A : memref<!tpu.dma_semaphore, #tpu.memory_space<semaphore_mem>>)
      %dma_wait3A = arith.constant 0 : i32
      %dma_wait3A_70 = tpu.memref_slice %arg17[%add3A_37, %dma_wait3A] : memref<10240x128xf32, #tpu.memory_space<vmem_shared>> -> memref<80x128xf32, #tpu.memory_space<vmem_shared>>
      %dma_wait3A_71 = arith.constant 0 : i32
      %dma_wait3A_72 = tpu.memref_slice %arg17[%add3A_37, %dma_wait3A_71] : memref<10240x128xf32, #tpu.memory_space<vmem_shared>> -> memref<80x128xf32, #tpu.memory_space<vmem_shared>>
      tpu.wait_dma2 semaphore(%run_scoped3A : memref<!tpu.dma_semaphore, #tpu.memory_space<semaphore_mem>>) src(%arg16 : memref<80x128xf32, #tpu.memory_space<vmem>>) dst(%dma_wait3A_72 : memref<80x128xf32, #tpu.memory_space<vmem_shared>>)
      tpu.yield
    }) : () -> ()
    %mul3A_38 = arith.constant 640 : i32
    %mul3A_39 = arith.muli %arg1, %mul3A_38 : i32
    %add3A_40 = arith.constant 560 : i32
    %add3A_41 = arith.addi %mul3A_39, %add3A_40 : i32
    "tpu.region"() ({
      %run_scoped3A = tpu.sem_alloc : memref<!tpu.dma_semaphore, #tpu.memory_space<semaphore_mem>>
      %dma_start3A = arith.constant 0 : i32
      %dma_start3A_67 = tpu.memref_slice %arg17[%add3A_41, %dma_start3A] : memref<10240x128xf32, #tpu.memory_space<vmem_shared>> -> memref<80x128xf32, #tpu.memory_space<vmem_shared>>
      %dma_start3A_68 = arith.constant 0 : i32
      %dma_start3A_69 = tpu.memref_slice %arg17[%add3A_41, %dma_start3A_68] : memref<10240x128xf32, #tpu.memory_space<vmem_shared>> -> memref<80x128xf32, #tpu.memory_space<vmem_shared>>
      tpu.enqueue_dma source(%arg16 : memref<80x128xf32, #tpu.memory_space<vmem>>) target(%dma_start3A_69 : memref<80x128xf32, #tpu.memory_space<vmem_shared>>) target_semaphore(%run_scoped3A : memref<!tpu.dma_semaphore, #tpu.memory_space<semaphore_mem>>)
      %dma_wait3A = arith.constant 0 : i32
      %dma_wait3A_70 = tpu.memref_slice %arg17[%add3A_41, %dma_wait3A] : memref<10240x128xf32, #tpu.memory_space<vmem_shared>> -> memref<80x128xf32, #tpu.memory_space<vmem_shared>>
      %dma_wait3A_71 = arith.constant 0 : i32
      %dma_wait3A_72 = tpu.memref_slice %arg17[%add3A_41, %dma_wait3A_71] : memref<10240x128xf32, #tpu.memory_space<vmem_shared>> -> memref<80x128xf32, #tpu.memory_space<vmem_shared>>
      tpu.wait_dma2 semaphore(%run_scoped3A : memref<!tpu.dma_semaphore, #tpu.memory_space<semaphore_mem>>) src(%arg16 : memref<80x128xf32, #tpu.memory_space<vmem>>) dst(%dma_wait3A_72 : memref<80x128xf32, #tpu.memory_space<vmem_shared>>)
      tpu.yield
    }) : () -> ()
    %mul3A_42 = arith.constant 10240 : i32
    %mul3A_43 = arith.muli %arg0, %mul3A_42 : i32
    "tpu.region"() ({
      %run_scoped3A = tpu.sem_alloc : memref<!tpu.dma_semaphore, #tpu.memory_space<semaphore_mem>>
      %dma_start3A = tpu.memref_slice %arg3[%mul3A_43] : memref<20480xf32, #tpu.memory_space<hbm>> -> memref<10240xf32, #tpu.memory_space<hbm>>
      %dma_start3A_67 = tpu.memref_slice %arg3[%mul3A_43] : memref<20480xf32, #tpu.memory_space<hbm>> -> memref<10240xf32, #tpu.memory_space<hbm>>
      tpu.enqueue_dma source(%dma_start3A_67 : memref<10240xf32, #tpu.memory_space<hbm>>) target(%arg9 : memref<10240xf32, #tpu.memory_space<vmem>>) target_semaphore(%run_scoped3A : memref<!tpu.dma_semaphore, #tpu.memory_space<semaphore_mem>>)
      %dma_wait3A = tpu.memref_slice %arg3[%mul3A_43] : memref<20480xf32, #tpu.memory_space<hbm>> -> memref<10240xf32, #tpu.memory_space<hbm>>
      %dma_wait3A_68 = tpu.memref_slice %arg3[%mul3A_43] : memref<20480xf32, #tpu.memory_space<hbm>> -> memref<10240xf32, #tpu.memory_space<hbm>>
      tpu.wait_dma2 semaphore(%run_scoped3A : memref<!tpu.dma_semaphore, #tpu.memory_space<semaphore_mem>>) src(%dma_wait3A_68 : memref<10240xf32, #tpu.memory_space<hbm>>) dst(%arg9 : memref<10240xf32, #tpu.memory_space<vmem>>)
      tpu.yield
    }) : () -> ()
    %mul3A_44 = arith.constant 10240 : i32
    %mul3A_45 = arith.muli %arg0, %mul3A_44 : i32
    "tpu.region"() ({
      %run_scoped3A = tpu.sem_alloc : memref<!tpu.dma_semaphore, #tpu.memory_space<semaphore_mem>>
      %dma_start3A = tpu.memref_slice %arg4[%mul3A_45] : memref<20480xf32, #tpu.memory_space<hbm>> -> memref<10240xf32, #tpu.memory_space<hbm>>
      %dma_start3A_67 = tpu.memref_slice %arg4[%mul3A_45] : memref<20480xf32, #tpu.memory_space<hbm>> -> memref<10240xf32, #tpu.memory_space<hbm>>
      tpu.enqueue_dma source(%dma_start3A_67 : memref<10240xf32, #tpu.memory_space<hbm>>) target(%arg10 : memref<10240xf32, #tpu.memory_space<vmem>>) target_semaphore(%run_scoped3A : memref<!tpu.dma_semaphore, #tpu.memory_space<semaphore_mem>>)
      %dma_wait3A = tpu.memref_slice %arg4[%mul3A_45] : memref<20480xf32, #tpu.memory_space<hbm>> -> memref<10240xf32, #tpu.memory_space<hbm>>
      %dma_wait3A_68 = tpu.memref_slice %arg4[%mul3A_45] : memref<20480xf32, #tpu.memory_space<hbm>> -> memref<10240xf32, #tpu.memory_space<hbm>>
      tpu.wait_dma2 semaphore(%run_scoped3A : memref<!tpu.dma_semaphore, #tpu.memory_space<semaphore_mem>>) src(%dma_wait3A_68 : memref<10240xf32, #tpu.memory_space<hbm>>) dst(%arg10 : memref<10240xf32, #tpu.memory_space<vmem>>)
      tpu.yield
    }) : () -> ()
    %barrier3A = arith.constant 0 : index
    tpu.barrier barrier_id(%barrier3A)
    %mul3A_46 = arith.constant 160000 : i32
    %mul3A_47 = arith.muli %arg0, %mul3A_46 : i32
    %mul3A_48 = arith.constant 10000 : i32
    %mul3A_49 = arith.muli %arg1, %mul3A_48 : i32
    %add3A_50 = arith.addi %mul3A_47, %mul3A_49 : i32
    %scan3A_51 = arith.constant 0 : i32
    %scan3A_52 = arith.constant 0 : i32
    %scan3A_53 = arith.constant 125 : i32
    %scan3A_54 = arith.addi %scan3A_52, %scan3A_53 : i32
    %scan3A_55 = arith.constant 1 : i32
    scf.for %scan3A_67 = %scan3A_52 to %scan3A_54 step %scan3A_55  : i32 {
      %mul3A_68 = arith.constant 80 : i32
      %mul3A_69 = arith.muli %scan3A_67, %mul3A_68 : i32
      %add3A_70 = arith.addi %add3A_50, %mul3A_69 : i32
      "tpu.region"() ({
        %run_scoped3A = tpu.sem_alloc : memref<!tpu.dma_semaphore, #tpu.memory_space<semaphore_mem>>
        %dma_start3A_162 = tpu.memref_slice %arg5[%add3A_70] : memref<320000xi32, #tpu.memory_space<hbm>> -> memref<80xi32, #tpu.memory_space<hbm>>
        %dma_start3A_163 = tpu.memref_slice %arg5[%add3A_70] : memref<320000xi32, #tpu.memory_space<hbm>> -> memref<80xi32, #tpu.memory_space<hbm>>
        tpu.enqueue_dma source(%dma_start3A_163 : memref<80xi32, #tpu.memory_space<hbm>>) target(%arg12 : memref<80xi32, #tpu.memory_space<vmem>>) target_semaphore(%run_scoped3A : memref<!tpu.dma_semaphore, #tpu.memory_space<semaphore_mem>>)
        %dma_wait3A_164 = tpu.memref_slice %arg5[%add3A_70] : memref<320000xi32, #tpu.memory_space<hbm>> -> memref<80xi32, #tpu.memory_space<hbm>>
        %dma_wait3A_165 = tpu.memref_slice %arg5[%add3A_70] : memref<320000xi32, #tpu.memory_space<hbm>> -> memref<80xi32, #tpu.memory_space<hbm>>
        tpu.wait_dma2 semaphore(%run_scoped3A : memref<!tpu.dma_semaphore, #tpu.memory_space<semaphore_mem>>) src(%dma_wait3A_165 : memref<80xi32, #tpu.memory_space<hbm>>) dst(%arg12 : memref<80xi32, #tpu.memory_space<vmem>>)
        tpu.yield
      }) : () -> ()
      "tpu.region"() ({
        %run_scoped3A = tpu.sem_alloc : memref<!tpu.dma_semaphore, #tpu.memory_space<semaphore_mem>>
        %dma_start3A_162 = tpu.memref_slice %arg6[%add3A_70] : memref<320000xi32, #tpu.memory_space<hbm>> -> memref<80xi32, #tpu.memory_space<hbm>>
        %dma_start3A_163 = tpu.memref_slice %arg6[%add3A_70] : memref<320000xi32, #tpu.memory_space<hbm>> -> memref<80xi32, #tpu.memory_space<hbm>>
        tpu.enqueue_dma source(%dma_start3A_163 : memref<80xi32, #tpu.memory_space<hbm>>) target(%arg13 : memref<80xi32, #tpu.memory_space<vmem>>) target_semaphore(%run_scoped3A : memref<!tpu.dma_semaphore, #tpu.memory_space<semaphore_mem>>)
        %dma_wait3A_164 = tpu.memref_slice %arg6[%add3A_70] : memref<320000xi32, #tpu.memory_space<hbm>> -> memref<80xi32, #tpu.memory_space<hbm>>
        %dma_wait3A_165 = tpu.memref_slice %arg6[%add3A_70] : memref<320000xi32, #tpu.memory_space<hbm>> -> memref<80xi32, #tpu.memory_space<hbm>>
        tpu.wait_dma2 semaphore(%run_scoped3A : memref<!tpu.dma_semaphore, #tpu.memory_space<semaphore_mem>>) src(%dma_wait3A_165 : memref<80xi32, #tpu.memory_space<hbm>>) dst(%arg13 : memref<80xi32, #tpu.memory_space<vmem>>)
        tpu.yield
      }) : () -> ()
      %get3A = arith.constant 0 : index
      %get3A_71 = tpu.vector_load %arg12[%get3A] {strides = array<i32>} : memref<80xi32, #tpu.memory_space<vmem>>, vector<16xi32>,
      %get3A_72 = arith.constant 0 : index
      %get3A_73 = tpu.vector_load %arg13[%get3A_72] {strides = array<i32>} : memref<80xi32, #tpu.memory_space<vmem>>, vector<16xi32>,
      %gather3A = tpu.vector_load_idx %arg9[%get3A_71] : memref<10240xf32, #tpu.memory_space<vmem>>[vector<16xi32>], vector<16xf32>,
      %gather3A_74 = tpu.vector_load_idx %arg10[%get3A_73] : memref<10240xf32, #tpu.memory_space<vmem>>[vector<16xi32>], vector<16xf32>,
      %add3A_75 = arith.addf %gather3A, %gather3A_74 : vector<16xf32>
      %mul3A_76 = arith.constant 2.000000e-01 : f32
      %mul3A_77 = vector.broadcast %mul3A_76 : f32 to vector<16xf32>
      %mul3A_78 = arith.mulf %add3A_75, %mul3A_77 : vector<16xf32>
      %max3A = arith.maximumf %add3A_75, %mul3A_78 : vector<16xf32>
      %exp3A = math.exp %max3A : vector<16xf32>
      %swap3A = arith.constant 0 : index
      %swap3A_79 = tpu.vector_load %arg15[%swap3A] {strides = array<i32>} : memref<80xf32, #tpu.memory_space<vmem>>, vector<16xf32>,
      tpu.vector_store %arg15[%swap3A], %exp3A {strides = array<i32>} : memref<80xf32, #tpu.memory_space<vmem>>, vector<16xf32>,
      tpu.vector_store_idx %arg11[%get3A_73], %exp3A {add = true} : memref<10240xf32, #tpu.memory_space<vmem>>[vector<16xi32>], vector<16xf32>,
      %swap3A_80 = arith.constant 0 : index
      %swap3A_81 = tpu.vector_load %arg14[%swap3A_80] {strides = array<i32>} : memref<80xi32, #tpu.memory_space<vmem>>, vector<16xi32>,
      tpu.vector_store %arg14[%swap3A_80], %get3A_71 {strides = array<i32>} : memref<80xi32, #tpu.memory_space<vmem>>, vector<16xi32>,
      %get3A_82 = arith.constant 16 : index
      %get3A_83 = tpu.vector_load %arg12[%get3A_82] {strides = array<i32>} : memref<80xi32, #tpu.memory_space<vmem>>, vector<16xi32>,
      %get3A_84 = arith.constant 16 : index
      %get3A_85 = tpu.vector_load %arg13[%get3A_84] {strides = array<i32>} : memref<80xi32, #tpu.memory_space<vmem>>, vector<16xi32>,
      %gather3A_86 = tpu.vector_load_idx %arg9[%get3A_83] : memref<10240xf32, #tpu.memory_space<vmem>>[vector<16xi32>], vector<16xf32>,
      %gather3A_87 = tpu.vector_load_idx %arg10[%get3A_85] : memref<10240xf32, #tpu.memory_space<vmem>>[vector<16xi32>], vector<16xf32>,
      %add3A_88 = arith.addf %gather3A_86, %gather3A_87 : vector<16xf32>
      %mul3A_89 = arith.constant 2.000000e-01 : f32
      %mul3A_90 = vector.broadcast %mul3A_89 : f32 to vector<16xf32>
      %mul3A_91 = arith.mulf %add3A_88, %mul3A_90 : vector<16xf32>
      %max3A_92 = arith.maximumf %add3A_88, %mul3A_91 : vector<16xf32>
      %exp3A_93 = math.exp %max3A_92 : vector<16xf32>
      %swap3A_94 = arith.constant 16 : index
      %swap3A_95 = tpu.vector_load %arg15[%swap3A_94] {strides = array<i32>} : memref<80xf32, #tpu.memory_space<vmem>>, vector<16xf32>,
      tpu.vector_store %arg15[%swap3A_94], %exp3A_93 {strides = array<i32>} : memref<80xf32, #tpu.memory_space<vmem>>, vector<16xf32>,
      tpu.vector_store_idx %arg11[%get3A_85], %exp3A_93 {add = true} : memref<10240xf32, #tpu.memory_space<vmem>>[vector<16xi32>], vector<16xf32>,
      %swap3A_96 = arith.constant 16 : index
      %swap3A_97 = tpu.vector_load %arg14[%swap3A_96] {strides = array<i32>} : memref<80xi32, #tpu.memory_space<vmem>>, vector<16xi32>,
      tpu.vector_store %arg14[%swap3A_96], %get3A_83 {strides = array<i32>} : memref<80xi32, #tpu.memory_space<vmem>>, vector<16xi32>,
      %get3A_98 = arith.constant 32 : index
      %get3A_99 = tpu.vector_load %arg12[%get3A_98] {strides = array<i32>} : memref<80xi32, #tpu.memory_space<vmem>>, vector<16xi32>,
      %get3A_100 = arith.constant 32 : index
      %get3A_101 = tpu.vector_load %arg13[%get3A_100] {strides = array<i32>} : memref<80xi32, #tpu.memory_space<vmem>>, vector<16xi32>,
      %gather3A_102 = tpu.vector_load_idx %arg9[%get3A_99] : memref<10240xf32, #tpu.memory_space<vmem>>[vector<16xi32>], vector<16xf32>,
      %gather3A_103 = tpu.vector_load_idx %arg10[%get3A_101] : memref<10240xf32, #tpu.memory_space<vmem>>[vector<16xi32>], vector<16xf32>,
      %add3A_104 = arith.addf %gather3A_102, %gather3A_103 : vector<16xf32>
      %mul3A_105 = arith.constant 2.000000e-01 : f32
      %mul3A_106 = vector.broadcast %mul3A_105 : f32 to vector<16xf32>
      %mul3A_107 = arith.mulf %add3A_104, %mul3A_106 : vector<16xf32>
      %max3A_108 = arith.maximumf %add3A_104, %mul3A_107 : vector<16xf32>
      %exp3A_109 = math.exp %max3A_108 : vector<16xf32>
      %swap3A_110 = arith.constant 32 : index
      %swap3A_111 = tpu.vector_load %arg15[%swap3A_110] {strides = array<i32>} : memref<80xf32, #tpu.memory_space<vmem>>, vector<16xf32>,
      tpu.vector_store %arg15[%swap3A_110], %exp3A_109 {strides = array<i32>} : memref<80xf32, #tpu.memory_space<vmem>>, vector<16xf32>,
      tpu.vector_store_idx %arg11[%get3A_101], %exp3A_109 {add = true} : memref<10240xf32, #tpu.memory_space<vmem>>[vector<16xi32>], vector<16xf32>,
      %swap3A_112 = arith.constant 32 : index
      %swap3A_113 = tpu.vector_load %arg14[%swap3A_112] {strides = array<i32>} : memref<80xi32, #tpu.memory_space<vmem>>, vector<16xi32>,
      tpu.vector_store %arg14[%swap3A_112], %get3A_99 {strides = array<i32>} : memref<80xi32, #tpu.memory_space<vmem>>, vector<16xi32>,
      %get3A_114 = arith.constant 48 : index
      %get3A_115 = tpu.vector_load %arg12[%get3A_114] {strides = array<i32>} : memref<80xi32, #tpu.memory_space<vmem>>, vector<16xi32>,
      %get3A_116 = arith.constant 48 : index
      %get3A_117 = tpu.vector_load %arg13[%get3A_116] {strides = array<i32>} : memref<80xi32, #tpu.memory_space<vmem>>, vector<16xi32>,
      %gather3A_118 = tpu.vector_load_idx %arg9[%get3A_115] : memref<10240xf32, #tpu.memory_space<vmem>>[vector<16xi32>], vector<16xf32>,
      %gather3A_119 = tpu.vector_load_idx %arg10[%get3A_117] : memref<10240xf32, #tpu.memory_space<vmem>>[vector<16xi32>], vector<16xf32>,
      %add3A_120 = arith.addf %gather3A_118, %gather3A_119 : vector<16xf32>
      %mul3A_121 = arith.constant 2.000000e-01 : f32
      %mul3A_122 = vector.broadcast %mul3A_121 : f32 to vector<16xf32>
      %mul3A_123 = arith.mulf %add3A_120, %mul3A_122 : vector<16xf32>
      %max3A_124 = arith.maximumf %add3A_120, %mul3A_123 : vector<16xf32>
      %exp3A_125 = math.exp %max3A_124 : vector<16xf32>
      %swap3A_126 = arith.constant 48 : index
      %swap3A_127 = tpu.vector_load %arg15[%swap3A_126] {strides = array<i32>} : memref<80xf32, #tpu.memory_space<vmem>>, vector<16xf32>,
      tpu.vector_store %arg15[%swap3A_126], %exp3A_125 {strides = array<i32>} : memref<80xf32, #tpu.memory_space<vmem>>, vector<16xf32>,
      tpu.vector_store_idx %arg11[%get3A_117], %exp3A_125 {add = true} : memref<10240xf32, #tpu.memory_space<vmem>>[vector<16xi32>], vector<16xf32>,
      %swap3A_128 = arith.constant 48 : index
      %swap3A_129 = tpu.vector_load %arg14[%swap3A_128] {strides = array<i32>} : memref<80xi32, #tpu.memory_space<vmem>>, vector<16xi32>,
      tpu.vector_store %arg14[%swap3A_128], %get3A_115 {strides = array<i32>} : memref<80xi32, #tpu.memory_space<vmem>>, vector<16xi32>,
      %get3A_130 = arith.constant 64 : index
      %get3A_131 = tpu.vector_load %arg12[%get3A_130] {strides = array<i32>} : memref<80xi32, #tpu.memory_space<vmem>>, vector<16xi32>,
      %get3A_132 = arith.constant 64 : index
      %get3A_133 = tpu.vector_load %arg13[%get3A_132] {strides = array<i32>} : memref<80xi32, #tpu.memory_space<vmem>>, vector<16xi32>,
      %gather3A_134 = tpu.vector_load_idx %arg9[%get3A_131] : memref<10240xf32, #tpu.memory_space<vmem>>[vector<16xi32>], vector<16xf32>,
      %gather3A_135 = tpu.vector_load_idx %arg10[%get3A_133] : memref<10240xf32, #tpu.memory_space<vmem>>[vector<16xi32>], vector<16xf32>,
      %add3A_136 = arith.addf %gather3A_134, %gather3A_135 : vector<16xf32>
      %mul3A_137 = arith.constant 2.000000e-01 : f32
      %mul3A_138 = vector.broadcast %mul3A_137 : f32 to vector<16xf32>
      %mul3A_139 = arith.mulf %add3A_136, %mul3A_138 : vector<16xf32>
      %max3A_140 = arith.maximumf %add3A_136, %mul3A_139 : vector<16xf32>
      %exp3A_141 = math.exp %max3A_140 : vector<16xf32>
      %swap3A_142 = arith.constant 64 : index
      %swap3A_143 = tpu.vector_load %arg15[%swap3A_142] {strides = array<i32>} : memref<80xf32, #tpu.memory_space<vmem>>, vector<16xf32>,
      tpu.vector_store %arg15[%swap3A_142], %exp3A_141 {strides = array<i32>} : memref<80xf32, #tpu.memory_space<vmem>>, vector<16xf32>,
      tpu.vector_store_idx %arg11[%get3A_133], %exp3A_141 {add = true} : memref<10240xf32, #tpu.memory_space<vmem>>[vector<16xi32>], vector<16xf32>,
      %swap3A_144 = arith.constant 64 : index
      %swap3A_145 = tpu.vector_load %arg14[%swap3A_144] {strides = array<i32>} : memref<80xi32, #tpu.memory_space<vmem>>, vector<16xi32>,
      tpu.vector_store %arg14[%swap3A_144], %get3A_131 {strides = array<i32>} : memref<80xi32, #tpu.memory_space<vmem>>, vector<16xi32>,
      %dma_start3A = arith.constant 0 : i32
      %dma_start3A_146 = arith.constant 0 : i32
      %dma_start3A_147 = tpu.memref_slice %arg2[%dma_start3A, %dma_start3A_146] : memref<10240x128xf32, #tpu.memory_space<hbm>> -> memref<10240x128xf32, #tpu.memory_space<hbm>>
      tpu.enqueue_indirect_dma source(%dma_start3A_147 : memref<10240x128xf32, #tpu.memory_space<hbm>>) target(%arg16 : memref<80x128xf32, #tpu.memory_space<vmem>>) offsets(%arg14 : memref<80xi32, #tpu.memory_space<vmem>>) semaphore(%arg18 : memref<!tpu.dma_semaphore, #tpu.memory_space<semaphore_mem>>)
      %dma_wait3A = arith.constant 0 : i32
      %dma_wait3A_148 = arith.constant 0 : i32
      %dma_wait3A_149 = tpu.memref_slice %arg2[%dma_wait3A, %dma_wait3A_148] : memref<10240x128xf32, #tpu.memory_space<hbm>> -> memref<10240x128xf32, #tpu.memory_space<hbm>>
      tpu.wait_indirect_dma semaphore(%arg18 : memref<!tpu.dma_semaphore, #tpu.memory_space<semaphore_mem>>) src(%dma_wait3A_149 : memref<10240x128xf32, #tpu.memory_space<hbm>>) dst(%arg16 : memref<80x128xf32, #tpu.memory_space<vmem>>)
      %scan3A_150 = arith.constant 0 : i32
      %scan3A_151 = arith.constant 0 : i32
      %scan3A_152 = arith.constant 5 : i32
      %scan3A_153 = arith.addi %scan3A_151, %scan3A_152 : i32
      %scan3A_154 = arith.constant 1 : i32
      scf.for %scan3A_162 = %scan3A_151 to %scan3A_153 step %scan3A_154  : i32 {
        %mul3A_163 = arith.constant 16 : i32
        %mul3A_164 = arith.muli %scan3A_162, %mul3A_163 : i32
        %get3A_165 = arith.index_cast %mul3A_164 : i32 to index
        %get3A_166 = tpu.vector_load %arg15[%get3A_165] {strides = array<i32>} : memref<80xf32, #tpu.memory_space<vmem>>, vector<16xf32>,
        %slice3A = vector.extract_strided_slice %get3A_166 {offsets = [0], sizes = [1], strides = [1]} : vector<16xf32> to vector<1xf32>
        %squeeze3A = vector.extract %slice3A[0] : f32 from vector<1xf32>
        %mul3A_167 = arith.constant 16 : i32
        %mul3A_168 = arith.muli %scan3A_162, %mul3A_167 : i32
        %add3A_169 = arith.constant 0 : i32
        %add3A_170 = arith.addi %mul3A_168, %add3A_169 : i32
        %get3A_171 = arith.index_cast %add3A_170 : i32 to index
        %get3A_172 = arith.constant 0 : index
        %get3A_173 = tpu.vector_load %arg16[%get3A_171, %get3A_172] {strides = array<i32>} : memref<80x128xf32, #tpu.memory_space<vmem>>, vector<16xf32>,
        %mul3A_174 = vector.broadcast %squeeze3A : f32 to vector<16xf32>
        %mul3A_175 = arith.mulf %get3A_173, %mul3A_174 : vector<16xf32>
        %swap3A_176 = arith.index_cast %add3A_170 : i32 to index
        %swap3A_177 = arith.constant 0 : index
        %swap3A_178 = tpu.vector_load %arg16[%swap3A_176, %swap3A_177] {strides = array<i32>} : memref<80x128xf32, #tpu.memory_space<vmem>>, vector<16xf32>,
        tpu.vector_store %arg16[%swap3A_176, %swap3A_177], %mul3A_175 {strides = array<i32>} : memref<80x128xf32, #tpu.memory_space<vmem>>, vector<16xf32>,
        %get3A_179 = arith.index_cast %add3A_170 : i32 to index
        %get3A_180 = arith.constant 16 : index
        %get3A_181 = tpu.vector_load %arg16[%get3A_179, %get3A_180] {strides = array<i32>} : memref<80x128xf32, #tpu.memory_space<vmem>>, vector<16xf32>,
        %mul3A_182 = vector.broadcast %squeeze3A : f32 to vector<16xf32>
        %mul3A_183 = arith.mulf %get3A_181, %mul3A_182 : vector<16xf32>
        %swap3A_184 = arith.index_cast %add3A_170 : i32 to index
        %swap3A_185 = arith.constant 16 : index
        %swap3A_186 = tpu.vector_load %arg16[%swap3A_184, %swap3A_185] {strides = array<i32>} : memref<80x128xf32, #tpu.memory_space<vmem>>, vector<16xf32>,
        tpu.vector_store %arg16[%swap3A_184, %swap3A_185], %mul3A_183 {strides = array<i32>} : memref<80x128xf32, #tpu.memory_space<vmem>>, vector<16xf32>,
        %get3A_187 = arith.index_cast %add3A_170 : i32 to index
        %get3A_188 = arith.constant 32 : index
        %get3A_189 = tpu.vector_load %arg16[%get3A_187, %get3A_188] {strides = array<i32>} : memref<80x128xf32, #tpu.memory_space<vmem>>, vector<16xf32>,
        %mul3A_190 = vector.broadcast %squeeze3A : f32 to vector<16xf32>
        %mul3A_191 = arith.mulf %get3A_189, %mul3A_190 : vector<16xf32>
        %swap3A_192 = arith.index_cast %add3A_170 : i32 to index
        %swap3A_193 = arith.constant 32 : index
        %swap3A_194 = tpu.vector_load %arg16[%swap3A_192, %swap3A_193] {strides = array<i32>} : memref<80x128xf32, #tpu.memory_space<vmem>>, vector<16xf32>,
        tpu.vector_store %arg16[%swap3A_192, %swap3A_193], %mul3A_191 {strides = array<i32>} : memref<80x128xf32, #tpu.memory_space<vmem>>, vector<16xf32>,
        %get3A_195 = arith.index_cast %add3A_170 : i32 to index
        %get3A_196 = arith.constant 48 : index
        %get3A_197 = tpu.vector_load %arg16[%get3A_195, %get3A_196] {strides = array<i32>} : memref<80x128xf32, #tpu.memory_space<vmem>>, vector<16xf32>,
        %mul3A_198 = vector.broadcast %squeeze3A : f32 to vector<16xf32>
        %mul3A_199 = arith.mulf %get3A_197, %mul3A_198 : vector<16xf32>
        %swap3A_200 = arith.index_cast %add3A_170 : i32 to index
        %swap3A_201 = arith.constant 48 : index
        %swap3A_202 = tpu.vector_load %arg16[%swap3A_200, %swap3A_201] {strides = array<i32>} : memref<80x128xf32, #tpu.memory_space<vmem>>, vector<16xf32>,
        tpu.vector_store %arg16[%swap3A_200, %swap3A_201], %mul3A_199 {strides = array<i32>} : memref<80x128xf32, #tpu.memory_space<vmem>>, vector<16xf32>,
        %get3A_203 = arith.index_cast %add3A_170 : i32 to index
        %get3A_204 = arith.constant 64 : index
        %get3A_205 = tpu.vector_load %arg16[%get3A_203, %get3A_204] {strides = array<i32>} : memref<80x128xf32, #tpu.memory_space<vmem>>, vector<16xf32>,
        %mul3A_206 = vector.broadcast %squeeze3A : f32 to vector<16xf32>
        %mul3A_207 = arith.mulf %get3A_205, %mul3A_206 : vector<16xf32>
        %swap3A_208 = arith.index_cast %add3A_170 : i32 to index
        %swap3A_209 = arith.constant 64 : index
        %swap3A_210 = tpu.vector_load %arg16[%swap3A_208, %swap3A_209] {strides = array<i32>} : memref<80x128xf32, #tpu.memory_space<vmem>>, vector<16xf32>,
        tpu.vector_store %arg16[%swap3A_208, %swap3A_209], %mul3A_207 {strides = array<i32>} : memref<80x128xf32, #tpu.memory_space<vmem>>, vector<16xf32>,
        %get3A_211 = arith.index_cast %add3A_170 : i32 to index
        %get3A_212 = arith.constant 80 : index
        %get3A_213 = tpu.vector_load %arg16[%get3A_211, %get3A_212] {strides = array<i32>} : memref<80x128xf32, #tpu.memory_space<vmem>>, vector<16xf32>,
        %mul3A_214 = vector.broadcast %squeeze3A : f32 to vector<16xf32>
        %mul3A_215 = arith.mulf %get3A_213, %mul3A_214 : vector<16xf32>
        %swap3A_216 = arith.index_cast %add3A_170 : i32 to index
        %swap3A_217 = arith.constant 80 : index
        %swap3A_218 = tpu.vector_load %arg16[%swap3A_216, %swap3A_217] {strides = array<i32>} : memref<80x128xf32, #tpu.memory_space<vmem>>, vector<16xf32>,
        tpu.vector_store %arg16[%swap3A_216, %swap3A_217], %mul3A_215 {strides = array<i32>} : memref<80x128xf32, #tpu.memory_space<vmem>>, vector<16xf32>,
        %get3A_219 = arith.index_cast %add3A_170 : i32 to index
        %get3A_220 = arith.constant 96 : index
        %get3A_221 = tpu.vector_load %arg16[%get3A_219, %get3A_220] {strides = array<i32>} : memref<80x128xf32, #tpu.memory_space<vmem>>, vector<16xf32>,
        %mul3A_222 = vector.broadcast %squeeze3A : f32 to vector<16xf32>
        %mul3A_223 = arith.mulf %get3A_221, %mul3A_222 : vector<16xf32>
        %swap3A_224 = arith.index_cast %add3A_170 : i32 to index
        %swap3A_225 = arith.constant 96 : index
        %swap3A_226 = tpu.vector_load %arg16[%swap3A_224, %swap3A_225] {strides = array<i32>} : memref<80x128xf32, #tpu.memory_space<vmem>>, vector<16xf32>,
        tpu.vector_store %arg16[%swap3A_224, %swap3A_225], %mul3A_223 {strides = array<i32>} : memref<80x128xf32, #tpu.memory_space<vmem>>, vector<16xf32>,
        %get3A_227 = arith.index_cast %add3A_170 : i32 to index
        %get3A_228 = arith.constant 112 : index
        %get3A_229 = tpu.vector_load %arg16[%get3A_227, %get3A_228] {strides = array<i32>} : memref<80x128xf32, #tpu.memory_space<vmem>>, vector<16xf32>,
        %mul3A_230 = vector.broadcast %squeeze3A : f32 to vector<16xf32>
        %mul3A_231 = arith.mulf %get3A_229, %mul3A_230 : vector<16xf32>
        %swap3A_232 = arith.index_cast %add3A_170 : i32 to index
        %swap3A_233 = arith.constant 112 : index
        %swap3A_234 = tpu.vector_load %arg16[%swap3A_232, %swap3A_233] {strides = array<i32>} : memref<80x128xf32, #tpu.memory_space<vmem>>, vector<16xf32>,
        tpu.vector_store %arg16[%swap3A_232, %swap3A_233], %mul3A_231 {strides = array<i32>} : memref<80x128xf32, #tpu.memory_space<vmem>>, vector<16xf32>,
        %slice3A_235 = vector.extract_strided_slice %get3A_166 {offsets = [1], sizes = [1], strides = [1]} : vector<16xf32> to vector<1xf32>
        %squeeze3A_236 = vector.extract %slice3A_235[0] : f32 from vector<1xf32>
        %mul3A_237 = arith.constant 16 : i32
        %mul3A_238 = arith.muli %scan3A_162, %mul3A_237 : i32
        %add3A_239 = arith.constant 1 : i32
        %add3A_240 = arith.addi %mul3A_238, %add3A_239 : i32
        %get3A_241 = arith.index_cast %add3A_240 : i32 to index
        %get3A_242 = arith.constant 0 : index
        %get3A_243 = tpu.vector_load %arg16[%get3A_241, %get3A_242] {strides = array<i32>} : memref<80x128xf32, #tpu.memory_space<vmem>>, vector<16xf32>,
        %mul3A_244 = vector.broadcast %squeeze3A_236 : f32 to vector<16xf32>
        %mul3A_245 = arith.mulf %get3A_243, %mul3A_244 : vector<16xf32>
        %swap3A_246 = arith.index_cast %add3A_240 : i32 to index
        %swap3A_247 = arith.constant 0 : index
        %swap3A_248 = tpu.vector_load %arg16[%swap3A_246, %swap3A_247] {strides = array<i32>} : memref<80x128xf32, #tpu.memory_space<vmem>>, vector<16xf32>,
        tpu.vector_store %arg16[%swap3A_246, %swap3A_247], %mul3A_245 {strides = array<i32>} : memref<80x128xf32, #tpu.memory_space<vmem>>, vector<16xf32>,
        %get3A_249 = arith.index_cast %add3A_240 : i32 to index
        %get3A_250 = arith.constant 16 : index
        %get3A_251 = tpu.vector_load %arg16[%get3A_249, %get3A_250] {strides = array<i32>} : memref<80x128xf32, #tpu.memory_space<vmem>>, vector<16xf32>,
        %mul3A_252 = vector.broadcast %squeeze3A_236 : f32 to vector<16xf32>
        %mul3A_253 = arith.mulf %get3A_251, %mul3A_252 : vector<16xf32>
        %swap3A_254 = arith.index_cast %add3A_240 : i32 to index
        %swap3A_255 = arith.constant 16 : index
        %swap3A_256 = tpu.vector_load %arg16[%swap3A_254, %swap3A_255] {strides = array<i32>} : memref<80x128xf32, #tpu.memory_space<vmem>>, vector<16xf32>,
        tpu.vector_store %arg16[%swap3A_254, %swap3A_255], %mul3A_253 {strides = array<i32>} : memref<80x128xf32, #tpu.memory_space<vmem>>, vector<16xf32>,
        %get3A_257 = arith.index_cast %add3A_240 : i32 to index
        %get3A_258 = arith.constant 32 : index
        %get3A_259 = tpu.vector_load %arg16[%get3A_257, %get3A_258] {strides = array<i32>} : memref<80x128xf32, #tpu.memory_space<vmem>>, vector<16xf32>,
        %mul3A_260 = vector.broadcast %squeeze3A_236 : f32 to vector<16xf32>
        %mul3A_261 = arith.mulf %get3A_259, %mul3A_260 : vector<16xf32>
        %swap3A_262 = arith.index_cast %add3A_240 : i32 to index
        %swap3A_263 = arith.constant 32 : index
        %swap3A_264 = tpu.vector_load %arg16[%swap3A_262, %swap3A_263] {strides = array<i32>} : memref<80x128xf32, #tpu.memory_space<vmem>>, vector<16xf32>,
        tpu.vector_store %arg16[%swap3A_262, %swap3A_263], %mul3A_261 {strides = array<i32>} : memref<80x128xf32, #tpu.memory_space<vmem>>, vector<16xf32>,
        %get3A_265 = arith.index_cast %add3A_240 : i32 to index
        %get3A_266 = arith.constant 48 : index
        %get3A_267 = tpu.vector_load %arg16[%get3A_265, %get3A_266] {strides = array<i32>} : memref<80x128xf32, #tpu.memory_space<vmem>>, vector<16xf32>,
        %mul3A_268 = vector.broadcast %squeeze3A_236 : f32 to vector<16xf32>
        %mul3A_269 = arith.mulf %get3A_267, %mul3A_268 : vector<16xf32>
        %swap3A_270 = arith.index_cast %add3A_240 : i32 to index
        %swap3A_271 = arith.constant 48 : index
        %swap3A_272 = tpu.vector_load %arg16[%swap3A_270, %swap3A_271] {strides = array<i32>} : memref<80x128xf32, #tpu.memory_space<vmem>>, vector<16xf32>,
        tpu.vector_store %arg16[%swap3A_270, %swap3A_271], %mul3A_269 {strides = array<i32>} : memref<80x128xf32, #tpu.memory_space<vmem>>, vector<16xf32>,
        %get3A_273 = arith.index_cast %add3A_240 : i32 to index
        %get3A_274 = arith.constant 64 : index
        %get3A_275 = tpu.vector_load %arg16[%get3A_273, %get3A_274] {strides = array<i32>} : memref<80x128xf32, #tpu.memory_space<vmem>>, vector<16xf32>,
        %mul3A_276 = vector.broadcast %squeeze3A_236 : f32 to vector<16xf32>
        %mul3A_277 = arith.mulf %get3A_275, %mul3A_276 : vector<16xf32>
        %swap3A_278 = arith.index_cast %add3A_240 : i32 to index
        %swap3A_279 = arith.constant 64 : index
        %swap3A_280 = tpu.vector_load %arg16[%swap3A_278, %swap3A_279] {strides = array<i32>} : memref<80x128xf32, #tpu.memory_space<vmem>>, vector<16xf32>,
        tpu.vector_store %arg16[%swap3A_278, %swap3A_279], %mul3A_277 {strides = array<i32>} : memref<80x128xf32, #tpu.memory_space<vmem>>, vector<16xf32>,
        %get3A_281 = arith.index_cast %add3A_240 : i32 to index
        %get3A_282 = arith.constant 80 : index
        %get3A_283 = tpu.vector_load %arg16[%get3A_281, %get3A_282] {strides = array<i32>} : memref<80x128xf32, #tpu.memory_space<vmem>>, vector<16xf32>,
        %mul3A_284 = vector.broadcast %squeeze3A_236 : f32 to vector<16xf32>
        %mul3A_285 = arith.mulf %get3A_283, %mul3A_284 : vector<16xf32>
        %swap3A_286 = arith.index_cast %add3A_240 : i32 to index
        %swap3A_287 = arith.constant 80 : index
        %swap3A_288 = tpu.vector_load %arg16[%swap3A_286, %swap3A_287] {strides = array<i32>} : memref<80x128xf32, #tpu.memory_space<vmem>>, vector<16xf32>,
        tpu.vector_store %arg16[%swap3A_286, %swap3A_287], %mul3A_285 {strides = array<i32>} : memref<80x128xf32, #tpu.memory_space<vmem>>, vector<16xf32>,
        %get3A_289 = arith.index_cast %add3A_240 : i32 to index
        %get3A_290 = arith.constant 96 : index
        %get3A_291 = tpu.vector_load %arg16[%get3A_289, %get3A_290] {strides = array<i32>} : memref<80x128xf32, #tpu.memory_space<vmem>>, vector<16xf32>,
        %mul3A_292 = vector.broadcast %squeeze3A_236 : f32 to vector<16xf32>
        %mul3A_293 = arith.mulf %get3A_291, %mul3A_292 : vector<16xf32>
        %swap3A_294 = arith.index_cast %add3A_240 : i32 to index
        %swap3A_295 = arith.constant 96 : index
        %swap3A_296 = tpu.vector_load %arg16[%swap3A_294, %swap3A_295] {strides = array<i32>} : memref<80x128xf32, #tpu.memory_space<vmem>>, vector<16xf32>,
        tpu.vector_store %arg16[%swap3A_294, %swap3A_295], %mul3A_293 {strides = array<i32>} : memref<80x128xf32, #tpu.memory_space<vmem>>, vector<16xf32>,
        %get3A_297 = arith.index_cast %add3A_240 : i32 to index
        %get3A_298 = arith.constant 112 : index
        %get3A_299 = tpu.vector_load %arg16[%get3A_297, %get3A_298] {strides = array<i32>} : memref<80x128xf32, #tpu.memory_space<vmem>>, vector<16xf32>,
        %mul3A_300 = vector.broadcast %squeeze3A_236 : f32 to vector<16xf32>
        %mul3A_301 = arith.mulf %get3A_299, %mul3A_300 : vector<16xf32>
        %swap3A_302 = arith.index_cast %add3A_240 : i32 to index
        %swap3A_303 = arith.constant 112 : index
        %swap3A_304 = tpu.vector_load %arg16[%swap3A_302, %swap3A_303] {strides = array<i32>} : memref<80x128xf32, #tpu.memory_space<vmem>>, vector<16xf32>,
        tpu.vector_store %arg16[%swap3A_302, %swap3A_303], %mul3A_301 {strides = array<i32>} : memref<80x128xf32, #tpu.memory_space<vmem>>, vector<16xf32>,
        %slice3A_305 = vector.extract_strided_slice %get3A_166 {offsets = [2], sizes = [1], strides = [1]} : vector<16xf32> to vector<1xf32>
        %squeeze3A_306 = vector.extract %slice3A_305[0] : f32 from vector<1xf32>
        %mul3A_307 = arith.constant 16 : i32
        %mul3A_308 = arith.muli %scan3A_162, %mul3A_307 : i32
        %add3A_309 = arith.constant 2 : i32
        %add3A_310 = arith.addi %mul3A_308, %add3A_309 : i32
        %get3A_311 = arith.index_cast %add3A_310 : i32 to index
        %get3A_312 = arith.constant 0 : index
        %get3A_313 = tpu.vector_load %arg16[%get3A_311, %get3A_312] {strides = array<i32>} : memref<80x128xf32, #tpu.memory_space<vmem>>, vector<16xf32>,
        %mul3A_314 = vector.broadcast %squeeze3A_306 : f32 to vector<16xf32>
        %mul3A_315 = arith.mulf %get3A_313, %mul3A_314 : vector<16xf32>
        %swap3A_316 = arith.index_cast %add3A_310 : i32 to index
        %swap3A_317 = arith.constant 0 : index
        %swap3A_318 = tpu.vector_load %arg16[%swap3A_316, %swap3A_317] {strides = array<i32>} : memref<80x128xf32, #tpu.memory_space<vmem>>, vector<16xf32>,
        tpu.vector_store %arg16[%swap3A_316, %swap3A_317], %mul3A_315 {strides = array<i32>} : memref<80x128xf32, #tpu.memory_space<vmem>>, vector<16xf32>,
        %get3A_319 = arith.index_cast %add3A_310 : i32 to index
        %get3A_320 = arith.constant 16 : index
        %get3A_321 = tpu.vector_load %arg16[%get3A_319, %get3A_320] {strides = array<i32>} : memref<80x128xf32, #tpu.memory_space<vmem>>, vector<16xf32>,
        %mul3A_322 = vector.broadcast %squeeze3A_306 : f32 to vector<16xf32>
        %mul3A_323 = arith.mulf %get3A_321, %mul3A_322 : vector<16xf32>
        %swap3A_324 = arith.index_cast %add3A_310 : i32 to index
        %swap3A_325 = arith.constant 16 : index
        %swap3A_326 = tpu.vector_load %arg16[%swap3A_324, %swap3A_325] {strides = array<i32>} : memref<80x128xf32, #tpu.memory_space<vmem>>, vector<16xf32>,
        tpu.vector_store %arg16[%swap3A_324, %swap3A_325], %mul3A_323 {strides = array<i32>} : memref<80x128xf32, #tpu.memory_space<vmem>>, vector<16xf32>,
        %get3A_327 = arith.index_cast %add3A_310 : i32 to index
        %get3A_328 = arith.constant 32 : index
        %get3A_329 = tpu.vector_load %arg16[%get3A_327, %get3A_328] {strides = array<i32>} : memref<80x128xf32, #tpu.memory_space<vmem>>, vector<16xf32>,
        %mul3A_330 = vector.broadcast %squeeze3A_306 : f32 to vector<16xf32>
        %mul3A_331 = arith.mulf %get3A_329, %mul3A_330 : vector<16xf32>
        %swap3A_332 = arith.index_cast %add3A_310 : i32 to index
        %swap3A_333 = arith.constant 32 : index
        %swap3A_334 = tpu.vector_load %arg16[%swap3A_332, %swap3A_333] {strides = array<i32>} : memref<80x128xf32, #tpu.memory_space<vmem>>, vector<16xf32>,
        tpu.vector_store %arg16[%swap3A_332, %swap3A_333], %mul3A_331 {strides = array<i32>} : memref<80x128xf32, #tpu.memory_space<vmem>>, vector<16xf32>,
        %get3A_335 = arith.index_cast %add3A_310 : i32 to index
        %get3A_336 = arith.constant 48 : index
        %get3A_337 = tpu.vector_load %arg16[%get3A_335, %get3A_336] {strides = array<i32>} : memref<80x128xf32, #tpu.memory_space<vmem>>, vector<16xf32>,
        %mul3A_338 = vector.broadcast %squeeze3A_306 : f32 to vector<16xf32>
        %mul3A_339 = arith.mulf %get3A_337, %mul3A_338 : vector<16xf32>
        %swap3A_340 = arith.index_cast %add3A_310 : i32 to index
        %swap3A_341 = arith.constant 48 : index
        %swap3A_342 = tpu.vector_load %arg16[%swap3A_340, %swap3A_341] {strides = array<i32>} : memref<80x128xf32, #tpu.memory_space<vmem>>, vector<16xf32>,
        tpu.vector_store %arg16[%swap3A_340, %swap3A_341], %mul3A_339 {strides = array<i32>} : memref<80x128xf32, #tpu.memory_space<vmem>>, vector<16xf32>,
        %get3A_343 = arith.index_cast %add3A_310 : i32 to index
        %get3A_344 = arith.constant 64 : index
        %get3A_345 = tpu.vector_load %arg16[%get3A_343, %get3A_344] {strides = array<i32>} : memref<80x128xf32, #tpu.memory_space<vmem>>, vector<16xf32>,
        %mul3A_346 = vector.broadcast %squeeze3A_306 : f32 to vector<16xf32>
        %mul3A_347 = arith.mulf %get3A_345, %mul3A_346 : vector<16xf32>
        %swap3A_348 = arith.index_cast %add3A_310 : i32 to index
        %swap3A_349 = arith.constant 64 : index
        %swap3A_350 = tpu.vector_load %arg16[%swap3A_348, %swap3A_349] {strides = array<i32>} : memref<80x128xf32, #tpu.memory_space<vmem>>, vector<16xf32>,
        tpu.vector_store %arg16[%swap3A_348, %swap3A_349], %mul3A_347 {strides = array<i32>} : memref<80x128xf32, #tpu.memory_space<vmem>>, vector<16xf32>,
        %get3A_351 = arith.index_cast %add3A_310 : i32 to index
        %get3A_352 = arith.constant 80 : index
        %get3A_353 = tpu.vector_load %arg16[%get3A_351, %get3A_352] {strides = array<i32>} : memref<80x128xf32, #tpu.memory_space<vmem>>, vector<16xf32>,
        %mul3A_354 = vector.broadcast %squeeze3A_306 : f32 to vector<16xf32>
        %mul3A_355 = arith.mulf %get3A_353, %mul3A_354 : vector<16xf32>
        %swap3A_356 = arith.index_cast %add3A_310 : i32 to index
        %swap3A_357 = arith.constant 80 : index
        %swap3A_358 = tpu.vector_load %arg16[%swap3A_356, %swap3A_357] {strides = array<i32>} : memref<80x128xf32, #tpu.memory_space<vmem>>, vector<16xf32>,
        tpu.vector_store %arg16[%swap3A_356, %swap3A_357], %mul3A_355 {strides = array<i32>} : memref<80x128xf32, #tpu.memory_space<vmem>>, vector<16xf32>,
        %get3A_359 = arith.index_cast %add3A_310 : i32 to index
        %get3A_360 = arith.constant 96 : index
        %get3A_361 = tpu.vector_load %arg16[%get3A_359, %get3A_360] {strides = array<i32>} : memref<80x128xf32, #tpu.memory_space<vmem>>, vector<16xf32>,
        %mul3A_362 = vector.broadcast %squeeze3A_306 : f32 to vector<16xf32>
        %mul3A_363 = arith.mulf %get3A_361, %mul3A_362 : vector<16xf32>
        %swap3A_364 = arith.index_cast %add3A_310 : i32 to index
        %swap3A_365 = arith.constant 96 : index
        %swap3A_366 = tpu.vector_load %arg16[%swap3A_364, %swap3A_365] {strides = array<i32>} : memref<80x128xf32, #tpu.memory_space<vmem>>, vector<16xf32>,
        tpu.vector_store %arg16[%swap3A_364, %swap3A_365], %mul3A_363 {strides = array<i32>} : memref<80x128xf32, #tpu.memory_space<vmem>>, vector<16xf32>,
        %get3A_367 = arith.index_cast %add3A_310 : i32 to index
        %get3A_368 = arith.constant 112 : index
        %get3A_369 = tpu.vector_load %arg16[%get3A_367, %get3A_368] {strides = array<i32>} : memref<80x128xf32, #tpu.memory_space<vmem>>, vector<16xf32>,
        %mul3A_370 = vector.broadcast %squeeze3A_306 : f32 to vector<16xf32>
        %mul3A_371 = arith.mulf %get3A_369, %mul3A_370 : vector<16xf32>
        %swap3A_372 = arith.index_cast %add3A_310 : i32 to index
        %swap3A_373 = arith.constant 112 : index
        %swap3A_374 = tpu.vector_load %arg16[%swap3A_372, %swap3A_373] {strides = array<i32>} : memref<80x128xf32, #tpu.memory_space<vmem>>, vector<16xf32>,
        tpu.vector_store %arg16[%swap3A_372, %swap3A_373], %mul3A_371 {strides = array<i32>} : memref<80x128xf32, #tpu.memory_space<vmem>>, vector<16xf32>,
        %slice3A_375 = vector.extract_strided_slice %get3A_166 {offsets = [3], sizes = [1], strides = [1]} : vector<16xf32> to vector<1xf32>
        %squeeze3A_376 = vector.extract %slice3A_375[0] : f32 from vector<1xf32>
        %mul3A_377 = arith.constant 16 : i32
        %mul3A_378 = arith.muli %scan3A_162, %mul3A_377 : i32
        %add3A_379 = arith.constant 3 : i32
        %add3A_380 = arith.addi %mul3A_378, %add3A_379 : i32
        %get3A_381 = arith.index_cast %add3A_380 : i32 to index
        %get3A_382 = arith.constant 0 : index
        %get3A_383 = tpu.vector_load %arg16[%get3A_381, %get3A_382] {strides = array<i32>} : memref<80x128xf32, #tpu.memory_space<vmem>>, vector<16xf32>,
        %mul3A_384 = vector.broadcast %squeeze3A_376 : f32 to vector<16xf32>
        %mul3A_385 = arith.mulf %get3A_383, %mul3A_384 : vector<16xf32>
        %swap3A_386 = arith.index_cast %add3A_380 : i32 to index
        %swap3A_387 = arith.constant 0 : index
        %swap3A_388 = tpu.vector_load %arg16[%swap3A_386, %swap3A_387] {strides = array<i32>} : memref<80x128xf32, #tpu.memory_space<vmem>>, vector<16xf32>,
        tpu.vector_store %arg16[%swap3A_386, %swap3A_387], %mul3A_385 {strides = array<i32>} : memref<80x128xf32, #tpu.memory_space<vmem>>, vector<16xf32>,
        %get3A_389 = arith.index_cast %add3A_380 : i32 to index
        %get3A_390 = arith.constant 16 : index
        %get3A_391 = tpu.vector_load %arg16[%get3A_389, %get3A_390] {strides = array<i32>} : memref<80x128xf32, #tpu.memory_space<vmem>>, vector<16xf32>,
        %mul3A_392 = vector.broadcast %squeeze3A_376 : f32 to vector<16xf32>
        %mul3A_393 = arith.mulf %get3A_391, %mul3A_392 : vector<16xf32>
        %swap3A_394 = arith.index_cast %add3A_380 : i32 to index
        %swap3A_395 = arith.constant 16 : index
        %swap3A_396 = tpu.vector_load %arg16[%swap3A_394, %swap3A_395] {strides = array<i32>} : memref<80x128xf32, #tpu.memory_space<vmem>>, vector<16xf32>,
        tpu.vector_store %arg16[%swap3A_394, %swap3A_395], %mul3A_393 {strides = array<i32>} : memref<80x128xf32, #tpu.memory_space<vmem>>, vector<16xf32>,
        %get3A_397 = arith.index_cast %add3A_380 : i32 to index
        %get3A_398 = arith.constant 32 : index
        %get3A_399 = tpu.vector_load %arg16[%get3A_397, %get3A_398] {strides = array<i32>} : memref<80x128xf32, #tpu.memory_space<vmem>>, vector<16xf32>,
        %mul3A_400 = vector.broadcast %squeeze3A_376 : f32 to vector<16xf32>
        %mul3A_401 = arith.mulf %get3A_399, %mul3A_400 : vector<16xf32>
        %swap3A_402 = arith.index_cast %add3A_380 : i32 to index
        %swap3A_403 = arith.constant 32 : index
        %swap3A_404 = tpu.vector_load %arg16[%swap3A_402, %swap3A_403] {strides = array<i32>} : memref<80x128xf32, #tpu.memory_space<vmem>>, vector<16xf32>,
        tpu.vector_store %arg16[%swap3A_402, %swap3A_403], %mul3A_401 {strides = array<i32>} : memref<80x128xf32, #tpu.memory_space<vmem>>, vector<16xf32>,
        %get3A_405 = arith.index_cast %add3A_380 : i32 to index
        %get3A_406 = arith.constant 48 : index
        %get3A_407 = tpu.vector_load %arg16[%get3A_405, %get3A_406] {strides = array<i32>} : memref<80x128xf32, #tpu.memory_space<vmem>>, vector<16xf32>,
        %mul3A_408 = vector.broadcast %squeeze3A_376 : f32 to vector<16xf32>
        %mul3A_409 = arith.mulf %get3A_407, %mul3A_408 : vector<16xf32>
        %swap3A_410 = arith.index_cast %add3A_380 : i32 to index
        %swap3A_411 = arith.constant 48 : index
        %swap3A_412 = tpu.vector_load %arg16[%swap3A_410, %swap3A_411] {strides = array<i32>} : memref<80x128xf32, #tpu.memory_space<vmem>>, vector<16xf32>,
        tpu.vector_store %arg16[%swap3A_410, %swap3A_411], %mul3A_409 {strides = array<i32>} : memref<80x128xf32, #tpu.memory_space<vmem>>, vector<16xf32>,
        %get3A_413 = arith.index_cast %add3A_380 : i32 to index
        %get3A_414 = arith.constant 64 : index
        %get3A_415 = tpu.vector_load %arg16[%get3A_413, %get3A_414] {strides = array<i32>} : memref<80x128xf32, #tpu.memory_space<vmem>>, vector<16xf32>,
        %mul3A_416 = vector.broadcast %squeeze3A_376 : f32 to vector<16xf32>
        %mul3A_417 = arith.mulf %get3A_415, %mul3A_416 : vector<16xf32>
        %swap3A_418 = arith.index_cast %add3A_380 : i32 to index
        %swap3A_419 = arith.constant 64 : index
        %swap3A_420 = tpu.vector_load %arg16[%swap3A_418, %swap3A_419] {strides = array<i32>} : memref<80x128xf32, #tpu.memory_space<vmem>>, vector<16xf32>,
        tpu.vector_store %arg16[%swap3A_418, %swap3A_419], %mul3A_417 {strides = array<i32>} : memref<80x128xf32, #tpu.memory_space<vmem>>, vector<16xf32>,
        %get3A_421 = arith.index_cast %add3A_380 : i32 to index
        %get3A_422 = arith.constant 80 : index
        %get3A_423 = tpu.vector_load %arg16[%get3A_421, %get3A_422] {strides = array<i32>} : memref<80x128xf32, #tpu.memory_space<vmem>>, vector<16xf32>,
        %mul3A_424 = vector.broadcast %squeeze3A_376 : f32 to vector<16xf32>
        %mul3A_425 = arith.mulf %get3A_423, %mul3A_424 : vector<16xf32>
        %swap3A_426 = arith.index_cast %add3A_380 : i32 to index
        %swap3A_427 = arith.constant 80 : index
        %swap3A_428 = tpu.vector_load %arg16[%swap3A_426, %swap3A_427] {strides = array<i32>} : memref<80x128xf32, #tpu.memory_space<vmem>>, vector<16xf32>,
        tpu.vector_store %arg16[%swap3A_426, %swap3A_427], %mul3A_425 {strides = array<i32>} : memref<80x128xf32, #tpu.memory_space<vmem>>, vector<16xf32>,
        %get3A_429 = arith.index_cast %add3A_380 : i32 to index
        %get3A_430 = arith.constant 96 : index
        %get3A_431 = tpu.vector_load %arg16[%get3A_429, %get3A_430] {strides = array<i32>} : memref<80x128xf32, #tpu.memory_space<vmem>>, vector<16xf32>,
        %mul3A_432 = vector.broadcast %squeeze3A_376 : f32 to vector<16xf32>
        %mul3A_433 = arith.mulf %get3A_431, %mul3A_432 : vector<16xf32>
        %swap3A_434 = arith.index_cast %add3A_380 : i32 to index
        %swap3A_435 = arith.constant 96 : index
        %swap3A_436 = tpu.vector_load %arg16[%swap3A_434, %swap3A_435] {strides = array<i32>} : memref<80x128xf32, #tpu.memory_space<vmem>>, vector<16xf32>,
        tpu.vector_store %arg16[%swap3A_434, %swap3A_435], %mul3A_433 {strides = array<i32>} : memref<80x128xf32, #tpu.memory_space<vmem>>, vector<16xf32>,
        %get3A_437 = arith.index_cast %add3A_380 : i32 to index
        %get3A_438 = arith.constant 112 : index
        %get3A_439 = tpu.vector_load %arg16[%get3A_437, %get3A_438] {strides = array<i32>} : memref<80x128xf32, #tpu.memory_space<vmem>>, vector<16xf32>,
        %mul3A_440 = vector.broadcast %squeeze3A_376 : f32 to vector<16xf32>
        %mul3A_441 = arith.mulf %get3A_439, %mul3A_440 : vector<16xf32>
        %swap3A_442 = arith.index_cast %add3A_380 : i32 to index
        %swap3A_443 = arith.constant 112 : index
        %swap3A_444 = tpu.vector_load %arg16[%swap3A_442, %swap3A_443] {strides = array<i32>} : memref<80x128xf32, #tpu.memory_space<vmem>>, vector<16xf32>,
        tpu.vector_store %arg16[%swap3A_442, %swap3A_443], %mul3A_441 {strides = array<i32>} : memref<80x128xf32, #tpu.memory_space<vmem>>, vector<16xf32>,
        %slice3A_445 = vector.extract_strided_slice %get3A_166 {offsets = [4], sizes = [1], strides = [1]} : vector<16xf32> to vector<1xf32>
        %squeeze3A_446 = vector.extract %slice3A_445[0] : f32 from vector<1xf32>
        %mul3A_447 = arith.constant 16 : i32
        %mul3A_448 = arith.muli %scan3A_162, %mul3A_447 : i32
        %add3A_449 = arith.constant 4 : i32
        %add3A_450 = arith.addi %mul3A_448, %add3A_449 : i32
        %get3A_451 = arith.index_cast %add3A_450 : i32 to index
        %get3A_452 = arith.constant 0 : index
        %get3A_453 = tpu.vector_load %arg16[%get3A_451, %get3A_452] {strides = array<i32>} : memref<80x128xf32, #tpu.memory_space<vmem>>, vector<16xf32>,
        %mul3A_454 = vector.broadcast %squeeze3A_446 : f32 to vector<16xf32>
        %mul3A_455 = arith.mulf %get3A_453, %mul3A_454 : vector<16xf32>
        %swap3A_456 = arith.index_cast %add3A_450 : i32 to index
        %swap3A_457 = arith.constant 0 : index
        %swap3A_458 = tpu.vector_load %arg16[%swap3A_456, %swap3A_457] {strides = array<i32>} : memref<80x128xf32, #tpu.memory_space<vmem>>, vector<16xf32>,
        tpu.vector_store %arg16[%swap3A_456, %swap3A_457], %mul3A_455 {strides = array<i32>} : memref<80x128xf32, #tpu.memory_space<vmem>>, vector<16xf32>,
        %get3A_459 = arith.index_cast %add3A_450 : i32 to index
        %get3A_460 = arith.constant 16 : index
        %get3A_461 = tpu.vector_load %arg16[%get3A_459, %get3A_460] {strides = array<i32>} : memref<80x128xf32, #tpu.memory_space<vmem>>, vector<16xf32>,
        %mul3A_462 = vector.broadcast %squeeze3A_446 : f32 to vector<16xf32>
        %mul3A_463 = arith.mulf %get3A_461, %mul3A_462 : vector<16xf32>
        %swap3A_464 = arith.index_cast %add3A_450 : i32 to index
        %swap3A_465 = arith.constant 16 : index
        %swap3A_466 = tpu.vector_load %arg16[%swap3A_464, %swap3A_465] {strides = array<i32>} : memref<80x128xf32, #tpu.memory_space<vmem>>, vector<16xf32>,
        tpu.vector_store %arg16[%swap3A_464, %swap3A_465], %mul3A_463 {strides = array<i32>} : memref<80x128xf32, #tpu.memory_space<vmem>>, vector<16xf32>,
        %get3A_467 = arith.index_cast %add3A_450 : i32 to index
        %get3A_468 = arith.constant 32 : index
        %get3A_469 = tpu.vector_load %arg16[%get3A_467, %get3A_468] {strides = array<i32>} : memref<80x128xf32, #tpu.memory_space<vmem>>, vector<16xf32>,
        %mul3A_470 = vector.broadcast %squeeze3A_446 : f32 to vector<16xf32>
        %mul3A_471 = arith.mulf %get3A_469, %mul3A_470 : vector<16xf32>
        %swap3A_472 = arith.index_cast %add3A_450 : i32 to index
        %swap3A_473 = arith.constant 32 : index
        %swap3A_474 = tpu.vector_load %arg16[%swap3A_472, %swap3A_473] {strides = array<i32>} : memref<80x128xf32, #tpu.memory_space<vmem>>, vector<16xf32>,
        tpu.vector_store %arg16[%swap3A_472, %swap3A_473], %mul3A_471 {strides = array<i32>} : memref<80x128xf32, #tpu.memory_space<vmem>>, vector<16xf32>,
        %get3A_475 = arith.index_cast %add3A_450 : i32 to index
        %get3A_476 = arith.constant 48 : index
        %get3A_477 = tpu.vector_load %arg16[%get3A_475, %get3A_476] {strides = array<i32>} : memref<80x128xf32, #tpu.memory_space<vmem>>, vector<16xf32>,
        %mul3A_478 = vector.broadcast %squeeze3A_446 : f32 to vector<16xf32>
        %mul3A_479 = arith.mulf %get3A_477, %mul3A_478 : vector<16xf32>
        %swap3A_480 = arith.index_cast %add3A_450 : i32 to index
        %swap3A_481 = arith.constant 48 : index
        %swap3A_482 = tpu.vector_load %arg16[%swap3A_480, %swap3A_481] {strides = array<i32>} : memref<80x128xf32, #tpu.memory_space<vmem>>, vector<16xf32>,
        tpu.vector_store %arg16[%swap3A_480, %swap3A_481], %mul3A_479 {strides = array<i32>} : memref<80x128xf32, #tpu.memory_space<vmem>>, vector<16xf32>,
        %get3A_483 = arith.index_cast %add3A_450 : i32 to index
        %get3A_484 = arith.constant 64 : index
        %get3A_485 = tpu.vector_load %arg16[%get3A_483, %get3A_484] {strides = array<i32>} : memref<80x128xf32, #tpu.memory_space<vmem>>, vector<16xf32>,
        %mul3A_486 = vector.broadcast %squeeze3A_446 : f32 to vector<16xf32>
        %mul3A_487 = arith.mulf %get3A_485, %mul3A_486 : vector<16xf32>
        %swap3A_488 = arith.index_cast %add3A_450 : i32 to index
        %swap3A_489 = arith.constant 64 : index
        %swap3A_490 = tpu.vector_load %arg16[%swap3A_488, %swap3A_489] {strides = array<i32>} : memref<80x128xf32, #tpu.memory_space<vmem>>, vector<16xf32>,
        tpu.vector_store %arg16[%swap3A_488, %swap3A_489], %mul3A_487 {strides = array<i32>} : memref<80x128xf32, #tpu.memory_space<vmem>>, vector<16xf32>,
        %get3A_491 = arith.index_cast %add3A_450 : i32 to index
        %get3A_492 = arith.constant 80 : index
        %get3A_493 = tpu.vector_load %arg16[%get3A_491, %get3A_492] {strides = array<i32>} : memref<80x128xf32, #tpu.memory_space<vmem>>, vector<16xf32>,
        %mul3A_494 = vector.broadcast %squeeze3A_446 : f32 to vector<16xf32>
        %mul3A_495 = arith.mulf %get3A_493, %mul3A_494 : vector<16xf32>
        %swap3A_496 = arith.index_cast %add3A_450 : i32 to index
        %swap3A_497 = arith.constant 80 : index
        %swap3A_498 = tpu.vector_load %arg16[%swap3A_496, %swap3A_497] {strides = array<i32>} : memref<80x128xf32, #tpu.memory_space<vmem>>, vector<16xf32>,
        tpu.vector_store %arg16[%swap3A_496, %swap3A_497], %mul3A_495 {strides = array<i32>} : memref<80x128xf32, #tpu.memory_space<vmem>>, vector<16xf32>,
        %get3A_499 = arith.index_cast %add3A_450 : i32 to index
        %get3A_500 = arith.constant 96 : index
        %get3A_501 = tpu.vector_load %arg16[%get3A_499, %get3A_500] {strides = array<i32>} : memref<80x128xf32, #tpu.memory_space<vmem>>, vector<16xf32>,
        %mul3A_502 = vector.broadcast %squeeze3A_446 : f32 to vector<16xf32>
        %mul3A_503 = arith.mulf %get3A_501, %mul3A_502 : vector<16xf32>
        %swap3A_504 = arith.index_cast %add3A_450 : i32 to index
        %swap3A_505 = arith.constant 96 : index
        %swap3A_506 = tpu.vector_load %arg16[%swap3A_504, %swap3A_505] {strides = array<i32>} : memref<80x128xf32, #tpu.memory_space<vmem>>, vector<16xf32>,
        tpu.vector_store %arg16[%swap3A_504, %swap3A_505], %mul3A_503 {strides = array<i32>} : memref<80x128xf32, #tpu.memory_space<vmem>>, vector<16xf32>,
        %get3A_507 = arith.index_cast %add3A_450 : i32 to index
        %get3A_508 = arith.constant 112 : index
        %get3A_509 = tpu.vector_load %arg16[%get3A_507, %get3A_508] {strides = array<i32>} : memref<80x128xf32, #tpu.memory_space<vmem>>, vector<16xf32>,
        %mul3A_510 = vector.broadcast %squeeze3A_446 : f32 to vector<16xf32>
        %mul3A_511 = arith.mulf %get3A_509, %mul3A_510 : vector<16xf32>
        %swap3A_512 = arith.index_cast %add3A_450 : i32 to index
        %swap3A_513 = arith.constant 112 : index
        %swap3A_514 = tpu.vector_load %arg16[%swap3A_512, %swap3A_513] {strides = array<i32>} : memref<80x128xf32, #tpu.memory_space<vmem>>, vector<16xf32>,
        tpu.vector_store %arg16[%swap3A_512, %swap3A_513], %mul3A_511 {strides = array<i32>} : memref<80x128xf32, #tpu.memory_space<vmem>>, vector<16xf32>,
        %slice3A_515 = vector.extract_strided_slice %get3A_166 {offsets = [5], sizes = [1], strides = [1]} : vector<16xf32> to vector<1xf32>
        %squeeze3A_516 = vector.extract %slice3A_515[0] : f32 from vector<1xf32>
        %mul3A_517 = arith.constant 16 : i32
        %mul3A_518 = arith.muli %scan3A_162, %mul3A_517 : i32
        %add3A_519 = arith.constant 5 : i32
        %add3A_520 = arith.addi %mul3A_518, %add3A_519 : i32
        %get3A_521 = arith.index_cast %add3A_520 : i32 to index
        %get3A_522 = arith.constant 0 : index
        %get3A_523 = tpu.vector_load %arg16[%get3A_521, %get3A_522] {strides = array<i32>} : memref<80x128xf32, #tpu.memory_space<vmem>>, vector<16xf32>,
        %mul3A_524 = vector.broadcast %squeeze3A_516 : f32 to vector<16xf32>
        %mul3A_525 = arith.mulf %get3A_523, %mul3A_524 : vector<16xf32>
        %swap3A_526 = arith.index_cast %add3A_520 : i32 to index
        %swap3A_527 = arith.constant 0 : index
        %swap3A_528 = tpu.vector_load %arg16[%swap3A_526, %swap3A_527] {strides = array<i32>} : memref<80x128xf32, #tpu.memory_space<vmem>>, vector<16xf32>,
        tpu.vector_store %arg16[%swap3A_526, %swap3A_527], %mul3A_525 {strides = array<i32>} : memref<80x128xf32, #tpu.memory_space<vmem>>, vector<16xf32>,
        %get3A_529 = arith.index_cast %add3A_520 : i32 to index
        %get3A_530 = arith.constant 16 : index
        %get3A_531 = tpu.vector_load %arg16[%get3A_529, %get3A_530] {strides = array<i32>} : memref<80x128xf32, #tpu.memory_space<vmem>>, vector<16xf32>,
        %mul3A_532 = vector.broadcast %squeeze3A_516 : f32 to vector<16xf32>
        %mul3A_533 = arith.mulf %get3A_531, %mul3A_532 : vector<16xf32>
        %swap3A_534 = arith.index_cast %add3A_520 : i32 to index
        %swap3A_535 = arith.constant 16 : index
        %swap3A_536 = tpu.vector_load %arg16[%swap3A_534, %swap3A_535] {strides = array<i32>} : memref<80x128xf32, #tpu.memory_space<vmem>>, vector<16xf32>,
        tpu.vector_store %arg16[%swap3A_534, %swap3A_535], %mul3A_533 {strides = array<i32>} : memref<80x128xf32, #tpu.memory_space<vmem>>, vector<16xf32>,
        %get3A_537 = arith.index_cast %add3A_520 : i32 to index
        %get3A_538 = arith.constant 32 : index
        %get3A_539 = tpu.vector_load %arg16[%get3A_537, %get3A_538] {strides = array<i32>} : memref<80x128xf32, #tpu.memory_space<vmem>>, vector<16xf32>,
        %mul3A_540 = vector.broadcast %squeeze3A_516 : f32 to vector<16xf32>
        %mul3A_541 = arith.mulf %get3A_539, %mul3A_540 : vector<16xf32>
        %swap3A_542 = arith.index_cast %add3A_520 : i32 to index
        %swap3A_543 = arith.constant 32 : index
        %swap3A_544 = tpu.vector_load %arg16[%swap3A_542, %swap3A_543] {strides = array<i32>} : memref<80x128xf32, #tpu.memory_space<vmem>>, vector<16xf32>,
        tpu.vector_store %arg16[%swap3A_542, %swap3A_543], %mul3A_541 {strides = array<i32>} : memref<80x128xf32, #tpu.memory_space<vmem>>, vector<16xf32>,
        %get3A_545 = arith.index_cast %add3A_520 : i32 to index
        %get3A_546 = arith.constant 48 : index
        %get3A_547 = tpu.vector_load %arg16[%get3A_545, %get3A_546] {strides = array<i32>} : memref<80x128xf32, #tpu.memory_space<vmem>>, vector<16xf32>,
        %mul3A_548 = vector.broadcast %squeeze3A_516 : f32 to vector<16xf32>
        %mul3A_549 = arith.mulf %get3A_547, %mul3A_548 : vector<16xf32>
        %swap3A_550 = arith.index_cast %add3A_520 : i32 to index
        %swap3A_551 = arith.constant 48 : index
        %swap3A_552 = tpu.vector_load %arg16[%swap3A_550, %swap3A_551] {strides = array<i32>} : memref<80x128xf32, #tpu.memory_space<vmem>>, vector<16xf32>,
        tpu.vector_store %arg16[%swap3A_550, %swap3A_551], %mul3A_549 {strides = array<i32>} : memref<80x128xf32, #tpu.memory_space<vmem>>, vector<16xf32>,
        %get3A_553 = arith.index_cast %add3A_520 : i32 to index
        %get3A_554 = arith.constant 64 : index
        %get3A_555 = tpu.vector_load %arg16[%get3A_553, %get3A_554] {strides = array<i32>} : memref<80x128xf32, #tpu.memory_space<vmem>>, vector<16xf32>,
        %mul3A_556 = vector.broadcast %squeeze3A_516 : f32 to vector<16xf32>
        %mul3A_557 = arith.mulf %get3A_555, %mul3A_556 : vector<16xf32>
        %swap3A_558 = arith.index_cast %add3A_520 : i32 to index
        %swap3A_559 = arith.constant 64 : index
        %swap3A_560 = tpu.vector_load %arg16[%swap3A_558, %swap3A_559] {strides = array<i32>} : memref<80x128xf32, #tpu.memory_space<vmem>>, vector<16xf32>,
        tpu.vector_store %arg16[%swap3A_558, %swap3A_559], %mul3A_557 {strides = array<i32>} : memref<80x128xf32, #tpu.memory_space<vmem>>, vector<16xf32>,
        %get3A_561 = arith.index_cast %add3A_520 : i32 to index
        %get3A_562 = arith.constant 80 : index
        %get3A_563 = tpu.vector_load %arg16[%get3A_561, %get3A_562] {strides = array<i32>} : memref<80x128xf32, #tpu.memory_space<vmem>>, vector<16xf32>,
        %mul3A_564 = vector.broadcast %squeeze3A_516 : f32 to vector<16xf32>
        %mul3A_565 = arith.mulf %get3A_563, %mul3A_564 : vector<16xf32>
        %swap3A_566 = arith.index_cast %add3A_520 : i32 to index
        %swap3A_567 = arith.constant 80 : index
        %swap3A_568 = tpu.vector_load %arg16[%swap3A_566, %swap3A_567] {strides = array<i32>} : memref<80x128xf32, #tpu.memory_space<vmem>>, vector<16xf32>,
        tpu.vector_store %arg16[%swap3A_566, %swap3A_567], %mul3A_565 {strides = array<i32>} : memref<80x128xf32, #tpu.memory_space<vmem>>, vector<16xf32>,
        %get3A_569 = arith.index_cast %add3A_520 : i32 to index
        %get3A_570 = arith.constant 96 : index
        %get3A_571 = tpu.vector_load %arg16[%get3A_569, %get3A_570] {strides = array<i32>} : memref<80x128xf32, #tpu.memory_space<vmem>>, vector<16xf32>,
        %mul3A_572 = vector.broadcast %squeeze3A_516 : f32 to vector<16xf32>
        %mul3A_573 = arith.mulf %get3A_571, %mul3A_572 : vector<16xf32>
        %swap3A_574 = arith.index_cast %add3A_520 : i32 to index
        %swap3A_575 = arith.constant 96 : index
        %swap3A_576 = tpu.vector_load %arg16[%swap3A_574, %swap3A_575] {strides = array<i32>} : memref<80x128xf32, #tpu.memory_space<vmem>>, vector<16xf32>,
        tpu.vector_store %arg16[%swap3A_574, %swap3A_575], %mul3A_573 {strides = array<i32>} : memref<80x128xf32, #tpu.memory_space<vmem>>, vector<16xf32>,
        %get3A_577 = arith.index_cast %add3A_520 : i32 to index
        %get3A_578 = arith.constant 112 : index
        %get3A_579 = tpu.vector_load %arg16[%get3A_577, %get3A_578] {strides = array<i32>} : memref<80x128xf32, #tpu.memory_space<vmem>>, vector<16xf32>,
        %mul3A_580 = vector.broadcast %squeeze3A_516 : f32 to vector<16xf32>
        %mul3A_581 = arith.mulf %get3A_579, %mul3A_580 : vector<16xf32>
        %swap3A_582 = arith.index_cast %add3A_520 : i32 to index
        %swap3A_583 = arith.constant 112 : index
        %swap3A_584 = tpu.vector_load %arg16[%swap3A_582, %swap3A_583] {strides = array<i32>} : memref<80x128xf32, #tpu.memory_space<vmem>>, vector<16xf32>,
        tpu.vector_store %arg16[%swap3A_582, %swap3A_583], %mul3A_581 {strides = array<i32>} : memref<80x128xf32, #tpu.memory_space<vmem>>, vector<16xf32>,
        %slice3A_585 = vector.extract_strided_slice %get3A_166 {offsets = [6], sizes = [1], strides = [1]} : vector<16xf32> to vector<1xf32>
        %squeeze3A_586 = vector.extract %slice3A_585[0] : f32 from vector<1xf32>
        %mul3A_587 = arith.constant 16 : i32
        %mul3A_588 = arith.muli %scan3A_162, %mul3A_587 : i32
        %add3A_589 = arith.constant 6 : i32
        %add3A_590 = arith.addi %mul3A_588, %add3A_589 : i32
        %get3A_591 = arith.index_cast %add3A_590 : i32 to index
        %get3A_592 = arith.constant 0 : index
        %get3A_593 = tpu.vector_load %arg16[%get3A_591, %get3A_592] {strides = array<i32>} : memref<80x128xf32, #tpu.memory_space<vmem>>, vector<16xf32>,
        %mul3A_594 = vector.broadcast %squeeze3A_586 : f32 to vector<16xf32>
        %mul3A_595 = arith.mulf %get3A_593, %mul3A_594 : vector<16xf32>
        %swap3A_596 = arith.index_cast %add3A_590 : i32 to index
        %swap3A_597 = arith.constant 0 : index
        %swap3A_598 = tpu.vector_load %arg16[%swap3A_596, %swap3A_597] {strides = array<i32>} : memref<80x128xf32, #tpu.memory_space<vmem>>, vector<16xf32>,
        tpu.vector_store %arg16[%swap3A_596, %swap3A_597], %mul3A_595 {strides = array<i32>} : memref<80x128xf32, #tpu.memory_space<vmem>>, vector<16xf32>,
        %get3A_599 = arith.index_cast %add3A_590 : i32 to index
        %get3A_600 = arith.constant 16 : index
        %get3A_601 = tpu.vector_load %arg16[%get3A_599, %get3A_600] {strides = array<i32>} : memref<80x128xf32, #tpu.memory_space<vmem>>, vector<16xf32>,
        %mul3A_602 = vector.broadcast %squeeze3A_586 : f32 to vector<16xf32>
        %mul3A_603 = arith.mulf %get3A_601, %mul3A_602 : vector<16xf32>
        %swap3A_604 = arith.index_cast %add3A_590 : i32 to index
        %swap3A_605 = arith.constant 16 : index
        %swap3A_606 = tpu.vector_load %arg16[%swap3A_604, %swap3A_605] {strides = array<i32>} : memref<80x128xf32, #tpu.memory_space<vmem>>, vector<16xf32>,
        tpu.vector_store %arg16[%swap3A_604, %swap3A_605], %mul3A_603 {strides = array<i32>} : memref<80x128xf32, #tpu.memory_space<vmem>>, vector<16xf32>,
        %get3A_607 = arith.index_cast %add3A_590 : i32 to index
        %get3A_608 = arith.constant 32 : index
        %get3A_609 = tpu.vector_load %arg16[%get3A_607, %get3A_608] {strides = array<i32>} : memref<80x128xf32, #tpu.memory_space<vmem>>, vector<16xf32>,
        %mul3A_610 = vector.broadcast %squeeze3A_586 : f32 to vector<16xf32>
        %mul3A_611 = arith.mulf %get3A_609, %mul3A_610 : vector<16xf32>
        %swap3A_612 = arith.index_cast %add3A_590 : i32 to index
        %swap3A_613 = arith.constant 32 : index
        %swap3A_614 = tpu.vector_load %arg16[%swap3A_612, %swap3A_613] {strides = array<i32>} : memref<80x128xf32, #tpu.memory_space<vmem>>, vector<16xf32>,
        tpu.vector_store %arg16[%swap3A_612, %swap3A_613], %mul3A_611 {strides = array<i32>} : memref<80x128xf32, #tpu.memory_space<vmem>>, vector<16xf32>,
        %get3A_615 = arith.index_cast %add3A_590 : i32 to index
        %get3A_616 = arith.constant 48 : index
        %get3A_617 = tpu.vector_load %arg16[%get3A_615, %get3A_616] {strides = array<i32>} : memref<80x128xf32, #tpu.memory_space<vmem>>, vector<16xf32>,
        %mul3A_618 = vector.broadcast %squeeze3A_586 : f32 to vector<16xf32>
        %mul3A_619 = arith.mulf %get3A_617, %mul3A_618 : vector<16xf32>
        %swap3A_620 = arith.index_cast %add3A_590 : i32 to index
        %swap3A_621 = arith.constant 48 : index
        %swap3A_622 = tpu.vector_load %arg16[%swap3A_620, %swap3A_621] {strides = array<i32>} : memref<80x128xf32, #tpu.memory_space<vmem>>, vector<16xf32>,
        tpu.vector_store %arg16[%swap3A_620, %swap3A_621], %mul3A_619 {strides = array<i32>} : memref<80x128xf32, #tpu.memory_space<vmem>>, vector<16xf32>,
        %get3A_623 = arith.index_cast %add3A_590 : i32 to index
        %get3A_624 = arith.constant 64 : index
        %get3A_625 = tpu.vector_load %arg16[%get3A_623, %get3A_624] {strides = array<i32>} : memref<80x128xf32, #tpu.memory_space<vmem>>, vector<16xf32>,
        %mul3A_626 = vector.broadcast %squeeze3A_586 : f32 to vector<16xf32>
        %mul3A_627 = arith.mulf %get3A_625, %mul3A_626 : vector<16xf32>
        %swap3A_628 = arith.index_cast %add3A_590 : i32 to index
        %swap3A_629 = arith.constant 64 : index
        %swap3A_630 = tpu.vector_load %arg16[%swap3A_628, %swap3A_629] {strides = array<i32>} : memref<80x128xf32, #tpu.memory_space<vmem>>, vector<16xf32>,
        tpu.vector_store %arg16[%swap3A_628, %swap3A_629], %mul3A_627 {strides = array<i32>} : memref<80x128xf32, #tpu.memory_space<vmem>>, vector<16xf32>,
        %get3A_631 = arith.index_cast %add3A_590 : i32 to index
        %get3A_632 = arith.constant 80 : index
        %get3A_633 = tpu.vector_load %arg16[%get3A_631, %get3A_632] {strides = array<i32>} : memref<80x128xf32, #tpu.memory_space<vmem>>, vector<16xf32>,
        %mul3A_634 = vector.broadcast %squeeze3A_586 : f32 to vector<16xf32>
        %mul3A_635 = arith.mulf %get3A_633, %mul3A_634 : vector<16xf32>
        %swap3A_636 = arith.index_cast %add3A_590 : i32 to index
        %swap3A_637 = arith.constant 80 : index
        %swap3A_638 = tpu.vector_load %arg16[%swap3A_636, %swap3A_637] {strides = array<i32>} : memref<80x128xf32, #tpu.memory_space<vmem>>, vector<16xf32>,
        tpu.vector_store %arg16[%swap3A_636, %swap3A_637], %mul3A_635 {strides = array<i32>} : memref<80x128xf32, #tpu.memory_space<vmem>>, vector<16xf32>,
        %get3A_639 = arith.index_cast %add3A_590 : i32 to index
        %get3A_640 = arith.constant 96 : index
        %get3A_641 = tpu.vector_load %arg16[%get3A_639, %get3A_640] {strides = array<i32>} : memref<80x128xf32, #tpu.memory_space<vmem>>, vector<16xf32>,
        %mul3A_642 = vector.broadcast %squeeze3A_586 : f32 to vector<16xf32>
        %mul3A_643 = arith.mulf %get3A_641, %mul3A_642 : vector<16xf32>
        %swap3A_644 = arith.index_cast %add3A_590 : i32 to index
        %swap3A_645 = arith.constant 96 : index
        %swap3A_646 = tpu.vector_load %arg16[%swap3A_644, %swap3A_645] {strides = array<i32>} : memref<80x128xf32, #tpu.memory_space<vmem>>, vector<16xf32>,
        tpu.vector_store %arg16[%swap3A_644, %swap3A_645], %mul3A_643 {strides = array<i32>} : memref<80x128xf32, #tpu.memory_space<vmem>>, vector<16xf32>,
        %get3A_647 = arith.index_cast %add3A_590 : i32 to index
        %get3A_648 = arith.constant 112 : index
        %get3A_649 = tpu.vector_load %arg16[%get3A_647, %get3A_648] {strides = array<i32>} : memref<80x128xf32, #tpu.memory_space<vmem>>, vector<16xf32>,
        %mul3A_650 = vector.broadcast %squeeze3A_586 : f32 to vector<16xf32>
        %mul3A_651 = arith.mulf %get3A_649, %mul3A_650 : vector<16xf32>
        %swap3A_652 = arith.index_cast %add3A_590 : i32 to index
        %swap3A_653 = arith.constant 112 : index
        %swap3A_654 = tpu.vector_load %arg16[%swap3A_652, %swap3A_653] {strides = array<i32>} : memref<80x128xf32, #tpu.memory_space<vmem>>, vector<16xf32>,
        tpu.vector_store %arg16[%swap3A_652, %swap3A_653], %mul3A_651 {strides = array<i32>} : memref<80x128xf32, #tpu.memory_space<vmem>>, vector<16xf32>,
        %slice3A_655 = vector.extract_strided_slice %get3A_166 {offsets = [7], sizes = [1], strides = [1]} : vector<16xf32> to vector<1xf32>
        %squeeze3A_656 = vector.extract %slice3A_655[0] : f32 from vector<1xf32>
        %mul3A_657 = arith.constant 16 : i32
        %mul3A_658 = arith.muli %scan3A_162, %mul3A_657 : i32
        %add3A_659 = arith.constant 7 : i32
        %add3A_660 = arith.addi %mul3A_658, %add3A_659 : i32
        %get3A_661 = arith.index_cast %add3A_660 : i32 to index
        %get3A_662 = arith.constant 0 : index
        %get3A_663 = tpu.vector_load %arg16[%get3A_661, %get3A_662] {strides = array<i32>} : memref<80x128xf32, #tpu.memory_space<vmem>>, vector<16xf32>,
        %mul3A_664 = vector.broadcast %squeeze3A_656 : f32 to vector<16xf32>
        %mul3A_665 = arith.mulf %get3A_663, %mul3A_664 : vector<16xf32>
        %swap3A_666 = arith.index_cast %add3A_660 : i32 to index
        %swap3A_667 = arith.constant 0 : index
        %swap3A_668 = tpu.vector_load %arg16[%swap3A_666, %swap3A_667] {strides = array<i32>} : memref<80x128xf32, #tpu.memory_space<vmem>>, vector<16xf32>,
        tpu.vector_store %arg16[%swap3A_666, %swap3A_667], %mul3A_665 {strides = array<i32>} : memref<80x128xf32, #tpu.memory_space<vmem>>, vector<16xf32>,
        %get3A_669 = arith.index_cast %add3A_660 : i32 to index
        %get3A_670 = arith.constant 16 : index
        %get3A_671 = tpu.vector_load %arg16[%get3A_669, %get3A_670] {strides = array<i32>} : memref<80x128xf32, #tpu.memory_space<vmem>>, vector<16xf32>,
        %mul3A_672 = vector.broadcast %squeeze3A_656 : f32 to vector<16xf32>
        %mul3A_673 = arith.mulf %get3A_671, %mul3A_672 : vector<16xf32>
        %swap3A_674 = arith.index_cast %add3A_660 : i32 to index
        %swap3A_675 = arith.constant 16 : index
        %swap3A_676 = tpu.vector_load %arg16[%swap3A_674, %swap3A_675] {strides = array<i32>} : memref<80x128xf32, #tpu.memory_space<vmem>>, vector<16xf32>,
        tpu.vector_store %arg16[%swap3A_674, %swap3A_675], %mul3A_673 {strides = array<i32>} : memref<80x128xf32, #tpu.memory_space<vmem>>, vector<16xf32>,
        %get3A_677 = arith.index_cast %add3A_660 : i32 to index
        %get3A_678 = arith.constant 32 : index
        %get3A_679 = tpu.vector_load %arg16[%get3A_677, %get3A_678] {strides = array<i32>} : memref<80x128xf32, #tpu.memory_space<vmem>>, vector<16xf32>,
        %mul3A_680 = vector.broadcast %squeeze3A_656 : f32 to vector<16xf32>
        %mul3A_681 = arith.mulf %get3A_679, %mul3A_680 : vector<16xf32>
        %swap3A_682 = arith.index_cast %add3A_660 : i32 to index
        %swap3A_683 = arith.constant 32 : index
        %swap3A_684 = tpu.vector_load %arg16[%swap3A_682, %swap3A_683] {strides = array<i32>} : memref<80x128xf32, #tpu.memory_space<vmem>>, vector<16xf32>,
        tpu.vector_store %arg16[%swap3A_682, %swap3A_683], %mul3A_681 {strides = array<i32>} : memref<80x128xf32, #tpu.memory_space<vmem>>, vector<16xf32>,
        %get3A_685 = arith.index_cast %add3A_660 : i32 to index
        %get3A_686 = arith.constant 48 : index
        %get3A_687 = tpu.vector_load %arg16[%get3A_685, %get3A_686] {strides = array<i32>} : memref<80x128xf32, #tpu.memory_space<vmem>>, vector<16xf32>,
        %mul3A_688 = vector.broadcast %squeeze3A_656 : f32 to vector<16xf32>
        %mul3A_689 = arith.mulf %get3A_687, %mul3A_688 : vector<16xf32>
        %swap3A_690 = arith.index_cast %add3A_660 : i32 to index
        %swap3A_691 = arith.constant 48 : index
        %swap3A_692 = tpu.vector_load %arg16[%swap3A_690, %swap3A_691] {strides = array<i32>} : memref<80x128xf32, #tpu.memory_space<vmem>>, vector<16xf32>,
        tpu.vector_store %arg16[%swap3A_690, %swap3A_691], %mul3A_689 {strides = array<i32>} : memref<80x128xf32, #tpu.memory_space<vmem>>, vector<16xf32>,
        %get3A_693 = arith.index_cast %add3A_660 : i32 to index
        %get3A_694 = arith.constant 64 : index
        %get3A_695 = tpu.vector_load %arg16[%get3A_693, %get3A_694] {strides = array<i32>} : memref<80x128xf32, #tpu.memory_space<vmem>>, vector<16xf32>,
        %mul3A_696 = vector.broadcast %squeeze3A_656 : f32 to vector<16xf32>
        %mul3A_697 = arith.mulf %get3A_695, %mul3A_696 : vector<16xf32>
        %swap3A_698 = arith.index_cast %add3A_660 : i32 to index
        %swap3A_699 = arith.constant 64 : index
        %swap3A_700 = tpu.vector_load %arg16[%swap3A_698, %swap3A_699] {strides = array<i32>} : memref<80x128xf32, #tpu.memory_space<vmem>>, vector<16xf32>,
        tpu.vector_store %arg16[%swap3A_698, %swap3A_699], %mul3A_697 {strides = array<i32>} : memref<80x128xf32, #tpu.memory_space<vmem>>, vector<16xf32>,
        %get3A_701 = arith.index_cast %add3A_660 : i32 to index
        %get3A_702 = arith.constant 80 : index
        %get3A_703 = tpu.vector_load %arg16[%get3A_701, %get3A_702] {strides = array<i32>} : memref<80x128xf32, #tpu.memory_space<vmem>>, vector<16xf32>,
        %mul3A_704 = vector.broadcast %squeeze3A_656 : f32 to vector<16xf32>
        %mul3A_705 = arith.mulf %get3A_703, %mul3A_704 : vector<16xf32>
        %swap3A_706 = arith.index_cast %add3A_660 : i32 to index
        %swap3A_707 = arith.constant 80 : index
        %swap3A_708 = tpu.vector_load %arg16[%swap3A_706, %swap3A_707] {strides = array<i32>} : memref<80x128xf32, #tpu.memory_space<vmem>>, vector<16xf32>,
        tpu.vector_store %arg16[%swap3A_706, %swap3A_707], %mul3A_705 {strides = array<i32>} : memref<80x128xf32, #tpu.memory_space<vmem>>, vector<16xf32>,
        %get3A_709 = arith.index_cast %add3A_660 : i32 to index
        %get3A_710 = arith.constant 96 : index
        %get3A_711 = tpu.vector_load %arg16[%get3A_709, %get3A_710] {strides = array<i32>} : memref<80x128xf32, #tpu.memory_space<vmem>>, vector<16xf32>,
        %mul3A_712 = vector.broadcast %squeeze3A_656 : f32 to vector<16xf32>
        %mul3A_713 = arith.mulf %get3A_711, %mul3A_712 : vector<16xf32>
        %swap3A_714 = arith.index_cast %add3A_660 : i32 to index
        %swap3A_715 = arith.constant 96 : index
        %swap3A_716 = tpu.vector_load %arg16[%swap3A_714, %swap3A_715] {strides = array<i32>} : memref<80x128xf32, #tpu.memory_space<vmem>>, vector<16xf32>,
        tpu.vector_store %arg16[%swap3A_714, %swap3A_715], %mul3A_713 {strides = array<i32>} : memref<80x128xf32, #tpu.memory_space<vmem>>, vector<16xf32>,
        %get3A_717 = arith.index_cast %add3A_660 : i32 to index
        %get3A_718 = arith.constant 112 : index
        %get3A_719 = tpu.vector_load %arg16[%get3A_717, %get3A_718] {strides = array<i32>} : memref<80x128xf32, #tpu.memory_space<vmem>>, vector<16xf32>,
        %mul3A_720 = vector.broadcast %squeeze3A_656 : f32 to vector<16xf32>
        %mul3A_721 = arith.mulf %get3A_719, %mul3A_720 : vector<16xf32>
        %swap3A_722 = arith.index_cast %add3A_660 : i32 to index
        %swap3A_723 = arith.constant 112 : index
        %swap3A_724 = tpu.vector_load %arg16[%swap3A_722, %swap3A_723] {strides = array<i32>} : memref<80x128xf32, #tpu.memory_space<vmem>>, vector<16xf32>,
        tpu.vector_store %arg16[%swap3A_722, %swap3A_723], %mul3A_721 {strides = array<i32>} : memref<80x128xf32, #tpu.memory_space<vmem>>, vector<16xf32>,
        %slice3A_725 = vector.extract_strided_slice %get3A_166 {offsets = [8], sizes = [1], strides = [1]} : vector<16xf32> to vector<1xf32>
        %squeeze3A_726 = vector.extract %slice3A_725[0] : f32 from vector<1xf32>
        %mul3A_727 = arith.constant 16 : i32
        %mul3A_728 = arith.muli %scan3A_162, %mul3A_727 : i32
        %add3A_729 = arith.constant 8 : i32
        %add3A_730 = arith.addi %mul3A_728, %add3A_729 : i32
        %get3A_731 = arith.index_cast %add3A_730 : i32 to index
        %get3A_732 = arith.constant 0 : index
        %get3A_733 = tpu.vector_load %arg16[%get3A_731, %get3A_732] {strides = array<i32>} : memref<80x128xf32, #tpu.memory_space<vmem>>, vector<16xf32>,
        %mul3A_734 = vector.broadcast %squeeze3A_726 : f32 to vector<16xf32>
        %mul3A_735 = arith.mulf %get3A_733, %mul3A_734 : vector<16xf32>
        %swap3A_736 = arith.index_cast %add3A_730 : i32 to index
        %swap3A_737 = arith.constant 0 : index
        %swap3A_738 = tpu.vector_load %arg16[%swap3A_736, %swap3A_737] {strides = array<i32>} : memref<80x128xf32, #tpu.memory_space<vmem>>, vector<16xf32>,
        tpu.vector_store %arg16[%swap3A_736, %swap3A_737], %mul3A_735 {strides = array<i32>} : memref<80x128xf32, #tpu.memory_space<vmem>>, vector<16xf32>,
        %get3A_739 = arith.index_cast %add3A_730 : i32 to index
        %get3A_740 = arith.constant 16 : index
        %get3A_741 = tpu.vector_load %arg16[%get3A_739, %get3A_740] {strides = array<i32>} : memref<80x128xf32, #tpu.memory_space<vmem>>, vector<16xf32>,
        %mul3A_742 = vector.broadcast %squeeze3A_726 : f32 to vector<16xf32>
        %mul3A_743 = arith.mulf %get3A_741, %mul3A_742 : vector<16xf32>
        %swap3A_744 = arith.index_cast %add3A_730 : i32 to index
        %swap3A_745 = arith.constant 16 : index
        %swap3A_746 = tpu.vector_load %arg16[%swap3A_744, %swap3A_745] {strides = array<i32>} : memref<80x128xf32, #tpu.memory_space<vmem>>, vector<16xf32>,
        tpu.vector_store %arg16[%swap3A_744, %swap3A_745], %mul3A_743 {strides = array<i32>} : memref<80x128xf32, #tpu.memory_space<vmem>>, vector<16xf32>,
        %get3A_747 = arith.index_cast %add3A_730 : i32 to index
        %get3A_748 = arith.constant 32 : index
        %get3A_749 = tpu.vector_load %arg16[%get3A_747, %get3A_748] {strides = array<i32>} : memref<80x128xf32, #tpu.memory_space<vmem>>, vector<16xf32>,
        %mul3A_750 = vector.broadcast %squeeze3A_726 : f32 to vector<16xf32>
        %mul3A_751 = arith.mulf %get3A_749, %mul3A_750 : vector<16xf32>
        %swap3A_752 = arith.index_cast %add3A_730 : i32 to index
        %swap3A_753 = arith.constant 32 : index
        %swap3A_754 = tpu.vector_load %arg16[%swap3A_752, %swap3A_753] {strides = array<i32>} : memref<80x128xf32, #tpu.memory_space<vmem>>, vector<16xf32>,
        tpu.vector_store %arg16[%swap3A_752, %swap3A_753], %mul3A_751 {strides = array<i32>} : memref<80x128xf32, #tpu.memory_space<vmem>>, vector<16xf32>,
        %get3A_755 = arith.index_cast %add3A_730 : i32 to index
        %get3A_756 = arith.constant 48 : index
        %get3A_757 = tpu.vector_load %arg16[%get3A_755, %get3A_756] {strides = array<i32>} : memref<80x128xf32, #tpu.memory_space<vmem>>, vector<16xf32>,
        %mul3A_758 = vector.broadcast %squeeze3A_726 : f32 to vector<16xf32>
        %mul3A_759 = arith.mulf %get3A_757, %mul3A_758 : vector<16xf32>
        %swap3A_760 = arith.index_cast %add3A_730 : i32 to index
        %swap3A_761 = arith.constant 48 : index
        %swap3A_762 = tpu.vector_load %arg16[%swap3A_760, %swap3A_761] {strides = array<i32>} : memref<80x128xf32, #tpu.memory_space<vmem>>, vector<16xf32>,
        tpu.vector_store %arg16[%swap3A_760, %swap3A_761], %mul3A_759 {strides = array<i32>} : memref<80x128xf32, #tpu.memory_space<vmem>>, vector<16xf32>,
        %get3A_763 = arith.index_cast %add3A_730 : i32 to index
        %get3A_764 = arith.constant 64 : index
        %get3A_765 = tpu.vector_load %arg16[%get3A_763, %get3A_764] {strides = array<i32>} : memref<80x128xf32, #tpu.memory_space<vmem>>, vector<16xf32>,
        %mul3A_766 = vector.broadcast %squeeze3A_726 : f32 to vector<16xf32>
        %mul3A_767 = arith.mulf %get3A_765, %mul3A_766 : vector<16xf32>
        %swap3A_768 = arith.index_cast %add3A_730 : i32 to index
        %swap3A_769 = arith.constant 64 : index
        %swap3A_770 = tpu.vector_load %arg16[%swap3A_768, %swap3A_769] {strides = array<i32>} : memref<80x128xf32, #tpu.memory_space<vmem>>, vector<16xf32>,
        tpu.vector_store %arg16[%swap3A_768, %swap3A_769], %mul3A_767 {strides = array<i32>} : memref<80x128xf32, #tpu.memory_space<vmem>>, vector<16xf32>,
        %get3A_771 = arith.index_cast %add3A_730 : i32 to index
        %get3A_772 = arith.constant 80 : index
        %get3A_773 = tpu.vector_load %arg16[%get3A_771, %get3A_772] {strides = array<i32>} : memref<80x128xf32, #tpu.memory_space<vmem>>, vector<16xf32>,
        %mul3A_774 = vector.broadcast %squeeze3A_726 : f32 to vector<16xf32>
        %mul3A_775 = arith.mulf %get3A_773, %mul3A_774 : vector<16xf32>
        %swap3A_776 = arith.index_cast %add3A_730 : i32 to index
        %swap3A_777 = arith.constant 80 : index
        %swap3A_778 = tpu.vector_load %arg16[%swap3A_776, %swap3A_777] {strides = array<i32>} : memref<80x128xf32, #tpu.memory_space<vmem>>, vector<16xf32>,
        tpu.vector_store %arg16[%swap3A_776, %swap3A_777], %mul3A_775 {strides = array<i32>} : memref<80x128xf32, #tpu.memory_space<vmem>>, vector<16xf32>,
        %get3A_779 = arith.index_cast %add3A_730 : i32 to index
        %get3A_780 = arith.constant 96 : index
        %get3A_781 = tpu.vector_load %arg16[%get3A_779, %get3A_780] {strides = array<i32>} : memref<80x128xf32, #tpu.memory_space<vmem>>, vector<16xf32>,
        %mul3A_782 = vector.broadcast %squeeze3A_726 : f32 to vector<16xf32>
        %mul3A_783 = arith.mulf %get3A_781, %mul3A_782 : vector<16xf32>
        %swap3A_784 = arith.index_cast %add3A_730 : i32 to index
        %swap3A_785 = arith.constant 96 : index
        %swap3A_786 = tpu.vector_load %arg16[%swap3A_784, %swap3A_785] {strides = array<i32>} : memref<80x128xf32, #tpu.memory_space<vmem>>, vector<16xf32>,
        tpu.vector_store %arg16[%swap3A_784, %swap3A_785], %mul3A_783 {strides = array<i32>} : memref<80x128xf32, #tpu.memory_space<vmem>>, vector<16xf32>,
        %get3A_787 = arith.index_cast %add3A_730 : i32 to index
        %get3A_788 = arith.constant 112 : index
        %get3A_789 = tpu.vector_load %arg16[%get3A_787, %get3A_788] {strides = array<i32>} : memref<80x128xf32, #tpu.memory_space<vmem>>, vector<16xf32>,
        %mul3A_790 = vector.broadcast %squeeze3A_726 : f32 to vector<16xf32>
        %mul3A_791 = arith.mulf %get3A_789, %mul3A_790 : vector<16xf32>
        %swap3A_792 = arith.index_cast %add3A_730 : i32 to index
        %swap3A_793 = arith.constant 112 : index
        %swap3A_794 = tpu.vector_load %arg16[%swap3A_792, %swap3A_793] {strides = array<i32>} : memref<80x128xf32, #tpu.memory_space<vmem>>, vector<16xf32>,
        tpu.vector_store %arg16[%swap3A_792, %swap3A_793], %mul3A_791 {strides = array<i32>} : memref<80x128xf32, #tpu.memory_space<vmem>>, vector<16xf32>,
        %slice3A_795 = vector.extract_strided_slice %get3A_166 {offsets = [9], sizes = [1], strides = [1]} : vector<16xf32> to vector<1xf32>
        %squeeze3A_796 = vector.extract %slice3A_795[0] : f32 from vector<1xf32>
        %mul3A_797 = arith.constant 16 : i32
        %mul3A_798 = arith.muli %scan3A_162, %mul3A_797 : i32
        %add3A_799 = arith.constant 9 : i32
        %add3A_800 = arith.addi %mul3A_798, %add3A_799 : i32
        %get3A_801 = arith.index_cast %add3A_800 : i32 to index
        %get3A_802 = arith.constant 0 : index
        %get3A_803 = tpu.vector_load %arg16[%get3A_801, %get3A_802] {strides = array<i32>} : memref<80x128xf32, #tpu.memory_space<vmem>>, vector<16xf32>,
        %mul3A_804 = vector.broadcast %squeeze3A_796 : f32 to vector<16xf32>
        %mul3A_805 = arith.mulf %get3A_803, %mul3A_804 : vector<16xf32>
        %swap3A_806 = arith.index_cast %add3A_800 : i32 to index
        %swap3A_807 = arith.constant 0 : index
        %swap3A_808 = tpu.vector_load %arg16[%swap3A_806, %swap3A_807] {strides = array<i32>} : memref<80x128xf32, #tpu.memory_space<vmem>>, vector<16xf32>,
        tpu.vector_store %arg16[%swap3A_806, %swap3A_807], %mul3A_805 {strides = array<i32>} : memref<80x128xf32, #tpu.memory_space<vmem>>, vector<16xf32>,
        %get3A_809 = arith.index_cast %add3A_800 : i32 to index
        %get3A_810 = arith.constant 16 : index
        %get3A_811 = tpu.vector_load %arg16[%get3A_809, %get3A_810] {strides = array<i32>} : memref<80x128xf32, #tpu.memory_space<vmem>>, vector<16xf32>,
        %mul3A_812 = vector.broadcast %squeeze3A_796 : f32 to vector<16xf32>
        %mul3A_813 = arith.mulf %get3A_811, %mul3A_812 : vector<16xf32>
        %swap3A_814 = arith.index_cast %add3A_800 : i32 to index
        %swap3A_815 = arith.constant 16 : index
        %swap3A_816 = tpu.vector_load %arg16[%swap3A_814, %swap3A_815] {strides = array<i32>} : memref<80x128xf32, #tpu.memory_space<vmem>>, vector<16xf32>,
        tpu.vector_store %arg16[%swap3A_814, %swap3A_815], %mul3A_813 {strides = array<i32>} : memref<80x128xf32, #tpu.memory_space<vmem>>, vector<16xf32>,
        %get3A_817 = arith.index_cast %add3A_800 : i32 to index
        %get3A_818 = arith.constant 32 : index
        %get3A_819 = tpu.vector_load %arg16[%get3A_817, %get3A_818] {strides = array<i32>} : memref<80x128xf32, #tpu.memory_space<vmem>>, vector<16xf32>,
        %mul3A_820 = vector.broadcast %squeeze3A_796 : f32 to vector<16xf32>
        %mul3A_821 = arith.mulf %get3A_819, %mul3A_820 : vector<16xf32>
        %swap3A_822 = arith.index_cast %add3A_800 : i32 to index
        %swap3A_823 = arith.constant 32 : index
        %swap3A_824 = tpu.vector_load %arg16[%swap3A_822, %swap3A_823] {strides = array<i32>} : memref<80x128xf32, #tpu.memory_space<vmem>>, vector<16xf32>,
        tpu.vector_store %arg16[%swap3A_822, %swap3A_823], %mul3A_821 {strides = array<i32>} : memref<80x128xf32, #tpu.memory_space<vmem>>, vector<16xf32>,
        %get3A_825 = arith.index_cast %add3A_800 : i32 to index
        %get3A_826 = arith.constant 48 : index
        %get3A_827 = tpu.vector_load %arg16[%get3A_825, %get3A_826] {strides = array<i32>} : memref<80x128xf32, #tpu.memory_space<vmem>>, vector<16xf32>,
        %mul3A_828 = vector.broadcast %squeeze3A_796 : f32 to vector<16xf32>
        %mul3A_829 = arith.mulf %get3A_827, %mul3A_828 : vector<16xf32>
        %swap3A_830 = arith.index_cast %add3A_800 : i32 to index
        %swap3A_831 = arith.constant 48 : index
        %swap3A_832 = tpu.vector_load %arg16[%swap3A_830, %swap3A_831] {strides = array<i32>} : memref<80x128xf32, #tpu.memory_space<vmem>>, vector<16xf32>,
        tpu.vector_store %arg16[%swap3A_830, %swap3A_831], %mul3A_829 {strides = array<i32>} : memref<80x128xf32, #tpu.memory_space<vmem>>, vector<16xf32>,
        %get3A_833 = arith.index_cast %add3A_800 : i32 to index
        %get3A_834 = arith.constant 64 : index
        %get3A_835 = tpu.vector_load %arg16[%get3A_833, %get3A_834] {strides = array<i32>} : memref<80x128xf32, #tpu.memory_space<vmem>>, vector<16xf32>,
        %mul3A_836 = vector.broadcast %squeeze3A_796 : f32 to vector<16xf32>
        %mul3A_837 = arith.mulf %get3A_835, %mul3A_836 : vector<16xf32>
        %swap3A_838 = arith.index_cast %add3A_800 : i32 to index
        %swap3A_839 = arith.constant 64 : index
        %swap3A_840 = tpu.vector_load %arg16[%swap3A_838, %swap3A_839] {strides = array<i32>} : memref<80x128xf32, #tpu.memory_space<vmem>>, vector<16xf32>,
        tpu.vector_store %arg16[%swap3A_838, %swap3A_839], %mul3A_837 {strides = array<i32>} : memref<80x128xf32, #tpu.memory_space<vmem>>, vector<16xf32>,
        %get3A_841 = arith.index_cast %add3A_800 : i32 to index
        %get3A_842 = arith.constant 80 : index
        %get3A_843 = tpu.vector_load %arg16[%get3A_841, %get3A_842] {strides = array<i32>} : memref<80x128xf32, #tpu.memory_space<vmem>>, vector<16xf32>,
        %mul3A_844 = vector.broadcast %squeeze3A_796 : f32 to vector<16xf32>
        %mul3A_845 = arith.mulf %get3A_843, %mul3A_844 : vector<16xf32>
        %swap3A_846 = arith.index_cast %add3A_800 : i32 to index
        %swap3A_847 = arith.constant 80 : index
        %swap3A_848 = tpu.vector_load %arg16[%swap3A_846, %swap3A_847] {strides = array<i32>} : memref<80x128xf32, #tpu.memory_space<vmem>>, vector<16xf32>,
        tpu.vector_store %arg16[%swap3A_846, %swap3A_847], %mul3A_845 {strides = array<i32>} : memref<80x128xf32, #tpu.memory_space<vmem>>, vector<16xf32>,
        %get3A_849 = arith.index_cast %add3A_800 : i32 to index
        %get3A_850 = arith.constant 96 : index
        %get3A_851 = tpu.vector_load %arg16[%get3A_849, %get3A_850] {strides = array<i32>} : memref<80x128xf32, #tpu.memory_space<vmem>>, vector<16xf32>,
        %mul3A_852 = vector.broadcast %squeeze3A_796 : f32 to vector<16xf32>
        %mul3A_853 = arith.mulf %get3A_851, %mul3A_852 : vector<16xf32>
        %swap3A_854 = arith.index_cast %add3A_800 : i32 to index
        %swap3A_855 = arith.constant 96 : index
        %swap3A_856 = tpu.vector_load %arg16[%swap3A_854, %swap3A_855] {strides = array<i32>} : memref<80x128xf32, #tpu.memory_space<vmem>>, vector<16xf32>,
        tpu.vector_store %arg16[%swap3A_854, %swap3A_855], %mul3A_853 {strides = array<i32>} : memref<80x128xf32, #tpu.memory_space<vmem>>, vector<16xf32>,
        %get3A_857 = arith.index_cast %add3A_800 : i32 to index
        %get3A_858 = arith.constant 112 : index
        %get3A_859 = tpu.vector_load %arg16[%get3A_857, %get3A_858] {strides = array<i32>} : memref<80x128xf32, #tpu.memory_space<vmem>>, vector<16xf32>,
        %mul3A_860 = vector.broadcast %squeeze3A_796 : f32 to vector<16xf32>
        %mul3A_861 = arith.mulf %get3A_859, %mul3A_860 : vector<16xf32>
        %swap3A_862 = arith.index_cast %add3A_800 : i32 to index
        %swap3A_863 = arith.constant 112 : index
        %swap3A_864 = tpu.vector_load %arg16[%swap3A_862, %swap3A_863] {strides = array<i32>} : memref<80x128xf32, #tpu.memory_space<vmem>>, vector<16xf32>,
        tpu.vector_store %arg16[%swap3A_862, %swap3A_863], %mul3A_861 {strides = array<i32>} : memref<80x128xf32, #tpu.memory_space<vmem>>, vector<16xf32>,
        %slice3A_865 = vector.extract_strided_slice %get3A_166 {offsets = [10], sizes = [1], strides = [1]} : vector<16xf32> to vector<1xf32>
        %squeeze3A_866 = vector.extract %slice3A_865[0] : f32 from vector<1xf32>
        %mul3A_867 = arith.constant 16 : i32
        %mul3A_868 = arith.muli %scan3A_162, %mul3A_867 : i32
        %add3A_869 = arith.constant 10 : i32
        %add3A_870 = arith.addi %mul3A_868, %add3A_869 : i32
        %get3A_871 = arith.index_cast %add3A_870 : i32 to index
        %get3A_872 = arith.constant 0 : index
        %get3A_873 = tpu.vector_load %arg16[%get3A_871, %get3A_872] {strides = array<i32>} : memref<80x128xf32, #tpu.memory_space<vmem>>, vector<16xf32>,
        %mul3A_874 = vector.broadcast %squeeze3A_866 : f32 to vector<16xf32>
        %mul3A_875 = arith.mulf %get3A_873, %mul3A_874 : vector<16xf32>
        %swap3A_876 = arith.index_cast %add3A_870 : i32 to index
        %swap3A_877 = arith.constant 0 : index
        %swap3A_878 = tpu.vector_load %arg16[%swap3A_876, %swap3A_877] {strides = array<i32>} : memref<80x128xf32, #tpu.memory_space<vmem>>, vector<16xf32>,
        tpu.vector_store %arg16[%swap3A_876, %swap3A_877], %mul3A_875 {strides = array<i32>} : memref<80x128xf32, #tpu.memory_space<vmem>>, vector<16xf32>,
        %get3A_879 = arith.index_cast %add3A_870 : i32 to index
        %get3A_880 = arith.constant 16 : index
        %get3A_881 = tpu.vector_load %arg16[%get3A_879, %get3A_880] {strides = array<i32>} : memref<80x128xf32, #tpu.memory_space<vmem>>, vector<16xf32>,
        %mul3A_882 = vector.broadcast %squeeze3A_866 : f32 to vector<16xf32>
        %mul3A_883 = arith.mulf %get3A_881, %mul3A_882 : vector<16xf32>
        %swap3A_884 = arith.index_cast %add3A_870 : i32 to index
        %swap3A_885 = arith.constant 16 : index
        %swap3A_886 = tpu.vector_load %arg16[%swap3A_884, %swap3A_885] {strides = array<i32>} : memref<80x128xf32, #tpu.memory_space<vmem>>, vector<16xf32>,
        tpu.vector_store %arg16[%swap3A_884, %swap3A_885], %mul3A_883 {strides = array<i32>} : memref<80x128xf32, #tpu.memory_space<vmem>>, vector<16xf32>,
        %get3A_887 = arith.index_cast %add3A_870 : i32 to index
        %get3A_888 = arith.constant 32 : index
        %get3A_889 = tpu.vector_load %arg16[%get3A_887, %get3A_888] {strides = array<i32>} : memref<80x128xf32, #tpu.memory_space<vmem>>, vector<16xf32>,
        %mul3A_890 = vector.broadcast %squeeze3A_866 : f32 to vector<16xf32>
        %mul3A_891 = arith.mulf %get3A_889, %mul3A_890 : vector<16xf32>
        %swap3A_892 = arith.index_cast %add3A_870 : i32 to index
        %swap3A_893 = arith.constant 32 : index
        %swap3A_894 = tpu.vector_load %arg16[%swap3A_892, %swap3A_893] {strides = array<i32>} : memref<80x128xf32, #tpu.memory_space<vmem>>, vector<16xf32>,
        tpu.vector_store %arg16[%swap3A_892, %swap3A_893], %mul3A_891 {strides = array<i32>} : memref<80x128xf32, #tpu.memory_space<vmem>>, vector<16xf32>,
        %get3A_895 = arith.index_cast %add3A_870 : i32 to index
        %get3A_896 = arith.constant 48 : index
        %get3A_897 = tpu.vector_load %arg16[%get3A_895, %get3A_896] {strides = array<i32>} : memref<80x128xf32, #tpu.memory_space<vmem>>, vector<16xf32>,
        %mul3A_898 = vector.broadcast %squeeze3A_866 : f32 to vector<16xf32>
        %mul3A_899 = arith.mulf %get3A_897, %mul3A_898 : vector<16xf32>
        %swap3A_900 = arith.index_cast %add3A_870 : i32 to index
        %swap3A_901 = arith.constant 48 : index
        %swap3A_902 = tpu.vector_load %arg16[%swap3A_900, %swap3A_901] {strides = array<i32>} : memref<80x128xf32, #tpu.memory_space<vmem>>, vector<16xf32>,
        tpu.vector_store %arg16[%swap3A_900, %swap3A_901], %mul3A_899 {strides = array<i32>} : memref<80x128xf32, #tpu.memory_space<vmem>>, vector<16xf32>,
        %get3A_903 = arith.index_cast %add3A_870 : i32 to index
        %get3A_904 = arith.constant 64 : index
        %get3A_905 = tpu.vector_load %arg16[%get3A_903, %get3A_904] {strides = array<i32>} : memref<80x128xf32, #tpu.memory_space<vmem>>, vector<16xf32>,
        %mul3A_906 = vector.broadcast %squeeze3A_866 : f32 to vector<16xf32>
        %mul3A_907 = arith.mulf %get3A_905, %mul3A_906 : vector<16xf32>
        %swap3A_908 = arith.index_cast %add3A_870 : i32 to index
        %swap3A_909 = arith.constant 64 : index
        %swap3A_910 = tpu.vector_load %arg16[%swap3A_908, %swap3A_909] {strides = array<i32>} : memref<80x128xf32, #tpu.memory_space<vmem>>, vector<16xf32>,
        tpu.vector_store %arg16[%swap3A_908, %swap3A_909], %mul3A_907 {strides = array<i32>} : memref<80x128xf32, #tpu.memory_space<vmem>>, vector<16xf32>,
        %get3A_911 = arith.index_cast %add3A_870 : i32 to index
        %get3A_912 = arith.constant 80 : index
        %get3A_913 = tpu.vector_load %arg16[%get3A_911, %get3A_912] {strides = array<i32>} : memref<80x128xf32, #tpu.memory_space<vmem>>, vector<16xf32>,
        %mul3A_914 = vector.broadcast %squeeze3A_866 : f32 to vector<16xf32>
        %mul3A_915 = arith.mulf %get3A_913, %mul3A_914 : vector<16xf32>
        %swap3A_916 = arith.index_cast %add3A_870 : i32 to index
        %swap3A_917 = arith.constant 80 : index
        %swap3A_918 = tpu.vector_load %arg16[%swap3A_916, %swap3A_917] {strides = array<i32>} : memref<80x128xf32, #tpu.memory_space<vmem>>, vector<16xf32>,
        tpu.vector_store %arg16[%swap3A_916, %swap3A_917], %mul3A_915 {strides = array<i32>} : memref<80x128xf32, #tpu.memory_space<vmem>>, vector<16xf32>,
        %get3A_919 = arith.index_cast %add3A_870 : i32 to index
        %get3A_920 = arith.constant 96 : index
        %get3A_921 = tpu.vector_load %arg16[%get3A_919, %get3A_920] {strides = array<i32>} : memref<80x128xf32, #tpu.memory_space<vmem>>, vector<16xf32>,
        %mul3A_922 = vector.broadcast %squeeze3A_866 : f32 to vector<16xf32>
        %mul3A_923 = arith.mulf %get3A_921, %mul3A_922 : vector<16xf32>
        %swap3A_924 = arith.index_cast %add3A_870 : i32 to index
        %swap3A_925 = arith.constant 96 : index
        %swap3A_926 = tpu.vector_load %arg16[%swap3A_924, %swap3A_925] {strides = array<i32>} : memref<80x128xf32, #tpu.memory_space<vmem>>, vector<16xf32>,
        tpu.vector_store %arg16[%swap3A_924, %swap3A_925], %mul3A_923 {strides = array<i32>} : memref<80x128xf32, #tpu.memory_space<vmem>>, vector<16xf32>,
        %get3A_927 = arith.index_cast %add3A_870 : i32 to index
        %get3A_928 = arith.constant 112 : index
        %get3A_929 = tpu.vector_load %arg16[%get3A_927, %get3A_928] {strides = array<i32>} : memref<80x128xf32, #tpu.memory_space<vmem>>, vector<16xf32>,
        %mul3A_930 = vector.broadcast %squeeze3A_866 : f32 to vector<16xf32>
        %mul3A_931 = arith.mulf %get3A_929, %mul3A_930 : vector<16xf32>
        %swap3A_932 = arith.index_cast %add3A_870 : i32 to index
        %swap3A_933 = arith.constant 112 : index
        %swap3A_934 = tpu.vector_load %arg16[%swap3A_932, %swap3A_933] {strides = array<i32>} : memref<80x128xf32, #tpu.memory_space<vmem>>, vector<16xf32>,
        tpu.vector_store %arg16[%swap3A_932, %swap3A_933], %mul3A_931 {strides = array<i32>} : memref<80x128xf32, #tpu.memory_space<vmem>>, vector<16xf32>,
        %slice3A_935 = vector.extract_strided_slice %get3A_166 {offsets = [11], sizes = [1], strides = [1]} : vector<16xf32> to vector<1xf32>
        %squeeze3A_936 = vector.extract %slice3A_935[0] : f32 from vector<1xf32>
        %mul3A_937 = arith.constant 16 : i32
        %mul3A_938 = arith.muli %scan3A_162, %mul3A_937 : i32
        %add3A_939 = arith.constant 11 : i32
        %add3A_940 = arith.addi %mul3A_938, %add3A_939 : i32
        %get3A_941 = arith.index_cast %add3A_940 : i32 to index
        %get3A_942 = arith.constant 0 : index
        %get3A_943 = tpu.vector_load %arg16[%get3A_941, %get3A_942] {strides = array<i32>} : memref<80x128xf32, #tpu.memory_space<vmem>>, vector<16xf32>,
        %mul3A_944 = vector.broadcast %squeeze3A_936 : f32 to vector<16xf32>
        %mul3A_945 = arith.mulf %get3A_943, %mul3A_944 : vector<16xf32>
        %swap3A_946 = arith.index_cast %add3A_940 : i32 to index
        %swap3A_947 = arith.constant 0 : index
        %swap3A_948 = tpu.vector_load %arg16[%swap3A_946, %swap3A_947] {strides = array<i32>} : memref<80x128xf32, #tpu.memory_space<vmem>>, vector<16xf32>,
        tpu.vector_store %arg16[%swap3A_946, %swap3A_947], %mul3A_945 {strides = array<i32>} : memref<80x128xf32, #tpu.memory_space<vmem>>, vector<16xf32>,
        %get3A_949 = arith.index_cast %add3A_940 : i32 to index
        %get3A_950 = arith.constant 16 : index
        %get3A_951 = tpu.vector_load %arg16[%get3A_949, %get3A_950] {strides = array<i32>} : memref<80x128xf32, #tpu.memory_space<vmem>>, vector<16xf32>,
        %mul3A_952 = vector.broadcast %squeeze3A_936 : f32 to vector<16xf32>
        %mul3A_953 = arith.mulf %get3A_951, %mul3A_952 : vector<16xf32>
        %swap3A_954 = arith.index_cast %add3A_940 : i32 to index
        %swap3A_955 = arith.constant 16 : index
        %swap3A_956 = tpu.vector_load %arg16[%swap3A_954, %swap3A_955] {strides = array<i32>} : memref<80x128xf32, #tpu.memory_space<vmem>>, vector<16xf32>,
        tpu.vector_store %arg16[%swap3A_954, %swap3A_955], %mul3A_953 {strides = array<i32>} : memref<80x128xf32, #tpu.memory_space<vmem>>, vector<16xf32>,
        %get3A_957 = arith.index_cast %add3A_940 : i32 to index
        %get3A_958 = arith.constant 32 : index
        %get3A_959 = tpu.vector_load %arg16[%get3A_957, %get3A_958] {strides = array<i32>} : memref<80x128xf32, #tpu.memory_space<vmem>>, vector<16xf32>,
        %mul3A_960 = vector.broadcast %squeeze3A_936 : f32 to vector<16xf32>
        %mul3A_961 = arith.mulf %get3A_959, %mul3A_960 : vector<16xf32>
        %swap3A_962 = arith.index_cast %add3A_940 : i32 to index
        %swap3A_963 = arith.constant 32 : index
        %swap3A_964 = tpu.vector_load %arg16[%swap3A_962, %swap3A_963] {strides = array<i32>} : memref<80x128xf32, #tpu.memory_space<vmem>>, vector<16xf32>,
        tpu.vector_store %arg16[%swap3A_962, %swap3A_963], %mul3A_961 {strides = array<i32>} : memref<80x128xf32, #tpu.memory_space<vmem>>, vector<16xf32>,
        %get3A_965 = arith.index_cast %add3A_940 : i32 to index
        %get3A_966 = arith.constant 48 : index
        %get3A_967 = tpu.vector_load %arg16[%get3A_965, %get3A_966] {strides = array<i32>} : memref<80x128xf32, #tpu.memory_space<vmem>>, vector<16xf32>,
        %mul3A_968 = vector.broadcast %squeeze3A_936 : f32 to vector<16xf32>
        %mul3A_969 = arith.mulf %get3A_967, %mul3A_968 : vector<16xf32>
        %swap3A_970 = arith.index_cast %add3A_940 : i32 to index
        %swap3A_971 = arith.constant 48 : index
        %swap3A_972 = tpu.vector_load %arg16[%swap3A_970, %swap3A_971] {strides = array<i32>} : memref<80x128xf32, #tpu.memory_space<vmem>>, vector<16xf32>,
        tpu.vector_store %arg16[%swap3A_970, %swap3A_971], %mul3A_969 {strides = array<i32>} : memref<80x128xf32, #tpu.memory_space<vmem>>, vector<16xf32>,
        %get3A_973 = arith.index_cast %add3A_940 : i32 to index
        %get3A_974 = arith.constant 64 : index
        %get3A_975 = tpu.vector_load %arg16[%get3A_973, %get3A_974] {strides = array<i32>} : memref<80x128xf32, #tpu.memory_space<vmem>>, vector<16xf32>,
        %mul3A_976 = vector.broadcast %squeeze3A_936 : f32 to vector<16xf32>
        %mul3A_977 = arith.mulf %get3A_975, %mul3A_976 : vector<16xf32>
        %swap3A_978 = arith.index_cast %add3A_940 : i32 to index
        %swap3A_979 = arith.constant 64 : index
        %swap3A_980 = tpu.vector_load %arg16[%swap3A_978, %swap3A_979] {strides = array<i32>} : memref<80x128xf32, #tpu.memory_space<vmem>>, vector<16xf32>,
        tpu.vector_store %arg16[%swap3A_978, %swap3A_979], %mul3A_977 {strides = array<i32>} : memref<80x128xf32, #tpu.memory_space<vmem>>, vector<16xf32>,
        %get3A_981 = arith.index_cast %add3A_940 : i32 to index
        %get3A_982 = arith.constant 80 : index
        %get3A_983 = tpu.vector_load %arg16[%get3A_981, %get3A_982] {strides = array<i32>} : memref<80x128xf32, #tpu.memory_space<vmem>>, vector<16xf32>,
        %mul3A_984 = vector.broadcast %squeeze3A_936 : f32 to vector<16xf32>
        %mul3A_985 = arith.mulf %get3A_983, %mul3A_984 : vector<16xf32>
        %swap3A_986 = arith.index_cast %add3A_940 : i32 to index
        %swap3A_987 = arith.constant 80 : index
        %swap3A_988 = tpu.vector_load %arg16[%swap3A_986, %swap3A_987] {strides = array<i32>} : memref<80x128xf32, #tpu.memory_space<vmem>>, vector<16xf32>,
        tpu.vector_store %arg16[%swap3A_986, %swap3A_987], %mul3A_985 {strides = array<i32>} : memref<80x128xf32, #tpu.memory_space<vmem>>, vector<16xf32>,
        %get3A_989 = arith.index_cast %add3A_940 : i32 to index
        %get3A_990 = arith.constant 96 : index
        %get3A_991 = tpu.vector_load %arg16[%get3A_989, %get3A_990] {strides = array<i32>} : memref<80x128xf32, #tpu.memory_space<vmem>>, vector<16xf32>,
        %mul3A_992 = vector.broadcast %squeeze3A_936 : f32 to vector<16xf32>
        %mul3A_993 = arith.mulf %get3A_991, %mul3A_992 : vector<16xf32>
        %swap3A_994 = arith.index_cast %add3A_940 : i32 to index
        %swap3A_995 = arith.constant 96 : index
        %swap3A_996 = tpu.vector_load %arg16[%swap3A_994, %swap3A_995] {strides = array<i32>} : memref<80x128xf32, #tpu.memory_space<vmem>>, vector<16xf32>,
        tpu.vector_store %arg16[%swap3A_994, %swap3A_995], %mul3A_993 {strides = array<i32>} : memref<80x128xf32, #tpu.memory_space<vmem>>, vector<16xf32>,
        %get3A_997 = arith.index_cast %add3A_940 : i32 to index
        %get3A_998 = arith.constant 112 : index
        %get3A_999 = tpu.vector_load %arg16[%get3A_997, %get3A_998] {strides = array<i32>} : memref<80x128xf32, #tpu.memory_space<vmem>>, vector<16xf32>,
        %mul3A_1000 = vector.broadcast %squeeze3A_936 : f32 to vector<16xf32>
        %mul3A_1001 = arith.mulf %get3A_999, %mul3A_1000 : vector<16xf32>
        %swap3A_1002 = arith.index_cast %add3A_940 : i32 to index
        %swap3A_1003 = arith.constant 112 : index
        %swap3A_1004 = tpu.vector_load %arg16[%swap3A_1002, %swap3A_1003] {strides = array<i32>} : memref<80x128xf32, #tpu.memory_space<vmem>>, vector<16xf32>,
        tpu.vector_store %arg16[%swap3A_1002, %swap3A_1003], %mul3A_1001 {strides = array<i32>} : memref<80x128xf32, #tpu.memory_space<vmem>>, vector<16xf32>,
        %slice3A_1005 = vector.extract_strided_slice %get3A_166 {offsets = [12], sizes = [1], strides = [1]} : vector<16xf32> to vector<1xf32>
        %squeeze3A_1006 = vector.extract %slice3A_1005[0] : f32 from vector<1xf32>
        %mul3A_1007 = arith.constant 16 : i32
        %mul3A_1008 = arith.muli %scan3A_162, %mul3A_1007 : i32
        %add3A_1009 = arith.constant 12 : i32
        %add3A_1010 = arith.addi %mul3A_1008, %add3A_1009 : i32
        %get3A_1011 = arith.index_cast %add3A_1010 : i32 to index
        %get3A_1012 = arith.constant 0 : index
        %get3A_1013 = tpu.vector_load %arg16[%get3A_1011, %get3A_1012] {strides = array<i32>} : memref<80x128xf32, #tpu.memory_space<vmem>>, vector<16xf32>,
        %mul3A_1014 = vector.broadcast %squeeze3A_1006 : f32 to vector<16xf32>
        %mul3A_1015 = arith.mulf %get3A_1013, %mul3A_1014 : vector<16xf32>
        %swap3A_1016 = arith.index_cast %add3A_1010 : i32 to index
        %swap3A_1017 = arith.constant 0 : index
        %swap3A_1018 = tpu.vector_load %arg16[%swap3A_1016, %swap3A_1017] {strides = array<i32>} : memref<80x128xf32, #tpu.memory_space<vmem>>, vector<16xf32>,
        tpu.vector_store %arg16[%swap3A_1016, %swap3A_1017], %mul3A_1015 {strides = array<i32>} : memref<80x128xf32, #tpu.memory_space<vmem>>, vector<16xf32>,
        %get3A_1019 = arith.index_cast %add3A_1010 : i32 to index
        %get3A_1020 = arith.constant 16 : index
        %get3A_1021 = tpu.vector_load %arg16[%get3A_1019, %get3A_1020] {strides = array<i32>} : memref<80x128xf32, #tpu.memory_space<vmem>>, vector<16xf32>,
        %mul3A_1022 = vector.broadcast %squeeze3A_1006 : f32 to vector<16xf32>
        %mul3A_1023 = arith.mulf %get3A_1021, %mul3A_1022 : vector<16xf32>
        %swap3A_1024 = arith.index_cast %add3A_1010 : i32 to index
        %swap3A_1025 = arith.constant 16 : index
        %swap3A_1026 = tpu.vector_load %arg16[%swap3A_1024, %swap3A_1025] {strides = array<i32>} : memref<80x128xf32, #tpu.memory_space<vmem>>, vector<16xf32>,
        tpu.vector_store %arg16[%swap3A_1024, %swap3A_1025], %mul3A_1023 {strides = array<i32>} : memref<80x128xf32, #tpu.memory_space<vmem>>, vector<16xf32>,
        %get3A_1027 = arith.index_cast %add3A_1010 : i32 to index
        %get3A_1028 = arith.constant 32 : index
        %get3A_1029 = tpu.vector_load %arg16[%get3A_1027, %get3A_1028] {strides = array<i32>} : memref<80x128xf32, #tpu.memory_space<vmem>>, vector<16xf32>,
        %mul3A_1030 = vector.broadcast %squeeze3A_1006 : f32 to vector<16xf32>
        %mul3A_1031 = arith.mulf %get3A_1029, %mul3A_1030 : vector<16xf32>
        %swap3A_1032 = arith.index_cast %add3A_1010 : i32 to index
        %swap3A_1033 = arith.constant 32 : index
        %swap3A_1034 = tpu.vector_load %arg16[%swap3A_1032, %swap3A_1033] {strides = array<i32>} : memref<80x128xf32, #tpu.memory_space<vmem>>, vector<16xf32>,
        tpu.vector_store %arg16[%swap3A_1032, %swap3A_1033], %mul3A_1031 {strides = array<i32>} : memref<80x128xf32, #tpu.memory_space<vmem>>, vector<16xf32>,
        %get3A_1035 = arith.index_cast %add3A_1010 : i32 to index
        %get3A_1036 = arith.constant 48 : index
        %get3A_1037 = tpu.vector_load %arg16[%get3A_1035, %get3A_1036] {strides = array<i32>} : memref<80x128xf32, #tpu.memory_space<vmem>>, vector<16xf32>,
        %mul3A_1038 = vector.broadcast %squeeze3A_1006 : f32 to vector<16xf32>
        %mul3A_1039 = arith.mulf %get3A_1037, %mul3A_1038 : vector<16xf32>
        %swap3A_1040 = arith.index_cast %add3A_1010 : i32 to index
        %swap3A_1041 = arith.constant 48 : index
        %swap3A_1042 = tpu.vector_load %arg16[%swap3A_1040, %swap3A_1041] {strides = array<i32>} : memref<80x128xf32, #tpu.memory_space<vmem>>, vector<16xf32>,
        tpu.vector_store %arg16[%swap3A_1040, %swap3A_1041], %mul3A_1039 {strides = array<i32>} : memref<80x128xf32, #tpu.memory_space<vmem>>, vector<16xf32>,
        %get3A_1043 = arith.index_cast %add3A_1010 : i32 to index
        %get3A_1044 = arith.constant 64 : index
        %get3A_1045 = tpu.vector_load %arg16[%get3A_1043, %get3A_1044] {strides = array<i32>} : memref<80x128xf32, #tpu.memory_space<vmem>>, vector<16xf32>,
        %mul3A_1046 = vector.broadcast %squeeze3A_1006 : f32 to vector<16xf32>
        %mul3A_1047 = arith.mulf %get3A_1045, %mul3A_1046 : vector<16xf32>
        %swap3A_1048 = arith.index_cast %add3A_1010 : i32 to index
        %swap3A_1049 = arith.constant 64 : index
        %swap3A_1050 = tpu.vector_load %arg16[%swap3A_1048, %swap3A_1049] {strides = array<i32>} : memref<80x128xf32, #tpu.memory_space<vmem>>, vector<16xf32>,
        tpu.vector_store %arg16[%swap3A_1048, %swap3A_1049], %mul3A_1047 {strides = array<i32>} : memref<80x128xf32, #tpu.memory_space<vmem>>, vector<16xf32>,
        %get3A_1051 = arith.index_cast %add3A_1010 : i32 to index
        %get3A_1052 = arith.constant 80 : index
        %get3A_1053 = tpu.vector_load %arg16[%get3A_1051, %get3A_1052] {strides = array<i32>} : memref<80x128xf32, #tpu.memory_space<vmem>>, vector<16xf32>,
        %mul3A_1054 = vector.broadcast %squeeze3A_1006 : f32 to vector<16xf32>
        %mul3A_1055 = arith.mulf %get3A_1053, %mul3A_1054 : vector<16xf32>
        %swap3A_1056 = arith.index_cast %add3A_1010 : i32 to index
        %swap3A_1057 = arith.constant 80 : index
        %swap3A_1058 = tpu.vector_load %arg16[%swap3A_1056, %swap3A_1057] {strides = array<i32>} : memref<80x128xf32, #tpu.memory_space<vmem>>, vector<16xf32>,
        tpu.vector_store %arg16[%swap3A_1056, %swap3A_1057], %mul3A_1055 {strides = array<i32>} : memref<80x128xf32, #tpu.memory_space<vmem>>, vector<16xf32>,
        %get3A_1059 = arith.index_cast %add3A_1010 : i32 to index
        %get3A_1060 = arith.constant 96 : index
        %get3A_1061 = tpu.vector_load %arg16[%get3A_1059, %get3A_1060] {strides = array<i32>} : memref<80x128xf32, #tpu.memory_space<vmem>>, vector<16xf32>,
        %mul3A_1062 = vector.broadcast %squeeze3A_1006 : f32 to vector<16xf32>
        %mul3A_1063 = arith.mulf %get3A_1061, %mul3A_1062 : vector<16xf32>
        %swap3A_1064 = arith.index_cast %add3A_1010 : i32 to index
        %swap3A_1065 = arith.constant 96 : index
        %swap3A_1066 = tpu.vector_load %arg16[%swap3A_1064, %swap3A_1065] {strides = array<i32>} : memref<80x128xf32, #tpu.memory_space<vmem>>, vector<16xf32>,
        tpu.vector_store %arg16[%swap3A_1064, %swap3A_1065], %mul3A_1063 {strides = array<i32>} : memref<80x128xf32, #tpu.memory_space<vmem>>, vector<16xf32>,
        %get3A_1067 = arith.index_cast %add3A_1010 : i32 to index
        %get3A_1068 = arith.constant 112 : index
        %get3A_1069 = tpu.vector_load %arg16[%get3A_1067, %get3A_1068] {strides = array<i32>} : memref<80x128xf32, #tpu.memory_space<vmem>>, vector<16xf32>,
        %mul3A_1070 = vector.broadcast %squeeze3A_1006 : f32 to vector<16xf32>
        %mul3A_1071 = arith.mulf %get3A_1069, %mul3A_1070 : vector<16xf32>
        %swap3A_1072 = arith.index_cast %add3A_1010 : i32 to index
        %swap3A_1073 = arith.constant 112 : index
        %swap3A_1074 = tpu.vector_load %arg16[%swap3A_1072, %swap3A_1073] {strides = array<i32>} : memref<80x128xf32, #tpu.memory_space<vmem>>, vector<16xf32>,
        tpu.vector_store %arg16[%swap3A_1072, %swap3A_1073], %mul3A_1071 {strides = array<i32>} : memref<80x128xf32, #tpu.memory_space<vmem>>, vector<16xf32>,
        %slice3A_1075 = vector.extract_strided_slice %get3A_166 {offsets = [13], sizes = [1], strides = [1]} : vector<16xf32> to vector<1xf32>
        %squeeze3A_1076 = vector.extract %slice3A_1075[0] : f32 from vector<1xf32>
        %mul3A_1077 = arith.constant 16 : i32
        %mul3A_1078 = arith.muli %scan3A_162, %mul3A_1077 : i32
        %add3A_1079 = arith.constant 13 : i32
        %add3A_1080 = arith.addi %mul3A_1078, %add3A_1079 : i32
        %get3A_1081 = arith.index_cast %add3A_1080 : i32 to index
        %get3A_1082 = arith.constant 0 : index
        %get3A_1083 = tpu.vector_load %arg16[%get3A_1081, %get3A_1082] {strides = array<i32>} : memref<80x128xf32, #tpu.memory_space<vmem>>, vector<16xf32>,
        %mul3A_1084 = vector.broadcast %squeeze3A_1076 : f32 to vector<16xf32>
        %mul3A_1085 = arith.mulf %get3A_1083, %mul3A_1084 : vector<16xf32>
        %swap3A_1086 = arith.index_cast %add3A_1080 : i32 to index
        %swap3A_1087 = arith.constant 0 : index
        %swap3A_1088 = tpu.vector_load %arg16[%swap3A_1086, %swap3A_1087] {strides = array<i32>} : memref<80x128xf32, #tpu.memory_space<vmem>>, vector<16xf32>,
        tpu.vector_store %arg16[%swap3A_1086, %swap3A_1087], %mul3A_1085 {strides = array<i32>} : memref<80x128xf32, #tpu.memory_space<vmem>>, vector<16xf32>,
        %get3A_1089 = arith.index_cast %add3A_1080 : i32 to index
        %get3A_1090 = arith.constant 16 : index
        %get3A_1091 = tpu.vector_load %arg16[%get3A_1089, %get3A_1090] {strides = array<i32>} : memref<80x128xf32, #tpu.memory_space<vmem>>, vector<16xf32>,
        %mul3A_1092 = vector.broadcast %squeeze3A_1076 : f32 to vector<16xf32>
        %mul3A_1093 = arith.mulf %get3A_1091, %mul3A_1092 : vector<16xf32>
        %swap3A_1094 = arith.index_cast %add3A_1080 : i32 to index
        %swap3A_1095 = arith.constant 16 : index
        %swap3A_1096 = tpu.vector_load %arg16[%swap3A_1094, %swap3A_1095] {strides = array<i32>} : memref<80x128xf32, #tpu.memory_space<vmem>>, vector<16xf32>,
        tpu.vector_store %arg16[%swap3A_1094, %swap3A_1095], %mul3A_1093 {strides = array<i32>} : memref<80x128xf32, #tpu.memory_space<vmem>>, vector<16xf32>,
        %get3A_1097 = arith.index_cast %add3A_1080 : i32 to index
        %get3A_1098 = arith.constant 32 : index
        %get3A_1099 = tpu.vector_load %arg16[%get3A_1097, %get3A_1098] {strides = array<i32>} : memref<80x128xf32, #tpu.memory_space<vmem>>, vector<16xf32>,
        %mul3A_1100 = vector.broadcast %squeeze3A_1076 : f32 to vector<16xf32>
        %mul3A_1101 = arith.mulf %get3A_1099, %mul3A_1100 : vector<16xf32>
        %swap3A_1102 = arith.index_cast %add3A_1080 : i32 to index
        %swap3A_1103 = arith.constant 32 : index
        %swap3A_1104 = tpu.vector_load %arg16[%swap3A_1102, %swap3A_1103] {strides = array<i32>} : memref<80x128xf32, #tpu.memory_space<vmem>>, vector<16xf32>,
        tpu.vector_store %arg16[%swap3A_1102, %swap3A_1103], %mul3A_1101 {strides = array<i32>} : memref<80x128xf32, #tpu.memory_space<vmem>>, vector<16xf32>,
        %get3A_1105 = arith.index_cast %add3A_1080 : i32 to index
        %get3A_1106 = arith.constant 48 : index
        %get3A_1107 = tpu.vector_load %arg16[%get3A_1105, %get3A_1106] {strides = array<i32>} : memref<80x128xf32, #tpu.memory_space<vmem>>, vector<16xf32>,
        %mul3A_1108 = vector.broadcast %squeeze3A_1076 : f32 to vector<16xf32>
        %mul3A_1109 = arith.mulf %get3A_1107, %mul3A_1108 : vector<16xf32>
        %swap3A_1110 = arith.index_cast %add3A_1080 : i32 to index
        %swap3A_1111 = arith.constant 48 : index
        %swap3A_1112 = tpu.vector_load %arg16[%swap3A_1110, %swap3A_1111] {strides = array<i32>} : memref<80x128xf32, #tpu.memory_space<vmem>>, vector<16xf32>,
        tpu.vector_store %arg16[%swap3A_1110, %swap3A_1111], %mul3A_1109 {strides = array<i32>} : memref<80x128xf32, #tpu.memory_space<vmem>>, vector<16xf32>,
        %get3A_1113 = arith.index_cast %add3A_1080 : i32 to index
        %get3A_1114 = arith.constant 64 : index
        %get3A_1115 = tpu.vector_load %arg16[%get3A_1113, %get3A_1114] {strides = array<i32>} : memref<80x128xf32, #tpu.memory_space<vmem>>, vector<16xf32>,
        %mul3A_1116 = vector.broadcast %squeeze3A_1076 : f32 to vector<16xf32>
        %mul3A_1117 = arith.mulf %get3A_1115, %mul3A_1116 : vector<16xf32>
        %swap3A_1118 = arith.index_cast %add3A_1080 : i32 to index
        %swap3A_1119 = arith.constant 64 : index
        %swap3A_1120 = tpu.vector_load %arg16[%swap3A_1118, %swap3A_1119] {strides = array<i32>} : memref<80x128xf32, #tpu.memory_space<vmem>>, vector<16xf32>,
        tpu.vector_store %arg16[%swap3A_1118, %swap3A_1119], %mul3A_1117 {strides = array<i32>} : memref<80x128xf32, #tpu.memory_space<vmem>>, vector<16xf32>,
        %get3A_1121 = arith.index_cast %add3A_1080 : i32 to index
        %get3A_1122 = arith.constant 80 : index
        %get3A_1123 = tpu.vector_load %arg16[%get3A_1121, %get3A_1122] {strides = array<i32>} : memref<80x128xf32, #tpu.memory_space<vmem>>, vector<16xf32>,
        %mul3A_1124 = vector.broadcast %squeeze3A_1076 : f32 to vector<16xf32>
        %mul3A_1125 = arith.mulf %get3A_1123, %mul3A_1124 : vector<16xf32>
        %swap3A_1126 = arith.index_cast %add3A_1080 : i32 to index
        %swap3A_1127 = arith.constant 80 : index
        %swap3A_1128 = tpu.vector_load %arg16[%swap3A_1126, %swap3A_1127] {strides = array<i32>} : memref<80x128xf32, #tpu.memory_space<vmem>>, vector<16xf32>,
        tpu.vector_store %arg16[%swap3A_1126, %swap3A_1127], %mul3A_1125 {strides = array<i32>} : memref<80x128xf32, #tpu.memory_space<vmem>>, vector<16xf32>,
        %get3A_1129 = arith.index_cast %add3A_1080 : i32 to index
        %get3A_1130 = arith.constant 96 : index
        %get3A_1131 = tpu.vector_load %arg16[%get3A_1129, %get3A_1130] {strides = array<i32>} : memref<80x128xf32, #tpu.memory_space<vmem>>, vector<16xf32>,
        %mul3A_1132 = vector.broadcast %squeeze3A_1076 : f32 to vector<16xf32>
        %mul3A_1133 = arith.mulf %get3A_1131, %mul3A_1132 : vector<16xf32>
        %swap3A_1134 = arith.index_cast %add3A_1080 : i32 to index
        %swap3A_1135 = arith.constant 96 : index
        %swap3A_1136 = tpu.vector_load %arg16[%swap3A_1134, %swap3A_1135] {strides = array<i32>} : memref<80x128xf32, #tpu.memory_space<vmem>>, vector<16xf32>,
        tpu.vector_store %arg16[%swap3A_1134, %swap3A_1135], %mul3A_1133 {strides = array<i32>} : memref<80x128xf32, #tpu.memory_space<vmem>>, vector<16xf32>,
        %get3A_1137 = arith.index_cast %add3A_1080 : i32 to index
        %get3A_1138 = arith.constant 112 : index
        %get3A_1139 = tpu.vector_load %arg16[%get3A_1137, %get3A_1138] {strides = array<i32>} : memref<80x128xf32, #tpu.memory_space<vmem>>, vector<16xf32>,
        %mul3A_1140 = vector.broadcast %squeeze3A_1076 : f32 to vector<16xf32>
        %mul3A_1141 = arith.mulf %get3A_1139, %mul3A_1140 : vector<16xf32>
        %swap3A_1142 = arith.index_cast %add3A_1080 : i32 to index
        %swap3A_1143 = arith.constant 112 : index
        %swap3A_1144 = tpu.vector_load %arg16[%swap3A_1142, %swap3A_1143] {strides = array<i32>} : memref<80x128xf32, #tpu.memory_space<vmem>>, vector<16xf32>,
        tpu.vector_store %arg16[%swap3A_1142, %swap3A_1143], %mul3A_1141 {strides = array<i32>} : memref<80x128xf32, #tpu.memory_space<vmem>>, vector<16xf32>,
        %slice3A_1145 = vector.extract_strided_slice %get3A_166 {offsets = [14], sizes = [1], strides = [1]} : vector<16xf32> to vector<1xf32>
        %squeeze3A_1146 = vector.extract %slice3A_1145[0] : f32 from vector<1xf32>
        %mul3A_1147 = arith.constant 16 : i32
        %mul3A_1148 = arith.muli %scan3A_162, %mul3A_1147 : i32
        %add3A_1149 = arith.constant 14 : i32
        %add3A_1150 = arith.addi %mul3A_1148, %add3A_1149 : i32
        %get3A_1151 = arith.index_cast %add3A_1150 : i32 to index
        %get3A_1152 = arith.constant 0 : index
        %get3A_1153 = tpu.vector_load %arg16[%get3A_1151, %get3A_1152] {strides = array<i32>} : memref<80x128xf32, #tpu.memory_space<vmem>>, vector<16xf32>,
        %mul3A_1154 = vector.broadcast %squeeze3A_1146 : f32 to vector<16xf32>
        %mul3A_1155 = arith.mulf %get3A_1153, %mul3A_1154 : vector<16xf32>
        %swap3A_1156 = arith.index_cast %add3A_1150 : i32 to index
        %swap3A_1157 = arith.constant 0 : index
        %swap3A_1158 = tpu.vector_load %arg16[%swap3A_1156, %swap3A_1157] {strides = array<i32>} : memref<80x128xf32, #tpu.memory_space<vmem>>, vector<16xf32>,
        tpu.vector_store %arg16[%swap3A_1156, %swap3A_1157], %mul3A_1155 {strides = array<i32>} : memref<80x128xf32, #tpu.memory_space<vmem>>, vector<16xf32>,
        %get3A_1159 = arith.index_cast %add3A_1150 : i32 to index
        %get3A_1160 = arith.constant 16 : index
        %get3A_1161 = tpu.vector_load %arg16[%get3A_1159, %get3A_1160] {strides = array<i32>} : memref<80x128xf32, #tpu.memory_space<vmem>>, vector<16xf32>,
        %mul3A_1162 = vector.broadcast %squeeze3A_1146 : f32 to vector<16xf32>
        %mul3A_1163 = arith.mulf %get3A_1161, %mul3A_1162 : vector<16xf32>
        %swap3A_1164 = arith.index_cast %add3A_1150 : i32 to index
        %swap3A_1165 = arith.constant 16 : index
        %swap3A_1166 = tpu.vector_load %arg16[%swap3A_1164, %swap3A_1165] {strides = array<i32>} : memref<80x128xf32, #tpu.memory_space<vmem>>, vector<16xf32>,
        tpu.vector_store %arg16[%swap3A_1164, %swap3A_1165], %mul3A_1163 {strides = array<i32>} : memref<80x128xf32, #tpu.memory_space<vmem>>, vector<16xf32>,
        %get3A_1167 = arith.index_cast %add3A_1150 : i32 to index
        %get3A_1168 = arith.constant 32 : index
        %get3A_1169 = tpu.vector_load %arg16[%get3A_1167, %get3A_1168] {strides = array<i32>} : memref<80x128xf32, #tpu.memory_space<vmem>>, vector<16xf32>,
        %mul3A_1170 = vector.broadcast %squeeze3A_1146 : f32 to vector<16xf32>
        %mul3A_1171 = arith.mulf %get3A_1169, %mul3A_1170 : vector<16xf32>
        %swap3A_1172 = arith.index_cast %add3A_1150 : i32 to index
        %swap3A_1173 = arith.constant 32 : index
        %swap3A_1174 = tpu.vector_load %arg16[%swap3A_1172, %swap3A_1173] {strides = array<i32>} : memref<80x128xf32, #tpu.memory_space<vmem>>, vector<16xf32>,
        tpu.vector_store %arg16[%swap3A_1172, %swap3A_1173], %mul3A_1171 {strides = array<i32>} : memref<80x128xf32, #tpu.memory_space<vmem>>, vector<16xf32>,
        %get3A_1175 = arith.index_cast %add3A_1150 : i32 to index
        %get3A_1176 = arith.constant 48 : index
        %get3A_1177 = tpu.vector_load %arg16[%get3A_1175, %get3A_1176] {strides = array<i32>} : memref<80x128xf32, #tpu.memory_space<vmem>>, vector<16xf32>,
        %mul3A_1178 = vector.broadcast %squeeze3A_1146 : f32 to vector<16xf32>
        %mul3A_1179 = arith.mulf %get3A_1177, %mul3A_1178 : vector<16xf32>
        %swap3A_1180 = arith.index_cast %add3A_1150 : i32 to index
        %swap3A_1181 = arith.constant 48 : index
        %swap3A_1182 = tpu.vector_load %arg16[%swap3A_1180, %swap3A_1181] {strides = array<i32>} : memref<80x128xf32, #tpu.memory_space<vmem>>, vector<16xf32>,
        tpu.vector_store %arg16[%swap3A_1180, %swap3A_1181], %mul3A_1179 {strides = array<i32>} : memref<80x128xf32, #tpu.memory_space<vmem>>, vector<16xf32>,
        %get3A_1183 = arith.index_cast %add3A_1150 : i32 to index
        %get3A_1184 = arith.constant 64 : index
        %get3A_1185 = tpu.vector_load %arg16[%get3A_1183, %get3A_1184] {strides = array<i32>} : memref<80x128xf32, #tpu.memory_space<vmem>>, vector<16xf32>,
        %mul3A_1186 = vector.broadcast %squeeze3A_1146 : f32 to vector<16xf32>
        %mul3A_1187 = arith.mulf %get3A_1185, %mul3A_1186 : vector<16xf32>
        %swap3A_1188 = arith.index_cast %add3A_1150 : i32 to index
        %swap3A_1189 = arith.constant 64 : index
        %swap3A_1190 = tpu.vector_load %arg16[%swap3A_1188, %swap3A_1189] {strides = array<i32>} : memref<80x128xf32, #tpu.memory_space<vmem>>, vector<16xf32>,
        tpu.vector_store %arg16[%swap3A_1188, %swap3A_1189], %mul3A_1187 {strides = array<i32>} : memref<80x128xf32, #tpu.memory_space<vmem>>, vector<16xf32>,
        %get3A_1191 = arith.index_cast %add3A_1150 : i32 to index
        %get3A_1192 = arith.constant 80 : index
        %get3A_1193 = tpu.vector_load %arg16[%get3A_1191, %get3A_1192] {strides = array<i32>} : memref<80x128xf32, #tpu.memory_space<vmem>>, vector<16xf32>,
        %mul3A_1194 = vector.broadcast %squeeze3A_1146 : f32 to vector<16xf32>
        %mul3A_1195 = arith.mulf %get3A_1193, %mul3A_1194 : vector<16xf32>
        %swap3A_1196 = arith.index_cast %add3A_1150 : i32 to index
        %swap3A_1197 = arith.constant 80 : index
        %swap3A_1198 = tpu.vector_load %arg16[%swap3A_1196, %swap3A_1197] {strides = array<i32>} : memref<80x128xf32, #tpu.memory_space<vmem>>, vector<16xf32>,
        tpu.vector_store %arg16[%swap3A_1196, %swap3A_1197], %mul3A_1195 {strides = array<i32>} : memref<80x128xf32, #tpu.memory_space<vmem>>, vector<16xf32>,
        %get3A_1199 = arith.index_cast %add3A_1150 : i32 to index
        %get3A_1200 = arith.constant 96 : index
        %get3A_1201 = tpu.vector_load %arg16[%get3A_1199, %get3A_1200] {strides = array<i32>} : memref<80x128xf32, #tpu.memory_space<vmem>>, vector<16xf32>,
        %mul3A_1202 = vector.broadcast %squeeze3A_1146 : f32 to vector<16xf32>
        %mul3A_1203 = arith.mulf %get3A_1201, %mul3A_1202 : vector<16xf32>
        %swap3A_1204 = arith.index_cast %add3A_1150 : i32 to index
        %swap3A_1205 = arith.constant 96 : index
        %swap3A_1206 = tpu.vector_load %arg16[%swap3A_1204, %swap3A_1205] {strides = array<i32>} : memref<80x128xf32, #tpu.memory_space<vmem>>, vector<16xf32>,
        tpu.vector_store %arg16[%swap3A_1204, %swap3A_1205], %mul3A_1203 {strides = array<i32>} : memref<80x128xf32, #tpu.memory_space<vmem>>, vector<16xf32>,
        %get3A_1207 = arith.index_cast %add3A_1150 : i32 to index
        %get3A_1208 = arith.constant 112 : index
        %get3A_1209 = tpu.vector_load %arg16[%get3A_1207, %get3A_1208] {strides = array<i32>} : memref<80x128xf32, #tpu.memory_space<vmem>>, vector<16xf32>,
        %mul3A_1210 = vector.broadcast %squeeze3A_1146 : f32 to vector<16xf32>
        %mul3A_1211 = arith.mulf %get3A_1209, %mul3A_1210 : vector<16xf32>
        %swap3A_1212 = arith.index_cast %add3A_1150 : i32 to index
        %swap3A_1213 = arith.constant 112 : index
        %swap3A_1214 = tpu.vector_load %arg16[%swap3A_1212, %swap3A_1213] {strides = array<i32>} : memref<80x128xf32, #tpu.memory_space<vmem>>, vector<16xf32>,
        tpu.vector_store %arg16[%swap3A_1212, %swap3A_1213], %mul3A_1211 {strides = array<i32>} : memref<80x128xf32, #tpu.memory_space<vmem>>, vector<16xf32>,
        %slice3A_1215 = vector.extract_strided_slice %get3A_166 {offsets = [15], sizes = [1], strides = [1]} : vector<16xf32> to vector<1xf32>
        %squeeze3A_1216 = vector.extract %slice3A_1215[0] : f32 from vector<1xf32>
        %mul3A_1217 = arith.constant 16 : i32
        %mul3A_1218 = arith.muli %scan3A_162, %mul3A_1217 : i32
        %add3A_1219 = arith.constant 15 : i32
        %add3A_1220 = arith.addi %mul3A_1218, %add3A_1219 : i32
        %get3A_1221 = arith.index_cast %add3A_1220 : i32 to index
        %get3A_1222 = arith.constant 0 : index
        %get3A_1223 = tpu.vector_load %arg16[%get3A_1221, %get3A_1222] {strides = array<i32>} : memref<80x128xf32, #tpu.memory_space<vmem>>, vector<16xf32>,
        %mul3A_1224 = vector.broadcast %squeeze3A_1216 : f32 to vector<16xf32>
        %mul3A_1225 = arith.mulf %get3A_1223, %mul3A_1224 : vector<16xf32>
        %swap3A_1226 = arith.index_cast %add3A_1220 : i32 to index
        %swap3A_1227 = arith.constant 0 : index
        %swap3A_1228 = tpu.vector_load %arg16[%swap3A_1226, %swap3A_1227] {strides = array<i32>} : memref<80x128xf32, #tpu.memory_space<vmem>>, vector<16xf32>,
        tpu.vector_store %arg16[%swap3A_1226, %swap3A_1227], %mul3A_1225 {strides = array<i32>} : memref<80x128xf32, #tpu.memory_space<vmem>>, vector<16xf32>,
        %get3A_1229 = arith.index_cast %add3A_1220 : i32 to index
        %get3A_1230 = arith.constant 16 : index
        %get3A_1231 = tpu.vector_load %arg16[%get3A_1229, %get3A_1230] {strides = array<i32>} : memref<80x128xf32, #tpu.memory_space<vmem>>, vector<16xf32>,
        %mul3A_1232 = vector.broadcast %squeeze3A_1216 : f32 to vector<16xf32>
        %mul3A_1233 = arith.mulf %get3A_1231, %mul3A_1232 : vector<16xf32>
        %swap3A_1234 = arith.index_cast %add3A_1220 : i32 to index
        %swap3A_1235 = arith.constant 16 : index
        %swap3A_1236 = tpu.vector_load %arg16[%swap3A_1234, %swap3A_1235] {strides = array<i32>} : memref<80x128xf32, #tpu.memory_space<vmem>>, vector<16xf32>,
        tpu.vector_store %arg16[%swap3A_1234, %swap3A_1235], %mul3A_1233 {strides = array<i32>} : memref<80x128xf32, #tpu.memory_space<vmem>>, vector<16xf32>,
        %get3A_1237 = arith.index_cast %add3A_1220 : i32 to index
        %get3A_1238 = arith.constant 32 : index
        %get3A_1239 = tpu.vector_load %arg16[%get3A_1237, %get3A_1238] {strides = array<i32>} : memref<80x128xf32, #tpu.memory_space<vmem>>, vector<16xf32>,
        %mul3A_1240 = vector.broadcast %squeeze3A_1216 : f32 to vector<16xf32>
        %mul3A_1241 = arith.mulf %get3A_1239, %mul3A_1240 : vector<16xf32>
        %swap3A_1242 = arith.index_cast %add3A_1220 : i32 to index
        %swap3A_1243 = arith.constant 32 : index
        %swap3A_1244 = tpu.vector_load %arg16[%swap3A_1242, %swap3A_1243] {strides = array<i32>} : memref<80x128xf32, #tpu.memory_space<vmem>>, vector<16xf32>,
        tpu.vector_store %arg16[%swap3A_1242, %swap3A_1243], %mul3A_1241 {strides = array<i32>} : memref<80x128xf32, #tpu.memory_space<vmem>>, vector<16xf32>,
        %get3A_1245 = arith.index_cast %add3A_1220 : i32 to index
        %get3A_1246 = arith.constant 48 : index
        %get3A_1247 = tpu.vector_load %arg16[%get3A_1245, %get3A_1246] {strides = array<i32>} : memref<80x128xf32, #tpu.memory_space<vmem>>, vector<16xf32>,
        %mul3A_1248 = vector.broadcast %squeeze3A_1216 : f32 to vector<16xf32>
        %mul3A_1249 = arith.mulf %get3A_1247, %mul3A_1248 : vector<16xf32>
        %swap3A_1250 = arith.index_cast %add3A_1220 : i32 to index
        %swap3A_1251 = arith.constant 48 : index
        %swap3A_1252 = tpu.vector_load %arg16[%swap3A_1250, %swap3A_1251] {strides = array<i32>} : memref<80x128xf32, #tpu.memory_space<vmem>>, vector<16xf32>,
        tpu.vector_store %arg16[%swap3A_1250, %swap3A_1251], %mul3A_1249 {strides = array<i32>} : memref<80x128xf32, #tpu.memory_space<vmem>>, vector<16xf32>,
        %get3A_1253 = arith.index_cast %add3A_1220 : i32 to index
        %get3A_1254 = arith.constant 64 : index
        %get3A_1255 = tpu.vector_load %arg16[%get3A_1253, %get3A_1254] {strides = array<i32>} : memref<80x128xf32, #tpu.memory_space<vmem>>, vector<16xf32>,
        %mul3A_1256 = vector.broadcast %squeeze3A_1216 : f32 to vector<16xf32>
        %mul3A_1257 = arith.mulf %get3A_1255, %mul3A_1256 : vector<16xf32>
        %swap3A_1258 = arith.index_cast %add3A_1220 : i32 to index
        %swap3A_1259 = arith.constant 64 : index
        %swap3A_1260 = tpu.vector_load %arg16[%swap3A_1258, %swap3A_1259] {strides = array<i32>} : memref<80x128xf32, #tpu.memory_space<vmem>>, vector<16xf32>,
        tpu.vector_store %arg16[%swap3A_1258, %swap3A_1259], %mul3A_1257 {strides = array<i32>} : memref<80x128xf32, #tpu.memory_space<vmem>>, vector<16xf32>,
        %get3A_1261 = arith.index_cast %add3A_1220 : i32 to index
        %get3A_1262 = arith.constant 80 : index
        %get3A_1263 = tpu.vector_load %arg16[%get3A_1261, %get3A_1262] {strides = array<i32>} : memref<80x128xf32, #tpu.memory_space<vmem>>, vector<16xf32>,
        %mul3A_1264 = vector.broadcast %squeeze3A_1216 : f32 to vector<16xf32>
        %mul3A_1265 = arith.mulf %get3A_1263, %mul3A_1264 : vector<16xf32>
        %swap3A_1266 = arith.index_cast %add3A_1220 : i32 to index
        %swap3A_1267 = arith.constant 80 : index
        %swap3A_1268 = tpu.vector_load %arg16[%swap3A_1266, %swap3A_1267] {strides = array<i32>} : memref<80x128xf32, #tpu.memory_space<vmem>>, vector<16xf32>,
        tpu.vector_store %arg16[%swap3A_1266, %swap3A_1267], %mul3A_1265 {strides = array<i32>} : memref<80x128xf32, #tpu.memory_space<vmem>>, vector<16xf32>,
        %get3A_1269 = arith.index_cast %add3A_1220 : i32 to index
        %get3A_1270 = arith.constant 96 : index
        %get3A_1271 = tpu.vector_load %arg16[%get3A_1269, %get3A_1270] {strides = array<i32>} : memref<80x128xf32, #tpu.memory_space<vmem>>, vector<16xf32>,
        %mul3A_1272 = vector.broadcast %squeeze3A_1216 : f32 to vector<16xf32>
        %mul3A_1273 = arith.mulf %get3A_1271, %mul3A_1272 : vector<16xf32>
        %swap3A_1274 = arith.index_cast %add3A_1220 : i32 to index
        %swap3A_1275 = arith.constant 96 : index
        %swap3A_1276 = tpu.vector_load %arg16[%swap3A_1274, %swap3A_1275] {strides = array<i32>} : memref<80x128xf32, #tpu.memory_space<vmem>>, vector<16xf32>,
        tpu.vector_store %arg16[%swap3A_1274, %swap3A_1275], %mul3A_1273 {strides = array<i32>} : memref<80x128xf32, #tpu.memory_space<vmem>>, vector<16xf32>,
        %get3A_1277 = arith.index_cast %add3A_1220 : i32 to index
        %get3A_1278 = arith.constant 112 : index
        %get3A_1279 = tpu.vector_load %arg16[%get3A_1277, %get3A_1278] {strides = array<i32>} : memref<80x128xf32, #tpu.memory_space<vmem>>, vector<16xf32>,
        %mul3A_1280 = vector.broadcast %squeeze3A_1216 : f32 to vector<16xf32>
        %mul3A_1281 = arith.mulf %get3A_1279, %mul3A_1280 : vector<16xf32>
        %swap3A_1282 = arith.index_cast %add3A_1220 : i32 to index
        %swap3A_1283 = arith.constant 112 : index
        %swap3A_1284 = tpu.vector_load %arg16[%swap3A_1282, %swap3A_1283] {strides = array<i32>} : memref<80x128xf32, #tpu.memory_space<vmem>>, vector<16xf32>,
        tpu.vector_store %arg16[%swap3A_1282, %swap3A_1283], %mul3A_1281 {strides = array<i32>} : memref<80x128xf32, #tpu.memory_space<vmem>>, vector<16xf32>,
      }
      %scan3A_155 = arith.constant 5 : i32
      %dma_start3A_156 = arith.constant 0 : i32
      %dma_start3A_157 = arith.constant 0 : i32
      %dma_start3A_158 = tpu.memref_slice %arg17[%dma_start3A_156, %dma_start3A_157] : memref<10240x128xf32, #tpu.memory_space<vmem_shared>> -> memref<10240x128xf32, #tpu.memory_space<vmem_shared>>
      tpu.enqueue_indirect_dma source(%arg16 : memref<80x128xf32, #tpu.memory_space<vmem>>) target(%dma_start3A_158 : memref<10240x128xf32, #tpu.memory_space<vmem_shared>>) offsets(%arg13 : memref<80xi32, #tpu.memory_space<vmem>>) semaphore(%arg19 : memref<!tpu.dma_semaphore, #tpu.memory_space<semaphore_mem>>) {add = true}
      %dma_wait3A_159 = arith.constant 0 : i32
      %dma_wait3A_160 = arith.constant 0 : i32
      %dma_wait3A_161 = tpu.memref_slice %arg17[%dma_wait3A_159, %dma_wait3A_160] : memref<10240x128xf32, #tpu.memory_space<vmem_shared>> -> memref<10240x128xf32, #tpu.memory_space<vmem_shared>>
      tpu.wait_indirect_dma semaphore(%arg19 : memref<!tpu.dma_semaphore, #tpu.memory_space<semaphore_mem>>) src(%arg16 : memref<80x128xf32, #tpu.memory_space<vmem>>) dst(%dma_wait3A_161 : memref<10240x128xf32, #tpu.memory_space<vmem_shared>>)
    }
    %scan3A_56 = arith.constant 125 : i32
    %barrier3A_57 = arith.constant 0 : index
    tpu.barrier barrier_id(%barrier3A_57)
    %mul3A_58 = arith.constant 640 : i32
    %mul3A_59 = arith.muli %arg1, %mul3A_58 : i32
    %mul3A_60 = arith.constant 640 : i32
    %mul3A_61 = arith.muli %arg1, %mul3A_60 : i32
    "tpu.region"() ({
      %run_scoped3A = tpu.sem_alloc : memref<!tpu.dma_semaphore, #tpu.memory_space<semaphore_mem>>
      %dma_start3A = arith.constant 0 : i32
      %dma_start3A_67 = arith.constant 0 : i32
      %dma_start3A_68 = tpu.memref_slice %arg7[%arg0, %dma_start3A, %dma_start3A_67] : memref<2x10240x128xf32, #tpu.memory_space<hbm>> -> memref<1x10240x128xf32, #tpu.memory_space<hbm>>
      %dma_start3A_69 = tpu.memref_squeeze %dma_start3A_68 : memref<1x10240x128xf32, #tpu.memory_space<hbm>> -> memref<10240x128xf32, #tpu.memory_space<hbm>>
      %dma_start3A_70 = arith.constant 0 : i32
      %dma_start3A_71 = tpu.memref_slice %dma_start3A_69[%mul3A_61, %dma_start3A_70] : memref<10240x128xf32, #tpu.memory_space<hbm>> -> memref<640x128xf32, #tpu.memory_space<hbm>>
      %dma_start3A_72 = arith.constant 0 : i32
      %dma_start3A_73 = tpu.memref_slice %arg17[%mul3A_59, %dma_start3A_72] : memref<10240x128xf32, #tpu.memory_space<vmem_shared>> -> memref<640x128xf32, #tpu.memory_space<vmem_shared>>
      tpu.enqueue_dma source(%dma_start3A_73 : memref<640x128xf32, #tpu.memory_space<vmem_shared>>) target(%dma_start3A_71 : memref<640x128xf32, #tpu.memory_space<hbm>>) target_semaphore(%run_scoped3A : memref<!tpu.dma_semaphore, #tpu.memory_space<semaphore_mem>>)
      %dma_wait3A = arith.constant 0 : i32
      %dma_wait3A_74 = arith.constant 0 : i32
      %dma_wait3A_75 = tpu.memref_slice %arg7[%arg0, %dma_wait3A, %dma_wait3A_74] : memref<2x10240x128xf32, #tpu.memory_space<hbm>> -> memref<1x10240x128xf32, #tpu.memory_space<hbm>>
      %dma_wait3A_76 = tpu.memref_squeeze %dma_wait3A_75 : memref<1x10240x128xf32, #tpu.memory_space<hbm>> -> memref<10240x128xf32, #tpu.memory_space<hbm>>
      %dma_wait3A_77 = arith.constant 0 : i32
      %dma_wait3A_78 = tpu.memref_slice %dma_wait3A_76[%mul3A_61, %dma_wait3A_77] : memref<10240x128xf32, #tpu.memory_space<hbm>> -> memref<640x128xf32, #tpu.memory_space<hbm>>
      %dma_wait3A_79 = arith.constant 0 : i32
      %dma_wait3A_80 = tpu.memref_slice %arg17[%mul3A_59, %dma_wait3A_79] : memref<10240x128xf32, #tpu.memory_space<vmem_shared>> -> memref<640x128xf32, #tpu.memory_space<vmem_shared>>
      tpu.wait_dma2 semaphore(%run_scoped3A : memref<!tpu.dma_semaphore, #tpu.memory_space<semaphore_mem>>) src(%dma_wait3A_80 : memref<640x128xf32, #tpu.memory_space<vmem_shared>>) dst(%dma_wait3A_78 : memref<640x128xf32, #tpu.memory_space<hbm>>)
      tpu.yield
    }) : () -> ()
    %mul3A_62 = arith.constant 16 : i32
    %mul3A_63 = arith.muli %arg0, %mul3A_62 : i32
    %add3A_64 = arith.addi %mul3A_63, %arg1 : i32
    %mul3A_65 = arith.constant 10240 : i32
    %mul3A_66 = arith.muli %add3A_64, %mul3A_65 : i32
    "tpu.region"() ({
      %run_scoped3A = tpu.sem_alloc : memref<!tpu.dma_semaphore, #tpu.memory_space<semaphore_mem>>
      %dma_start3A = tpu.memref_slice %arg8[%mul3A_66] : memref<327680xf32, #tpu.memory_space<hbm>> -> memref<10240xf32, #tpu.memory_space<hbm>>
      %dma_start3A_67 = tpu.memref_slice %arg8[%mul3A_66] : memref<327680xf32, #tpu.memory_space<hbm>> -> memref<10240xf32, #tpu.memory_space<hbm>>
      tpu.enqueue_dma source(%arg11 : memref<10240xf32, #tpu.memory_space<vmem>>) target(%dma_start3A_67 : memref<10240xf32, #tpu.memory_space<hbm>>) target_semaphore(%run_scoped3A : memref<!tpu.dma_semaphore, #tpu.memory_space<semaphore_mem>>)
      %dma_wait3A = tpu.memref_slice %arg8[%mul3A_66] : memref<327680xf32, #tpu.memory_space<hbm>> -> memref<10240xf32, #tpu.memory_space<hbm>>
      %dma_wait3A_68 = tpu.memref_slice %arg8[%mul3A_66] : memref<327680xf32, #tpu.memory_space<hbm>> -> memref<10240xf32, #tpu.memory_space<hbm>>
      tpu.wait_dma2 semaphore(%run_scoped3A : memref<!tpu.dma_semaphore, #tpu.memory_space<semaphore_mem>>) src(%arg11 : memref<10240xf32, #tpu.memory_space<vmem>>) dst(%dma_wait3A_68 : memref<10240xf32, #tpu.memory_space<hbm>>)
      tpu.yield
    }) : () -> ()
    return
  }
}

module attributes {stable_mosaic.version = 14 : i64} {
  func.func @_prep1_body(%arg0: i32, %arg1: memref<1024x128xf32, #tpu.memory_space<vmem>>, %arg2: memref<128x256xf32, #tpu.memory_space<vmem>>, %arg3: memref<2x256xf32, #tpu.memory_space<vmem>>, %arg4: memref<2x256xf32, #tpu.memory_space<vmem>>, %arg5: memref<2x1024x128xf32, #tpu.memory_space<vmem>>, %arg6: memref<2x1024xf32, #tpu.memory_space<vmem>>, %arg7: memref<2x1024xf32, #tpu.memory_space<vmem>>) attributes {dimension_semantics = [#tpu.dimension_semantics<arbitrary>], iteration_bounds = array<i64: 10>, scalar_prefetch = 0 : i64, scratch_operands = 0 : i64, tpu.core_type = #tpu.core_type<tc>, window_params = [{transform_indices = @transform_0, window_bounds = array<i64: 1024, 128>}, {pipeline_mode = #tpu.pipeline_mode<synchronous>, transform_indices = @transform_1, window_bounds = array<i64: 128, 256>}, {pipeline_mode = #tpu.pipeline_mode<synchronous>, transform_indices = @transform_2, window_bounds = array<i64: 2, 256>}, {pipeline_mode = #tpu.pipeline_mode<synchronous>, transform_indices = @transform_3, window_bounds = array<i64: 2, 256>}, {transform_indices = @transform_4, window_bounds = array<i64: 2, 1024, 128>}, {transform_indices = @transform_5, window_bounds = array<i64: 2, 1024>}, {transform_indices = @transform_6, window_bounds = array<i64: 2, 1024>}]} {
    %get3A = arith.constant 0 : index
    %get3A_0 = arith.constant 0 : index
    %get3A_1 = vector.load %arg1[%get3A, %get3A_0] : memref<1024x128xf32, #tpu.memory_space<vmem>>, vector<1024x128xf32>
    %get3A_2 = arith.constant 0 : index
    %get3A_3 = arith.constant 0 : index
    %get3A_4 = vector.load %arg2[%get3A_2, %get3A_3] : memref<128x256xf32, #tpu.memory_space<vmem>>, vector<128x256xf32>
    %dot_general3A = arith.constant dense<0.000000e+00> : vector<1024x256xf32>
    %dot_general3A_5 = tpu.matmul %get3A_1, %get3A_4, %dot_general3A {dimension_numbers = #tpu.dot_dimension_numbers<[1], [0], [0], [1], [0, 0, 1, 1], [], []>, transpose_lhs_hint = false} : vector<1024x128xf32>, vector<128x256xf32>, vector<1024x256xf32> -> vector<1024x256xf32>
    %slice3A = vector.extract_strided_slice %dot_general3A_5 {offsets = [0, 0], sizes = [1024, 128], strides = [1, 1]} : vector<1024x256xf32> to vector<1024x128xf32>
    %swap3A = arith.constant 0 : index
    %swap3A_6 = arith.constant 0 : index
    %swap3A_7 = arith.constant 0 : index
    %swap3A_8 = vector.load %arg5[%swap3A, %swap3A_6, %swap3A_7] : memref<2x1024x128xf32, #tpu.memory_space<vmem>>, vector<1x1024x128xf32>
    %swap3A_9 = vector.shape_cast %swap3A_8 : vector<1x1024x128xf32> to vector<1024x128xf32>
    %swap3A_10 = vector.shape_cast %slice3A : vector<1024x128xf32> to vector<1x1024x128xf32>
    tpu.vector_store %arg5[%swap3A, %swap3A_6, %swap3A_7], %swap3A_10 {strides = array<i32>} : memref<2x1024x128xf32, #tpu.memory_space<vmem>>, vector<1x1024x128xf32>,
    %slice3A_11 = vector.extract_strided_slice %dot_general3A_5 {offsets = [0, 128], sizes = [1024, 128], strides = [1, 1]} : vector<1024x256xf32> to vector<1024x128xf32>
    %swap3A_12 = arith.constant 1 : index
    %swap3A_13 = arith.constant 0 : index
    %swap3A_14 = arith.constant 0 : index
    %swap3A_15 = vector.load %arg5[%swap3A_12, %swap3A_13, %swap3A_14] : memref<2x1024x128xf32, #tpu.memory_space<vmem>>, vector<1x1024x128xf32>
    %swap3A_16 = vector.shape_cast %swap3A_15 : vector<1x1024x128xf32> to vector<1024x128xf32>
    %swap3A_17 = vector.shape_cast %slice3A_11 : vector<1024x128xf32> to vector<1x1024x128xf32>
    tpu.vector_store %arg5[%swap3A_12, %swap3A_13, %swap3A_14], %swap3A_17 {strides = array<i32>} : memref<2x1024x128xf32, #tpu.memory_space<vmem>>, vector<1x1024x128xf32>,
    %get3A_18 = arith.constant 0 : index
    %get3A_19 = arith.constant 0 : index
    %get3A_20 = vector.load %arg3[%get3A_18, %get3A_19] : memref<2x256xf32, #tpu.memory_space<vmem>>, vector<2x256xf32>
    %dot_general3A_21 = arith.constant dense<0.000000e+00> : vector<2x1024xf32>
    %dot_general3A_22 = tpu.matmul %get3A_20, %dot_general3A_5, %dot_general3A_21 {dimension_numbers = #tpu.dot_dimension_numbers<[1], [1], [0], [0], [0, 0, 1, 0], [], []>, transpose_lhs_hint = false} : vector<2x256xf32>, vector<1024x256xf32>, vector<2x1024xf32> -> vector<2x1024xf32>
    %swap3A_23 = arith.constant 0 : index
    %swap3A_24 = arith.constant 0 : index
    %swap3A_25 = vector.load %arg6[%swap3A_23, %swap3A_24] : memref<2x1024xf32, #tpu.memory_space<vmem>>, vector<2x1024xf32>
    tpu.vector_store %arg6[%swap3A_23, %swap3A_24], %dot_general3A_22 {strides = array<i32>} : memref<2x1024xf32, #tpu.memory_space<vmem>>, vector<2x1024xf32>,
    %get3A_26 = arith.constant 0 : index
    %get3A_27 = arith.constant 0 : index
    %get3A_28 = vector.load %arg4[%get3A_26, %get3A_27] : memref<2x256xf32, #tpu.memory_space<vmem>>, vector<2x256xf32>
    %dot_general3A_29 = arith.constant dense<0.000000e+00> : vector<2x1024xf32>
    %dot_general3A_30 = tpu.matmul %get3A_28, %dot_general3A_5, %dot_general3A_29 {dimension_numbers = #tpu.dot_dimension_numbers<[1], [1], [0], [0], [0, 0, 1, 0], [], []>, transpose_lhs_hint = false} : vector<2x256xf32>, vector<1024x256xf32>, vector<2x1024xf32> -> vector<2x1024xf32>
    %swap3A_31 = arith.constant 0 : index
    %swap3A_32 = arith.constant 0 : index
    %swap3A_33 = vector.load %arg7[%swap3A_31, %swap3A_32] : memref<2x1024xf32, #tpu.memory_space<vmem>>, vector<2x1024xf32>
    tpu.vector_store %arg7[%swap3A_31, %swap3A_32], %dot_general3A_30 {strides = array<i32>} : memref<2x1024xf32, #tpu.memory_space<vmem>>, vector<2x1024xf32>,
    return
  }
  func.func @transform_0(%arg0: i32) -> (i32, i32) {
    %c0_i32 = arith.constant 0 : i32
    %c0_i32_0 = arith.constant 0 : i32
    return %arg0, %c0_i32 : i32, i32
  }
  func.func @transform_1(%arg0: i32) -> (i32, i32) {
    %c0_i32 = arith.constant 0 : i32
    %c0_i32_0 = arith.constant 0 : i32
    %c0_i32_1 = arith.constant 0 : i32
    return %c0_i32, %c0_i32_0 : i32, i32
  }
  func.func @transform_2(%arg0: i32) -> (i32, i32) {
    %c0_i32 = arith.constant 0 : i32
    %c0_i32_0 = arith.constant 0 : i32
    %c0_i32_1 = arith.constant 0 : i32
    return %c0_i32, %c0_i32_0 : i32, i32
  }
  func.func @transform_3(%arg0: i32) -> (i32, i32) {
    %c0_i32 = arith.constant 0 : i32
    %c0_i32_0 = arith.constant 0 : i32
    %c0_i32_1 = arith.constant 0 : i32
    return %c0_i32, %c0_i32_0 : i32, i32
  }
  func.func @transform_4(%arg0: i32) -> (i32, i32, i32) {
    %c0_i32 = arith.constant 0 : i32
    %c0_i32_0 = arith.constant 0 : i32
    %c0_i32_1 = arith.constant 0 : i32
    return %c0_i32, %arg0, %c0_i32_0 : i32, i32, i32
  }
  func.func @transform_5(%arg0: i32) -> (i32, i32) {
    %c0_i32 = arith.constant 0 : i32
    %c0_i32_0 = arith.constant 0 : i32
    return %c0_i32, %arg0 : i32, i32
  }
  func.func @transform_6(%arg0: i32) -> (i32, i32) {
    %c0_i32 = arith.constant 0 : i32
    %c0_i32_0 = arith.constant 0 : i32
    return %c0_i32, %arg0 : i32, i32
  }
}

module attributes {stable_mosaic.version = 14 : i64} {
  func.func @_final_body(%arg0: i32, %arg1: memref<2x1024x128xf32, #tpu.memory_space<vmem>>, %arg2: memref<2x16x1024xf32, #tpu.memory_space<vmem>>, %arg3: memref<1x128xf32, #tpu.memory_space<vmem>>, %arg4: memref<1024x128xf32, #tpu.memory_space<vmem>>) attributes {dimension_semantics = [#tpu.dimension_semantics<arbitrary>], iteration_bounds = array<i64: 10>, scalar_prefetch = 0 : i64, scratch_operands = 0 : i64, tpu.core_type = #tpu.core_type<tc>, window_params = [{transform_indices = @transform_0, window_bounds = array<i64: 2, 1024, 128>}, {transform_indices = @transform_1, window_bounds = array<i64: 2, 16, 1024>}, {pipeline_mode = #tpu.pipeline_mode<synchronous>, transform_indices = @transform_2, window_bounds = array<i64: 1, 128>}, {transform_indices = @transform_3, window_bounds = array<i64: 1024, 128>}]} {
    %get3A = arith.constant 0 : index
    %get3A_0 = arith.constant 0 : index
    %get3A_1 = arith.constant 0 : index
    %get3A_2 = vector.load %arg2[%get3A, %get3A_0, %get3A_1] : memref<2x16x1024xf32, #tpu.memory_space<vmem>>, vector<2x16x1024xf32>
    %reduce_sum3A = arith.constant dense<0.000000e+00> : vector<1024xf32>
    %reduce_sum3A_3 = vector.multi_reduction <add>, %get3A_2, %reduce_sum3A [0, 1] : vector<2x16x1024xf32> to vector<1024xf32>
    %add3A = arith.constant 1.000000e-16 : f32
    %add3A_4 = vector.broadcast %add3A : f32 to vector<1024xf32>
    %add3A_5 = arith.addf %reduce_sum3A_3, %add3A_4 : vector<1024xf32>
    %get3A_6 = arith.constant 0 : index
    %get3A_7 = arith.constant 0 : index
    %get3A_8 = arith.constant 0 : index
    %get3A_9 = vector.load %arg1[%get3A_6, %get3A_7, %get3A_8] : memref<2x1024x128xf32, #tpu.memory_space<vmem>>, vector<1x1024x128xf32>
    %get3A_10 = vector.shape_cast %get3A_9 : vector<1x1024x128xf32> to vector<1024x128xf32>
    %get3A_11 = arith.constant 1 : index
    %get3A_12 = arith.constant 0 : index
    %get3A_13 = arith.constant 0 : index
    %get3A_14 = vector.load %arg1[%get3A_11, %get3A_12, %get3A_13] : memref<2x1024x128xf32, #tpu.memory_space<vmem>>, vector<1x1024x128xf32>
    %get3A_15 = vector.shape_cast %get3A_14 : vector<1x1024x128xf32> to vector<1024x128xf32>
    %add3A_16 = arith.addf %get3A_10, %get3A_15 : vector<1024x128xf32>
    %broadcast_in_dim3A = vector.shape_cast %add3A_5 : vector<1024xf32> to vector<1024x1xf32>
    %div3A = vector.broadcast %broadcast_in_dim3A : vector<1024x1xf32> to vector<1024x128xf32>
    %div3A_17 = arith.divf %add3A_16, %div3A : vector<1024x128xf32>
    %get3A_18 = arith.constant 0 : index
    %get3A_19 = arith.constant 0 : index
    %get3A_20 = vector.load %arg3[%get3A_18, %get3A_19] : memref<1x128xf32, #tpu.memory_space<vmem>>, vector<1x128xf32>
    %get3A_21 = vector.shape_cast %get3A_20 : vector<1x128xf32> to vector<128xf32>
    %broadcast_in_dim3A_22 = vector.shape_cast %get3A_21 : vector<128xf32> to vector<1x128xf32>
    %add3A_23 = vector.broadcast %broadcast_in_dim3A_22 : vector<1x128xf32> to vector<1024x128xf32>
    %add3A_24 = arith.addf %div3A_17, %add3A_23 : vector<1024x128xf32>
    %max3A = arith.constant 0.000000e+00 : f32
    %max3A_25 = vector.broadcast %max3A : f32 to vector<1024x128xf32>
    %max3A_26 = arith.maximumf %add3A_24, %max3A_25 : vector<1024x128xf32>
    %swap3A = arith.constant 0 : index
    %swap3A_27 = arith.constant 0 : index
    %swap3A_28 = vector.load %arg4[%swap3A, %swap3A_27] : memref<1024x128xf32, #tpu.memory_space<vmem>>, vector<1024x128xf32>
    tpu.vector_store %arg4[%swap3A, %swap3A_27], %max3A_26 {strides = array<i32>} : memref<1024x128xf32, #tpu.memory_space<vmem>>, vector<1024x128xf32>,
    return
  }
  func.func @transform_0(%arg0: i32) -> (i32, i32, i32) {
    %c0_i32 = arith.constant 0 : i32
    %c0_i32_0 = arith.constant 0 : i32
    %c0_i32_1 = arith.constant 0 : i32
    return %c0_i32, %arg0, %c0_i32_0 : i32, i32, i32
  }
  func.func @transform_1(%arg0: i32) -> (i32, i32, i32) {
    %c0_i32 = arith.constant 0 : i32
    %c0_i32_0 = arith.constant 0 : i32
    %c0_i32_1 = arith.constant 0 : i32
    return %c0_i32, %c0_i32_0, %arg0 : i32, i32, i32
  }
  func.func @transform_2(%arg0: i32) -> (i32, i32) {
    %c0_i32 = arith.constant 0 : i32
    %c0_i32_0 = arith.constant 0 : i32
    %c0_i32_1 = arith.constant 0 : i32
    return %c0_i32, %c0_i32_0 : i32, i32
  }
  func.func @transform_3(%arg0: i32) -> (i32, i32) {
    %c0_i32 = arith.constant 0 : i32
    %c0_i32_0 = arith.constant 0 : i32
    return %arg0, %c0_i32 : i32, i32
  }
}

module attributes {stable_mosaic.version = 14 : i64} {
  func.func @_prep2_body(%arg0: i32, %arg1: memref<2x1024x128xf32, #tpu.memory_space<vmem>>, %arg2: memref<2x16x1024xf32, #tpu.memory_space<vmem>>, %arg3: memref<2x128xf32, #tpu.memory_space<vmem>>, %arg4: memref<256x128xf32, #tpu.memory_space<vmem>>, %arg5: memref<1x128xf32, #tpu.memory_space<vmem>>, %arg6: memref<1x128xf32, #tpu.memory_space<vmem>>, %arg7: memref<1024x128xf32, #tpu.memory_space<vmem>>, %arg8: memref<2x1024xf32, #tpu.memory_space<vmem>>, %arg9: memref<2x1024xf32, #tpu.memory_space<vmem>>) attributes {dimension_semantics = [#tpu.dimension_semantics<arbitrary>], iteration_bounds = array<i64: 10>, scalar_prefetch = 0 : i64, scratch_operands = 0 : i64, tpu.core_type = #tpu.core_type<tc>, window_params = [{transform_indices = @transform_0, window_bounds = array<i64: 2, 1024, 128>}, {transform_indices = @transform_1, window_bounds = array<i64: 2, 16, 1024>}, {pipeline_mode = #tpu.pipeline_mode<synchronous>, transform_indices = @transform_2, window_bounds = array<i64: 2, 128>}, {pipeline_mode = #tpu.pipeline_mode<synchronous>, transform_indices = @transform_3, window_bounds = array<i64: 256, 128>}, {pipeline_mode = #tpu.pipeline_mode<synchronous>, transform_indices = @transform_4, window_bounds = array<i64: 1, 128>}, {pipeline_mode = #tpu.pipeline_mode<synchronous>, transform_indices = @transform_5, window_bounds = array<i64: 1, 128>}, {transform_indices = @transform_6, window_bounds = array<i64: 1024, 128>}, {transform_indices = @transform_7, window_bounds = array<i64: 2, 1024>}, {transform_indices = @transform_8, window_bounds = array<i64: 2, 1024>}]} {
    %get3A = arith.constant 0 : index
    %get3A_0 = arith.constant 0 : index
    %get3A_1 = arith.constant 0 : index
    %get3A_2 = vector.load %arg2[%get3A, %get3A_0, %get3A_1] : memref<2x16x1024xf32, #tpu.memory_space<vmem>>, vector<2x16x1024xf32>
    %reduce_sum3A = arith.constant dense<0.000000e+00> : vector<2x1024xf32>
    %reduce_sum3A_3 = vector.multi_reduction <add>, %get3A_2, %reduce_sum3A [1] : vector<2x16x1024xf32> to vector<2x1024xf32>
    %add3A = arith.constant 1.000000e-16 : f32
    %add3A_4 = vector.broadcast %add3A : f32 to vector<2x1024xf32>
    %add3A_5 = arith.addf %reduce_sum3A_3, %add3A_4 : vector<2x1024xf32>
    %get3A_6 = arith.constant 0 : index
    %get3A_7 = arith.constant 0 : index
    %get3A_8 = arith.constant 0 : index
    %get3A_9 = vector.load %arg1[%get3A_6, %get3A_7, %get3A_8] : memref<2x1024x128xf32, #tpu.memory_space<vmem>>, vector<1x1024x128xf32>
    %get3A_10 = vector.shape_cast %get3A_9 : vector<1x1024x128xf32> to vector<1024x128xf32>
    %slice3A = vector.extract_strided_slice %add3A_5 {offsets = [0, 0], sizes = [1, 1024], strides = [1, 1]} : vector<2x1024xf32> to vector<1x1024xf32>
    %squeeze3A = vector.shape_cast %slice3A : vector<1x1024xf32> to vector<1024xf32>
    %broadcast_in_dim3A = vector.shape_cast %squeeze3A : vector<1024xf32> to vector<1024x1xf32>
    %div3A = vector.broadcast %broadcast_in_dim3A : vector<1024x1xf32> to vector<1024x128xf32>
    %div3A_11 = arith.divf %get3A_10, %div3A : vector<1024x128xf32>
    %get3A_12 = arith.constant 0 : index
    %get3A_13 = arith.constant 0 : index
    %get3A_14 = vector.load %arg3[%get3A_12, %get3A_13] : memref<2x128xf32, #tpu.memory_space<vmem>>, vector<1x128xf32>
    %get3A_15 = vector.shape_cast %get3A_14 : vector<1x128xf32> to vector<128xf32>
    %broadcast_in_dim3A_16 = vector.shape_cast %get3A_15 : vector<128xf32> to vector<1x128xf32>
    %add3A_17 = vector.broadcast %broadcast_in_dim3A_16 : vector<1x128xf32> to vector<1024x128xf32>
    %add3A_18 = arith.addf %div3A_11, %add3A_17 : vector<1024x128xf32>
    %max3A = arith.constant 0.000000e+00 : f32
    %max3A_19 = vector.broadcast %max3A : f32 to vector<1024x128xf32>
    %max3A_20 = arith.maximumf %add3A_18, %max3A_19 : vector<1024x128xf32>
    %get3A_21 = arith.constant 1 : index
    %get3A_22 = arith.constant 0 : index
    %get3A_23 = arith.constant 0 : index
    %get3A_24 = vector.load %arg1[%get3A_21, %get3A_22, %get3A_23] : memref<2x1024x128xf32, #tpu.memory_space<vmem>>, vector<1x1024x128xf32>
    %get3A_25 = vector.shape_cast %get3A_24 : vector<1x1024x128xf32> to vector<1024x128xf32>
    %slice3A_26 = vector.extract_strided_slice %add3A_5 {offsets = [1, 0], sizes = [1, 1024], strides = [1, 1]} : vector<2x1024xf32> to vector<1x1024xf32>
    %squeeze3A_27 = vector.shape_cast %slice3A_26 : vector<1x1024xf32> to vector<1024xf32>
    %broadcast_in_dim3A_28 = vector.shape_cast %squeeze3A_27 : vector<1024xf32> to vector<1024x1xf32>
    %div3A_29 = vector.broadcast %broadcast_in_dim3A_28 : vector<1024x1xf32> to vector<1024x128xf32>
    %div3A_30 = arith.divf %get3A_25, %div3A_29 : vector<1024x128xf32>
    %get3A_31 = arith.constant 1 : index
    %get3A_32 = arith.constant 0 : index
    %get3A_33 = vector.load %arg3[%get3A_31, %get3A_32] : memref<2x128xf32, #tpu.memory_space<vmem>>, vector<1x128xf32>
    %get3A_34 = vector.shape_cast %get3A_33 : vector<1x128xf32> to vector<128xf32>
    %broadcast_in_dim3A_35 = vector.shape_cast %get3A_34 : vector<128xf32> to vector<1x128xf32>
    %add3A_36 = vector.broadcast %broadcast_in_dim3A_35 : vector<1x128xf32> to vector<1024x128xf32>
    %add3A_37 = arith.addf %div3A_30, %add3A_36 : vector<1024x128xf32>
    %max3A_38 = arith.constant 0.000000e+00 : f32
    %max3A_39 = vector.broadcast %max3A_38 : f32 to vector<1024x128xf32>
    %max3A_40 = arith.maximumf %add3A_37, %max3A_39 : vector<1024x128xf32>
    %concatenate3A = tpu.concatenate %max3A_20, %max3A_40 in 1 : vector<1024x128xf32>, vector<1024x128xf32> -> vector<1024x256xf32>
    %get3A_41 = arith.constant 0 : index
    %get3A_42 = arith.constant 0 : index
    %get3A_43 = vector.load %arg4[%get3A_41, %get3A_42] : memref<256x128xf32, #tpu.memory_space<vmem>>, vector<256x128xf32>
    %dot_general3A = arith.constant dense<0.000000e+00> : vector<1024x128xf32>
    %dot_general3A_44 = tpu.matmul %concatenate3A, %get3A_43, %dot_general3A {dimension_numbers = #tpu.dot_dimension_numbers<[1], [0], [0], [1], [0, 0, 1, 1], [], []>, transpose_lhs_hint = false} : vector<1024x256xf32>, vector<256x128xf32>, vector<1024x128xf32> -> vector<1024x128xf32>
    %swap3A = arith.constant 0 : index
    %swap3A_45 = arith.constant 0 : index
    %swap3A_46 = vector.load %arg7[%swap3A, %swap3A_45] : memref<1024x128xf32, #tpu.memory_space<vmem>>, vector<1024x128xf32>
    tpu.vector_store %arg7[%swap3A, %swap3A_45], %dot_general3A_44 {strides = array<i32>} : memref<1024x128xf32, #tpu.memory_space<vmem>>, vector<1024x128xf32>,
    %get3A_47 = arith.constant 0 : index
    %get3A_48 = arith.constant 0 : index
    %get3A_49 = vector.load %arg5[%get3A_47, %get3A_48] : memref<1x128xf32, #tpu.memory_space<vmem>>, vector<1x128xf32>
    %dot_general3A_50 = arith.constant dense<0.000000e+00> : vector<1x1024xf32>
    %dot_general3A_51 = tpu.matmul %get3A_49, %dot_general3A_44, %dot_general3A_50 {dimension_numbers = #tpu.dot_dimension_numbers<[1], [1], [0], [0], [0, 0, 1, 0], [], []>, transpose_lhs_hint = false} : vector<1x128xf32>, vector<1024x128xf32>, vector<1x1024xf32> -> vector<1x1024xf32>
    %get3A_52 = arith.constant 0 : index
    %get3A_53 = arith.constant 0 : index
    %get3A_54 = vector.load %arg6[%get3A_52, %get3A_53] : memref<1x128xf32, #tpu.memory_space<vmem>>, vector<1x128xf32>
    %dot_general3A_55 = arith.constant dense<0.000000e+00> : vector<1x1024xf32>
    %dot_general3A_56 = tpu.matmul %get3A_54, %dot_general3A_44, %dot_general3A_55 {dimension_numbers = #tpu.dot_dimension_numbers<[1], [1], [0], [0], [0, 0, 1, 0], [], []>, transpose_lhs_hint = false} : vector<1x128xf32>, vector<1024x128xf32>, vector<1x1024xf32> -> vector<1x1024xf32>
    %concatenate3A_57 = tpu.concatenate %dot_general3A_51, %dot_general3A_51 in 0 : vector<1x1024xf32>, vector<1x1024xf32> -> vector<2x1024xf32>
    %swap3A_58 = arith.constant 0 : index
    %swap3A_59 = arith.constant 0 : index
    %swap3A_60 = vector.load %arg8[%swap3A_58, %swap3A_59] : memref<2x1024xf32, #tpu.memory_space<vmem>>, vector<2x1024xf32>
    tpu.vector_store %arg8[%swap3A_58, %swap3A_59], %concatenate3A_57 {strides = array<i32>} : memref<2x1024xf32, #tpu.memory_space<vmem>>, vector<2x1024xf32>,
    %concatenate3A_61 = tpu.concatenate %dot_general3A_56, %dot_general3A_56 in 0 : vector<1x1024xf32>, vector<1x1024xf32> -> vector<2x1024xf32>
    %swap3A_62 = arith.constant 0 : index
    %swap3A_63 = arith.constant 0 : index
    %swap3A_64 = vector.load %arg9[%swap3A_62, %swap3A_63] : memref<2x1024xf32, #tpu.memory_space<vmem>>, vector<2x1024xf32>
    tpu.vector_store %arg9[%swap3A_62, %swap3A_63], %concatenate3A_61 {strides = array<i32>} : memref<2x1024xf32, #tpu.memory_space<vmem>>, vector<2x1024xf32>,
    return
  }
  func.func @transform_0(%arg0: i32) -> (i32, i32, i32) {
    %c0_i32 = arith.constant 0 : i32
    %c0_i32_0 = arith.constant 0 : i32
    %c0_i32_1 = arith.constant 0 : i32
    return %c0_i32, %arg0, %c0_i32_0 : i32, i32, i32
  }
  func.func @transform_1(%arg0: i32) -> (i32, i32, i32) {
    %c0_i32 = arith.constant 0 : i32
    %c0_i32_0 = arith.constant 0 : i32
    %c0_i32_1 = arith.constant 0 : i32
    return %c0_i32, %c0_i32_0, %arg0 : i32, i32, i32
  }
  func.func @transform_2(%arg0: i32) -> (i32, i32) {
    %c0_i32 = arith.constant 0 : i32
    %c0_i32_0 = arith.constant 0 : i32
    %c0_i32_1 = arith.constant 0 : i32
    return %c0_i32, %c0_i32_0 : i32, i32
  }
  func.func @transform_3(%arg0: i32) -> (i32, i32) {
    %c0_i32 = arith.constant 0 : i32
    %c0_i32_0 = arith.constant 0 : i32
    %c0_i32_1 = arith.constant 0 : i32
    return %c0_i32, %c0_i32_0 : i32, i32
  }
  func.func @transform_4(%arg0: i32) -> (i32, i32) {
    %c0_i32 = arith.constant 0 : i32
    %c0_i32_0 = arith.constant 0 : i32
    %c0_i32_1 = arith.constant 0 : i32
    return %c0_i32, %c0_i32_0 : i32, i32
  }
  func.func @transform_5(%arg0: i32) -> (i32, i32) {
    %c0_i32 = arith.constant 0 : i32
    %c0_i32_0 = arith.constant 0 : i32
    %c0_i32_1 = arith.constant 0 : i32
    return %c0_i32, %c0_i32_0 : i32, i32
  }
  func.func @transform_6(%arg0: i32) -> (i32, i32) {
    %c0_i32 = arith.constant 0 : i32
    %c0_i32_0 = arith.constant 0 : i32
    return %arg0, %c0_i32 : i32, i32
  }
  func.func @transform_7(%arg0: i32) -> (i32, i32) {
    %c0_i32 = arith.constant 0 : i32
    %c0_i32_0 = arith.constant 0 : i32
    return %c0_i32, %arg0 : i32, i32
  }
  func.func @transform_8(%arg0: i32) -> (i32, i32) {
    %c0_i32 = arith.constant 0 : i32
    %c0_i32_0 = arith.constant 0 : i32
    return %c0_i32, %arg0 : i32, i32
  }
}

</mosaic_0001>

<sc_bundles>
// kernel: kernel.10.cloned.1.call-start
scs
__scs_entry_jumppad:
0x0: {  	(pc) =	sbr.rel $0x88, $3  }
0x1: {  	(tag) =	ssettag $0x0;
	lr =	simm.s32 $0x1  }
0x2: {  	[smem:$0x3F97] =	sst lr;
	_ =	strace $0xD0000000  }
0x3: {  	_ = 	snop  }
0x4: {  	_ = 	snop  }
0x5: {  	_ = 	snop  }
0x6: {  	_ = 	snop  }
0x7: {  	_ = 	snop  }
__scs_overlays_trampoline_lowered:
0x8: {  	[smem:$0x3FA6] =	sst s0  }
0x9: {  	[smem:$0x3FA7] =	sst s1  }
0xa: {  	[smem:$0x3FA8] =	sst s2  }
0xb: {  	[smem:$0x3FA9] =	sst s3  }
0xc: {  	[smem:$0x3FAA] =	sst s4  }
0xd: {  	[smem:$0x3FAB] =	sst s5  }
0xe: {  	[smem:$0x3FAC] =	sst s6  }
0xf: {  	[smem:$0x3FAD] =	sst s7  }
0x10: {  	[smem:$0x3FAE] =	sst s8  }
0x11: {  	[smem:$0x3FAF] =	sst s9;
	s0 =	simm.s32 @!p0 $0x0  }
0x12: {  	s1 =	sld [smem:$0x3F95];
	s0 =	simm.s32 @p0 $0x1  }
0x13: {  	[smem:$0x3FB0] =	sst s0;
	s0 =	simm.s32 @!p1 $0x0  }
0x14: {  	s2 =	sld [smem:$0x3F94];
	s0 =	simm.s32 @p1 $0x1  }
0x15: {  	[smem:$0x3FB1] =	sst s0;
	s0 =	simm.s32 @!p2 $0x0  }
0x16: {  	s3 =	sld [smem:$0x3FDB];
	s0 =	simm.s32 @p2 $0x1  }
0x17: {  	s4 =	simm.s32 $0x1BF5;
	[smem:$0x3FB3] =	sst s0  }
0x18: {  	s0 =	sld [smem:$0x3F96];
	_ =	swait.ge [sflag:s4], $0x0  }
0x19: {  	s7 =	sld [smem:$0x3F97]  }
0x1a: {  	s8 =	sadd.s32 $0xFFFFE003, lr  }
0x1b: {  	s9 =	sadd.s32 $0xFFFFFEF7, lr;
	s5 =	simm.s32 $0xFFFFFFFF;
	p2 =	slt.u32 s8, $0xFFFFF086  }
0x1c: {  	p1 =	slt.u32 s9, $0xF7A;
	s5 =	simm.s32 @!p2 $0x0  }
0x1d: {  	s5 =	simm.s32 @p1 $0x1;
	p0 =	seq.s32 s7, s2  }
0x1e: {  	s7 =	smul.u32 @!p0 $0xF7A, s2;
	p2 =	seq.s32 @!p0 s5, $0x0  }
0x1f: {  	s9 =	smul.u32 $0xF7A, s1;
	s8 =	simm.s32 @!p0 $0x1BF5;
	p2 =	por !p2, p0  }
0x20: {  	[sflag:s8] =	ssyncset.s32 @!p0 $0xFFFFF086;
	s6 =	sadd.s32 @!p0 s3, s7;
	s7 =	simm.s32 @!p0 $0x108  }
0x21: {  	s3 =	sadd.s32 s3, s9;
	s6 =	sadd.s32 @!p0 $0x88, s6;
	s7 =	simm.s32 @p2 $0x1082  }
0x22: {  	[simem:s7], [sflag:s8] =	dma.local @!p0 [hbm:s6], $0xF7A  }
0x23: {  	s9 =	sor.u32 $0xD0000000, s2;
	s6 =	simm.s32 $0x108;
	_ =	swait.ge @!p0 [sflag:s8], $0x0  }
0x24: {  	s3 =	sadd.s32 $0x88, s3;
	s6 =	simm.s32 @!p1 $0x1082;
	[sflag:s4] =	ssyncset.s32 $0xFFFFF086  }
0x25: {  	[simem:s6], [sflag:s4] =	dma.local [hbm:s3], $0xF7A  }
0x26: {  	[smem:$0x3F97] =	sst s1;
	(tag) =	ssettag s2;
	_ =	strace s9  }
0x27: {  	s1 =	sld [smem:$0x3FA7]  }
0x28: {  	s2 =	sld [smem:$0x3FA8]  }
0x29: {  	s4 =	sld [smem:$0x3FAA]  }
0x2a: {  	p0 =	seq.s32 s5, $0x0;
	s5 =	sld [smem:$0x3FAB]  }
0x2b: {  	s6 =	sld [smem:$0x3FAC]  }
0x2c: {  	s7 =	sld [smem:$0x3FAD]  }
0x2d: {  	s3 =	simm.s32 $0x108;
	s8 =	sld [smem:$0x3FAE]  }
0x2e: {  	s3 =	simm.s32 @!p0 $0x1082;
	s9 =	sld [smem:$0x3FAF]  }
0x2f: {  	lr =	sadd.s32 s0, s3;
	s0 =	sld [smem:$0x3FA6]  }
0x30: {  	s3 =	sld [smem:$0x3FA9]  }
0x31: {  	[smem:$0x3FB2] =	sst s10  }
0x32: {  	s10 =	sld [smem:$0x3FB0];
	_ =	sdelay $0x3  }
0x33: {  	p0 =	seq.s32 s10, $0x1;
	s10 =	sld [smem:$0x3FB2];
	_ =	sdelay $0x3  }
0x34: {  	[smem:$0x3FB2] =	sst s10  }
0x35: {  	s10 =	sld [smem:$0x3FB1];
	_ =	sdelay $0x3  }
0x36: {  	p1 =	seq.s32 s10, $0x1;
	s10 =	sld [smem:$0x3FB2];
	_ =	sdelay $0x3  }
0x37: {  	[smem:$0x3FB2] =	sst s10  }
0x38: {  	s10 =	sld [smem:$0x3FB3]  }
0x39: {  	_ = 	snop;
	(pc) =	sbr.ind lr, $3  }
0x3a: {  	_ = 	snop  }
0x3b: {  	_ = 	snop  }
0x3c: {  	p2 =	seq.s32 s10, $0x1;
	s10 =	sld [smem:$0x3FB2]  }
0x3d: {  	_ =	shalt  }
0x3e: {  	_ =	shalt  }
0x3f: {  	_ =	shalt  }
0x40: {  	_ =	shalt  }
0x41: {  	_ =	shalt  }
0x42: {  	_ =	shalt  }
0x43: {  	_ =	shalt  }
0x44: {  	_ =	shalt  }
0x45: {  	_ =	shalt  }
0x46: {  	_ =	shalt  }
0x47: {  	_ =	shalt  }
0x48: {  	_ =	shalt  }
0x49: {  	_ =	shalt  }
0x4a: {  	_ =	shalt  }
0x4b: {  	_ =	shalt  }
0x4c: {  	_ =	shalt  }
0x4d: {  	_ =	shalt  }
0x4e: {  	_ =	shalt  }
0x4f: {  	_ =	shalt  }
0x50: {  	_ =	shalt  }
0x51: {  	_ =	shalt  }
0x52: {  	_ =	shalt  }
0x53: {  	_ =	shalt  }
0x54: {  	_ =	shalt  }
0x55: {  	_ =	shalt  }
0x56: {  	_ =	shalt  }
0x57: {  	_ =	shalt  }
0x58: {  	_ =	shalt  }
0x59: {  	_ =	shalt  }
0x5a: {  	_ =	shalt  }
0x5b: {  	_ =	shalt  }
0x5c: {  	_ =	shalt  }
0x5d: {  	_ =	shalt  }
0x5e: {  	_ =	shalt  }
0x5f: {  	_ =	shalt  }
0x60: {  	_ =	shalt  }
0x61: {  	_ =	shalt  }
0x62: {  	_ =	shalt  }
0x63: {  	_ =	shalt  }
0x64: {  	_ =	shalt  }
0x65: {  	_ =	shalt  }
0x66: {  	_ =	shalt  }
0x67: {  	_ =	shalt  }
0x68: {  	_ =	shalt  }
0x69: {  	_ =	shalt  }
0x6a: {  	_ =	shalt  }
0x6b: {  	_ =	shalt  }
0x6c: {  	_ =	shalt  }
0x6d: {  	_ =	shalt  }
0x6e: {  	_ =	shalt  }
0x6f: {  	_ =	shalt  }
0x70: {  	_ =	shalt  }
0x71: {  	_ =	shalt  }
0x72: {  	_ =	shalt  }
0x73: {  	_ =	shalt  }
0x74: {  	_ =	shalt  }
0x75: {  	_ =	shalt  }
0x76: {  	_ =	shalt  }
0x77: {  	_ =	shalt  }
0x78: {  	_ =	shalt  }
0x79: {  	_ =	shalt  }
0x7a: {  	_ =	shalt  }
0x7b: {  	_ =	shalt  }
0x7c: {  	_ =	shalt  }
0x7d: {  	_ =	shalt  }
0x7e: {  	_ =	shalt  }
0x7f: {  	_ =	shalt  }
0x80: {  	_ =	shalt  }
0x81: {  	_ =	shalt  }
0x82: {  	_ =	shalt  }
0x83: {  	_ =	shalt  }
0x84: {  	_ =	shalt  }
0x85: {  	_ =	shalt  }
0x86: {  	_ =	shalt  }
0x87: {  	_ =	shalt  }
.Lfunc_end0:
.L_simem_size_0:
called_computation.1_lowered:
.L_overlay_start_0:
0x88: {  	s2 =	sld [smem:$0x3FD9]  }
0x89: {  	s3 =	sld [smem:$0x3FFE];
	_ =	sdelay $0x1  }
0x8a: {  	s1 =	srdreg.scid  }
0x8b: {  	s0 =	sand.u32 $0x1, s1  }
0x8c: {  	s17 =	sshll.u32 s0, $0xA;
	s2 =	sadd.s32 s3, s2  }
0x8d: {  	s2 =	sadd.s32 s2, s17  }
0x8e: {  	[smem:$0x3FBE] =	sst s2  }
0x8f: {  	_ = 	snop  }
0x90: {  	s2 =	sld [smem:$0x3FD0];
	(tm) =	ssettm $0x1  }
0x91: {  	s18 =	sld [smem:$0x3FFB];
	_ =	sdelay $0x3  }
0x92: {  	_ =	strace s18  }
0x93: {  	s3 =	sld [smem:$0x3FFC];
	_ =	sdelay $0x3  }
0x94: {  	_ =	strace s3  }
0x95: {  	s3 =	sld [smem:$0x3FFD];
	_ =	sdelay $0x3  }
0x96: {  	_ =	strace s3  }
0x97: {  	_ =	strace $0x8FFFFFFF  }
0x98: {  	s19 =	sld [smem:$0x3FDB];
	_ =	sdelay $0x1  }
0x99: {  	s4 =	simm.s32 $_scs_section_size  }
0x9a: {  	s5 =	simm.s32 $_size__tile_overlayer_lowered;
	s6 =	simm.s32 $_tile_overlayer_lowered  }
0x9b: {  	s22 =	simm.s32 $0x1BFF;
	s21 =	sshll.u32 s6, $0x1;
	s3 =	sadd.s32 s4, s19  }
0x9c: {  	s7 =	simm.s32 $0x0;
	s20 =	sshll.u32 s5, $0x1;
	s5 =	sadd.s32 s21, s3  }
0x9d: {  	[timem:s7], [sflag:s22] =	dma.local [hbm:s5], s20  }
0x9e: {  	_ =	swait.ge [sflag:s22], s20  }
0x9f: {  	s4 =	ssub.s32 $0x0, s20;
	[sflag:s22] =	ssyncset.done $0x0  }
0xa0: {  	[sflag:s22] =	ssyncadd.s32 s4;
	_ =	sdelay $0x1  }
0xa1: {  	s23 =	simm.s32 $0x1B8B  }
0xa2: {  	_ =	swait.ge [sflag:s23], $0x1  }
0xa3: {  	[sflag:s23] =	ssyncset.done $0x0  }
0xa4: {  	s25 =	simm.s32 $0x1B8E;
	s24 =	sld [smem:$0x3FFE];
	[sflag:s23] =	ssyncadd.s32 $0xFFFFFFFF  }
0xa5: {  	s26 =	simm.s32 $execute0_lowered;
	[smem:$0x3FD2] =	sst s25  }
0xa6: {  	s5 =	sshll.u32 s26, $0x1;
	_ =	strace $0x80000049;
	[dreg:$0x1] =	wrdreg $0xFFFFFFFF  }
0xa7: {  	s28 =	simm.s32 $_size_execute0_lowered;
	s3 =	sadd.s32 s3, s5;
	[dreg:$0x0] =	wrdreg $0x0  }
0xa8: {  	s5 =	sshll.u32 s28, $0x1;
	[dreg:$0x2] =	wrdreg s3  }
0xa9: {  	[dreg:$0x3] =	wrdreg s5  }
0xaa: {  	[dreg:$0x4] =	wrdreg $0xC0  }
0xab: {  	_ =	task [dreg:s7], $0x5FFFF  }
0xac: {  	[dreg:$0x1] =	wrdreg $0xFFFFFFFF  }
0xad: {  	[dreg:$0x0] =	wrdreg $0x60  }
0xae: {  	[dreg:$0x2] =	wrdreg s24  }
0xaf: {  	[dreg:$0x3] =	wrdreg s2  }
0xb0: {  	[dreg:$0x4] =	wrdreg $0xA2000  }
0xb1: {  	[dreg:$0x5] =	wrdreg $0x9  }
0xb2: {  	_ =	task.clear_ibuf [dreg:s7], $0x6FFFF;
	_ =	strace $0x90000049  }
0xb3: {  	s29 =	simm.s32 $0x9;
	_ =	strace $0x8000004B  }
0xb4: {  	_ =	swait.ge [sflag:s29], $0x1  }
0xb5: {  	[sflag:s29] =	ssyncadd.s32 $0xFFFFFFFF  }
0xb6: {  	_ =	strace $0x9000004B  }
0xb7: {  	_ =	sfence  }
0xb8: {  	s30 =	sld [smem:$0x0];
	_ =	sdelay $0x2  }
0xb9: {  	s31 =	sshll.u32 s1, $0xD;
	s1 =	sshrl.u32 s1, $0x2  }
0xba: {  	s3 =	sand.u32 $0x4000, s31;
	s1 =	sadd.s32 s1, s30  }
0xbb: {  	s0 =	sor.u32 s3, s0;
	s1 =	sshll.u32 s1, $0x11  }
0xbc: {  	s0 =	sor.u32 s1, s0  }
0xbd: {  	s0 =	sadd.s32 $0x8F2B, s0  }
0xbe: {  	[sflag:s0] =	ssyncadd.remote.s32 $0x1  }
0xbf: {  	_ =	sfence.sel $0xFFFF  }
0xc0: {  	[dreg:$0x0] =	wrdreg $0xFFFFFFFF;
	(pc) =	sbr.abs _section_cstart, $3  }
0xc1: {  	[dreg:$0x1] =	wrdreg $0xFFFFFFFF  }
0xc2: {  	_ =	task.clear_ibuf [dreg:s7], $0x2FFFF;
	_ =	strace $0x9FFFFFFF  }
0xc3: {  	(tm) =	ssettm $0x7FFFFFFF  }
tec
execute0_lowered:
.L_overlay_start_1:
0x0: {  	(tag) =	ssettag $0x1  }
0x1: {  	s0 =	rddreg [dreg:$0x0]  }
0x2: {  	s2 =	rddreg [dreg:$0x1]  }
0x3: {  	s1 =	rddreg [dreg:$0x2];
	s4 =	simm.s32 $0x0;
	s19 =	stileid.u32  }
0x4: {  	s3 =	srdreg.scid;
	s20 =	simm.s32 $0x7A00;
	s6 =	smul.u32 $0x50000, s19  }
0x5: {  	s21 =	simm.s32 $0x3;
	s28 =	simm.s32 $0x50;
	s18 =	smul.u32 $0x2710, s19  }
0x6: {  	s29 =	simm.s32 $0x7900;
	s3 =	sand.u32 $0x1, s3;
	s26 =	smul.u32 $0x2800, s19  }
0x7: {  	s30 =	simm.s32 $0x1;
	s31 =	simm.s32 $0x2;
	s5 =	smul.u32 $0x500, s3  }
0x8: {  	[smem:$0x7FF] =	sst s4;
	s4 =	sadd.s32 $0x16000, s0;
	s9 =	smul.u32 $0x28000, s3  }
0x9: {  	_ =	strace $0x8000004A;
	s10 =	ssub.s32 $0x2, s3;
	s17 =	smul.u32 $0x27100, s3  }
0xa: {  	s3 =	sshll.u32 s3, $0x4;
	s7 =	sshrl.u32 s6, $0x2;
	s6 =	sadd.s32 $0x2400, s0  }
0xb: {  	s11 =	sshrl.u32 s10, $0x1;
	s3 =	sor.u32 s19, s3;
	s8 =	sadd.s32 s5, s0  }
0xc: {  	s5 =	sadd.s32 $0xC200, s0;
	s7 =	sadd.s32 s7, s1;
	s0 =	sadd.s32 s9, s0  }
0xd: {  	s22 =	ssub.s32 s10, s11;
	s3 =	smul.u32 $0x500, s3;
	s17 =	sadd.s32 s18, s17  }
0xe: {  	s23 =	sadd.s32 $0x2800, s7;
	s24 =	sadd.s32 $0x5000, s7;
	s25 =	sadd.s32 $0x7800, s7  }
0xf: {  	s11 =	sadd.s32 $0xA000, s7;
	s12 =	sadd.s32 $0xC800, s7;
	s13 =	sadd.s32 $0xF000, s7  }
0x10: {  	s14 =	sadd.s32 $0x11800, s7;
	s15 =	sadd.s32 $0x3E000, s8;
	[dreg:$0x4] =	wrdreg s23  }
0x11: {  	s16 =	sadd.s32 $0x3EA00, s8;
	s0 =	sadd.s32 $0x3F400, s0;
	[dreg:$0x5] =	wrdreg s24  }
0x12: {  	s19 =	smax.u32 s22, $0x1;
	s22 =	simm.s32 $0x2800;
	[dreg:$0x6] =	wrdreg s25  }
0x13: {  	s18 =	sadd.s32 s2, s3;
	s23 =	simm.s32 $0x7800;
	s24 =	sadd.s32 s26, s0  }
0x14: {  	v0 =	vimm.f32 $0.0e+00;
	s25 =	simm.s32 $0x7880;
	s26 =	simm.s32 $0x5000;
	s0 =	simm.s32 $0x0  }
.LBB2_1:
0x15: {  	s2 =	simm.s32 $0x0  }
.LBB2_2:
0x16: {  	p0 =	sne.s32 s2, $0x9FC0  }
.Ltmp0:
0x17: {  	_ = 	snop;
	(pc) =	sbr.rel @p0 .LBB2_2-.Ltmp0, $3  }
0x18: {  	_ =	sdelay $0x1  }
0x19: {  	s3 =	sshra.s32 s2, $0x2  }
0x1a: {  	s2 =	sadd.s32 $0x40, s2;
	[tilespmem:s3+$0x5000] =	vst v0  }
0x1b: {  	s2 =	simm.s32 $0x0;
	s3 =	simm.s32 $0x200  }
.LBB2_4:
0x1c: {  	p0 =	sne.s32 s3, $0x9E00;
	[tilespmem:s2+$0x7A70] =	vst v0  }
0x1d: {  	[tilespmem:s2+$0x7A00] =	vst v0  }
0x1e: {  	[tilespmem:s2+$0x7A10] =	vst v0  }
.Ltmp1:
0x1f: {  	[tilespmem:s2+$0x7A20] =	vst v0;
	(pc) =	sbr.rel @p0 .LBB2_4-.Ltmp1, $4  }
0x20: {  	[tilespmem:s2+$0x7A30] =	vst v0  }
0x21: {  	[tilespmem:s2+$0x7A40] =	vst v0  }
0x22: {  	[tilespmem:s2+$0x7A50] =	vst v0  }
0x23: {  	[tilespmem:s2+$0x7A60] =	vst v0;
	s2 =	sshra.s32 s3, $0x2;
	s3 =	sadd.s32 $0x200, s3  }
0x24: {  	[tilespmem:s2+$0x7A70] =	vst v0  }
0x25: {  	[tilespmem:s2+$0x7A00] =	vst v0  }
0x26: {  	[tilespmem:s2+$0x7A10] =	vst v0  }
0x27: {  	[tilespmem:s2+$0x7A20] =	vst v0  }
0x28: {  	[tilespmem:s2+$0x7A30] =	vst v0  }
0x29: {  	[tilespmem:s2+$0x7A40] =	vst v0  }
0x2a: {  	[tilespmem:s2+$0x7A50] =	vst v0  }
0x2b: {  	[tilespmem:s2+$0x7A60] =	vst v0  }
0x2c: {  	[spmem:s7] =	stream.linear.scatter [tilespmem:s20], [sflag:$0x3], $0x2800, $0x38;
	[tilespmem:$0x1E200] =	vst v63  }
0x2d: {  	_ =	swait.ge [sflag:s21], $0x2800  }
0x2e: {  	[sflag:s21] =	ssyncset.done $0x0  }
0x2f: {  	s8 =	rddreg [dreg:$0x4];
	[sflag:s21] =	ssyncadd.s32 $0xFFFFD800  }
0x30: {  	[spmem:s8] =	stream.linear.scatter [tilespmem:s20], [sflag:$0x3], $0x2800, $0x38;
	[tilespmem:$0x1E200] =	vst v63  }
0x31: {  	_ =	swait.ge [sflag:s21], $0x2800  }
0x32: {  	[sflag:s21] =	ssyncset.done $0x0  }
0x33: {  	s9 =	rddreg [dreg:$0x5];
	[sflag:s21] =	ssyncadd.s32 $0xFFFFD800  }
0x34: {  	[spmem:s9] =	stream.linear.scatter [tilespmem:s20], [sflag:$0x3], $0x2800, $0x38;
	[tilespmem:$0x1E200] =	vst v63  }
0x35: {  	_ =	swait.ge [sflag:s21], $0x2800  }
0x36: {  	[sflag:s21] =	ssyncset.done $0x0  }
0x37: {  	s10 =	rddreg [dreg:$0x6];
	[sflag:s21] =	ssyncadd.s32 $0xFFFFD800  }
0x38: {  	[spmem:s10] =	stream.linear.scatter [tilespmem:s20], [sflag:$0x3], $0x2800, $0x38;
	[tilespmem:$0x1E200] =	vst v63  }
0x39: {  	_ =	swait.ge [sflag:s21], $0x2800  }
0x3a: {  	[sflag:s21] =	ssyncset.done $0x0  }
0x3b: {  	[sflag:s21] =	ssyncadd.s32 $0xFFFFD800  }
0x3c: {  	[spmem:s11] =	stream.linear.scatter [tilespmem:s20], [sflag:$0x3], $0x2800, $0x38;
	[tilespmem:$0x1E200] =	vst v63  }
0x3d: {  	_ =	swait.ge [sflag:s21], $0x2800  }
0x3e: {  	[sflag:s21] =	ssyncset.done $0x0  }
0x3f: {  	[sflag:s21] =	ssyncadd.s32 $0xFFFFD800  }
0x40: {  	[spmem:s12] =	stream.linear.scatter [tilespmem:s20], [sflag:$0x3], $0x2800, $0x38;
	[tilespmem:$0x1E200] =	vst v63  }
0x41: {  	_ =	swait.ge [sflag:s21], $0x2800  }
0x42: {  	[sflag:s21] =	ssyncset.done $0x0  }
0x43: {  	[sflag:s21] =	ssyncadd.s32 $0xFFFFD800  }
0x44: {  	[spmem:s13] =	stream.linear.scatter [tilespmem:s20], [sflag:$0x3], $0x2800, $0x38;
	[tilespmem:$0x1E200] =	vst v63  }
0x45: {  	_ =	swait.ge [sflag:s21], $0x2800  }
0x46: {  	[sflag:s21] =	ssyncset.done $0x0  }
0x47: {  	[sflag:s21] =	ssyncadd.s32 $0xFFFFD800  }
0x48: {  	[spmem:s14] =	stream.linear.scatter [tilespmem:s20], [sflag:$0x3], $0x2800, $0x38;
	[tilespmem:$0x1E200] =	vst v63  }
0x49: {  	_ =	swait.ge [sflag:s21], $0x2800  }
0x4a: {  	[sflag:s21] =	ssyncset.done $0x0  }
0x4b: {  	s2 =	simm.s32 $0x0;
	[sflag:s21] =	ssyncadd.s32 $0xFFFFD800  }
0x4c: {  	[tilespmem:s2], [sflag:$0x3] =	stream.linear.gather [hbm4b:s15+s2], $0x2800, $0x38;
	[tilespmem:$0x1E200] =	vst v63  }
0x4d: {  	_ =	swait.ge [sflag:s21], $0x2800  }
0x4e: {  	[sflag:s21] =	ssyncset.done $0x0  }
0x4f: {  	[sflag:s21] =	ssyncadd.s32 $0xFFFFD800  }
0x50: {  	[tilespmem:s22], [sflag:$0x3] =	stream.linear.gather [hbm4b:s16+s2], $0x2800, $0x38;
	[tilespmem:$0x1E200] =	vst v63  }
0x51: {  	_ =	swait.ge [sflag:s21], $0x2800  }
0x52: {  	[sflag:s21] =	ssyncset.done $0x0  }
0x53: {  	[sflag:s21] =	ssyncadd.s32 $0xFFFFD800  }
0x54: {  	s3 =	simm.s32 $0x0;
	[bflag:$0x0] =	sbarrier.arrive $0xFFFF  }
.LBB2_6:
0x55: {  	s8 =	smul.u32 $0x50, s3;
	_ =	sdelay $0x1  }
0x56: {  	s8 =	sadd.s32 s8, s17  }
0x57: {  	s8 =	sshrl.u32 s8, $0x3  }
0x58: {  	s9 =	sadd.s32 s5, s8  }
0x59: {  	[tilespmem:s23], [sflag:$0x3] =	stream.linear.gather [hbm4b:s9+s2], $0x50, $0x38;
	[tilespmem:$0x1E200] =	vst v63  }
0x5a: {  	_ =	swait.ge [sflag:s21], $0x50  }
0x5b: {  	[sflag:s21] =	ssyncset.done $0x0  }
0x5c: {  	s8 =	sadd.s32 s6, s8;
	[sflag:s21] =	ssyncadd.s32 $0xFFFFFFB0  }
0x5d: {  	[tilespmem:s25], [sflag:$0x3] =	stream.linear.gather [hbm4b:s8+s2], $0x50, $0x38;
	[tilespmem:$0x1E200] =	vst v63  }
0x5e: {  	_ =	swait.ge [sflag:s21], $0x50  }
0x5f: {  	[sflag:s21] =	ssyncset.done $0x0  }
0x60: {  	[sflag:s21] =	ssyncadd.s32 $0xFFFFFFB0  }
0x61: {  	v1 =	vld [tilespmem:$0x7800]  }
0x62: {  	v2 =	vld [tilespmem:$0x7880];
	_ =	sdelay $0x6  }
0x63: {  	v3 =	vld.idx.msk [tilespmem:v1+s2+$0x0], $0xffff  }
0x64: {  	v4 =	vld.idx.msk [tilespmem:v2+s22+$0x0], $0xffff;
	_ =	sdelay $0x4  }
0x65: {  	v3 =	vadd.f32 v4, v3;
	_ =	sdelay $0x1  }
0x66: {  	v4 =	vmul.f32 $2.000000030e-01, v3;
	_ =	sdelay $0x1  }
0x67: {  	v3 =	vmax.f32 v3, v4  }
0x68: {  	v3 =	vmul.f32 $1.442695020e+00, v3;
	_ =	sdelay $0x1  }
0x69: {  	(erf) = vpow2.f32 v3;
	_ =	sdelay $0x8  }
0x6a: {  	v3 =	vpop (erf)  }
0x6b: {  	[tilespmem:$0x7980] =	vst v3  }
0x6c: {  	[tilespmem:v2+s26+$0x0] =	vst.idx.add.f32.msk $0xffff, v3  }
0x6d: {  	v2 =	vld [tilespmem:$0x7810]  }
0x6e: {  	v3 =	vld [tilespmem:$0x7890];
	_ =	sdelay $0x5  }
0x6f: {  	[tilespmem:$0x7900] =	vst v1  }
0x70: {  	v1 =	vld.idx.msk [tilespmem:v2+s2+$0x0], $0xffff  }
0x71: {  	v17 =	vld.idx.msk [tilespmem:v3+s22+$0x0], $0xffff;
	_ =	sdelay $0x4  }
0x72: {  	v1 =	vadd.f32 v17, v1;
	_ =	sdelay $0x1  }
0x73: {  	v4 =	vmul.f32 $2.000000030e-01, v1;
	_ =	sdelay $0x1  }
0x74: {  	v1 =	vmax.f32 v1, v4  }
0x75: {  	v1 =	vmul.f32 $1.442695020e+00, v1;
	_ =	sdelay $0x1  }
0x76: {  	(erf) = vpow2.f32 v1;
	_ =	sdelay $0x8  }
0x77: {  	v1 =	vpop (erf)  }
0x78: {  	[tilespmem:$0x7990] =	vst v1  }
0x79: {  	[tilespmem:v3+s26+$0x0] =	vst.idx.add.f32.msk $0xffff, v1  }
0x7a: {  	v1 =	vld [tilespmem:$0x7820]  }
0x7b: {  	v3 =	vld [tilespmem:$0x78A0];
	_ =	sdelay $0x5  }
0x7c: {  	[tilespmem:$0x7910] =	vst v2  }
0x7d: {  	v2 =	vld.idx.msk [tilespmem:v1+s2+$0x0], $0xffff  }
0x7e: {  	v18 =	vld.idx.msk [tilespmem:v3+s22+$0x0], $0xffff;
	_ =	sdelay $0x4  }
0x7f: {  	v2 =	vadd.f32 v18, v2;
	_ =	sdelay $0x1  }
0x80: {  	v4 =	vmul.f32 $2.000000030e-01, v2;
	_ =	sdelay $0x1  }
0x81: {  	v2 =	vmax.f32 v2, v4  }
0x82: {  	v2 =	vmul.f32 $1.442695020e+00, v2;
	_ =	sdelay $0x1  }
0x83: {  	(erf) = vpow2.f32 v2;
	_ =	sdelay $0x8  }
0x84: {  	v2 =	vpop (erf)  }
0x85: {  	[tilespmem:$0x79A0] =	vst v2  }
0x86: {  	[tilespmem:v3+s26+$0x0] =	vst.idx.add.f32.msk $0xffff, v2  }
0x87: {  	v2 =	vld [tilespmem:$0x7830]  }
0x88: {  	v3 =	vld [tilespmem:$0x78B0];
	_ =	sdelay $0x5  }
0x89: {  	[tilespmem:$0x7920] =	vst v1  }
0x8a: {  	v1 =	vld.idx.msk [tilespmem:v2+s2+$0x0], $0xffff  }
0x8b: {  	v19 =	vld.idx.msk [tilespmem:v3+s22+$0x0], $0xffff;
	_ =	sdelay $0x4  }
0x8c: {  	v1 =	vadd.f32 v19, v1;
	_ =	sdelay $0x1  }
0x8d: {  	v4 =	vmul.f32 $2.000000030e-01, v1;
	_ =	sdelay $0x1  }
0x8e: {  	v1 =	vmax.f32 v1, v4  }
0x8f: {  	v1 =	vmul.f32 $1.442695020e+00, v1;
	_ =	sdelay $0x1  }
0x90: {  	(erf) = vpow2.f32 v1;
	_ =	sdelay $0x8  }
0x91: {  	v1 =	vpop (erf)  }
0x92: {  	[tilespmem:$0x79B0] =	vst v1  }
0x93: {  	[tilespmem:v3+s26+$0x0] =	vst.idx.add.f32.msk $0xffff, v1  }
0x94: {  	v1 =	vld [tilespmem:$0x7840]  }
0x95: {  	v3 =	vld [tilespmem:$0x78C0];
	_ =	sdelay $0x5  }
0x96: {  	[tilespmem:$0x7930] =	vst v2  }
0x97: {  	v2 =	vld.idx.msk [tilespmem:v1+s2+$0x0], $0xffff  }
0x98: {  	v20 =	vld.idx.msk [tilespmem:v3+s22+$0x0], $0xffff;
	_ =	sdelay $0x4  }
0x99: {  	v2 =	vadd.f32 v20, v2;
	_ =	sdelay $0x1  }
0x9a: {  	v4 =	vmul.f32 $2.000000030e-01, v2;
	_ =	sdelay $0x1  }
0x9b: {  	v2 =	vmax.f32 v2, v4  }
0x9c: {  	v2 =	vmul.f32 $1.442695020e+00, v2;
	_ =	sdelay $0x1  }
0x9d: {  	(erf) = vpow2.f32 v2;
	_ =	sdelay $0x8  }
0x9e: {  	v2 =	vpop (erf)  }
0x9f: {  	[tilespmem:$0x79C0] =	vst v2  }
0xa0: {  	[tilespmem:v3+s26+$0x0] =	vst.idx.add.f32.msk $0xffff, v2  }
0xa1: {  	[tilespmem:$0x7940] =	vst v1  }
0xa2: {  	[tilespmem:s20], [sflag:$0x1] =	stream.indirect.gather [hbm4b:s4+s28], $0x80, s29, s28, $0xb8;
	[tilespmem:$0x1E200] =	vst v63  }
0xa3: {  	_ =	swait.ge [sflag:s30], $0x2800  }
0xa4: {  	s9 =	simm.s32 $0x0;
	[sflag:s30] =	ssyncset.done $0x0  }
0xa5: {  	s8 =	sand.u32 $0x3FFFFFF0, s9;
	[sflag:s30] =	ssyncadd.s32 $0xFFFFD800  }
0xa6: {  	s10 =	simm.s32 $0x0;
	v1 =	vld [tilespmem:s8+$0x7980]  }
0xa7: {  	s8 =	sand.u32 $0x3FFFF800, s10  }
0xa8: {  	v3 =	vld [tilespmem:s8+$0x7A20]  }
0xa9: {  	v21 =	vld [tilespmem:s8+$0x7A30]  }
0xaa: {  	v10 =	vld [tilespmem:s8+$0x7A60]  }
0xab: {  	v11 =	vld [tilespmem:s8+$0x7A70];
	v2 =	vbroadcast v1, $0x0  }
0xac: {  	v12 =	vld [tilespmem:s8+$0x7A80]  }
0xad: {  	v13 =	vld [tilespmem:s8+$0x7A90];
	v3 =	vmul.f32 v3, v2  }
0xae: {  	v14 =	vld [tilespmem:s8+$0x7AA0];
	v4 =	vmul.f32 v21, v2  }
0xaf: {  	v9 =	vld [tilespmem:s8+$0x7AB0];
	v23 =	vbroadcast v1, $0x1;
	v22 =	vmul.f32 v10, v2;
	[tilespmem:s8+$0x7A20] =	vst v3  }
0xb0: {  	v7 =	vld [tilespmem:s8+$0x7AC0];
	v11 =	vmul.f32 v11, v2;
	[tilespmem:s8+$0x7A30] =	vst v4  }
0xb1: {  	v8 =	vld [tilespmem:s8+$0x7AD0];
	v12 =	vmul.f32 v12, v23;
	[tilespmem:s8+$0x7A60] =	vst v22  }
0xb2: {  	v25 =	vld [tilespmem:s8+$0x7AF0];
	v13 =	vmul.f32 v13, v23;
	[tilespmem:s8+$0x7A70] =	vst v11  }
0xb3: {  	v26 =	vld [tilespmem:s8+$0x7B00];
	v14 =	vmul.f32 v14, v23;
	[tilespmem:s8+$0x7A80] =	vst v12  }
0xb4: {  	v27 =	vld [tilespmem:s8+$0x7B10];
	v9 =	vmul.f32 v9, v23;
	[tilespmem:s8+$0x7A90] =	vst v13  }
0xb5: {  	v6 =	vld [tilespmem:s8+$0x7F70];
	v7 =	vmul.f32 v7, v23;
	[tilespmem:s8+$0x7AA0] =	vst v14  }
0xb6: {  	v24 =	vld [tilespmem:s8+$0x7AE0];
	v15 =	vbroadcast v1, $0x2;
	v8 =	vmul.f32 v8, v23;
	[tilespmem:s8+$0x7AB0] =	vst v9  }
0xb7: {  	v28 =	vld [tilespmem:s8+$0x7B20];
	v10 =	vmul.f32 v25, v23;
	[tilespmem:s8+$0x7AC0] =	vst v7  }
0xb8: {  	v29 =	vld [tilespmem:s8+$0x7B30];
	v5 =	vbroadcast v1, $0xA;
	v32 =	vmul.f32 v26, v15;
	[tilespmem:s8+$0x7AD0] =	vst v8  }
0xb9: {  	v30 =	vld [tilespmem:s8+$0x7B40];
	v34 =	vmul.f32 v27, v15;
	[tilespmem:s8+$0x7AF0] =	vst v10  }
0xba: {  	v33 =	vld [tilespmem:s8+$0x7B60];
	v3 =	vmul.f32 v6, v5;
	[tilespmem:s8+$0x7B00] =	vst v32  }
0xbb: {  	v35 =	vld [tilespmem:s8+$0x7B70];
	v11 =	vmul.f32 v24, v23;
	[tilespmem:s8+$0x7B10] =	vst v34  }
0xbc: {  	v36 =	vld [tilespmem:s8+$0x7B80];
	v9 =	vmul.f32 v28, v15;
	[tilespmem:s8+$0x7F70] =	vst v3  }
0xbd: {  	v31 =	vld [tilespmem:s8+$0x7B50];
	v7 =	vmul.f32 v29, v15;
	[tilespmem:s8+$0x7AE0] =	vst v11  }
0xbe: {  	v37 =	vld [tilespmem:s8+$0x7B90];
	v8 =	vmul.f32 v30, v15;
	[tilespmem:s8+$0x7B20] =	vst v9  }
0xbf: {  	v38 =	vld [tilespmem:s8+$0x7BA0];
	v41 =	vbroadcast v1, $0x3;
	v10 =	vmul.f32 v33, v15;
	[tilespmem:s8+$0x7B30] =	vst v7  }
0xc0: {  	v39 =	vld [tilespmem:s8+$0x7BB0];
	v12 =	vmul.f32 v35, v15;
	[tilespmem:s8+$0x7B40] =	vst v8  }
0xc1: {  	v42 =	vld [tilespmem:s8+$0x7BD0];
	v13 =	vmul.f32 v36, v41;
	[tilespmem:s8+$0x7B60] =	vst v10  }
0xc2: {  	v43 =	vld [tilespmem:s8+$0x7BE0];
	v11 =	vmul.f32 v31, v15;
	[tilespmem:s8+$0x7B70] =	vst v12  }
0xc3: {  	v44 =	vld [tilespmem:s8+$0x7BF0];
	v9 =	vmul.f32 v37, v41;
	[tilespmem:s8+$0x7B80] =	vst v13  }
0xc4: {  	v40 =	vld [tilespmem:s8+$0x7BC0];
	v7 =	vmul.f32 v38, v41;
	[tilespmem:s8+$0x7B50] =	vst v11  }
0xc5: {  	v45 =	vld [tilespmem:s8+$0x7C00];
	v8 =	vmul.f32 v39, v41;
	[tilespmem:s8+$0x7B90] =	vst v9  }
0xc6: {  	v46 =	vld [tilespmem:s8+$0x7C10];
	v10 =	vmul.f32 v42, v41;
	[tilespmem:s8+$0x7BA0] =	vst v7  }
0xc7: {  	v47 =	vld [tilespmem:s8+$0x7C20];
	v12 =	vmul.f32 v43, v41;
	[tilespmem:s8+$0x7BB0] =	vst v8  }
0xc8: {  	v49 =	vld [tilespmem:s8+$0x7C40];
	v50 =	vbroadcast v1, $0x4;
	v13 =	vmul.f32 v44, v41;
	[tilespmem:s8+$0x7BD0] =	vst v10  }
0xc9: {  	v51 =	vld [tilespmem:s8+$0x7C50];
	v11 =	vmul.f32 v40, v41;
	[tilespmem:s8+$0x7BE0] =	vst v12  }
0xca: {  	v52 =	vld [tilespmem:s8+$0x7C60];
	v9 =	vmul.f32 v45, v50;
	[tilespmem:s8+$0x7BF0] =	vst v13  }
0xcb: {  	v48 =	vld [tilespmem:s8+$0x7C30];
	v7 =	vmul.f32 v46, v50;
	[tilespmem:s8+$0x7BC0] =	vst v11  }
0xcc: {  	v53 =	vld [tilespmem:s8+$0x7C70];
	v8 =	vmul.f32 v47, v50;
	[tilespmem:s8+$0x7C00] =	vst v9  }
0xcd: {  	v54 =	vld [tilespmem:s8+$0x7C80];
	v10 =	vmul.f32 v49, v50;
	[tilespmem:s8+$0x7C10] =	vst v7  }
0xce: {  	v55 =	vld [tilespmem:s8+$0x7C90];
	v12 =	vmul.f32 v51, v50;
	[tilespmem:s8+$0x7C20] =	vst v8  }
0xcf: {  	v57 =	vld [tilespmem:s8+$0x7CB0];
	v13 =	vmul.f32 v52, v50;
	[tilespmem:s8+$0x7C40] =	vst v10  }
0xd0: {  	v58 =	vld [tilespmem:s8+$0x7CC0];
	v59 =	vbroadcast v1, $0x5;
	v11 =	vmul.f32 v48, v50;
	[tilespmem:s8+$0x7C50] =	vst v12  }
0xd1: {  	v60 =	vld [tilespmem:s8+$0x7CD0];
	v9 =	vmul.f32 v53, v50;
	[tilespmem:s8+$0x7C60] =	vst v13  }
0xd2: {  	v56 =	vld [tilespmem:s8+$0x7CA0];
	v7 =	vmul.f32 v54, v59;
	[tilespmem:s8+$0x7C30] =	vst v11  }
0xd3: {  	v61 =	vld [tilespmem:s8+$0x7CE0];
	v8 =	vmul.f32 v55, v59;
	[tilespmem:s8+$0x7C70] =	vst v9  }
0xd4: {  	v62 =	vld [tilespmem:s8+$0x7CF0];
	v10 =	vmul.f32 v57, v59;
	[tilespmem:s8+$0x7C80] =	vst v7  }
0xd5: {  	v63 =	vld [tilespmem:s8+$0x7D00];
	v12 =	vmul.f32 v58, v59;
	[tilespmem:s8+$0x7C90] =	vst v8  }
0xd6: {  	v19 =	vld [tilespmem:s8+$0x7D20];
	v13 =	vmul.f32 v60, v59;
	[tilespmem:s8+$0x7CB0] =	vst v10  }
0xd7: {  	v20 =	vld [tilespmem:s8+$0x7D30];
	v11 =	vmul.f32 v56, v59;
	[tilespmem:s8+$0x7CC0] =	vst v12  }
0xd8: {  	v21 =	vld [tilespmem:s8+$0x7D40];
	v22 =	vbroadcast v1, $0x6;
	v9 =	vmul.f32 v61, v59;
	[tilespmem:s8+$0x7CD0] =	vst v13  }
0xd9: {  	v18 =	vld [tilespmem:s8+$0x7D10];
	v7 =	vmul.f32 v62, v59;
	[tilespmem:s8+$0x7CA0] =	vst v11  }
0xda: {  	v23 =	vld [tilespmem:s8+$0x7D50];
	v8 =	vmul.f32 v63, v22;
	[tilespmem:s8+$0x7CE0] =	vst v9  }
0xdb: {  	v24 =	vld [tilespmem:s8+$0x7D60];
	v10 =	vmul.f32 v19, v22;
	[tilespmem:s8+$0x7CF0] =	vst v7  }
0xdc: {  	v25 =	vld [tilespmem:s8+$0x7D70];
	v12 =	vmul.f32 v20, v22;
	[tilespmem:s8+$0x7D00] =	vst v8  }
0xdd: {  	v27 =	vld [tilespmem:s8+$0x7D90];
	v13 =	vmul.f32 v21, v22;
	[tilespmem:s8+$0x7D20] =	vst v10  }
0xde: {  	v28 =	vld [tilespmem:s8+$0x7DA0];
	v11 =	vmul.f32 v18, v22;
	[tilespmem:s8+$0x7D30] =	vst v12  }
0xdf: {  	v29 =	vld [tilespmem:s8+$0x7DB0];
	v9 =	vmul.f32 v23, v22;
	[tilespmem:s8+$0x7D40] =	vst v13  }
0xe0: {  	v31 =	vbroadcast v1, $0x7;
	v53 =	vld [tilespmem:s8+$0x7F00];
	v7 =	vmul.f32 v24, v22;
	[tilespmem:s8+$0x7D10] =	vst v11  }
0xe1: {  	v57 =	vld [tilespmem:s8+$0x7F40];
	v8 =	vmul.f32 v25, v22;
	[tilespmem:s8+$0x7D50] =	vst v9  }
0xe2: {  	v58 =	vld [tilespmem:s8+$0x7F50];
	v10 =	vmul.f32 v27, v31;
	[tilespmem:s8+$0x7D60] =	vst v7  }
0xe3: {  	v26 =	vld [tilespmem:s8+$0x7D80];
	v12 =	vmul.f32 v28, v31;
	[tilespmem:s8+$0x7D70] =	vst v8  }
0xe4: {  	v30 =	vld [tilespmem:s8+$0x7DC0];
	v13 =	vmul.f32 v29, v31;
	[tilespmem:s8+$0x7D90] =	vst v10  }
0xe5: {  	v32 =	vld [tilespmem:s8+$0x7DD0];
	v59 =	vmul.f32 v53, v5;
	[tilespmem:s8+$0x7DA0] =	vst v12  }
0xe6: {  	v33 =	vld [tilespmem:s8+$0x7DE0];
	v18 =	vmul.f32 v57, v5;
	[tilespmem:s8+$0x7DB0] =	vst v13  }
0xe7: {  	v35 =	vld [tilespmem:s8+$0x7E00];
	v20 =	vmul.f32 v58, v5;
	[tilespmem:s8+$0x7F00] =	vst v59  }
0xe8: {  	v36 =	vld [tilespmem:s8+$0x7E10];
	v11 =	vmul.f32 v26, v31;
	[tilespmem:s8+$0x7F40] =	vst v18  }
0xe9: {  	v37 =	vld [tilespmem:s8+$0x7E20];
	v9 =	vmul.f32 v30, v31;
	[tilespmem:s8+$0x7F50] =	vst v20  }
0xea: {  	v4 =	vld [tilespmem:s8+$0x7F80];
	v40 =	vbroadcast v1, $0x8;
	v7 =	vmul.f32 v32, v31;
	[tilespmem:s8+$0x7D80] =	vst v11  }
0xeb: {  	v6 =	vld [tilespmem:s8+$0x7F90];
	v8 =	vmul.f32 v33, v31;
	[tilespmem:s8+$0x7DC0] =	vst v9  }
0xec: {  	v3 =	vld [tilespmem:s8+$0x81D0];
	v10 =	vmul.f32 v35, v40;
	[tilespmem:s8+$0x7DD0] =	vst v7  }
0xed: {  	v61 =	vld [tilespmem:s8+$0x7A00];
	v23 =	vbroadcast v1, $0xB;
	v12 =	vmul.f32 v36, v40;
	[tilespmem:s8+$0x7DE0] =	vst v8  }
0xee: {  	v34 =	vld [tilespmem:s8+$0x7DF0];
	v13 =	vmul.f32 v37, v40;
	[tilespmem:s8+$0x7E00] =	vst v10  }
0xef: {  	v38 =	vld [tilespmem:s8+$0x7E30];
	v27 =	vbroadcast v1, $0xF;
	v4 =	vmul.f32 v4, v23;
	[tilespmem:s8+$0x7E10] =	vst v12  }
0xf0: {  	v39 =	vld [tilespmem:s8+$0x7E40];
	v6 =	vmul.f32 v6, v23;
	[tilespmem:s8+$0x7E20] =	vst v13  }
0xf1: {  	v41 =	vld [tilespmem:s8+$0x7E50];
	v3 =	vmul.f32 v3, v27;
	[tilespmem:s8+$0x7F80] =	vst v4  }
0xf2: {  	v43 =	vld [tilespmem:s8+$0x7E70];
	v24 =	vmul.f32 v2, v61;
	[tilespmem:s8+$0x7F90] =	vst v6  }
0xf3: {  	v44 =	vld [tilespmem:s8+$0x7E80];
	v11 =	vmul.f32 v34, v31;
	[tilespmem:s8+$0x81D0] =	vst v3  }
0xf4: {  	v45 =	vld [tilespmem:s8+$0x7E90];
	v9 =	vmul.f32 v38, v40;
	[tilespmem:s8+$0x7A00] =	vst v24  }
0xf5: {  	v63 =	vld [tilespmem:s8+$0x7A40];
	v7 =	vmul.f32 v39, v40;
	[tilespmem:s8+$0x7DF0] =	vst v11  }
0xf6: {  	v49 =	vbroadcast v1, $0x9;
	v29 =	vld [tilespmem:s8+$0x7FF0];
	v8 =	vmul.f32 v41, v40;
	[tilespmem:s8+$0x7E30] =	vst v9  }
0xf7: {  	v42 =	vld [tilespmem:s8+$0x7E60];
	v10 =	vmul.f32 v43, v40;
	[tilespmem:s8+$0x7E40] =	vst v7  }
0xf8: {  	v46 =	vld [tilespmem:s8+$0x7EA0];
	v12 =	vmul.f32 v44, v49;
	[tilespmem:s8+$0x7E50] =	vst v8  }
0xf9: {  	v47 =	vld [tilespmem:s8+$0x7EB0];
	v13 =	vmul.f32 v45, v49;
	[tilespmem:s8+$0x7E70] =	vst v10  }
0xfa: {  	v48 =	vld [tilespmem:s8+$0x7EC0];
	v3 =	vmul.f32 v63, v2;
	[tilespmem:s8+$0x7E80] =	vst v12  }
0xfb: {  	v51 =	vld [tilespmem:s8+$0x7EE0];
	v6 =	vmul.f32 v29, v23;
	[tilespmem:s8+$0x7E90] =	vst v13  }
0xfc: {  	v52 =	vld [tilespmem:s8+$0x7EF0];
	v11 =	vmul.f32 v42, v40;
	[tilespmem:s8+$0x7A40] =	vst v3  }
0xfd: {  	v28 =	vld [tilespmem:s8+$0x7FE0];
	v9 =	vmul.f32 v46, v49;
	[tilespmem:s8+$0x7FF0] =	vst v6  }
0xfe: {  	v26 =	vld [tilespmem:s8+$0x7FD0];
	v7 =	vmul.f32 v47, v49;
	[tilespmem:s8+$0x7E60] =	vst v11  }
0xff: {  	v30 =	vld [tilespmem:s8+$0x8000];
	v8 =	vmul.f32 v48, v49;
	[tilespmem:s8+$0x7EA0] =	vst v9  }
0x100: {  	v50 =	vld [tilespmem:s8+$0x7ED0];
	v10 =	vmul.f32 v51, v49;
	[tilespmem:s8+$0x7EB0] =	vst v7  }
0x101: {  	v54 =	vld [tilespmem:s8+$0x7F10];
	v12 =	vmul.f32 v52, v49;
	[tilespmem:s8+$0x7EC0] =	vst v8  }
0x102: {  	v55 =	vld [tilespmem:s8+$0x7F20];
	v35 =	vbroadcast v1, $0xC;
	v40 =	vmul.f32 v28, v23;
	[tilespmem:s8+$0x7EE0] =	vst v10  }
0x103: {  	v56 =	vld [tilespmem:s8+$0x7F30];
	v32 =	vmul.f32 v26, v23;
	[tilespmem:s8+$0x7EF0] =	vst v12  }
0x104: {  	v60 =	vld [tilespmem:s8+$0x7F60];
	v15 =	vmul.f32 v30, v35;
	[tilespmem:s8+$0x7FE0] =	vst v40  }
0x105: {  	v62 =	vld [tilespmem:s8+$0x7A10];
	v11 =	vmul.f32 v50, v49;
	[tilespmem:s8+$0x7FD0] =	vst v32  }
0x106: {  	v19 =	vld [tilespmem:s8+$0x7A50];
	v9 =	vmul.f32 v54, v5;
	[tilespmem:s8+$0x8000] =	vst v15  }
0x107: {  	v33 =	vld [tilespmem:s8+$0x8030];
	v7 =	vmul.f32 v55, v5;
	[tilespmem:s8+$0x7ED0] =	vst v11  }
0x108: {  	v61 =	vld [tilespmem:s8+$0x81F0];
	v8 =	vmul.f32 v56, v5;
	[tilespmem:s8+$0x7F10] =	vst v9  }
0x109: {  	v38 =	vld [tilespmem:s8+$0x8070];
	v5 =	vmul.f32 v60, v5;
	[tilespmem:s8+$0x7F20] =	vst v7  }
0x10a: {  	v21 =	vld [tilespmem:s8+$0x7FA0];
	v12 =	vmul.f32 v62, v2;
	[tilespmem:s8+$0x7F30] =	vst v8  }
0x10b: {  	v22 =	vld [tilespmem:s8+$0x7FB0];
	v2 =	vmul.f32 v19, v2;
	[tilespmem:s8+$0x7F60] =	vst v5  }
0x10c: {  	v25 =	vld [tilespmem:s8+$0x7FC0];
	v62 =	vmul.f32 v33, v35;
	[tilespmem:s8+$0x7A10] =	vst v12  }
0x10d: {  	v31 =	vld [tilespmem:s8+$0x8010];
	v63 =	vmul.f32 v61, v27;
	[tilespmem:s8+$0x7A50] =	vst v2  }
0x10e: {  	v34 =	vld [tilespmem:s8+$0x8040];
	v15 =	vmul.f32 v38, v35;
	[tilespmem:s8+$0x8030] =	vst v62  }
0x10f: {  	v41 =	vld [tilespmem:s8+$0x80A0];
	v7 =	vmul.f32 v21, v23;
	[tilespmem:s8+$0x81F0] =	vst v63  }
0x110: {  	v46 =	vld [tilespmem:s8+$0x80E0];
	v8 =	vmul.f32 v22, v23;
	[tilespmem:s8+$0x8070] =	vst v15  }
0x111: {  	v36 =	vld [tilespmem:s8+$0x8050];
	v5 =	vmul.f32 v25, v23;
	[tilespmem:s8+$0x7FA0] =	vst v7  }
0x112: {  	v44 =	vbroadcast v1, $0xD;
	v9 =	vmul.f32 v31, v35;
	v2 =	vld [tilespmem:s8+$0x8090];
	[tilespmem:s8+$0x7FB0] =	vst v8  }
0x113: {  	v37 =	vld [tilespmem:s8+$0x8060];
	v12 =	vmul.f32 v34, v35;
	[tilespmem:s8+$0x7FC0] =	vst v5  }
0x114: {  	v39 =	vld [tilespmem:s8+$0x8080];
	v11 =	vmul.f32 v41, v44;
	[tilespmem:s8+$0x8010] =	vst v9  }
0x115: {  	v42 =	vld [tilespmem:s8+$0x80B0];
	v51 =	vmul.f32 v46, v44;
	[tilespmem:s8+$0x8040] =	vst v12  }
0x116: {  	v48 =	vld [tilespmem:s8+$0x8110];
	v8 =	vmul.f32 v36, v35;
	[tilespmem:s8+$0x80A0] =	vst v11  }
0x117: {  	v49 =	vld [tilespmem:s8+$0x8120];
	[tilespmem:s8+$0x80E0] =	vst v51;
	v2 =	vmul.f32 v2, v44  }
0x118: {  	v50 =	vld [tilespmem:s8+$0x8130];
	v5 =	vmul.f32 v37, v35;
	[tilespmem:s8+$0x8050] =	vst v8  }
0x119: {  	v1 =	vbroadcast v1, $0xE;
	v9 =	vmul.f32 v39, v44;
	[tilespmem:s8+$0x8090] =	vst v2;
	v2 =	vld [tilespmem:s8+$0x8100]  }
0x11a: {  	v60 =	vld [tilespmem:s8+$0x81E0];
	v12 =	vmul.f32 v42, v44;
	[tilespmem:s8+$0x8060] =	vst v5  }
0x11b: {  	v45 =	vld [tilespmem:s8+$0x80D0];
	v11 =	vmul.f32 v48, v1;
	[tilespmem:s8+$0x8080] =	vst v9  }
0x11c: {  	v47 =	vld [tilespmem:s8+$0x80F0];
	v10 =	vmul.f32 v49, v1;
	[tilespmem:s8+$0x80B0] =	vst v12  }
0x11d: {  	v43 =	vld [tilespmem:s8+$0x80C0];
	v6 =	vmul.f32 v50, v1;
	[tilespmem:s8+$0x8110] =	vst v11  }
0x11e: {  	v55 =	vld [tilespmem:s8+$0x8180];
	[tilespmem:s8+$0x8120] =	vst v10;
	v2 =	vmul.f32 v2, v1  }
0x11f: {  	v57 =	vld [tilespmem:s8+$0x81A0];
	v4 =	vmul.f32 v60, v27;
	[tilespmem:s8+$0x8130] =	vst v6  }
0x120: {  	v5 =	vmul.f32 v45, v44;
	[tilespmem:s8+$0x8100] =	vst v2;
	v2 =	vld [tilespmem:s8+$0x8170]  }
0x121: {  	v52 =	vld [tilespmem:s8+$0x8140];
	v9 =	vmul.f32 v47, v44;
	[tilespmem:s8+$0x81E0] =	vst v4  }
0x122: {  	v56 =	vld [tilespmem:s8+$0x8190];
	v8 =	vmul.f32 v43, v44;
	[tilespmem:s8+$0x80D0] =	vst v5  }
0x123: {  	v54 =	vld [tilespmem:s8+$0x8160];
	v11 =	vmul.f32 v55, v27;
	[tilespmem:s8+$0x80F0] =	vst v9  }
0x124: {  	v58 =	vld [tilespmem:s8+$0x81B0];
	v6 =	vmul.f32 v57, v27;
	[tilespmem:s8+$0x80C0] =	vst v8  }
0x125: {  	v53 =	vld [tilespmem:s8+$0x8150];
	[tilespmem:s8+$0x8180] =	vst v11;
	v2 =	vmul.f32 v2, v1  }
0x126: {  	v59 =	vld [tilespmem:s8+$0x81C0];
	v5 =	vmul.f32 v52, v1;
	[tilespmem:s8+$0x81A0] =	vst v6  }
0x127: {  	[tilespmem:s8+$0x8170] =	vst v2;
	v2 =	vmul.f32 v56, v27  }
0x128: {  	v3 =	vld [tilespmem:s8+$0x8020];
	v9 =	vmul.f32 v54, v1;
	[tilespmem:s8+$0x8140] =	vst v5  }
0x129: {  	[tilespmem:s8+$0x8190] =	vst v2;
	v2 =	vmul.f32 v58, v27  }
0x12a: {  	[tilespmem:s8+$0x8160] =	vst v9;
	v1 =	vmul.f32 v53, v1  }
0x12b: {  	[tilespmem:s8+$0x81B0] =	vst v2;
	v2 =	vmul.f32 v59, v27  }
0x12c: {  	[tilespmem:s8+$0x8150] =	vst v1  }
0x12d: {  	s9 =	simm.s32 $0x1;
	[tilespmem:s8+$0x81C0] =	vst v2;
	v2 =	vmul.f32 v3, v35  }
.LBB2_7:
0x12e: {  	s10 =	sshll.u32 s9, $0x4  }
0x12f: {  	p0 =	sne.s32 s9, $0x4;
	[tilespmem:s8+$0x8020] =	vst v2;
	s8 =	smov.u32 s9;
	s9 =	sadd.s32 $0x1, s9  }
0x130: {  	s10 =	sand.u32 $0x3FFFFFF0, s10  }
0x131: {  	s8 =	sshll.u32 s8, $0xB;
	v1 =	vld [tilespmem:s10+$0x7980]  }
0x132: {  	s8 =	sand.u32 $0x3FFFF800, s8  }
0x133: {  	v8 =	vld [tilespmem:s8+$0x7AC0]  }
0x134: {  	v9 =	vld [tilespmem:s8+$0x7AD0]  }
0x135: {  	v10 =	vld [tilespmem:s8+$0x7AB0]  }
0x136: {  	v2 =	vbroadcast v1, $0x0;
	v3 =	vld [tilespmem:s8+$0x7A20];
	v7 =	vbroadcast v1, $0x4  }
0x137: {  	v5 =	vld [tilespmem:s8+$0x7A30]  }
0x138: {  	v6 =	vld [tilespmem:s8+$0x7F70]  }
0x139: {  	v11 =	vld [tilespmem:s8+$0x7A60]  }
0x13a: {  	v12 =	vld [tilespmem:s8+$0x7A70]  }
0x13b: {  	v4 =	vbroadcast v1, $0xA;
	v3 =	vmul.f32 v3, v2;
	v13 =	vld [tilespmem:s8+$0x7A80]  }
0x13c: {  	v5 =	vmul.f32 v5, v2;
	v14 =	vld [tilespmem:s8+$0x7A90]  }
0x13d: {  	[tilespmem:s8+$0x7A20] =	vst v3;
	v15 =	vld [tilespmem:s8+$0x7AA0];
	v3 =	vmul.f32 v6, v4  }
0x13e: {  	[tilespmem:s8+$0x7A30] =	vst v5;
	v6 =	vmul.f32 v11, v2;
	v11 =	vbroadcast v1, $0x1;
	v5 =	vld [tilespmem:s8+$0x7F80]  }
0x13f: {  	v12 =	vmul.f32 v12, v2;
	[tilespmem:s8+$0x7F70] =	vst v3;
	v3 =	vld [tilespmem:s8+$0x81D0]  }
0x140: {  	[tilespmem:s8+$0x7A60] =	vst v6;
	v13 =	vmul.f32 v13, v11;
	v6 =	vld [tilespmem:s8+$0x7F90]  }
0x141: {  	[tilespmem:s8+$0x7A70] =	vst v12;
	v12 =	vmul.f32 v14, v11;
	v14 =	vld [tilespmem:s8+$0x7AE0]  }
0x142: {  	[tilespmem:s8+$0x7A80] =	vst v13;
	v13 =	vmul.f32 v15, v11;
	v15 =	vld [tilespmem:s8+$0x7AF0]  }
0x143: {  	v10 =	vmul.f32 v10, v11;
	[tilespmem:s8+$0x7A90] =	vst v12;
	v12 =	vld [tilespmem:s8+$0x7B00]  }
0x144: {  	v8 =	vmul.f32 v8, v11;
	[tilespmem:s8+$0x7AA0] =	vst v13;
	v13 =	vld [tilespmem:s8+$0x7B10]  }
0x145: {  	v9 =	vmul.f32 v9, v11;
	[tilespmem:s8+$0x7AB0] =	vst v10;
	v10 =	vld [tilespmem:s8+$0x7B20]  }
0x146: {  	[tilespmem:s8+$0x7AC0] =	vst v8;
	v8 =	vmul.f32 v14, v11;
	v14 =	vbroadcast v1, $0x2;
	v16 =	vld [tilespmem:s8+$0x7B30]  }
0x147: {  	[tilespmem:s8+$0x7AD0] =	vst v9;
	v9 =	vmul.f32 v15, v11;
	v11 =	vld [tilespmem:s8+$0x7B40]  }
0x148: {  	[tilespmem:s8+$0x7AE0] =	vst v8;
	v8 =	vmul.f32 v12, v14;
	v12 =	vld [tilespmem:s8+$0x7B50]  }
0x149: {  	[tilespmem:s8+$0x7AF0] =	vst v9;
	v9 =	vmul.f32 v13, v14;
	v13 =	vld [tilespmem:s8+$0x7B60]  }
0x14a: {  	[tilespmem:s8+$0x7B00] =	vst v8;
	v8 =	vmul.f32 v10, v14;
	v10 =	vld [tilespmem:s8+$0x7B70]  }
0x14b: {  	[tilespmem:s8+$0x7B10] =	vst v9;
	v9 =	vmul.f32 v16, v14;
	v15 =	vld [tilespmem:s8+$0x7B80]  }
0x14c: {  	[tilespmem:s8+$0x7B20] =	vst v8;
	v8 =	vmul.f32 v11, v14;
	v11 =	vld [tilespmem:s8+$0x7B90]  }
0x14d: {  	[tilespmem:s8+$0x7B30] =	vst v9;
	v9 =	vmul.f32 v12, v14;
	v12 =	vld [tilespmem:s8+$0x7BA0]  }
0x14e: {  	[tilespmem:s8+$0x7B40] =	vst v8;
	v8 =	vmul.f32 v13, v14;
	v13 =	vbroadcast v1, $0x3;
	v16 =	vld [tilespmem:s8+$0x7BB0]  }
0x14f: {  	[tilespmem:s8+$0x7B50] =	vst v9;
	v9 =	vmul.f32 v10, v14;
	v10 =	vld [tilespmem:s8+$0x7BC0]  }
0x150: {  	[tilespmem:s8+$0x7B60] =	vst v8;
	v8 =	vmul.f32 v15, v13;
	v14 =	vld [tilespmem:s8+$0x7BD0]  }
0x151: {  	[tilespmem:s8+$0x7B70] =	vst v9;
	v9 =	vmul.f32 v11, v13;
	v11 =	vld [tilespmem:s8+$0x7BE0]  }
0x152: {  	[tilespmem:s8+$0x7B80] =	vst v8;
	v8 =	vmul.f32 v12, v13;
	v12 =	vld [tilespmem:s8+$0x7BF0]  }
0x153: {  	[tilespmem:s8+$0x7B90] =	vst v9;
	v9 =	vmul.f32 v16, v13;
	v15 =	vld [tilespmem:s8+$0x7C00]  }
0x154: {  	[tilespmem:s8+$0x7BA0] =	vst v8;
	v8 =	vmul.f32 v10, v13;
	v10 =	vld [tilespmem:s8+$0x7C10]  }
0x155: {  	[tilespmem:s8+$0x7BB0] =	vst v9;
	v9 =	vmul.f32 v14, v13;
	v14 =	vld [tilespmem:s8+$0x7C20]  }
0x156: {  	[tilespmem:s8+$0x7BC0] =	vst v8;
	v8 =	vmul.f32 v11, v13;
	v11 =	vld [tilespmem:s8+$0x7C30]  }
0x157: {  	[tilespmem:s8+$0x7BD0] =	vst v9;
	v9 =	vmul.f32 v12, v13;
	v12 =	vld [tilespmem:s8+$0x7C40]  }
0x158: {  	[tilespmem:s8+$0x7BE0] =	vst v8;
	v8 =	vmul.f32 v15, v7;
	v13 =	vld [tilespmem:s8+$0x7C50]  }
0x159: {  	[tilespmem:s8+$0x7BF0] =	vst v9;
	v9 =	vmul.f32 v10, v7;
	v10 =	vld [tilespmem:s8+$0x7C60]  }
0x15a: {  	[tilespmem:s8+$0x7C00] =	vst v8;
	v8 =	vmul.f32 v14, v7;
	v14 =	vld [tilespmem:s8+$0x7C70]  }
0x15b: {  	[tilespmem:s8+$0x7C10] =	vst v9;
	v9 =	vmul.f32 v11, v7;
	v11 =	vld [tilespmem:s8+$0x7C80]  }
0x15c: {  	[tilespmem:s8+$0x7C20] =	vst v8;
	v8 =	vmul.f32 v12, v7;
	v12 =	vld [tilespmem:s8+$0x7C90]  }
0x15d: {  	[tilespmem:s8+$0x7C30] =	vst v9;
	v9 =	vmul.f32 v13, v7;
	v13 =	vld [tilespmem:s8+$0x7CA0]  }
0x15e: {  	[tilespmem:s8+$0x7C40] =	vst v8;
	v8 =	vmul.f32 v10, v7;
	v10 =	vbroadcast v1, $0x5;
	v15 =	vld [tilespmem:s8+$0x7CB0]  }
0x15f: {  	[tilespmem:s8+$0x7C50] =	vst v9;
	v7 =	vmul.f32 v14, v7;
	v9 =	vld [tilespmem:s8+$0x7CC0]  }
0x160: {  	[tilespmem:s8+$0x7C60] =	vst v8;
	v8 =	vmul.f32 v11, v10;
	v11 =	vld [tilespmem:s8+$0x7CD0]  }
0x161: {  	[tilespmem:s8+$0x7C70] =	vst v7;
	v7 =	vmul.f32 v12, v10;
	v12 =	vld [tilespmem:s8+$0x7CE0]  }
0x162: {  	[tilespmem:s8+$0x7C80] =	vst v8;
	v8 =	vmul.f32 v13, v10;
	v13 =	vld [tilespmem:s8+$0x7CF0]  }
0x163: {  	[tilespmem:s8+$0x7C90] =	vst v7;
	v7 =	vmul.f32 v15, v10;
	v14 =	vld [tilespmem:s8+$0x7D00]  }
0x164: {  	[tilespmem:s8+$0x7CA0] =	vst v8;
	v8 =	vmul.f32 v9, v10;
	v9 =	vld [tilespmem:s8+$0x7D10]  }
0x165: {  	[tilespmem:s8+$0x7CB0] =	vst v7;
	v7 =	vmul.f32 v11, v10;
	v11 =	vld [tilespmem:s8+$0x7D20]  }
0x166: {  	[tilespmem:s8+$0x7CC0] =	vst v8;
	v8 =	vmul.f32 v12, v10;
	v12 =	vbroadcast v1, $0x6;
	v15 =	vld [tilespmem:s8+$0x7D30]  }
0x167: {  	[tilespmem:s8+$0x7CD0] =	vst v7;
	v7 =	vmul.f32 v13, v10;
	v10 =	vld [tilespmem:s8+$0x7D40]  }
0x168: {  	[tilespmem:s8+$0x7CE0] =	vst v8;
	v8 =	vmul.f32 v14, v12;
	v13 =	vld [tilespmem:s8+$0x7D50]  }
0x169: {  	[tilespmem:s8+$0x7CF0] =	vst v7;
	v7 =	vmul.f32 v9, v12;
	v9 =	vld [tilespmem:s8+$0x7D60]  }
0x16a: {  	[tilespmem:s8+$0x7D00] =	vst v8;
	v8 =	vmul.f32 v11, v12;
	v11 =	vld [tilespmem:s8+$0x7D70]  }
0x16b: {  	[tilespmem:s8+$0x7D10] =	vst v7;
	v7 =	vmul.f32 v15, v12;
	v14 =	vld [tilespmem:s8+$0x7D80]  }
0x16c: {  	[tilespmem:s8+$0x7D20] =	vst v8;
	v8 =	vmul.f32 v10, v12;
	v10 =	vld [tilespmem:s8+$0x7D90]  }
0x16d: {  	[tilespmem:s8+$0x7D30] =	vst v7;
	v7 =	vmul.f32 v13, v12;
	v13 =	vld [tilespmem:s8+$0x7DA0]  }
0x16e: {  	[tilespmem:s8+$0x7D40] =	vst v8;
	v8 =	vmul.f32 v9, v12;
	v9 =	vbroadcast v1, $0x7;
	v15 =	vld [tilespmem:s8+$0x7DB0]  }
0x16f: {  	[tilespmem:s8+$0x7D50] =	vst v7;
	v7 =	vmul.f32 v11, v12;
	v11 =	vld [tilespmem:s8+$0x7DC0]  }
0x170: {  	[tilespmem:s8+$0x7D60] =	vst v8;
	v8 =	vmul.f32 v14, v9;
	v12 =	vld [tilespmem:s8+$0x7DD0]  }
0x171: {  	[tilespmem:s8+$0x7D70] =	vst v7;
	v7 =	vmul.f32 v10, v9;
	v10 =	vld [tilespmem:s8+$0x7DE0]  }
0x172: {  	[tilespmem:s8+$0x7D80] =	vst v8;
	v8 =	vmul.f32 v13, v9;
	v13 =	vld [tilespmem:s8+$0x7DF0]  }
0x173: {  	[tilespmem:s8+$0x7D90] =	vst v7;
	v7 =	vmul.f32 v15, v9;
	v14 =	vld [tilespmem:s8+$0x7E00]  }
0x174: {  	[tilespmem:s8+$0x7DA0] =	vst v8;
	v8 =	vmul.f32 v11, v9;
	v11 =	vld [tilespmem:s8+$0x7E10]  }
0x175: {  	[tilespmem:s8+$0x7DB0] =	vst v7;
	v7 =	vmul.f32 v12, v9;
	v12 =	vld [tilespmem:s8+$0x7E20]  }
0x176: {  	[tilespmem:s8+$0x7DC0] =	vst v8;
	v8 =	vmul.f32 v10, v9;
	v10 =	vbroadcast v1, $0x8;
	v15 =	vld [tilespmem:s8+$0x7E30]  }
0x177: {  	[tilespmem:s8+$0x7DD0] =	vst v7;
	v7 =	vmul.f32 v13, v9;
	v9 =	vld [tilespmem:s8+$0x7E40]  }
0x178: {  	[tilespmem:s8+$0x7DE0] =	vst v8;
	v8 =	vmul.f32 v14, v10;
	v13 =	vld [tilespmem:s8+$0x7E50]  }
0x179: {  	[tilespmem:s8+$0x7DF0] =	vst v7;
	v7 =	vmul.f32 v11, v10;
	v11 =	vld [tilespmem:s8+$0x7E60]  }
0x17a: {  	[tilespmem:s8+$0x7E00] =	vst v8;
	v8 =	vmul.f32 v12, v10;
	v12 =	vld [tilespmem:s8+$0x7E70]  }
0x17b: {  	[tilespmem:s8+$0x7E10] =	vst v7;
	v7 =	vmul.f32 v15, v10;
	v14 =	vld [tilespmem:s8+$0x7E80]  }
0x17c: {  	[tilespmem:s8+$0x7E20] =	vst v8;
	v8 =	vmul.f32 v9, v10;
	v9 =	vld [tilespmem:s8+$0x7E90]  }
0x17d: {  	[tilespmem:s8+$0x7E30] =	vst v7;
	v7 =	vmul.f32 v13, v10;
	v13 =	vld [tilespmem:s8+$0x7EA0]  }
0x17e: {  	[tilespmem:s8+$0x7E40] =	vst v8;
	v8 =	vmul.f32 v11, v10;
	v11 =	vbroadcast v1, $0x9;
	v15 =	vld [tilespmem:s8+$0x7EB0]  }
0x17f: {  	[tilespmem:s8+$0x7E50] =	vst v7;
	v7 =	vmul.f32 v12, v10;
	v10 =	vld [tilespmem:s8+$0x7EC0]  }
0x180: {  	[tilespmem:s8+$0x7E60] =	vst v8;
	v8 =	vmul.f32 v14, v11;
	v12 =	vld [tilespmem:s8+$0x7ED0]  }
0x181: {  	[tilespmem:s8+$0x7E70] =	vst v7;
	v7 =	vmul.f32 v9, v11;
	v9 =	vld [tilespmem:s8+$0x7EE0]  }
0x182: {  	[tilespmem:s8+$0x7E80] =	vst v8;
	v8 =	vmul.f32 v13, v11;
	v13 =	vld [tilespmem:s8+$0x7EF0]  }
0x183: {  	[tilespmem:s8+$0x7E90] =	vst v7;
	v7 =	vmul.f32 v15, v11;
	v14 =	vld [tilespmem:s8+$0x7F00]  }
0x184: {  	[tilespmem:s8+$0x7EA0] =	vst v8;
	v8 =	vmul.f32 v10, v11;
	v10 =	vld [tilespmem:s8+$0x7F10]  }
0x185: {  	[tilespmem:s8+$0x7EB0] =	vst v7;
	v7 =	vmul.f32 v12, v11;
	v12 =	vld [tilespmem:s8+$0x7F20]  }
0x186: {  	[tilespmem:s8+$0x7EC0] =	vst v8;
	v8 =	vmul.f32 v9, v11;
	v9 =	vld [tilespmem:s8+$0x7F30]  }
0x187: {  	[tilespmem:s8+$0x7ED0] =	vst v7;
	v7 =	vmul.f32 v13, v11;
	v11 =	vld [tilespmem:s8+$0x7F40]  }
0x188: {  	[tilespmem:s8+$0x7EE0] =	vst v8;
	v8 =	vmul.f32 v14, v4;
	v13 =	vld [tilespmem:s8+$0x7F50]  }
0x189: {  	[tilespmem:s8+$0x7EF0] =	vst v7;
	v7 =	vmul.f32 v10, v4;
	v10 =	vld [tilespmem:s8+$0x7F60]  }
0x18a: {  	v14 =	vld [tilespmem:s8+$0x7A00];
	[tilespmem:s8+$0x7F00] =	vst v8;
	v8 =	vmul.f32 v12, v4  }
0x18b: {  	v12 =	vld [tilespmem:s8+$0x7A10];
	[tilespmem:s8+$0x7F10] =	vst v7;
	v7 =	vmul.f32 v9, v4  }
0x18c: {  	v9 =	vld [tilespmem:s8+$0x7A40];
	[tilespmem:s8+$0x7F20] =	vst v8;
	v8 =	vmul.f32 v11, v4  }
0x18d: {  	v11 =	vld [tilespmem:s8+$0x7A50];
	[tilespmem:s8+$0x7F30] =	vst v7;
	v7 =	vmul.f32 v13, v4  }
0x18e: {  	[tilespmem:s8+$0x7F40] =	vst v8;
	v8 =	vmul.f32 v10, v4;
	v10 =	vbroadcast v1, $0xB;
	v13 =	vld [tilespmem:s8+$0x7FA0]  }
0x18f: {  	v4 =	vbroadcast v1, $0xF;
	v14 =	vmul.f32 v2, v14;
	[tilespmem:s8+$0x7F50] =	vst v7;
	v7 =	vld [tilespmem:s8+$0x7FB0]  }
0x190: {  	v12 =	vmul.f32 v12, v2;
	[tilespmem:s8+$0x7F60] =	vst v8;
	v5 =	vmul.f32 v5, v10;
	v8 =	vld [tilespmem:s8+$0x7FC0]  }
0x191: {  	v6 =	vmul.f32 v6, v10;
	[tilespmem:s8+$0x7A00] =	vst v14;
	v9 =	vmul.f32 v9, v2;
	v14 =	vld [tilespmem:s8+$0x7FD0]  }
0x192: {  	v3 =	vmul.f32 v3, v4;
	v11 =	vmul.f32 v11, v2;
	[tilespmem:s8+$0x7F80] =	vst v5;
	v2 =	vld [tilespmem:s8+$0x7FE0]  }
0x193: {  	[tilespmem:s8+$0x7F90] =	vst v6;
	v5 =	vmul.f32 v13, v10;
	v6 =	vld [tilespmem:s8+$0x7FF0]  }
0x194: {  	v7 =	vmul.f32 v7, v10;
	v13 =	vld [tilespmem:s8+$0x8000];
	[tilespmem:s8+$0x81D0] =	vst v3  }
0x195: {  	[tilespmem:s8+$0x7A10] =	vst v12;
	v3 =	vmul.f32 v8, v10;
	v8 =	vld [tilespmem:s8+$0x8010]  }
0x196: {  	[tilespmem:s8+$0x7A40] =	vst v9;
	v9 =	vmul.f32 v14, v10;
	v12 =	vld [tilespmem:s8+$0x8020]  }
0x197: {  	v14 =	vbroadcast v1, $0xC;
	[tilespmem:s8+$0x7FA0] =	vst v5;
	v5 =	vmul.f32 v2, v10;
	v15 =	vld [tilespmem:s8+$0x8030]  }
0x198: {  	[tilespmem:s8+$0x7FD0] =	vst v9;
	v6 =	vmul.f32 v6, v10;
	v9 =	vld [tilespmem:s8+$0x8040]  }
0x199: {  	[tilespmem:s8+$0x7FB0] =	vst v7;
	v2 =	vmul.f32 v13, v14;
	v7 =	vld [tilespmem:s8+$0x8050]  }
0x19a: {  	[tilespmem:s8+$0x7FC0] =	vst v3;
	v3 =	vmul.f32 v8, v14;
	v8 =	vld [tilespmem:s8+$0x8060]  }
0x19b: {  	[tilespmem:s8+$0x8000] =	vst v2;
	v2 =	vmul.f32 v12, v14;
	v10 =	vld [tilespmem:s8+$0x8070]  }
0x19c: {  	[tilespmem:s8+$0x8010] =	vst v3;
	v3 =	vld [tilespmem:s8+$0x8080]  }
0x19d: {  	[tilespmem:s8+$0x7A50] =	vst v11;
	v9 =	vmul.f32 v9, v14;
	v11 =	vld [tilespmem:s8+$0x8090]  }
0x19e: {  	[tilespmem:s8+$0x7FE0] =	vst v5;
	v5 =	vmul.f32 v7, v14;
	v7 =	vld [tilespmem:s8+$0x80A0]  }
0x19f: {  	[tilespmem:s8+$0x8040] =	vst v9;
	v8 =	vmul.f32 v8, v14;
	v9 =	vbroadcast v1, $0xD;
	v12 =	vld [tilespmem:s8+$0x80B0]  }
0x1a0: {  	[tilespmem:s8+$0x8050] =	vst v5;
	v5 =	vmul.f32 v10, v14;
	v10 =	vld [tilespmem:s8+$0x80C0]  }
0x1a1: {  	[tilespmem:s8+$0x8060] =	vst v8;
	v3 =	vmul.f32 v3, v9;
	v8 =	vld [tilespmem:s8+$0x80D0]  }
0x1a2: {  	[tilespmem:s8+$0x8070] =	vst v5;
	v5 =	vmul.f32 v11, v9;
	v11 =	vld [tilespmem:s8+$0x80E0]  }
0x1a3: {  	[tilespmem:s8+$0x8080] =	vst v3;
	v3 =	vmul.f32 v7, v9;
	v7 =	vld [tilespmem:s8+$0x80F0]  }
0x1a4: {  	[tilespmem:s8+$0x8090] =	vst v5;
	v5 =	vmul.f32 v12, v9;
	v12 =	vld [tilespmem:s8+$0x8100]  }
0x1a5: {  	[tilespmem:s8+$0x80A0] =	vst v3;
	v3 =	vmul.f32 v10, v9;
	v10 =	vld [tilespmem:s8+$0x8110]  }
0x1a6: {  	[tilespmem:s8+$0x80B0] =	vst v5;
	v5 =	vmul.f32 v8, v9;
	v8 =	vld [tilespmem:s8+$0x8120]  }
0x1a7: {  	v1 =	vbroadcast v1, $0xE;
	[tilespmem:s8+$0x7FF0] =	vst v6;
	v6 =	vmul.f32 v11, v9;
	v11 =	vld [tilespmem:s8+$0x8130]  }
0x1a8: {  	[tilespmem:s8+$0x80D0] =	vst v5;
	v5 =	vmul.f32 v7, v9;
	v7 =	vld [tilespmem:s8+$0x8140]  }
0x1a9: {  	[tilespmem:s8+$0x80E0] =	vst v6;
	v6 =	vmul.f32 v12, v1;
	v9 =	vld [tilespmem:s8+$0x8150]  }
0x1aa: {  	[tilespmem:s8+$0x80F0] =	vst v5;
	v5 =	vmul.f32 v10, v1;
	v10 =	vld [tilespmem:s8+$0x8160]  }
0x1ab: {  	[tilespmem:s8+$0x8100] =	vst v6;
	v6 =	vmul.f32 v8, v1;
	v8 =	vld [tilespmem:s8+$0x8170]  }
0x1ac: {  	[tilespmem:s8+$0x8110] =	vst v5;
	v5 =	vmul.f32 v11, v1;
	v11 =	vld [tilespmem:s8+$0x8180]  }
0x1ad: {  	[tilespmem:s8+$0x8120] =	vst v6;
	v6 =	vmul.f32 v7, v1;
	v7 =	vld [tilespmem:s8+$0x8190]  }
0x1ae: {  	[tilespmem:s8+$0x8130] =	vst v5;
	v5 =	vmul.f32 v9, v1;
	v9 =	vld [tilespmem:s8+$0x81A0]  }
0x1af: {  	[tilespmem:s8+$0x8140] =	vst v6;
	v6 =	vmul.f32 v10, v1;
	v10 =	vld [tilespmem:s8+$0x81B0]  }
0x1b0: {  	[tilespmem:s8+$0x80C0] =	vst v3;
	v1 =	vmul.f32 v8, v1;
	v3 =	vld [tilespmem:s8+$0x81C0]  }
0x1b1: {  	[tilespmem:s8+$0x8160] =	vst v6;
	v6 =	vmul.f32 v11, v4;
	v8 =	vld [tilespmem:s8+$0x81E0]  }
0x1b2: {  	[tilespmem:s8+$0x8170] =	vst v1;
	v1 =	vmul.f32 v7, v4;
	v7 =	vld [tilespmem:s8+$0x81F0]  }
0x1b3: {  	[tilespmem:s8+$0x8180] =	vst v6;
	v6 =	vmul.f32 v9, v4  }
0x1b4: {  	[tilespmem:s8+$0x8190] =	vst v1;
	v1 =	vmul.f32 v10, v4  }
0x1b5: {  	v9 =	vmul.f32 v15, v14;
	[tilespmem:s8+$0x81A0] =	vst v6  }
0x1b6: {  	[tilespmem:s8+$0x81B0] =	vst v1;
	v1 =	vmul.f32 v3, v4  }
.Ltmp2:
0x1b7: {  	[tilespmem:s8+$0x8030] =	vst v9;
	v3 =	vmul.f32 v7, v4;
	(pc) =	sbr.rel @p0 .LBB2_7-.Ltmp2, $4  }
0x1b8: {  	[tilespmem:s8+$0x81C0] =	vst v1  }
0x1b9: {  	v1 =	vmul.f32 v8, v4;
	[tilespmem:s8+$0x81F0] =	vst v3  }
0x1ba: {  	[tilespmem:s8+$0x8150] =	vst v5  }
0x1bb: {  	[tilespmem:s8+$0x81E0] =	vst v1  }
0x1bc: {  	s3 =	sadd.s32 $0x1, s3  }
0x1bd: {  	p0 =	sne.s32 s3, $0x7D  }
.Ltmp3:
0x1be: {  	[tilespmem:s8+$0x8020] =	vst v2;
	(pc) =	sbr.rel @p0 .LBB2_6-.Ltmp3, $4  }
0x1bf: {  	[spmem:s1] =	stream.indirect.scatter.add.f32 [tilespmem:s20], [sflag:$0x2], $0x80, s25, s28, $0xb8;
	[tilespmem:$0x1E200] =	vst v63  }
0x1c0: {  	_ =	swait.ge [sflag:s31], $0x2800  }
0x1c1: {  	[sflag:s31] =	ssyncset.done $0x0  }
0x1c2: {  	[sflag:s31] =	ssyncadd.s32 $0xFFFFD800  }
0x1c3: {  	s2 =	stileid.u32  }
0x1c4: {  	s2 =	sshll.u32 s2, $0x6  }
0x1c5: {  	[bflag:$0x0] =	sbarrier.arrive $0xFFFF;
	s3 =	sshrl.u32 s7, $0x3;
	s2 =	sor.u32 $0x1C03, s2  }
0x1c6: {  	[hbm:s24], [sflag:s2] =	dma.local [spmem:s3], $0x2800  }
0x1c7: {  	s0 =	sadd.s32 $0x1, s0;
	_ =	swait.ge [sflag:s21], $0x2800  }
0x1c8: {  	p0 =	sne.s32 s0, s19;
	[sflag:s21] =	ssyncset.done $0x0  }
.Ltmp4:
0x1c9: {  	s10 =	simm.s32 $0x0;
	[sflag:s21] =	ssyncadd.s32 $0xFFFFD800;
	(pc) =	sbr.rel @p0 .LBB2_1-.Ltmp4, $4  }
0x1ca: {  	[hbm4b:s18+s10] =	stream.linear.scatter [tilespmem:s26], [sflag:$0x3], $0x2800, $0x38;
	[tilespmem:$0x1E200] =	vst v63  }
0x1cb: {  	_ =	swait.ge [sflag:s21], $0x2800  }
0x1cc: {  	[sflag:s21] =	ssyncset.done $0x0  }
0x1cd: {  	[sflag:s21] =	ssyncadd.s32 $0xFFFFD800  }
0x1ce: {  	_ =	sfence.sel $0x180000  }
0x1cf: {  	[bflag:$0x0] =	sbarrier.arrive $0xFFFF  }
0x1d0: {  	_ =	strace $0x9000004A  }
0x1d1: {  	s0 =	stileid.u32;
	[bflag:$0x2] =	sbarrier.arrive $0xFFFF  }
0x1d2: {  	p0 =	sne.s32 s0, $0x0;
	s0 =	rddreg [dreg:$0x3]  }
0x1d3: {  	s0 =	sadd.s32 @!p0 $0x100000, s0  }
0x1d4: {  	[sflag:s0] =	ssyncadd.tile.s32 @!p0 $0x1;
	_ =	shalt  }
.Lfunc_end2:
_tile_overlayer_lowered:
.L_overlay_start_2:
0x1d5: {  	(tag) =	ssettag $0x2  }
0x1d6: {  	s0 =	rddreg [dreg:$0x0];
	s2 =	stileid.u32  }
0x1d7: {  	s1 =	rddreg [dreg:$0x1];
	p0 =	sne.s32 s2, $0x0  }
0x1d8: {  	s3 =	rddreg [dreg:$0x2];
	[bflag:$0x3] =	sbarrier.arrive $0xFFFF;
	s2 =	simm.s32 @!p0 $0x1C03  }
0x1d9: {  	[timem:s3], [sflag:s2] =	dma.local @!p0 [hbm:s0], s1  }
0x1da: {  	s0 =	simm.s32 @!p0 $0x3  }
0x1db: {  	_ =	swait.ge @!p0 [sflag:s0], s1  }
0x1dc: {  	s1 =	ssub.s32 @!p0 $0x0, s1;
	[sflag:s0] =	ssyncset.done @!p0 $0x0  }
0x1dd: {  	[sflag:s0] =	ssyncadd.s32 @!p0 s1  }
0x1de: {  	[bflag:$0x3] =	sbarrier.arrive $0xFFFF  }
0x1df: {  	_ =	shalt  }

// kernel: kernel.7.cloned.1.call-start
scs
__scs_entry_jumppad:
0x0: {  	(pc) =	sbr.rel $0x88, $3  }
0x1: {  	(tag) =	ssettag $0x0;
	lr =	simm.s32 $0x1  }
0x2: {  	[smem:$0x3F97] =	sst lr;
	_ =	strace $0xD0000000  }
0x3: {  	_ = 	snop  }
0x4: {  	_ = 	snop  }
0x5: {  	_ = 	snop  }
0x6: {  	_ = 	snop  }
0x7: {  	_ = 	snop  }
__scs_overlays_trampoline_lowered:
0x8: {  	[smem:$0x3FA6] =	sst s0  }
0x9: {  	[smem:$0x3FA7] =	sst s1  }
0xa: {  	[smem:$0x3FA8] =	sst s2  }
0xb: {  	[smem:$0x3FA9] =	sst s3  }
0xc: {  	[smem:$0x3FAA] =	sst s4  }
0xd: {  	[smem:$0x3FAB] =	sst s5  }
0xe: {  	[smem:$0x3FAC] =	sst s6  }
0xf: {  	[smem:$0x3FAD] =	sst s7  }
0x10: {  	[smem:$0x3FAE] =	sst s8  }
0x11: {  	[smem:$0x3FAF] =	sst s9;
	s0 =	simm.s32 @!p0 $0x0  }
0x12: {  	s1 =	sld [smem:$0x3F95];
	s0 =	simm.s32 @p0 $0x1  }
0x13: {  	[smem:$0x3FB0] =	sst s0;
	s0 =	simm.s32 @!p1 $0x0  }
0x14: {  	s2 =	sld [smem:$0x3F94];
	s0 =	simm.s32 @p1 $0x1  }
0x15: {  	[smem:$0x3FB1] =	sst s0;
	s0 =	simm.s32 @!p2 $0x0  }
0x16: {  	s3 =	sld [smem:$0x3FDB];
	s0 =	simm.s32 @p2 $0x1  }
0x17: {  	s4 =	simm.s32 $0x1BF5;
	[smem:$0x3FB3] =	sst s0  }
0x18: {  	s0 =	sld [smem:$0x3F96];
	_ =	swait.ge [sflag:s4], $0x0  }
0x19: {  	s7 =	sld [smem:$0x3F97]  }
0x1a: {  	s8 =	sadd.s32 $0xFFFFE003, lr  }
0x1b: {  	s9 =	sadd.s32 $0xFFFFFEF7, lr;
	s5 =	simm.s32 $0xFFFFFFFF;
	p2 =	slt.u32 s8, $0xFFFFF086  }
0x1c: {  	p1 =	slt.u32 s9, $0xF7A;
	s5 =	simm.s32 @!p2 $0x0  }
0x1d: {  	s5 =	simm.s32 @p1 $0x1;
	p0 =	seq.s32 s7, s2  }
0x1e: {  	s7 =	smul.u32 @!p0 $0xF7A, s2;
	p2 =	seq.s32 @!p0 s5, $0x0  }
0x1f: {  	s9 =	smul.u32 $0xF7A, s1;
	s8 =	simm.s32 @!p0 $0x1BF5;
	p2 =	por !p2, p0  }
0x20: {  	[sflag:s8] =	ssyncset.s32 @!p0 $0xFFFFF086;
	s6 =	sadd.s32 @!p0 s3, s7;
	s7 =	simm.s32 @!p0 $0x108  }
0x21: {  	s3 =	sadd.s32 s3, s9;
	s6 =	sadd.s32 @!p0 $0x88, s6;
	s7 =	simm.s32 @p2 $0x1082  }
0x22: {  	[simem:s7], [sflag:s8] =	dma.local @!p0 [hbm:s6], $0xF7A  }
0x23: {  	s9 =	sor.u32 $0xD0000000, s2;
	s6 =	simm.s32 $0x108;
	_ =	swait.ge @!p0 [sflag:s8], $0x0  }
0x24: {  	s3 =	sadd.s32 $0x88, s3;
	s6 =	simm.s32 @!p1 $0x1082;
	[sflag:s4] =	ssyncset.s32 $0xFFFFF086  }
0x25: {  	[simem:s6], [sflag:s4] =	dma.local [hbm:s3], $0xF7A  }
0x26: {  	[smem:$0x3F97] =	sst s1;
	(tag) =	ssettag s2;
	_ =	strace s9  }
0x27: {  	s1 =	sld [smem:$0x3FA7]  }
0x28: {  	s2 =	sld [smem:$0x3FA8]  }
0x29: {  	s4 =	sld [smem:$0x3FAA]  }
0x2a: {  	p0 =	seq.s32 s5, $0x0;
	s5 =	sld [smem:$0x3FAB]  }
0x2b: {  	s6 =	sld [smem:$0x3FAC]  }
0x2c: {  	s7 =	sld [smem:$0x3FAD]  }
0x2d: {  	s3 =	simm.s32 $0x108;
	s8 =	sld [smem:$0x3FAE]  }
0x2e: {  	s3 =	simm.s32 @!p0 $0x1082;
	s9 =	sld [smem:$0x3FAF]  }
0x2f: {  	lr =	sadd.s32 s0, s3;
	s0 =	sld [smem:$0x3FA6]  }
0x30: {  	s3 =	sld [smem:$0x3FA9]  }
0x31: {  	[smem:$0x3FB2] =	sst s10  }
0x32: {  	s10 =	sld [smem:$0x3FB0];
	_ =	sdelay $0x3  }
0x33: {  	p0 =	seq.s32 s10, $0x1;
	s10 =	sld [smem:$0x3FB2];
	_ =	sdelay $0x3  }
0x34: {  	[smem:$0x3FB2] =	sst s10  }
0x35: {  	s10 =	sld [smem:$0x3FB1];
	_ =	sdelay $0x3  }
0x36: {  	p1 =	seq.s32 s10, $0x1;
	s10 =	sld [smem:$0x3FB2];
	_ =	sdelay $0x3  }
0x37: {  	[smem:$0x3FB2] =	sst s10  }
0x38: {  	s10 =	sld [smem:$0x3FB3]  }
0x39: {  	_ = 	snop;
	(pc) =	sbr.ind lr, $3  }
0x3a: {  	_ = 	snop  }
0x3b: {  	_ = 	snop  }
0x3c: {  	p2 =	seq.s32 s10, $0x1;
	s10 =	sld [smem:$0x3FB2]  }
0x3d: {  	_ =	shalt  }
0x3e: {  	_ =	shalt  }
0x3f: {  	_ =	shalt  }
0x40: {  	_ =	shalt  }
0x41: {  	_ =	shalt  }
0x42: {  	_ =	shalt  }
0x43: {  	_ =	shalt  }
0x44: {  	_ =	shalt  }
0x45: {  	_ =	shalt  }
0x46: {  	_ =	shalt  }
0x47: {  	_ =	shalt  }
0x48: {  	_ =	shalt  }
0x49: {  	_ =	shalt  }
0x4a: {  	_ =	shalt  }
0x4b: {  	_ =	shalt  }
0x4c: {  	_ =	shalt  }
0x4d: {  	_ =	shalt  }
0x4e: {  	_ =	shalt  }
0x4f: {  	_ =	shalt  }
0x50: {  	_ =	shalt  }
0x51: {  	_ =	shalt  }
0x52: {  	_ =	shalt  }
0x53: {  	_ =	shalt  }
0x54: {  	_ =	shalt  }
0x55: {  	_ =	shalt  }
0x56: {  	_ =	shalt  }
0x57: {  	_ =	shalt  }
0x58: {  	_ =	shalt  }
0x59: {  	_ =	shalt  }
0x5a: {  	_ =	shalt  }
0x5b: {  	_ =	shalt  }
0x5c: {  	_ =	shalt  }
0x5d: {  	_ =	shalt  }
0x5e: {  	_ =	shalt  }
0x5f: {  	_ =	shalt  }
0x60: {  	_ =	shalt  }
0x61: {  	_ =	shalt  }
0x62: {  	_ =	shalt  }
0x63: {  	_ =	shalt  }
0x64: {  	_ =	shalt  }
0x65: {  	_ =	shalt  }
0x66: {  	_ =	shalt  }
0x67: {  	_ =	shalt  }
0x68: {  	_ =	shalt  }
0x69: {  	_ =	shalt  }
0x6a: {  	_ =	shalt  }
0x6b: {  	_ =	shalt  }
0x6c: {  	_ =	shalt  }
0x6d: {  	_ =	shalt  }
0x6e: {  	_ =	shalt  }
0x6f: {  	_ =	shalt  }
0x70: {  	_ =	shalt  }
0x71: {  	_ =	shalt  }
0x72: {  	_ =	shalt  }
0x73: {  	_ =	shalt  }
0x74: {  	_ =	shalt  }
0x75: {  	_ =	shalt  }
0x76: {  	_ =	shalt  }
0x77: {  	_ =	shalt  }
0x78: {  	_ =	shalt  }
0x79: {  	_ =	shalt  }
0x7a: {  	_ =	shalt  }
0x7b: {  	_ =	shalt  }
0x7c: {  	_ =	shalt  }
0x7d: {  	_ =	shalt  }
0x7e: {  	_ =	shalt  }
0x7f: {  	_ =	shalt  }
0x80: {  	_ =	shalt  }
0x81: {  	_ =	shalt  }
0x82: {  	_ =	shalt  }
0x83: {  	_ =	shalt  }
0x84: {  	_ =	shalt  }
0x85: {  	_ =	shalt  }
0x86: {  	_ =	shalt  }
0x87: {  	_ =	shalt  }
.Lfunc_end0:
.L_simem_size_0:
called_computation_lowered:
.L_overlay_start_0:
0x88: {  	s2 =	sld [smem:$0x3FD9]  }
0x89: {  	s3 =	sld [smem:$0x3FFE];
	_ =	sdelay $0x1  }
0x8a: {  	s1 =	srdreg.scid  }
0x8b: {  	s0 =	sand.u32 $0x1, s1  }
0x8c: {  	s17 =	sshll.u32 s0, $0xA;
	s2 =	sadd.s32 s3, s2  }
0x8d: {  	s2 =	sadd.s32 s2, s17  }
0x8e: {  	[smem:$0x3FBE] =	sst s2  }
0x8f: {  	_ = 	snop  }
0x90: {  	s2 =	sld [smem:$0x3FD0];
	(tm) =	ssettm $0x1  }
0x91: {  	s18 =	sld [smem:$0x3FFB];
	_ =	sdelay $0x3  }
0x92: {  	_ =	strace s18  }
0x93: {  	s3 =	sld [smem:$0x3FFC];
	_ =	sdelay $0x3  }
0x94: {  	_ =	strace s3  }
0x95: {  	s3 =	sld [smem:$0x3FFD];
	_ =	sdelay $0x3  }
0x96: {  	_ =	strace s3  }
0x97: {  	_ =	strace $0x8FFFFFFF  }
0x98: {  	s19 =	sld [smem:$0x3FDB];
	_ =	sdelay $0x1  }
0x99: {  	s4 =	simm.s32 $_scs_section_size  }
0x9a: {  	s5 =	simm.s32 $_size__tile_overlayer_lowered;
	s6 =	simm.s32 $_tile_overlayer_lowered  }
0x9b: {  	s22 =	simm.s32 $0x1BFF;
	s21 =	sshll.u32 s6, $0x1;
	s3 =	sadd.s32 s4, s19  }
0x9c: {  	s7 =	simm.s32 $0x0;
	s20 =	sshll.u32 s5, $0x1;
	s5 =	sadd.s32 s21, s3  }
0x9d: {  	[timem:s7], [sflag:s22] =	dma.local [hbm:s5], s20  }
0x9e: {  	_ =	swait.ge [sflag:s22], s20  }
0x9f: {  	s4 =	ssub.s32 $0x0, s20;
	[sflag:s22] =	ssyncset.done $0x0  }
0xa0: {  	[sflag:s22] =	ssyncadd.s32 s4;
	_ =	sdelay $0x1  }
0xa1: {  	s23 =	simm.s32 $0x1B8B  }
0xa2: {  	_ =	swait.ge [sflag:s23], $0x1  }
0xa3: {  	[sflag:s23] =	ssyncset.done $0x0  }
0xa4: {  	s25 =	simm.s32 $0x1B8E;
	s24 =	sld [smem:$0x3FFE];
	[sflag:s23] =	ssyncadd.s32 $0xFFFFFFFF  }
0xa5: {  	s26 =	simm.s32 $execute0_lowered;
	[smem:$0x3FD2] =	sst s25  }
0xa6: {  	s5 =	sshll.u32 s26, $0x1;
	_ =	strace $0x80000046;
	[dreg:$0x1] =	wrdreg $0xFFFFFFFF  }
0xa7: {  	s28 =	simm.s32 $_size_execute0_lowered;
	s3 =	sadd.s32 s3, s5;
	[dreg:$0x0] =	wrdreg $0x0  }
0xa8: {  	s5 =	sshll.u32 s28, $0x1;
	[dreg:$0x2] =	wrdreg s3  }
0xa9: {  	[dreg:$0x3] =	wrdreg s5  }
0xaa: {  	[dreg:$0x4] =	wrdreg $0xC0  }
0xab: {  	_ =	task [dreg:s7], $0x5FFFF  }
0xac: {  	[dreg:$0x1] =	wrdreg $0xFFFFFFFF  }
0xad: {  	[dreg:$0x0] =	wrdreg $0x60  }
0xae: {  	[dreg:$0x2] =	wrdreg s24  }
0xaf: {  	[dreg:$0x3] =	wrdreg s2  }
0xb0: {  	[dreg:$0x4] =	wrdreg $0xA2000  }
0xb1: {  	[dreg:$0x5] =	wrdreg $0x9  }
0xb2: {  	_ =	task.clear_ibuf [dreg:s7], $0x6FFFF;
	_ =	strace $0x90000046  }
0xb3: {  	s29 =	simm.s32 $0x9;
	_ =	strace $0x80000048  }
0xb4: {  	_ =	swait.ge [sflag:s29], $0x1  }
0xb5: {  	[sflag:s29] =	ssyncadd.s32 $0xFFFFFFFF  }
0xb6: {  	_ =	strace $0x90000048  }
0xb7: {  	_ =	sfence  }
0xb8: {  	s30 =	sld [smem:$0x0];
	_ =	sdelay $0x2  }
0xb9: {  	s31 =	sshll.u32 s1, $0xD;
	s1 =	sshrl.u32 s1, $0x2  }
0xba: {  	s3 =	sand.u32 $0x4000, s31;
	s1 =	sadd.s32 s1, s30  }
0xbb: {  	s0 =	sor.u32 s3, s0;
	s1 =	sshll.u32 s1, $0x11  }
0xbc: {  	s0 =	sor.u32 s1, s0  }
0xbd: {  	s0 =	sadd.s32 $0x8F2B, s0  }
0xbe: {  	[sflag:s0] =	ssyncadd.remote.s32 $0x1  }
0xbf: {  	_ =	sfence.sel $0xFFFF  }
0xc0: {  	[dreg:$0x0] =	wrdreg $0xFFFFFFFF;
	(pc) =	sbr.abs _section_cstart, $3  }
0xc1: {  	[dreg:$0x1] =	wrdreg $0xFFFFFFFF  }
0xc2: {  	_ =	task.clear_ibuf [dreg:s7], $0x2FFFF;
	_ =	strace $0x9FFFFFFF  }
0xc3: {  	(tm) =	ssettm $0x7FFFFFFF  }
tec
execute0_lowered:
.L_overlay_start_1:
0x0: {  	(tag) =	ssettag $0x1  }
0x1: {  	s0 =	rddreg [dreg:$0x0]  }
0x2: {  	s2 =	rddreg [dreg:$0x1]  }
0x3: {  	s1 =	rddreg [dreg:$0x2];
	s3 =	srdreg.scid  }
0x4: {  	s4 =	simm.s32 $0x0;
	s18 =	stileid.u32;
	s20 =	simm.s32 $0x7A00  }
0x5: {  	s21 =	simm.s32 $0x3;
	s28 =	simm.s32 $0x50;
	s7 =	smul.u32 $0x50000, s18  }
0x6: {  	s29 =	simm.s32 $0x7900;
	s30 =	simm.s32 $0x1;
	s17 =	smul.u32 $0x4E20, s18  }
0x7: {  	s31 =	simm.s32 $0x2;
	s3 =	sand.u32 $0x1, s3;
	s26 =	smul.u32 $0x2800, s18  }
0x8: {  	[smem:$0x7FF] =	sst s4;
	s4 =	sadd.s32 $0x16000, s0;
	s8 =	smul.u32 $0x2800, s3  }
0x9: {  	s6 =	sadd.s32 $0x2400, s0;
	_ =	strace $0x80000047;
	s10 =	smul.u32 $0x28000, s3  }
0xa: {  	s11 =	ssub.s32 $0x2, s3;
	s3 =	sshll.u32 s3, $0x4;
	s7 =	sshrl.u32 s7, $0x2  }
0xb: {  	s22 =	sshrl.u32 s11, $0x1;
	s3 =	sor.u32 s18, s3;
	s5 =	sshrl.u32 s8, $0x3  }
0xc: {  	s7 =	sadd.s32 s7, s1;
	s19 =	ssub.s32 s11, s22;
	s3 =	smul.u32 $0x500, s3  }
0xd: {  	s22 =	simm.s32 $0x2800;
	s9 =	sadd.s32 s5, s0;
	s5 =	sadd.s32 $0xC200, s0  }
0xe: {  	s0 =	sadd.s32 s10, s0;
	s23 =	sadd.s32 $0x2800, s7;
	s24 =	sadd.s32 $0x5000, s7  }
0xf: {  	s25 =	sadd.s32 $0x7800, s7;
	s11 =	sadd.s32 $0xA000, s7;
	[dreg:$0x4] =	wrdreg s23  }
0x10: {  	s12 =	sadd.s32 $0xC800, s7;
	s13 =	sadd.s32 $0xF000, s7;
	[dreg:$0x5] =	wrdreg s24  }
0x11: {  	s14 =	sadd.s32 $0x11800, s7;
	s19 =	smax.u32 s19, $0x1;
	[dreg:$0x6] =	wrdreg s25  }
0x12: {  	s15 =	sadd.s32 $0x66000, s9;
	s16 =	sadd.s32 $0x66A00, s9;
	s0 =	sadd.s32 $0x67400, s0  }
0x13: {  	s18 =	sadd.s32 s2, s3;
	s24 =	simm.s32 $0x7800;
	s25 =	simm.s32 $0x7880  }
0x14: {  	v1 =	vimm.f32 $0.0e+00;
	v0 =	vmov s8;
	s23 =	sadd.s32 s26, s0;
	s26 =	simm.s32 $0x5000;
	s0 =	simm.s32 $0x0  }
.LBB2_1:
0x15: {  	s2 =	simm.s32 $0x0  }
.LBB2_2:
0x16: {  	p0 =	sne.s32 s2, $0x9FC0  }
.Ltmp0:
0x17: {  	_ = 	snop;
	(pc) =	sbr.rel @p0 .LBB2_2-.Ltmp0, $3  }
0x18: {  	_ =	sdelay $0x1  }
0x19: {  	s3 =	sshra.s32 s2, $0x2  }
0x1a: {  	s2 =	sadd.s32 $0x40, s2;
	[tilespmem:s3+$0x5000] =	vst v1  }
0x1b: {  	s2 =	simm.s32 $0x0;
	s3 =	simm.s32 $0x200  }
.LBB2_4:
0x1c: {  	p0 =	sne.s32 s3, $0x9E00;
	[tilespmem:s2+$0x7A70] =	vst v1  }
0x1d: {  	[tilespmem:s2+$0x7A00] =	vst v1  }
0x1e: {  	[tilespmem:s2+$0x7A10] =	vst v1  }
.Ltmp1:
0x1f: {  	[tilespmem:s2+$0x7A20] =	vst v1;
	(pc) =	sbr.rel @p0 .LBB2_4-.Ltmp1, $4  }
0x20: {  	[tilespmem:s2+$0x7A30] =	vst v1  }
0x21: {  	[tilespmem:s2+$0x7A40] =	vst v1  }
0x22: {  	[tilespmem:s2+$0x7A50] =	vst v1  }
0x23: {  	[tilespmem:s2+$0x7A60] =	vst v1;
	s2 =	sshra.s32 s3, $0x2;
	s3 =	sadd.s32 $0x200, s3  }
0x24: {  	[tilespmem:s2+$0x7A70] =	vst v1  }
0x25: {  	[tilespmem:s2+$0x7A00] =	vst v1  }
0x26: {  	[tilespmem:s2+$0x7A10] =	vst v1  }
0x27: {  	[tilespmem:s2+$0x7A20] =	vst v1  }
0x28: {  	[tilespmem:s2+$0x7A30] =	vst v1  }
0x29: {  	[tilespmem:s2+$0x7A40] =	vst v1  }
0x2a: {  	[tilespmem:s2+$0x7A50] =	vst v1  }
0x2b: {  	[tilespmem:s2+$0x7A60] =	vst v1  }
0x2c: {  	[spmem:s7] =	stream.linear.scatter [tilespmem:s20], [sflag:$0x3], $0x2800, $0x38;
	[tilespmem:$0x1E200] =	vst v63  }
0x2d: {  	_ =	swait.ge [sflag:s21], $0x2800  }
0x2e: {  	[sflag:s21] =	ssyncset.done $0x0  }
0x2f: {  	s8 =	rddreg [dreg:$0x4];
	[sflag:s21] =	ssyncadd.s32 $0xFFFFD800  }
0x30: {  	[spmem:s8] =	stream.linear.scatter [tilespmem:s20], [sflag:$0x3], $0x2800, $0x38;
	[tilespmem:$0x1E200] =	vst v63  }
0x31: {  	_ =	swait.ge [sflag:s21], $0x2800  }
0x32: {  	[sflag:s21] =	ssyncset.done $0x0  }
0x33: {  	s9 =	rddreg [dreg:$0x5];
	[sflag:s21] =	ssyncadd.s32 $0xFFFFD800  }
0x34: {  	[spmem:s9] =	stream.linear.scatter [tilespmem:s20], [sflag:$0x3], $0x2800, $0x38;
	[tilespmem:$0x1E200] =	vst v63  }
0x35: {  	_ =	swait.ge [sflag:s21], $0x2800  }
0x36: {  	[sflag:s21] =	ssyncset.done $0x0  }
0x37: {  	s10 =	rddreg [dreg:$0x6];
	[sflag:s21] =	ssyncadd.s32 $0xFFFFD800  }
0x38: {  	[spmem:s10] =	stream.linear.scatter [tilespmem:s20], [sflag:$0x3], $0x2800, $0x38;
	[tilespmem:$0x1E200] =	vst v63  }
0x39: {  	_ =	swait.ge [sflag:s21], $0x2800  }
0x3a: {  	[sflag:s21] =	ssyncset.done $0x0  }
0x3b: {  	[sflag:s21] =	ssyncadd.s32 $0xFFFFD800  }
0x3c: {  	[spmem:s11] =	stream.linear.scatter [tilespmem:s20], [sflag:$0x3], $0x2800, $0x38;
	[tilespmem:$0x1E200] =	vst v63  }
0x3d: {  	_ =	swait.ge [sflag:s21], $0x2800  }
0x3e: {  	[sflag:s21] =	ssyncset.done $0x0  }
0x3f: {  	[sflag:s21] =	ssyncadd.s32 $0xFFFFD800  }
0x40: {  	[spmem:s12] =	stream.linear.scatter [tilespmem:s20], [sflag:$0x3], $0x2800, $0x38;
	[tilespmem:$0x1E200] =	vst v63  }
0x41: {  	_ =	swait.ge [sflag:s21], $0x2800  }
0x42: {  	[sflag:s21] =	ssyncset.done $0x0  }
0x43: {  	[sflag:s21] =	ssyncadd.s32 $0xFFFFD800  }
0x44: {  	[spmem:s13] =	stream.linear.scatter [tilespmem:s20], [sflag:$0x3], $0x2800, $0x38;
	[tilespmem:$0x1E200] =	vst v63  }
0x45: {  	_ =	swait.ge [sflag:s21], $0x2800  }
0x46: {  	[sflag:s21] =	ssyncset.done $0x0  }
0x47: {  	[sflag:s21] =	ssyncadd.s32 $0xFFFFD800  }
0x48: {  	[spmem:s14] =	stream.linear.scatter [tilespmem:s20], [sflag:$0x3], $0x2800, $0x38;
	[tilespmem:$0x1E200] =	vst v63  }
0x49: {  	_ =	swait.ge [sflag:s21], $0x2800  }
0x4a: {  	[sflag:s21] =	ssyncset.done $0x0  }
0x4b: {  	s2 =	simm.s32 $0x0;
	[sflag:s21] =	ssyncadd.s32 $0xFFFFD800  }
0x4c: {  	[tilespmem:s2], [sflag:$0x3] =	stream.linear.gather [hbm4b:s15+s2], $0x2800, $0x38;
	[tilespmem:$0x1E200] =	vst v63  }
0x4d: {  	_ =	swait.ge [sflag:s21], $0x2800  }
0x4e: {  	[sflag:s21] =	ssyncset.done $0x0  }
0x4f: {  	[sflag:s21] =	ssyncadd.s32 $0xFFFFD800  }
0x50: {  	[tilespmem:s22], [sflag:$0x3] =	stream.linear.gather [hbm4b:s16+s2], $0x2800, $0x38;
	[tilespmem:$0x1E200] =	vst v63  }
0x51: {  	_ =	swait.ge [sflag:s21], $0x2800  }
0x52: {  	[sflag:s21] =	ssyncset.done $0x0  }
0x53: {  	[sflag:s21] =	ssyncadd.s32 $0xFFFFD800  }
0x54: {  	s3 =	simm.s32 $0x0;
	[bflag:$0x0] =	sbarrier.arrive $0xFFFF  }
.LBB2_6:
0x55: {  	s8 =	smul.u32 $0x50, s3;
	_ =	sdelay $0x1  }
0x56: {  	s8 =	sadd.s32 s17, s8  }
0x57: {  	s8 =	sshrl.u32 s8, $0x3  }
0x58: {  	s9 =	sadd.s32 s5, s8  }
0x59: {  	[tilespmem:s24], [sflag:$0x3] =	stream.linear.gather [hbm4b:s9+s2], $0x50, $0x38;
	[tilespmem:$0x1E200] =	vst v63  }
0x5a: {  	_ =	swait.ge [sflag:s21], $0x50  }
0x5b: {  	[sflag:s21] =	ssyncset.done $0x0  }
0x5c: {  	s8 =	sadd.s32 s6, s8;
	[sflag:s21] =	ssyncadd.s32 $0xFFFFFFB0  }
0x5d: {  	[tilespmem:s25], [sflag:$0x3] =	stream.linear.gather [hbm4b:s8+s2], $0x50, $0x38;
	[tilespmem:$0x1E200] =	vst v63  }
0x5e: {  	_ =	swait.ge [sflag:s21], $0x50  }
0x5f: {  	[sflag:s21] =	ssyncset.done $0x0  }
0x60: {  	[sflag:s21] =	ssyncadd.s32 $0xFFFFFFB0  }
0x61: {  	v2 =	vld [tilespmem:$0x7800]  }
0x62: {  	v3 =	vld [tilespmem:$0x7880];
	_ =	sdelay $0x6  }
0x63: {  	v4 =	vld.idx.msk [tilespmem:v2+s2+$0x0], $0xffff  }
0x64: {  	v5 =	vld.idx.msk [tilespmem:v3+s22+$0x0], $0xffff;
	_ =	sdelay $0x4  }
0x65: {  	v4 =	vadd.f32 v5, v4;
	_ =	sdelay $0x1  }
0x66: {  	v5 =	vmul.f32 $2.000000030e-01, v4;
	_ =	sdelay $0x1  }
0x67: {  	v4 =	vmax.f32 v4, v5  }
0x68: {  	v4 =	vmul.f32 $1.442695020e+00, v4;
	_ =	sdelay $0x1  }
0x69: {  	(erf) = vpow2.f32 v4;
	_ =	sdelay $0x8  }
0x6a: {  	v4 =	vpop (erf)  }
0x6b: {  	[tilespmem:$0x7980] =	vst v4  }
0x6c: {  	[tilespmem:v3+s26+$0x0] =	vst.idx.add.f32.msk $0xffff, v4  }
0x6d: {  	v3 =	vld [tilespmem:$0x7810]  }
0x6e: {  	v4 =	vld [tilespmem:$0x7890];
	_ =	sdelay $0x4  }
0x6f: {  	v2 =	vadd.s32 v0, v2  }
0x70: {  	[tilespmem:$0x7900] =	vst v2  }
0x71: {  	v2 =	vld.idx.msk [tilespmem:v3+s2+$0x0], $0xffff  }
0x72: {  	v5 =	vld.idx.msk [tilespmem:v4+s22+$0x0], $0xffff;
	_ =	sdelay $0x4  }
0x73: {  	v2 =	vadd.f32 v5, v2;
	_ =	sdelay $0x1  }
0x74: {  	v5 =	vmul.f32 $2.000000030e-01, v2;
	_ =	sdelay $0x1  }
0x75: {  	v2 =	vmax.f32 v2, v5  }
0x76: {  	v2 =	vmul.f32 $1.442695020e+00, v2;
	_ =	sdelay $0x1  }
0x77: {  	(erf) = vpow2.f32 v2;
	_ =	sdelay $0x8  }
0x78: {  	v2 =	vpop (erf)  }
0x79: {  	[tilespmem:$0x7990] =	vst v2  }
0x7a: {  	[tilespmem:v4+s26+$0x0] =	vst.idx.add.f32.msk $0xffff, v2  }
0x7b: {  	v2 =	vld [tilespmem:$0x7820]  }
0x7c: {  	v4 =	vld [tilespmem:$0x78A0];
	_ =	sdelay $0x4  }
0x7d: {  	v3 =	vadd.s32 v0, v3  }
0x7e: {  	[tilespmem:$0x7910] =	vst v3  }
0x7f: {  	v3 =	vld.idx.msk [tilespmem:v2+s2+$0x0], $0xffff  }
0x80: {  	v5 =	vld.idx.msk [tilespmem:v4+s22+$0x0], $0xffff;
	_ =	sdelay $0x4  }
0x81: {  	v3 =	vadd.f32 v5, v3;
	_ =	sdelay $0x1  }
0x82: {  	v5 =	vmul.f32 $2.000000030e-01, v3;
	_ =	sdelay $0x1  }
0x83: {  	v3 =	vmax.f32 v3, v5  }
0x84: {  	v3 =	vmul.f32 $1.442695020e+00, v3;
	_ =	sdelay $0x1  }
0x85: {  	(erf) = vpow2.f32 v3;
	_ =	sdelay $0x8  }
0x86: {  	v3 =	vpop (erf)  }
0x87: {  	[tilespmem:$0x79A0] =	vst v3  }
0x88: {  	[tilespmem:v4+s26+$0x0] =	vst.idx.add.f32.msk $0xffff, v3  }
0x89: {  	v3 =	vld [tilespmem:$0x7830]  }
0x8a: {  	v4 =	vld [tilespmem:$0x78B0];
	_ =	sdelay $0x4  }
0x8b: {  	v2 =	vadd.s32 v0, v2  }
0x8c: {  	[tilespmem:$0x7920] =	vst v2  }
0x8d: {  	v2 =	vld.idx.msk [tilespmem:v3+s2+$0x0], $0xffff  }
0x8e: {  	v5 =	vld.idx.msk [tilespmem:v4+s22+$0x0], $0xffff;
	_ =	sdelay $0x4  }
0x8f: {  	v2 =	vadd.f32 v5, v2;
	_ =	sdelay $0x1  }
0x90: {  	v5 =	vmul.f32 $2.000000030e-01, v2;
	_ =	sdelay $0x1  }
0x91: {  	v2 =	vmax.f32 v2, v5  }
0x92: {  	v2 =	vmul.f32 $1.442695020e+00, v2;
	_ =	sdelay $0x1  }
0x93: {  	(erf) = vpow2.f32 v2;
	_ =	sdelay $0x8  }
0x94: {  	v2 =	vpop (erf)  }
0x95: {  	[tilespmem:$0x79B0] =	vst v2  }
0x96: {  	[tilespmem:v4+s26+$0x0] =	vst.idx.add.f32.msk $0xffff, v2  }
0x97: {  	v2 =	vld [tilespmem:$0x7840]  }
0x98: {  	v4 =	vld [tilespmem:$0x78C0];
	_ =	sdelay $0x4  }
0x99: {  	v3 =	vadd.s32 v0, v3  }
0x9a: {  	[tilespmem:$0x7930] =	vst v3  }
0x9b: {  	v3 =	vld.idx.msk [tilespmem:v2+s2+$0x0], $0xffff  }
0x9c: {  	v5 =	vld.idx.msk [tilespmem:v4+s22+$0x0], $0xffff;
	_ =	sdelay $0x4  }
0x9d: {  	v3 =	vadd.f32 v5, v3;
	_ =	sdelay $0x1  }
0x9e: {  	v5 =	vmul.f32 $2.000000030e-01, v3;
	_ =	sdelay $0x1  }
0x9f: {  	v3 =	vmax.f32 v3, v5  }
0xa0: {  	v3 =	vmul.f32 $1.442695020e+00, v3;
	_ =	sdelay $0x1  }
0xa1: {  	(erf) = vpow2.f32 v3;
	_ =	sdelay $0x8  }
0xa2: {  	v3 =	vpop (erf)  }
0xa3: {  	[tilespmem:$0x79C0] =	vst v3  }
0xa4: {  	v2 =	vadd.s32 v0, v2;
	[tilespmem:v4+s26+$0x0] =	vst.idx.add.f32.msk $0xffff, v3  }
0xa5: {  	[tilespmem:$0x7940] =	vst v2  }
0xa6: {  	[tilespmem:s20], [sflag:$0x1] =	stream.indirect.gather [hbm4b:s4+s28], $0x80, s29, s28, $0xb8;
	[tilespmem:$0x1E200] =	vst v63  }
0xa7: {  	_ =	swait.ge [sflag:s30], $0x2800  }
0xa8: {  	s9 =	simm.s32 $0x0;
	[sflag:s30] =	ssyncset.done $0x0  }
0xa9: {  	s10 =	simm.s32 $0x0;
	s8 =	sand.u32 $0x3FFFFFF0, s9;
	[sflag:s30] =	ssyncadd.s32 $0xFFFFD800  }
0xaa: {  	v2 =	vld [tilespmem:s8+$0x7980];
	s8 =	sand.u32 $0x3FFFF800, s10  }
0xab: {  	v8 =	vld [tilespmem:s8+$0x7AC0]  }
0xac: {  	v4 =	vld [tilespmem:s8+$0x7A20]  }
0xad: {  	v5 =	vld [tilespmem:s8+$0x7A30]  }
0xae: {  	v11 =	vld [tilespmem:s8+$0x7A60]  }
0xaf: {  	v12 =	vld [tilespmem:s8+$0x7A70];
	v3 =	vbroadcast v2, $0x0  }
0xb0: {  	v13 =	vld [tilespmem:s8+$0x7A80]  }
0xb1: {  	v14 =	vld [tilespmem:s8+$0x7A90];
	v4 =	vmul.f32 v4, v3  }
0xb2: {  	v15 =	vld [tilespmem:s8+$0x7AA0];
	v5 =	vmul.f32 v5, v3  }
0xb3: {  	v10 =	vld [tilespmem:s8+$0x7AB0];
	v21 =	vbroadcast v2, $0x1;
	v20 =	vmul.f32 v11, v3;
	[tilespmem:s8+$0x7A20] =	vst v4  }
0xb4: {  	v9 =	vld [tilespmem:s8+$0x7AD0];
	v12 =	vmul.f32 v12, v3;
	[tilespmem:s8+$0x7A30] =	vst v5  }
0xb5: {  	v7 =	vld [tilespmem:s8+$0x7F70];
	v13 =	vmul.f32 v13, v21;
	[tilespmem:s8+$0x7A60] =	vst v20  }
0xb6: {  	v23 =	vld [tilespmem:s8+$0x7AF0];
	v14 =	vmul.f32 v14, v21;
	[tilespmem:s8+$0x7A70] =	vst v12  }
0xb7: {  	v24 =	vld [tilespmem:s8+$0x7B00];
	v15 =	vmul.f32 v15, v21;
	[tilespmem:s8+$0x7A80] =	vst v13  }
0xb8: {  	v25 =	vld [tilespmem:s8+$0x7B10];
	v10 =	vmul.f32 v10, v21;
	[tilespmem:s8+$0x7A90] =	vst v14  }
0xb9: {  	v22 =	vld [tilespmem:s8+$0x7AE0];
	v8 =	vmul.f32 v8, v21;
	[tilespmem:s8+$0x7AA0] =	vst v15  }
0xba: {  	v26 =	vld [tilespmem:s8+$0x7B20];
	v16 =	vbroadcast v2, $0x2;
	v9 =	vmul.f32 v9, v21;
	[tilespmem:s8+$0x7AB0] =	vst v10  }
0xbb: {  	v27 =	vld [tilespmem:s8+$0x7B30];
	v11 =	vmul.f32 v23, v21;
	[tilespmem:s8+$0x7AC0] =	vst v8  }
0xbc: {  	v28 =	vld [tilespmem:s8+$0x7B40];
	v6 =	vbroadcast v2, $0xA;
	v30 =	vmul.f32 v24, v16;
	[tilespmem:s8+$0x7AD0] =	vst v9  }
0xbd: {  	v29 =	vld [tilespmem:s8+$0x7B50];
	v32 =	vmul.f32 v25, v16;
	[tilespmem:s8+$0x7AF0] =	vst v11  }
0xbe: {  	v31 =	vld [tilespmem:s8+$0x7B60];
	v4 =	vmul.f32 v7, v6;
	[tilespmem:s8+$0x7B00] =	vst v30  }
0xbf: {  	v33 =	vld [tilespmem:s8+$0x7B70];
	v12 =	vmul.f32 v22, v21;
	[tilespmem:s8+$0x7B10] =	vst v32  }
0xc0: {  	v34 =	vld [tilespmem:s8+$0x7B80];
	v10 =	vmul.f32 v26, v16;
	[tilespmem:s8+$0x7F70] =	vst v4  }
0xc1: {  	v35 =	vld [tilespmem:s8+$0x7B90];
	v8 =	vmul.f32 v27, v16;
	[tilespmem:s8+$0x7AE0] =	vst v12  }
0xc2: {  	v36 =	vld [tilespmem:s8+$0x7BA0];
	v9 =	vmul.f32 v28, v16;
	[tilespmem:s8+$0x7B20] =	vst v10  }
0xc3: {  	v37 =	vld [tilespmem:s8+$0x7BB0];
	v39 =	vbroadcast v2, $0x3;
	v11 =	vmul.f32 v31, v16;
	[tilespmem:s8+$0x7B30] =	vst v8  }
0xc4: {  	v38 =	vld [tilespmem:s8+$0x7BC0];
	v13 =	vmul.f32 v33, v16;
	[tilespmem:s8+$0x7B40] =	vst v9  }
0xc5: {  	v40 =	vld [tilespmem:s8+$0x7BD0];
	v14 =	vmul.f32 v34, v39;
	[tilespmem:s8+$0x7B60] =	vst v11  }
0xc6: {  	v41 =	vld [tilespmem:s8+$0x7BE0];
	v12 =	vmul.f32 v29, v16;
	[tilespmem:s8+$0x7B70] =	vst v13  }
0xc7: {  	v42 =	vld [tilespmem:s8+$0x7BF0];
	v10 =	vmul.f32 v35, v39;
	[tilespmem:s8+$0x7B80] =	vst v14  }
0xc8: {  	v43 =	vld [tilespmem:s8+$0x7C00];
	v8 =	vmul.f32 v36, v39;
	[tilespmem:s8+$0x7B50] =	vst v12  }
0xc9: {  	v44 =	vld [tilespmem:s8+$0x7C10];
	v9 =	vmul.f32 v37, v39;
	[tilespmem:s8+$0x7B90] =	vst v10  }
0xca: {  	v45 =	vld [tilespmem:s8+$0x7C20];
	v11 =	vmul.f32 v40, v39;
	[tilespmem:s8+$0x7BA0] =	vst v8  }
0xcb: {  	v46 =	vld [tilespmem:s8+$0x7C30];
	v13 =	vmul.f32 v41, v39;
	[tilespmem:s8+$0x7BB0] =	vst v9  }
0xcc: {  	v47 =	vld [tilespmem:s8+$0x7C40];
	v48 =	vbroadcast v2, $0x4;
	v14 =	vmul.f32 v42, v39;
	[tilespmem:s8+$0x7BD0] =	vst v11  }
0xcd: {  	v49 =	vld [tilespmem:s8+$0x7C50];
	v12 =	vmul.f32 v38, v39;
	[tilespmem:s8+$0x7BE0] =	vst v13  }
0xce: {  	v50 =	vld [tilespmem:s8+$0x7C60];
	v10 =	vmul.f32 v43, v48;
	[tilespmem:s8+$0x7BF0] =	vst v14  }
0xcf: {  	v51 =	vld [tilespmem:s8+$0x7C70];
	v8 =	vmul.f32 v44, v48;
	[tilespmem:s8+$0x7BC0] =	vst v12  }
0xd0: {  	v52 =	vld [tilespmem:s8+$0x7C80];
	v9 =	vmul.f32 v45, v48;
	[tilespmem:s8+$0x7C00] =	vst v10  }
0xd1: {  	v53 =	vld [tilespmem:s8+$0x7C90];
	v11 =	vmul.f32 v47, v48;
	[tilespmem:s8+$0x7C10] =	vst v8  }
0xd2: {  	v54 =	vld [tilespmem:s8+$0x7CA0];
	v13 =	vmul.f32 v49, v48;
	[tilespmem:s8+$0x7C20] =	vst v9  }
0xd3: {  	v55 =	vld [tilespmem:s8+$0x7CB0];
	v14 =	vmul.f32 v50, v48;
	[tilespmem:s8+$0x7C40] =	vst v11  }
0xd4: {  	v56 =	vld [tilespmem:s8+$0x7CC0];
	v57 =	vbroadcast v2, $0x5;
	v12 =	vmul.f32 v46, v48;
	[tilespmem:s8+$0x7C50] =	vst v13  }
0xd5: {  	v58 =	vld [tilespmem:s8+$0x7CD0];
	v10 =	vmul.f32 v51, v48;
	[tilespmem:s8+$0x7C60] =	vst v14  }
0xd6: {  	v59 =	vld [tilespmem:s8+$0x7CE0];
	v8 =	vmul.f32 v52, v57;
	[tilespmem:s8+$0x7C30] =	vst v12  }
0xd7: {  	v60 =	vld [tilespmem:s8+$0x7CF0];
	v9 =	vmul.f32 v53, v57;
	[tilespmem:s8+$0x7C70] =	vst v10  }
0xd8: {  	v61 =	vld [tilespmem:s8+$0x7D00];
	v11 =	vmul.f32 v55, v57;
	[tilespmem:s8+$0x7C80] =	vst v8  }
0xd9: {  	v62 =	vld [tilespmem:s8+$0x7D10];
	v13 =	vmul.f32 v56, v57;
	[tilespmem:s8+$0x7C90] =	vst v9  }
0xda: {  	v63 =	vld [tilespmem:s8+$0x7D20];
	v14 =	vmul.f32 v58, v57;
	[tilespmem:s8+$0x7CB0] =	vst v11  }
0xdb: {  	v20 =	vld [tilespmem:s8+$0x7D30];
	v12 =	vmul.f32 v54, v57;
	[tilespmem:s8+$0x7CC0] =	vst v13  }
0xdc: {  	v21 =	vld [tilespmem:s8+$0x7D40];
	v22 =	vbroadcast v2, $0x6;
	v10 =	vmul.f32 v59, v57;
	[tilespmem:s8+$0x7CD0] =	vst v14  }
0xdd: {  	v23 =	vld [tilespmem:s8+$0x7D50];
	v8 =	vmul.f32 v60, v57;
	[tilespmem:s8+$0x7CA0] =	vst v12  }
0xde: {  	v24 =	vld [tilespmem:s8+$0x7D60];
	v9 =	vmul.f32 v61, v22;
	[tilespmem:s8+$0x7CE0] =	vst v10  }
0xdf: {  	v25 =	vld [tilespmem:s8+$0x7D70];
	v11 =	vmul.f32 v63, v22;
	[tilespmem:s8+$0x7CF0] =	vst v8  }
0xe0: {  	v5 =	vld [tilespmem:s8+$0x7F80];
	v13 =	vmul.f32 v20, v22;
	[tilespmem:s8+$0x7D00] =	vst v9  }
0xe1: {  	v27 =	vld [tilespmem:s8+$0x7D90];
	v14 =	vmul.f32 v21, v22;
	[tilespmem:s8+$0x7D20] =	vst v11  }
0xe2: {  	v28 =	vld [tilespmem:s8+$0x7DA0];
	v12 =	vmul.f32 v62, v22;
	[tilespmem:s8+$0x7D30] =	vst v13  }
0xe3: {  	v29 =	vld [tilespmem:s8+$0x7DB0];
	v10 =	vmul.f32 v23, v22;
	[tilespmem:s8+$0x7D40] =	vst v14  }
0xe4: {  	v31 =	vbroadcast v2, $0x7;
	v53 =	vld [tilespmem:s8+$0x7F00];
	v8 =	vmul.f32 v24, v22;
	[tilespmem:s8+$0x7D10] =	vst v12  }
0xe5: {  	v58 =	vld [tilespmem:s8+$0x7F50];
	v9 =	vmul.f32 v25, v22;
	[tilespmem:s8+$0x7D50] =	vst v10  }
0xe6: {  	v26 =	vld [tilespmem:s8+$0x7D80];
	v11 =	vmul.f32 v27, v31;
	[tilespmem:s8+$0x7D60] =	vst v8  }
0xe7: {  	v30 =	vld [tilespmem:s8+$0x7DC0];
	v13 =	vmul.f32 v28, v31;
	[tilespmem:s8+$0x7D70] =	vst v9  }
0xe8: {  	v32 =	vld [tilespmem:s8+$0x7DD0];
	v14 =	vmul.f32 v29, v31;
	[tilespmem:s8+$0x7D90] =	vst v11  }
0xe9: {  	v33 =	vld [tilespmem:s8+$0x7DE0];
	v59 =	vmul.f32 v53, v6;
	[tilespmem:s8+$0x7DA0] =	vst v13  }
0xea: {  	v35 =	vld [tilespmem:s8+$0x7E00];
	v21 =	vmul.f32 v58, v6;
	[tilespmem:s8+$0x7DB0] =	vst v14  }
0xeb: {  	v36 =	vld [tilespmem:s8+$0x7E10];
	v12 =	vmul.f32 v26, v31;
	[tilespmem:s8+$0x7F00] =	vst v59  }
0xec: {  	v37 =	vld [tilespmem:s8+$0x7E20];
	v10 =	vmul.f32 v30, v31;
	[tilespmem:s8+$0x7F50] =	vst v21  }
0xed: {  	v7 =	vld [tilespmem:s8+$0x7F90];
	v40 =	vbroadcast v2, $0x8;
	v8 =	vmul.f32 v32, v31;
	[tilespmem:s8+$0x7D80] =	vst v12  }
0xee: {  	v34 =	vld [tilespmem:s8+$0x7DF0];
	v9 =	vmul.f32 v33, v31;
	[tilespmem:s8+$0x7DC0] =	vst v10  }
0xef: {  	v57 =	vld [tilespmem:s8+$0x7F40];
	v11 =	vmul.f32 v35, v40;
	[tilespmem:s8+$0x7DD0] =	vst v8  }
0xf0: {  	v61 =	vld [tilespmem:s8+$0x7A00];
	v24 =	vbroadcast v2, $0xB;
	v13 =	vmul.f32 v36, v40;
	[tilespmem:s8+$0x7DE0] =	vst v9  }
0xf1: {  	v4 =	vld [tilespmem:s8+$0x81D0];
	v14 =	vmul.f32 v37, v40;
	[tilespmem:s8+$0x7E00] =	vst v11  }
0xf2: {  	v38 =	vld [tilespmem:s8+$0x7E30];
	v5 =	vmul.f32 v5, v24;
	[tilespmem:s8+$0x7E10] =	vst v13  }
0xf3: {  	v39 =	vld [tilespmem:s8+$0x7E40];
	v7 =	vmul.f32 v7, v24;
	[tilespmem:s8+$0x7E20] =	vst v14  }
0xf4: {  	v41 =	vld [tilespmem:s8+$0x7E50];
	v19 =	vmul.f32 v57, v6;
	[tilespmem:s8+$0x7F80] =	vst v5  }
0xf5: {  	v43 =	vld [tilespmem:s8+$0x7E70];
	v25 =	vmul.f32 v3, v61;
	[tilespmem:s8+$0x7F90] =	vst v7  }
0xf6: {  	v44 =	vld [tilespmem:s8+$0x7E80];
	v12 =	vmul.f32 v34, v31;
	[tilespmem:s8+$0x7F40] =	vst v19  }
0xf7: {  	v45 =	vld [tilespmem:s8+$0x7E90];
	v10 =	vmul.f32 v38, v40;
	[tilespmem:s8+$0x7A00] =	vst v25  }
0xf8: {  	v27 =	vld [tilespmem:s8+$0x7FD0];
	v8 =	vmul.f32 v39, v40;
	[tilespmem:s8+$0x7DF0] =	vst v12  }
0xf9: {  	v49 =	vbroadcast v2, $0x9;
	v29 =	vld [tilespmem:s8+$0x7FF0];
	v9 =	vmul.f32 v41, v40;
	[tilespmem:s8+$0x7E30] =	vst v10  }
0xfa: {  	v42 =	vld [tilespmem:s8+$0x7E60];
	v11 =	vmul.f32 v43, v40;
	[tilespmem:s8+$0x7E40] =	vst v8  }
0xfb: {  	v46 =	vld [tilespmem:s8+$0x7EA0];
	v13 =	vmul.f32 v44, v49;
	[tilespmem:s8+$0x7E50] =	vst v9  }
0xfc: {  	v47 =	vld [tilespmem:s8+$0x7EB0];
	v14 =	vmul.f32 v45, v49;
	[tilespmem:s8+$0x7E70] =	vst v11  }
0xfd: {  	v48 =	vld [tilespmem:s8+$0x7EC0];
	v32 =	vmul.f32 v27, v24;
	[tilespmem:s8+$0x7E80] =	vst v13  }
0xfe: {  	v51 =	vld [tilespmem:s8+$0x7EE0];
	v7 =	vmul.f32 v29, v24;
	[tilespmem:s8+$0x7E90] =	vst v14  }
0xff: {  	v52 =	vld [tilespmem:s8+$0x7EF0];
	v12 =	vmul.f32 v42, v40;
	[tilespmem:s8+$0x7FD0] =	vst v32  }
0x100: {  	v10 =	vmul.f32 v46, v49;
	[tilespmem:s8+$0x7FF0] =	vst v7  }
0x101: {  	v28 =	vld [tilespmem:s8+$0x7FE0];
	v8 =	vmul.f32 v47, v49;
	[tilespmem:s8+$0x7E60] =	vst v12  }
0x102: {  	v30 =	vld [tilespmem:s8+$0x8000];
	v9 =	vmul.f32 v48, v49;
	[tilespmem:s8+$0x7EA0] =	vst v10  }
0x103: {  	v50 =	vld [tilespmem:s8+$0x7ED0];
	v5 =	vbroadcast v2, $0xF;
	v11 =	vmul.f32 v51, v49;
	[tilespmem:s8+$0x7EB0] =	vst v8  }
0x104: {  	v54 =	vld [tilespmem:s8+$0x7F10];
	v13 =	vmul.f32 v52, v49;
	[tilespmem:s8+$0x7EC0] =	vst v9  }
0x105: {  	v55 =	vld [tilespmem:s8+$0x7F20];
	v35 =	vbroadcast v2, $0xC;
	v4 =	vmul.f32 v4, v5;
	[tilespmem:s8+$0x7EE0] =	vst v11  }
0x106: {  	v56 =	vld [tilespmem:s8+$0x7F30];
	v40 =	vmul.f32 v28, v24;
	[tilespmem:s8+$0x7EF0] =	vst v13  }
0x107: {  	v60 =	vld [tilespmem:s8+$0x7F60];
	v16 =	vmul.f32 v30, v35;
	[tilespmem:s8+$0x81D0] =	vst v4  }
0x108: {  	v62 =	vld [tilespmem:s8+$0x7A10];
	v12 =	vmul.f32 v50, v49;
	[tilespmem:s8+$0x7FE0] =	vst v40  }
0x109: {  	v63 =	vld [tilespmem:s8+$0x7A40];
	v10 =	vmul.f32 v54, v6;
	[tilespmem:s8+$0x8000] =	vst v16  }
0x10a: {  	v20 =	vld [tilespmem:s8+$0x7A50];
	v8 =	vmul.f32 v55, v6;
	[tilespmem:s8+$0x7ED0] =	vst v12  }
0x10b: {  	v33 =	vld [tilespmem:s8+$0x8030];
	v9 =	vmul.f32 v56, v6;
	[tilespmem:s8+$0x7F10] =	vst v10  }
0x10c: {  	v61 =	vld [tilespmem:s8+$0x81F0];
	v6 =	vmul.f32 v60, v6;
	[tilespmem:s8+$0x7F20] =	vst v8  }
0x10d: {  	v38 =	vld [tilespmem:s8+$0x8070];
	v13 =	vmul.f32 v62, v3;
	[tilespmem:s8+$0x7F30] =	vst v9  }
0x10e: {  	v22 =	vld [tilespmem:s8+$0x7FA0];
	v4 =	vmul.f32 v63, v3;
	[tilespmem:s8+$0x7F60] =	vst v6  }
0x10f: {  	v23 =	vld [tilespmem:s8+$0x7FB0];
	v3 =	vmul.f32 v20, v3;
	[tilespmem:s8+$0x7A10] =	vst v13  }
0x110: {  	v26 =	vld [tilespmem:s8+$0x7FC0];
	v62 =	vmul.f32 v33, v35;
	[tilespmem:s8+$0x7A40] =	vst v4  }
0x111: {  	v31 =	vld [tilespmem:s8+$0x8010];
	v63 =	vmul.f32 v61, v5;
	[tilespmem:s8+$0x7A50] =	vst v3  }
0x112: {  	v34 =	vld [tilespmem:s8+$0x8040];
	v16 =	vmul.f32 v38, v35;
	[tilespmem:s8+$0x8030] =	vst v62  }
0x113: {  	v41 =	vld [tilespmem:s8+$0x80A0];
	v8 =	vmul.f32 v22, v24;
	[tilespmem:s8+$0x81F0] =	vst v63  }
0x114: {  	v46 =	vld [tilespmem:s8+$0x80E0];
	v9 =	vmul.f32 v23, v24;
	[tilespmem:s8+$0x8070] =	vst v16  }
0x115: {  	v6 =	vmul.f32 v26, v24;
	v3 =	vld [tilespmem:s8+$0x8090];
	[tilespmem:s8+$0x7FA0] =	vst v8  }
0x116: {  	v36 =	vld [tilespmem:s8+$0x8050];
	v44 =	vbroadcast v2, $0xD;
	v10 =	vmul.f32 v31, v35;
	[tilespmem:s8+$0x7FB0] =	vst v9  }
0x117: {  	v37 =	vld [tilespmem:s8+$0x8060];
	v13 =	vmul.f32 v34, v35;
	[tilespmem:s8+$0x7FC0] =	vst v6  }
0x118: {  	v39 =	vld [tilespmem:s8+$0x8080];
	v12 =	vmul.f32 v41, v44;
	[tilespmem:s8+$0x8010] =	vst v10  }
0x119: {  	v42 =	vld [tilespmem:s8+$0x80B0];
	v51 =	vmul.f32 v46, v44;
	[tilespmem:s8+$0x8040] =	vst v13  }
0x11a: {  	v48 =	vld [tilespmem:s8+$0x8110];
	[tilespmem:s8+$0x80A0] =	vst v12;
	v3 =	vmul.f32 v3, v44  }
0x11b: {  	v49 =	vld [tilespmem:s8+$0x8120];
	v9 =	vmul.f32 v36, v35;
	[tilespmem:s8+$0x80E0] =	vst v51  }
0x11c: {  	v6 =	vmul.f32 v37, v35;
	[tilespmem:s8+$0x8090] =	vst v3;
	v3 =	vld [tilespmem:s8+$0x8100]  }
0x11d: {  	v2 =	vbroadcast v2, $0xE;
	v50 =	vld [tilespmem:s8+$0x8130];
	v10 =	vmul.f32 v39, v44;
	[tilespmem:s8+$0x8050] =	vst v9  }
0x11e: {  	v45 =	vld [tilespmem:s8+$0x80D0];
	v13 =	vmul.f32 v42, v44;
	[tilespmem:s8+$0x8060] =	vst v6  }
0x11f: {  	v47 =	vld [tilespmem:s8+$0x80F0];
	v12 =	vmul.f32 v48, v2;
	[tilespmem:s8+$0x8080] =	vst v10  }
0x120: {  	v43 =	vld [tilespmem:s8+$0x80C0];
	v11 =	vmul.f32 v49, v2;
	[tilespmem:s8+$0x80B0] =	vst v13  }
0x121: {  	v55 =	vld [tilespmem:s8+$0x8180];
	[tilespmem:s8+$0x8110] =	vst v12;
	v3 =	vmul.f32 v3, v2  }
0x122: {  	v57 =	vld [tilespmem:s8+$0x81A0];
	v7 =	vmul.f32 v50, v2;
	[tilespmem:s8+$0x8120] =	vst v11  }
0x123: {  	v6 =	vmul.f32 v45, v44;
	[tilespmem:s8+$0x8100] =	vst v3;
	v3 =	vld [tilespmem:s8+$0x8170]  }
0x124: {  	v52 =	vld [tilespmem:s8+$0x8140];
	v10 =	vmul.f32 v47, v44;
	[tilespmem:s8+$0x8130] =	vst v7  }
0x125: {  	v56 =	vld [tilespmem:s8+$0x8190];
	v9 =	vmul.f32 v43, v44;
	[tilespmem:s8+$0x80D0] =	vst v6  }
0x126: {  	v54 =	vld [tilespmem:s8+$0x8160];
	v12 =	vmul.f32 v55, v5;
	[tilespmem:s8+$0x80F0] =	vst v10  }
0x127: {  	v58 =	vld [tilespmem:s8+$0x81B0];
	v7 =	vmul.f32 v57, v5;
	[tilespmem:s8+$0x80C0] =	vst v9  }
0x128: {  	v53 =	vld [tilespmem:s8+$0x8150];
	[tilespmem:s8+$0x8180] =	vst v12;
	v3 =	vmul.f32 v3, v2  }
0x129: {  	v59 =	vld [tilespmem:s8+$0x81C0];
	v6 =	vmul.f32 v52, v2;
	[tilespmem:s8+$0x81A0] =	vst v7  }
0x12a: {  	v60 =	vld [tilespmem:s8+$0x81E0];
	[tilespmem:s8+$0x8170] =	vst v3;
	v3 =	vmul.f32 v56, v5  }
0x12b: {  	v10 =	vmul.f32 v54, v2;
	[tilespmem:s8+$0x8140] =	vst v6  }
0x12c: {  	v4 =	vld [tilespmem:s8+$0x8020];
	[tilespmem:s8+$0x8190] =	vst v3;
	v3 =	vmul.f32 v58, v5  }
0x12d: {  	[tilespmem:s8+$0x8160] =	vst v10;
	v2 =	vmul.f32 v53, v2  }
0x12e: {  	[tilespmem:s8+$0x81B0] =	vst v3;
	v3 =	vmul.f32 v59, v5  }
0x12f: {  	[tilespmem:s8+$0x8150] =	vst v2;
	v5 =	vmul.f32 v60, v5  }
0x130: {  	[tilespmem:s8+$0x81C0] =	vst v3  }
0x131: {  	s9 =	simm.s32 $0x1;
	v3 =	vmul.f32 v4, v35;
	[tilespmem:s8+$0x81E0] =	vst v5  }
.LBB2_7:
0x132: {  	s10 =	sshll.u32 s9, $0x4  }
0x133: {  	p0 =	sne.s32 s9, $0x4;
	[tilespmem:s8+$0x8020] =	vst v3;
	s8 =	smov.u32 s9;
	s9 =	sadd.s32 $0x1, s9  }
0x134: {  	s10 =	sand.u32 $0x3FFFFFF0, s10  }
0x135: {  	s8 =	sshll.u32 s8, $0xB;
	v2 =	vld [tilespmem:s10+$0x7980]  }
0x136: {  	s8 =	sand.u32 $0x3FFFF800, s8  }
0x137: {  	v9 =	vld [tilespmem:s8+$0x7AC0]  }
0x138: {  	v10 =	vld [tilespmem:s8+$0x7AD0]  }
0x139: {  	v11 =	vld [tilespmem:s8+$0x7AB0]  }
0x13a: {  	v3 =	vbroadcast v2, $0x0;
	v4 =	vld [tilespmem:s8+$0x7A20];
	v8 =	vbroadcast v2, $0x4  }
0x13b: {  	v6 =	vld [tilespmem:s8+$0x7A30]  }
0x13c: {  	v7 =	vld [tilespmem:s8+$0x7F70]  }
0x13d: {  	v12 =	vld [tilespmem:s8+$0x7A60]  }
0x13e: {  	v13 =	vld [tilespmem:s8+$0x7A70]  }
0x13f: {  	v5 =	vbroadcast v2, $0xA;
	v4 =	vmul.f32 v4, v3;
	v14 =	vld [tilespmem:s8+$0x7A80]  }
0x140: {  	v6 =	vmul.f32 v6, v3;
	v15 =	vld [tilespmem:s8+$0x7A90]  }
0x141: {  	[tilespmem:s8+$0x7A20] =	vst v4;
	v16 =	vld [tilespmem:s8+$0x7AA0];
	v4 =	vmul.f32 v7, v5  }
0x142: {  	[tilespmem:s8+$0x7A30] =	vst v6;
	v7 =	vmul.f32 v12, v3;
	v12 =	vbroadcast v2, $0x1;
	v6 =	vld [tilespmem:s8+$0x7F80]  }
0x143: {  	v13 =	vmul.f32 v13, v3;
	[tilespmem:s8+$0x7F70] =	vst v4;
	v4 =	vld [tilespmem:s8+$0x81D0]  }
0x144: {  	[tilespmem:s8+$0x7A60] =	vst v7;
	v14 =	vmul.f32 v14, v12;
	v7 =	vld [tilespmem:s8+$0x7F90]  }
0x145: {  	[tilespmem:s8+$0x7A70] =	vst v13;
	v13 =	vmul.f32 v15, v12;
	v15 =	vld [tilespmem:s8+$0x7AE0]  }
0x146: {  	[tilespmem:s8+$0x7A80] =	vst v14;
	v14 =	vmul.f32 v16, v12;
	v16 =	vld [tilespmem:s8+$0x7AF0]  }
0x147: {  	v11 =	vmul.f32 v11, v12;
	[tilespmem:s8+$0x7A90] =	vst v13;
	v13 =	vld [tilespmem:s8+$0x7B00]  }
0x148: {  	v9 =	vmul.f32 v9, v12;
	[tilespmem:s8+$0x7AA0] =	vst v14;
	v14 =	vld [tilespmem:s8+$0x7B10]  }
0x149: {  	v10 =	vmul.f32 v10, v12;
	[tilespmem:s8+$0x7AB0] =	vst v11;
	v11 =	vld [tilespmem:s8+$0x7B20]  }
0x14a: {  	[tilespmem:s8+$0x7AC0] =	vst v9;
	v9 =	vmul.f32 v15, v12;
	v15 =	vbroadcast v2, $0x2;
	v17 =	vld [tilespmem:s8+$0x7B30]  }
0x14b: {  	[tilespmem:s8+$0x7AD0] =	vst v10;
	v10 =	vmul.f32 v16, v12;
	v12 =	vld [tilespmem:s8+$0x7B40]  }
0x14c: {  	[tilespmem:s8+$0x7AE0] =	vst v9;
	v9 =	vmul.f32 v13, v15;
	v13 =	vld [tilespmem:s8+$0x7B50]  }
0x14d: {  	[tilespmem:s8+$0x7AF0] =	vst v10;
	v10 =	vmul.f32 v14, v15;
	v14 =	vld [tilespmem:s8+$0x7B60]  }
0x14e: {  	[tilespmem:s8+$0x7B00] =	vst v9;
	v9 =	vmul.f32 v11, v15;
	v11 =	vld [tilespmem:s8+$0x7B70]  }
0x14f: {  	[tilespmem:s8+$0x7B10] =	vst v10;
	v10 =	vmul.f32 v17, v15;
	v16 =	vld [tilespmem:s8+$0x7B80]  }
0x150: {  	[tilespmem:s8+$0x7B20] =	vst v9;
	v9 =	vmul.f32 v12, v15;
	v12 =	vld [tilespmem:s8+$0x7B90]  }
0x151: {  	[tilespmem:s8+$0x7B30] =	vst v10;
	v10 =	vmul.f32 v13, v15;
	v13 =	vld [tilespmem:s8+$0x7BA0]  }
0x152: {  	[tilespmem:s8+$0x7B40] =	vst v9;
	v9 =	vmul.f32 v14, v15;
	v14 =	vbroadcast v2, $0x3;
	v17 =	vld [tilespmem:s8+$0x7BB0]  }
0x153: {  	[tilespmem:s8+$0x7B50] =	vst v10;
	v10 =	vmul.f32 v11, v15;
	v11 =	vld [tilespmem:s8+$0x7BC0]  }
0x154: {  	[tilespmem:s8+$0x7B60] =	vst v9;
	v9 =	vmul.f32 v16, v14;
	v15 =	vld [tilespmem:s8+$0x7BD0]  }
0x155: {  	[tilespmem:s8+$0x7B70] =	vst v10;
	v10 =	vmul.f32 v12, v14;
	v12 =	vld [tilespmem:s8+$0x7BE0]  }
0x156: {  	[tilespmem:s8+$0x7B80] =	vst v9;
	v9 =	vmul.f32 v13, v14;
	v13 =	vld [tilespmem:s8+$0x7BF0]  }
0x157: {  	[tilespmem:s8+$0x7B90] =	vst v10;
	v10 =	vmul.f32 v17, v14;
	v16 =	vld [tilespmem:s8+$0x7C00]  }
0x158: {  	[tilespmem:s8+$0x7BA0] =	vst v9;
	v9 =	vmul.f32 v11, v14;
	v11 =	vld [tilespmem:s8+$0x7C10]  }
0x159: {  	[tilespmem:s8+$0x7BB0] =	vst v10;
	v10 =	vmul.f32 v15, v14;
	v15 =	vld [tilespmem:s8+$0x7C20]  }
0x15a: {  	[tilespmem:s8+$0x7BC0] =	vst v9;
	v9 =	vmul.f32 v12, v14;
	v12 =	vld [tilespmem:s8+$0x7C30]  }
0x15b: {  	[tilespmem:s8+$0x7BD0] =	vst v10;
	v10 =	vmul.f32 v13, v14;
	v13 =	vld [tilespmem:s8+$0x7C40]  }
0x15c: {  	[tilespmem:s8+$0x7BE0] =	vst v9;
	v9 =	vmul.f32 v16, v8;
	v14 =	vld [tilespmem:s8+$0x7C50]  }
0x15d: {  	[tilespmem:s8+$0x7BF0] =	vst v10;
	v10 =	vmul.f32 v11, v8;
	v11 =	vld [tilespmem:s8+$0x7C60]  }
0x15e: {  	[tilespmem:s8+$0x7C00] =	vst v9;
	v9 =	vmul.f32 v15, v8;
	v15 =	vld [tilespmem:s8+$0x7C70]  }
0x15f: {  	[tilespmem:s8+$0x7C10] =	vst v10;
	v10 =	vmul.f32 v12, v8;
	v12 =	vld [tilespmem:s8+$0x7C80]  }
0x160: {  	[tilespmem:s8+$0x7C20] =	vst v9;
	v9 =	vmul.f32 v13, v8;
	v13 =	vld [tilespmem:s8+$0x7C90]  }
0x161: {  	[tilespmem:s8+$0x7C30] =	vst v10;
	v10 =	vmul.f32 v14, v8;
	v14 =	vld [tilespmem:s8+$0x7CA0]  }
0x162: {  	[tilespmem:s8+$0x7C40] =	vst v9;
	v9 =	vmul.f32 v11, v8;
	v11 =	vbroadcast v2, $0x5;
	v16 =	vld [tilespmem:s8+$0x7CB0]  }
0x163: {  	[tilespmem:s8+$0x7C50] =	vst v10;
	v8 =	vmul.f32 v15, v8;
	v10 =	vld [tilespmem:s8+$0x7CC0]  }
0x164: {  	[tilespmem:s8+$0x7C60] =	vst v9;
	v9 =	vmul.f32 v12, v11;
	v12 =	vld [tilespmem:s8+$0x7CD0]  }
0x165: {  	[tilespmem:s8+$0x7C70] =	vst v8;
	v8 =	vmul.f32 v13, v11;
	v13 =	vld [tilespmem:s8+$0x7CE0]  }
0x166: {  	[tilespmem:s8+$0x7C80] =	vst v9;
	v9 =	vmul.f32 v14, v11;
	v14 =	vld [tilespmem:s8+$0x7CF0]  }
0x167: {  	[tilespmem:s8+$0x7C90] =	vst v8;
	v8 =	vmul.f32 v16, v11;
	v15 =	vld [tilespmem:s8+$0x7D00]  }
0x168: {  	[tilespmem:s8+$0x7CA0] =	vst v9;
	v9 =	vmul.f32 v10, v11;
	v10 =	vld [tilespmem:s8+$0x7D10]  }
0x169: {  	[tilespmem:s8+$0x7CB0] =	vst v8;
	v8 =	vmul.f32 v12, v11;
	v12 =	vld [tilespmem:s8+$0x7D20]  }
0x16a: {  	[tilespmem:s8+$0x7CC0] =	vst v9;
	v9 =	vmul.f32 v13, v11;
	v13 =	vbroadcast v2, $0x6;
	v16 =	vld [tilespmem:s8+$0x7D30]  }
0x16b: {  	[tilespmem:s8+$0x7CD0] =	vst v8;
	v8 =	vmul.f32 v14, v11;
	v11 =	vld [tilespmem:s8+$0x7D40]  }
0x16c: {  	[tilespmem:s8+$0x7CE0] =	vst v9;
	v9 =	vmul.f32 v15, v13;
	v14 =	vld [tilespmem:s8+$0x7D50]  }
0x16d: {  	[tilespmem:s8+$0x7CF0] =	vst v8;
	v8 =	vmul.f32 v10, v13;
	v10 =	vld [tilespmem:s8+$0x7D60]  }
0x16e: {  	[tilespmem:s8+$0x7D00] =	vst v9;
	v9 =	vmul.f32 v12, v13;
	v12 =	vld [tilespmem:s8+$0x7D70]  }
0x16f: {  	[tilespmem:s8+$0x7D10] =	vst v8;
	v8 =	vmul.f32 v16, v13;
	v15 =	vld [tilespmem:s8+$0x7D80]  }
0x170: {  	[tilespmem:s8+$0x7D20] =	vst v9;
	v9 =	vmul.f32 v11, v13;
	v11 =	vld [tilespmem:s8+$0x7D90]  }
0x171: {  	[tilespmem:s8+$0x7D30] =	vst v8;
	v8 =	vmul.f32 v14, v13;
	v14 =	vld [tilespmem:s8+$0x7DA0]  }
0x172: {  	[tilespmem:s8+$0x7D40] =	vst v9;
	v9 =	vmul.f32 v10, v13;
	v10 =	vbroadcast v2, $0x7;
	v16 =	vld [tilespmem:s8+$0x7DB0]  }
0x173: {  	[tilespmem:s8+$0x7D50] =	vst v8;
	v8 =	vmul.f32 v12, v13;
	v12 =	vld [tilespmem:s8+$0x7DC0]  }
0x174: {  	[tilespmem:s8+$0x7D60] =	vst v9;
	v9 =	vmul.f32 v15, v10;
	v13 =	vld [tilespmem:s8+$0x7DD0]  }
0x175: {  	[tilespmem:s8+$0x7D70] =	vst v8;
	v8 =	vmul.f32 v11, v10;
	v11 =	vld [tilespmem:s8+$0x7DE0]  }
0x176: {  	[tilespmem:s8+$0x7D80] =	vst v9;
	v9 =	vmul.f32 v14, v10;
	v14 =	vld [tilespmem:s8+$0x7DF0]  }
0x177: {  	[tilespmem:s8+$0x7D90] =	vst v8;
	v8 =	vmul.f32 v16, v10;
	v15 =	vld [tilespmem:s8+$0x7E00]  }
0x178: {  	[tilespmem:s8+$0x7DA0] =	vst v9;
	v9 =	vmul.f32 v12, v10;
	v12 =	vld [tilespmem:s8+$0x7E10]  }
0x179: {  	[tilespmem:s8+$0x7DB0] =	vst v8;
	v8 =	vmul.f32 v13, v10;
	v13 =	vld [tilespmem:s8+$0x7E20]  }
0x17a: {  	[tilespmem:s8+$0x7DC0] =	vst v9;
	v9 =	vmul.f32 v11, v10;
	v11 =	vbroadcast v2, $0x8;
	v16 =	vld [tilespmem:s8+$0x7E30]  }
0x17b: {  	[tilespmem:s8+$0x7DD0] =	vst v8;
	v8 =	vmul.f32 v14, v10;
	v10 =	vld [tilespmem:s8+$0x7E40]  }
0x17c: {  	[tilespmem:s8+$0x7DE0] =	vst v9;
	v9 =	vmul.f32 v15, v11;
	v14 =	vld [tilespmem:s8+$0x7E50]  }
0x17d: {  	[tilespmem:s8+$0x7DF0] =	vst v8;
	v8 =	vmul.f32 v12, v11;
	v12 =	vld [tilespmem:s8+$0x7E60]  }
0x17e: {  	[tilespmem:s8+$0x7E00] =	vst v9;
	v9 =	vmul.f32 v13, v11;
	v13 =	vld [tilespmem:s8+$0x7E70]  }
0x17f: {  	[tilespmem:s8+$0x7E10] =	vst v8;
	v8 =	vmul.f32 v16, v11;
	v15 =	vld [tilespmem:s8+$0x7E80]  }
0x180: {  	[tilespmem:s8+$0x7E20] =	vst v9;
	v9 =	vmul.f32 v10, v11;
	v10 =	vld [tilespmem:s8+$0x7E90]  }
0x181: {  	[tilespmem:s8+$0x7E30] =	vst v8;
	v8 =	vmul.f32 v14, v11;
	v14 =	vld [tilespmem:s8+$0x7EA0]  }
0x182: {  	[tilespmem:s8+$0x7E40] =	vst v9;
	v9 =	vmul.f32 v12, v11;
	v12 =	vbroadcast v2, $0x9;
	v16 =	vld [tilespmem:s8+$0x7EB0]  }
0x183: {  	[tilespmem:s8+$0x7E50] =	vst v8;
	v8 =	vmul.f32 v13, v11;
	v11 =	vld [tilespmem:s8+$0x7EC0]  }
0x184: {  	[tilespmem:s8+$0x7E60] =	vst v9;
	v9 =	vmul.f32 v15, v12;
	v13 =	vld [tilespmem:s8+$0x7ED0]  }
0x185: {  	[tilespmem:s8+$0x7E70] =	vst v8;
	v8 =	vmul.f32 v10, v12;
	v10 =	vld [tilespmem:s8+$0x7EE0]  }
0x186: {  	[tilespmem:s8+$0x7E80] =	vst v9;
	v9 =	vmul.f32 v14, v12;
	v14 =	vld [tilespmem:s8+$0x7EF0]  }
0x187: {  	[tilespmem:s8+$0x7E90] =	vst v8;
	v8 =	vmul.f32 v16, v12;
	v15 =	vld [tilespmem:s8+$0x7F00]  }
0x188: {  	[tilespmem:s8+$0x7EA0] =	vst v9;
	v9 =	vmul.f32 v11, v12;
	v11 =	vld [tilespmem:s8+$0x7F10]  }
0x189: {  	[tilespmem:s8+$0x7EB0] =	vst v8;
	v8 =	vmul.f32 v13, v12;
	v13 =	vld [tilespmem:s8+$0x7F20]  }
0x18a: {  	[tilespmem:s8+$0x7EC0] =	vst v9;
	v9 =	vmul.f32 v10, v12;
	v10 =	vld [tilespmem:s8+$0x7F30]  }
0x18b: {  	[tilespmem:s8+$0x7ED0] =	vst v8;
	v8 =	vmul.f32 v14, v12;
	v12 =	vld [tilespmem:s8+$0x7F40]  }
0x18c: {  	[tilespmem:s8+$0x7EE0] =	vst v9;
	v9 =	vmul.f32 v15, v5;
	v14 =	vld [tilespmem:s8+$0x7F50]  }
0x18d: {  	[tilespmem:s8+$0x7EF0] =	vst v8;
	v8 =	vmul.f32 v11, v5;
	v11 =	vld [tilespmem:s8+$0x7F60]  }
0x18e: {  	v15 =	vld [tilespmem:s8+$0x7A00];
	[tilespmem:s8+$0x7F00] =	vst v9;
	v9 =	vmul.f32 v13, v5  }
0x18f: {  	v13 =	vld [tilespmem:s8+$0x7A10];
	[tilespmem:s8+$0x7F10] =	vst v8;
	v8 =	vmul.f32 v10, v5  }
0x190: {  	v10 =	vld [tilespmem:s8+$0x7A40];
	[tilespmem:s8+$0x7F20] =	vst v9;
	v9 =	vmul.f32 v12, v5  }
0x191: {  	v12 =	vld [tilespmem:s8+$0x7A50];
	[tilespmem:s8+$0x7F30] =	vst v8;
	v8 =	vmul.f32 v14, v5  }
0x192: {  	[tilespmem:s8+$0x7F40] =	vst v9;
	v9 =	vmul.f32 v11, v5;
	v11 =	vbroadcast v2, $0xB;
	v14 =	vld [tilespmem:s8+$0x7FA0]  }
0x193: {  	v5 =	vbroadcast v2, $0xF;
	v15 =	vmul.f32 v3, v15;
	[tilespmem:s8+$0x7F50] =	vst v8;
	v8 =	vld [tilespmem:s8+$0x7FB0]  }
0x194: {  	v13 =	vmul.f32 v13, v3;
	[tilespmem:s8+$0x7F60] =	vst v9;
	v6 =	vmul.f32 v6, v11;
	v9 =	vld [tilespmem:s8+$0x7FC0]  }
0x195: {  	v7 =	vmul.f32 v7, v11;
	[tilespmem:s8+$0x7A00] =	vst v15;
	v10 =	vmul.f32 v10, v3;
	v15 =	vld [tilespmem:s8+$0x7FD0]  }
0x196: {  	v4 =	vmul.f32 v4, v5;
	v12 =	vmul.f32 v12, v3;
	[tilespmem:s8+$0x7F80] =	vst v6;
	v3 =	vld [tilespmem:s8+$0x7FE0]  }
0x197: {  	[tilespmem:s8+$0x7F90] =	vst v7;
	v6 =	vmul.f32 v14, v11;
	v7 =	vld [tilespmem:s8+$0x7FF0]  }
0x198: {  	v8 =	vmul.f32 v8, v11;
	v14 =	vld [tilespmem:s8+$0x8000];
	[tilespmem:s8+$0x81D0] =	vst v4  }
0x199: {  	[tilespmem:s8+$0x7A10] =	vst v13;
	v4 =	vmul.f32 v9, v11;
	v9 =	vld [tilespmem:s8+$0x8010]  }
0x19a: {  	[tilespmem:s8+$0x7A40] =	vst v10;
	v10 =	vmul.f32 v15, v11;
	v13 =	vld [tilespmem:s8+$0x8020]  }
0x19b: {  	v15 =	vbroadcast v2, $0xC;
	[tilespmem:s8+$0x7FA0] =	vst v6;
	v6 =	vmul.f32 v3, v11;
	v16 =	vld [tilespmem:s8+$0x8030]  }
0x19c: {  	[tilespmem:s8+$0x7FD0] =	vst v10;
	v7 =	vmul.f32 v7, v11;
	v10 =	vld [tilespmem:s8+$0x8040]  }
0x19d: {  	[tilespmem:s8+$0x7FB0] =	vst v8;
	v3 =	vmul.f32 v14, v15;
	v8 =	vld [tilespmem:s8+$0x8050]  }
0x19e: {  	[tilespmem:s8+$0x7FC0] =	vst v4;
	v4 =	vmul.f32 v9, v15;
	v9 =	vld [tilespmem:s8+$0x8060]  }
0x19f: {  	[tilespmem:s8+$0x8000] =	vst v3;
	v3 =	vmul.f32 v13, v15;
	v11 =	vld [tilespmem:s8+$0x8070]  }
0x1a0: {  	[tilespmem:s8+$0x8010] =	vst v4;
	v4 =	vld [tilespmem:s8+$0x8080]  }
0x1a1: {  	[tilespmem:s8+$0x7A50] =	vst v12;
	v10 =	vmul.f32 v10, v15;
	v12 =	vld [tilespmem:s8+$0x8090]  }
0x1a2: {  	[tilespmem:s8+$0x7FE0] =	vst v6;
	v6 =	vmul.f32 v8, v15;
	v8 =	vld [tilespmem:s8+$0x80A0]  }
0x1a3: {  	[tilespmem:s8+$0x8040] =	vst v10;
	v9 =	vmul.f32 v9, v15;
	v10 =	vbroadcast v2, $0xD;
	v13 =	vld [tilespmem:s8+$0x80B0]  }
0x1a4: {  	[tilespmem:s8+$0x8050] =	vst v6;
	v6 =	vmul.f32 v11, v15;
	v11 =	vld [tilespmem:s8+$0x80C0]  }
0x1a5: {  	[tilespmem:s8+$0x8060] =	vst v9;
	v4 =	vmul.f32 v4, v10;
	v9 =	vld [tilespmem:s8+$0x80D0]  }
0x1a6: {  	[tilespmem:s8+$0x8070] =	vst v6;
	v6 =	vmul.f32 v12, v10;
	v12 =	vld [tilespmem:s8+$0x80E0]  }
0x1a7: {  	[tilespmem:s8+$0x8080] =	vst v4;
	v4 =	vmul.f32 v8, v10;
	v8 =	vld [tilespmem:s8+$0x80F0]  }
0x1a8: {  	[tilespmem:s8+$0x8090] =	vst v6;
	v6 =	vmul.f32 v13, v10;
	v13 =	vld [tilespmem:s8+$0x8100]  }
0x1a9: {  	[tilespmem:s8+$0x80A0] =	vst v4;
	v4 =	vmul.f32 v11, v10;
	v11 =	vld [tilespmem:s8+$0x8110]  }
0x1aa: {  	[tilespmem:s8+$0x80B0] =	vst v6;
	v6 =	vmul.f32 v9, v10;
	v9 =	vld [tilespmem:s8+$0x8120]  }
0x1ab: {  	v2 =	vbroadcast v2, $0xE;
	[tilespmem:s8+$0x7FF0] =	vst v7;
	v7 =	vmul.f32 v12, v10;
	v12 =	vld [tilespmem:s8+$0x8130]  }
0x1ac: {  	[tilespmem:s8+$0x80D0] =	vst v6;
	v6 =	vmul.f32 v8, v10;
	v8 =	vld [tilespmem:s8+$0x8140]  }
0x1ad: {  	[tilespmem:s8+$0x80E0] =	vst v7;
	v7 =	vmul.f32 v13, v2;
	v10 =	vld [tilespmem:s8+$0x8150]  }
0x1ae: {  	[tilespmem:s8+$0x80F0] =	vst v6;
	v6 =	vmul.f32 v11, v2;
	v11 =	vld [tilespmem:s8+$0x8160]  }
0x1af: {  	[tilespmem:s8+$0x8100] =	vst v7;
	v7 =	vmul.f32 v9, v2;
	v9 =	vld [tilespmem:s8+$0x8170]  }
0x1b0: {  	[tilespmem:s8+$0x8110] =	vst v6;
	v6 =	vmul.f32 v12, v2;
	v12 =	vld [tilespmem:s8+$0x8180]  }
0x1b1: {  	[tilespmem:s8+$0x8120] =	vst v7;
	v7 =	vmul.f32 v8, v2;
	v8 =	vld [tilespmem:s8+$0x8190]  }
0x1b2: {  	[tilespmem:s8+$0x8130] =	vst v6;
	v6 =	vmul.f32 v10, v2;
	v10 =	vld [tilespmem:s8+$0x81A0]  }
0x1b3: {  	[tilespmem:s8+$0x8140] =	vst v7;
	v7 =	vmul.f32 v11, v2;
	v11 =	vld [tilespmem:s8+$0x81B0]  }
0x1b4: {  	[tilespmem:s8+$0x80C0] =	vst v4;
	v2 =	vmul.f32 v9, v2;
	v4 =	vld [tilespmem:s8+$0x81C0]  }
0x1b5: {  	[tilespmem:s8+$0x8160] =	vst v7;
	v7 =	vmul.f32 v12, v5;
	v9 =	vld [tilespmem:s8+$0x81E0]  }
0x1b6: {  	[tilespmem:s8+$0x8170] =	vst v2;
	v2 =	vmul.f32 v8, v5;
	v8 =	vld [tilespmem:s8+$0x81F0]  }
0x1b7: {  	[tilespmem:s8+$0x8180] =	vst v7;
	v7 =	vmul.f32 v10, v5  }
0x1b8: {  	[tilespmem:s8+$0x8190] =	vst v2;
	v2 =	vmul.f32 v11, v5  }
0x1b9: {  	v10 =	vmul.f32 v16, v15;
	[tilespmem:s8+$0x81A0] =	vst v7  }
0x1ba: {  	[tilespmem:s8+$0x81B0] =	vst v2;
	v2 =	vmul.f32 v4, v5  }
.Ltmp2:
0x1bb: {  	[tilespmem:s8+$0x8030] =	vst v10;
	v4 =	vmul.f32 v8, v5;
	(pc) =	sbr.rel @p0 .LBB2_7-.Ltmp2, $4  }
0x1bc: {  	[tilespmem:s8+$0x81C0] =	vst v2  }
0x1bd: {  	v2 =	vmul.f32 v9, v5;
	[tilespmem:s8+$0x81F0] =	vst v4  }
0x1be: {  	[tilespmem:s8+$0x8150] =	vst v6  }
0x1bf: {  	[tilespmem:s8+$0x81E0] =	vst v2  }
0x1c0: {  	s3 =	sadd.s32 $0x1, s3  }
0x1c1: {  	p0 =	sne.s32 s3, $0xFA  }
.Ltmp3:
0x1c2: {  	[tilespmem:s8+$0x8020] =	vst v3;
	(pc) =	sbr.rel @p0 .LBB2_6-.Ltmp3, $4  }
0x1c3: {  	[spmem:s1] =	stream.indirect.scatter.add.f32 [tilespmem:s20], [sflag:$0x2], $0x80, s25, s28, $0xb8;
	[tilespmem:$0x1E200] =	vst v63  }
0x1c4: {  	_ =	swait.ge [sflag:s31], $0x2800  }
0x1c5: {  	[sflag:s31] =	ssyncset.done $0x0  }
0x1c6: {  	[sflag:s31] =	ssyncadd.s32 $0xFFFFD800  }
0x1c7: {  	s2 =	stileid.u32  }
0x1c8: {  	s2 =	sshll.u32 s2, $0x6  }
0x1c9: {  	[bflag:$0x0] =	sbarrier.arrive $0xFFFF;
	s3 =	sshrl.u32 s7, $0x3;
	s2 =	sor.u32 $0x1C03, s2  }
0x1ca: {  	[hbm:s23], [sflag:s2] =	dma.local [spmem:s3], $0x2800  }
0x1cb: {  	s0 =	sadd.s32 $0x1, s0;
	_ =	swait.ge [sflag:s21], $0x2800  }
0x1cc: {  	p0 =	sne.s32 s0, s19;
	[sflag:s21] =	ssyncset.done $0x0  }
.Ltmp4:
0x1cd: {  	s10 =	simm.s32 $0x0;
	[sflag:s21] =	ssyncadd.s32 $0xFFFFD800;
	(pc) =	sbr.rel @p0 .LBB2_1-.Ltmp4, $4  }
0x1ce: {  	[hbm4b:s18+s10] =	stream.linear.scatter [tilespmem:s26], [sflag:$0x3], $0x2800, $0x38;
	[tilespmem:$0x1E200] =	vst v63  }
0x1cf: {  	_ =	swait.ge [sflag:s21], $0x2800  }
0x1d0: {  	[sflag:s21] =	ssyncset.done $0x0  }
0x1d1: {  	[sflag:s21] =	ssyncadd.s32 $0xFFFFD800  }
0x1d2: {  	_ =	sfence.sel $0x180000  }
0x1d3: {  	[bflag:$0x0] =	sbarrier.arrive $0xFFFF  }
0x1d4: {  	_ =	strace $0x90000047  }
0x1d5: {  	s0 =	stileid.u32;
	[bflag:$0x2] =	sbarrier.arrive $0xFFFF  }
0x1d6: {  	p0 =	sne.s32 s0, $0x0;
	s0 =	rddreg [dreg:$0x3]  }
0x1d7: {  	s0 =	sadd.s32 @!p0 $0x100000, s0  }
0x1d8: {  	[sflag:s0] =	ssyncadd.tile.s32 @!p0 $0x1;
	_ =	shalt  }
.Lfunc_end2:
_tile_overlayer_lowered:
.L_overlay_start_2:
0x1d9: {  	(tag) =	ssettag $0x2  }
0x1da: {  	s0 =	rddreg [dreg:$0x0];
	s2 =	stileid.u32  }
0x1db: {  	s1 =	rddreg [dreg:$0x1];
	p0 =	sne.s32 s2, $0x0  }
0x1dc: {  	s3 =	rddreg [dreg:$0x2];
	[bflag:$0x3] =	sbarrier.arrive $0xFFFF;
	s2 =	simm.s32 @!p0 $0x1C03  }
0x1dd: {  	[timem:s3], [sflag:s2] =	dma.local @!p0 [hbm:s0], s1  }
0x1de: {  	s0 =	simm.s32 @!p0 $0x3  }
0x1df: {  	_ =	swait.ge @!p0 [sflag:s0], s1  }
0x1e0: {  	s1 =	ssub.s32 @!p0 $0x0, s1;
	[sflag:s0] =	ssyncset.done @!p0 $0x0  }
0x1e1: {  	[sflag:s0] =	ssyncadd.s32 @!p0 s1  }
0x1e2: {  	[bflag:$0x3] =	sbarrier.arrive $0xFFFF  }
0x1e3: {  	_ =	shalt  }

</sc_bundles>
